<compile_context>
chip_gen: v7x
topology: tpu7x:2x2x1
jax: 0.10.2.dev20260603
libtpu: 0.0.44.dev20260713+nightly
codegen_flags: <defaults>
</compile_context>

<pallas_src>
import functools

import jax
import jax.numpy as jnp
from jax import lax
from jax.experimental import pallas as pl
from jax.experimental.pallas import tpu as pltpu
from jax.experimental.pallas import tpu_sc as plsc

import numpy as np

_F32 = jnp.float32
_i32 = np.int32
_I2 = np.int32(2)
_I16 = np.int32(16)
_I128 = np.int32(128)


def _fill(ref, n_rows, width, value):
    nj = width // 16
    v = jnp.full((16,), value, _F32)

    def body_i(i, carry):
        def body_j(j, c2):
            ref[i, pl.ds(j * _I16, 16)] = v
            return c2

        return lax.fori_loop(_i32(0), _i32(nj), body_j, carry)

    lax.fori_loop(_i32(0), _i32(n_rows), body_i, 0)


def _build_hist(NPAD, K):
    mesh = plsc.VectorSubcoreMesh(core_axis_name="c", subcore_axis_name="s")

    @functools.partial(
        pl.kernel,
        mesh=mesh,
        compiler_params=pltpu.CompilerParams(use_tc_tiling_on_sc=False),
        out_type=jax.ShapeDtypeStruct((2, NPAD, 16), _F32),
        scratch_types=[
            pltpu.VMEM((K, 128), jnp.int32),
            pltpu.VMEM((128, 16), _F32),
            pltpu.VMEM((128, 16), _F32),
            pltpu.VMEM_SHARED((NPAD, 16), _F32),
        ],
    )
    def hist(didx_hbm, out_hbm, didx_v, ones_v, stage_v, acc_sh):
        c = lax.axis_index("c")
        s = lax.axis_index("s")
        wid = s * _I2 + c
        _fill(ones_v, 128, 16, 1.0)
        _fill(stage_v, 128, 16, 0.0)
        rows_per = NPAD // 16
        nchunk = rows_per // 128

        def zacc(b, carry):
            pltpu.sync_copy(stage_v, acc_sh.at[pl.ds(s * _i32(rows_per) + b * _I128, 128)])
            return carry

        lax.fori_loop(_i32(0), _i32(nchunk), zacc, 0)
        plsc.subcore_barrier()
        pltpu.sync_copy(didx_hbm.at[wid], didx_v)

        def body(j, carry):
            pltpu.sync_copy(ones_v, acc_sh.at[didx_v.at[j]], add=True)
            return carry

        lax.fori_loop(_i32(0), _i32(K), body, 0)
        plsc.subcore_barrier()

        def outb(b, carry):
            off = s * _i32(rows_per) + b * _I128
            pltpu.sync_copy(acc_sh.at[pl.ds(off, 128)], stage_v)
            pltpu.sync_copy(stage_v, out_hbm.at[c, pl.ds(off, 128)])
            return carry

        lax.fori_loop(_i32(0), _i32(nchunk), outb, 0)

    return hist


def _build_gscat_wide(NPAD, H, K):
    mesh = plsc.VectorSubcoreMesh(core_axis_name="c", subcore_axis_name="s")

    CH = 8
    NCH = K // CH
    assert K % (2 * CH) == 0 and NCH >= 2

    @functools.partial(
        pl.kernel,
        mesh=mesh,
        out_type=jax.ShapeDtypeStruct((2, NPAD, H), _F32),
        scratch_types=[
            pltpu.VMEM((K, 128), jnp.int32),
            pltpu.VMEM((CH, 128), jnp.int32),
            pltpu.VMEM((CH, 128), jnp.int32),
            pltpu.VMEM((128, H), _F32),
            pltpu.VMEM((128, H), _F32),
            pltpu.VMEM_SHARED((NPAD, H), _F32),
            pltpu.SemaphoreType.DMA,
            pltpu.SemaphoreType.DMA,
            pltpu.SemaphoreType.DMA,
            pltpu.SemaphoreType.DMA,
            pltpu.SemaphoreType.DMA,
            pltpu.SemaphoreType.DMA,
        ],
    )
    def gscatw(q_hbm, sidx_hbm, didx_hbm, out_hbm, didx_v, sb0, sb1, r0, r1,
               acc_sh, g0, g1, s0, s1, i0, i1):
        sbuf = (sb0, sb1)
        rows = (r0, r1)
        gsem = (g0, g1)
        ssem = (s0, s1)
        isem = (i0, i1)
        c = lax.axis_index("c")
        s = lax.axis_index("s")
        wid = s * _I2 + c
        _fill(rows[0], 128, H, 0.0)
        rows_per = NPAD // 16
        nchunk = rows_per // 128

        def zacc(b, carry):
            pltpu.sync_copy(rows[0], acc_sh.at[pl.ds(s * _i32(rows_per) + b * _I128, 128)])
            return carry

        lax.fori_loop(_i32(0), _i32(nchunk), zacc, 0)
        plsc.subcore_barrier()
        pltpu.sync_copy(didx_hbm.at[wid], didx_v)
        pltpu.sync_copy(sidx_hbm.at[wid, pl.ds(0, CH)], sbuf[0])
        pltpu.async_copy(sidx_hbm.at[wid, pl.ds(CH, CH)], sbuf[1], isem[1])
        pltpu.async_copy(q_hbm.at[sbuf[0].at[_i32(0)]], rows[0], gsem[0])

        def rounds(t, carry):
            for p in range(2):
                ch = t * _I2 + _i32(p)
                @pl.when((ch >= _i32(1)) & (ch + _i32(1) < _i32(NCH)))
                def _():
                    pltpu.async_copy(
                        sidx_hbm.at[wid, pl.ds((ch + _i32(1)) * _i32(CH), CH)],
                        sbuf[1 - p],
                        isem[1 - p],
                    )

                for u in range(CH):
                    jj = ch * _i32(CH) + _i32(u)
                    b = u % 2

                    @pl.when(jj >= _i32(1))
                    def _():
                        pltpu.make_async_copy(
                            rows[1 - b], acc_sh.at[didx_v.at[jj - _i32(1)]], ssem[1 - b]
                        ).wait()

                    if u < CH - 1:
                        pltpu.async_copy(
                            q_hbm.at[sbuf[p].at[_i32(u + 1)]], rows[1 - b], gsem[1 - b]
                        )
                    else:
                        @pl.when(ch + _i32(1) < _i32(NCH))
                        def _():
                            pltpu.make_async_copy(
                                sidx_hbm.at[wid, pl.ds((ch + _i32(1)) * _i32(CH), CH)],
                                sbuf[1 - p],
                                isem[1 - p],
                            ).wait()
                            pltpu.async_copy(
                                q_hbm.at[sbuf[1 - p].at[_i32(0)]], rows[1 - b], gsem[1 - b]
                            )

                    pltpu.make_async_copy(
                        q_hbm.at[sbuf[p].at[_i32(u)]], rows[b], gsem[b]
                    ).wait()
                    pltpu.async_copy(rows[b], acc_sh.at[didx_v.at[jj]], ssem[b], add=True)
            return carry

        lax.fori_loop(_i32(0), _i32(K // (2 * CH)), rounds, 0)
        bl = (K - 1) % 2
        pltpu.make_async_copy(rows[bl], acc_sh.at[didx_v.at[_i32(K - 1)]], ssem[bl]).wait()
        plsc.subcore_barrier()

        def outb(b, carry):
            off = s * _i32(rows_per) + b * _I128
            pltpu.sync_copy(acc_sh.at[pl.ds(off, 128)], rows[0])
            pltpu.sync_copy(rows[0], out_hbm.at[c, pl.ds(off, 128)])
            return carry

        lax.fori_loop(_i32(0), _i32(nchunk), outb, 0)

    return gscatw


def _build_gscat(NPAD, H, K):
    mesh = plsc.VectorSubcoreMesh(core_axis_name="c", subcore_axis_name="s")

    NBUF = 8
    assert K % NBUF == 0 and K >= 2 * NBUF

    @functools.partial(
        pl.kernel,
        mesh=mesh,
        compiler_params=pltpu.CompilerParams(use_tc_tiling_on_sc=False),
        out_type=jax.ShapeDtypeStruct((2, NPAD, H), _F32),
        scratch_types=[
            pltpu.VMEM((K, 128), jnp.int32),
            pltpu.VMEM((K, 128), jnp.int32),
        ]
        + [pltpu.VMEM((128, H), _F32) for _ in range(NBUF)]
        + [pltpu.VMEM_SHARED((NPAD, H), _F32)]
        + [pltpu.SemaphoreType.DMA for _ in range(2 * NBUF)],
    )
    def gscat(q_hbm, sidx_hbm, didx_hbm, out_hbm, sidx_v, didx_v, *bufs_sems):
        rows = bufs_sems[:NBUF]
        acc_sh = bufs_sems[NBUF]
        gsem = bufs_sems[NBUF + 1 : 2 * NBUF + 1]
        ssem = bufs_sems[2 * NBUF + 1 : 3 * NBUF + 1]
        c = lax.axis_index("c")
        s = lax.axis_index("s")
        wid = s * _I2 + c
        _fill(rows[0], 128, H, 0.0)
        rows_per = NPAD // 16
        nchunk = rows_per // 128

        def zacc(b, carry):
            pltpu.sync_copy(rows[0], acc_sh.at[pl.ds(s * _i32(rows_per) + b * _I128, 128)])
            return carry

        lax.fori_loop(_i32(0), _i32(nchunk), zacc, 0)
        plsc.subcore_barrier()
        pltpu.sync_copy(sidx_hbm.at[wid], sidx_v)
        pltpu.sync_copy(didx_hbm.at[wid], didx_v)

        D = NBUF - 2
        for d in range(D):
            pltpu.async_copy(q_hbm.at[sidx_v.at[_i32(d)]], rows[d], gsem[d])

        def rounds(t, carry):
            j0 = t * _i32(NBUF)
            for b in range(NBUF):
                jj = j0 + _i32(b)
                bg = (b + D) % NBUF
                jg = jj + _i32(D)

                @pl.when(jg < _i32(K))
                def _():
                    @pl.when(jg >= _i32(NBUF))
                    def _():
                        pltpu.make_async_copy(
                            rows[bg], acc_sh.at[didx_v.at[jg - _i32(NBUF)]], ssem[bg]
                        ).wait()

                    pltpu.async_copy(q_hbm.at[sidx_v.at[jg]], rows[bg], gsem[bg])

                pltpu.make_async_copy(q_hbm.at[sidx_v.at[jj]], rows[b], gsem[b]).wait()
                pltpu.async_copy(rows[b], acc_sh.at[didx_v.at[jj]], ssem[b], add=True)
            return carry

        lax.fori_loop(_i32(0), _i32(K // NBUF), rounds, 0)
        for b in range(NBUF):
            jj = _i32(K - NBUF + b)
            pltpu.make_async_copy(rows[b], acc_sh.at[didx_v.at[jj]], ssem[b]).wait()
        plsc.subcore_barrier()

        def outb(b, carry):
            off = s * _i32(rows_per) + b * _I128
            pltpu.sync_copy(acc_sh.at[pl.ds(off, 128)], rows[0])
            pltpu.sync_copy(rows[0], out_hbm.at[c, pl.ds(off, 128)])
            return carry

        lax.fori_loop(_i32(0), _i32(nchunk), outb, 0)

    return gscat


def _tcmm_body(x_ref, w_ref, p_ref):
    p_ref[...] = jnp.dot(x_ref[...], w_ref[...], preferred_element_type=_F32)


def _tc1_body(dp_ref, p_ref, q_ref, pinv_ref, r_ref):
    dcol = dp_ref[0][:, :1] + dp_ref[1][:, :1]
    deg = jnp.maximum(dcol, 1.0)
    r = lax.rsqrt(deg)
    p = p_ref[...]
    q_ref[...] = p * r
    pinv_ref[...] = p * (r * r)
    r_ref[...] = r


def _tc2_body(a_ref, pinv_ref, r_ref, w_ref, q2_ref, pinv2_ref):
    r = r_ref[...]
    agg = a_ref[0] + a_ref[1]
    h1 = jnp.maximum(r * agg + pinv_ref[...], 0.0)
    p2 = jnp.dot(h1, w_ref[...], preferred_element_type=_F32)
    q2_ref[...] = p2 * r
    pinv2_ref[...] = p2 * (r * r)


def _tc3_body(a_ref, pinv_ref, r_ref, out_ref):
    r = r_ref[...]
    agg = a_ref[0] + a_ref[1]
    out_ref[...] = jnp.maximum(r * agg + pinv_ref[...], 0.0)


def _row_block(N):
    for rb in (1000, 500, 250, 200, 125, 100, 50, 25, 8):
        if N % rb == 0:
            return rb
    return N


def kernel(x, edge_index, W1, W2):
    with jax.enable_x64(False):
        return _kernel_impl(x, edge_index, W1, W2)


def _kernel_impl(x, edge_index, W1, W2):
    N, D = x.shape
    H1 = W1.shape[0]
    C = W2.shape[0]
    E = edge_index.shape[1]
    x = x.astype(_F32)
    w1t = W1.astype(_F32).T
    w2t = W2.astype(_F32).T

    ei = edge_index.astype(jnp.int32)
    src, dst = ei[0], ei[1]
    s2 = jnp.concatenate([src, dst])
    d2 = jnp.concatenate([dst, src])
    E2 = 2 * E
    K = -(-E2 // (32 * 128))
    K = -(-K // 4) * 4
    EP = 32 * K * 128
    NPAD = -(-(N + 8) // 2048) * 2048
    pad = EP - E2
    if pad:
        spread = NPAD - N
        pad_s = (np.arange(pad) % N).astype(np.int32)
        pad_d = (N + np.arange(pad) % spread).astype(np.int32)
        s2 = jnp.concatenate([s2, jnp.asarray(pad_s)])
        d2 = jnp.concatenate([d2, jnp.asarray(pad_d)])
    sidx = s2.reshape(32, K, 128)
    didx = d2.reshape(32, K, 128)

    RB = _row_block(N)
    grid = N // RB

    dpart = _build_hist(NPAD, K)(didx)

    p1 = pl.pallas_call(
        _tcmm_body,
        grid=(grid,),
        in_specs=[
            pl.BlockSpec((RB, D), lambda i: (i, 0)),
            pl.BlockSpec((D, H1), lambda i: (0, 0)),
        ],
        out_specs=pl.BlockSpec((RB, H1), lambda i: (i, 0)),
        out_shape=jax.ShapeDtypeStruct((N, H1), _F32),
    )(x, w1t)

    q1, pinv1, r = pl.pallas_call(
        _tc1_body,
        grid=(grid,),
        in_specs=[
            pl.BlockSpec((2, RB, 16), lambda i: (0, i, 0)),
            pl.BlockSpec((RB, H1), lambda i: (i, 0)),
        ],
        out_specs=[
            pl.BlockSpec((RB, H1), lambda i: (i, 0)),
            pl.BlockSpec((RB, H1), lambda i: (i, 0)),
            pl.BlockSpec((RB, 1), lambda i: (i, 0)),
        ],
        out_shape=[
            jax.ShapeDtypeStruct((N, H1), _F32),
            jax.ShapeDtypeStruct((N, H1), _F32),
            jax.ShapeDtypeStruct((N, 1), _F32),
        ],
    )(dpart, p1)

    apart1 = _build_gscat_wide(NPAD, H1, K)(q1, sidx, didx)

    q2, pinv2 = pl.pallas_call(
        _tc2_body,
        grid=(grid,),
        in_specs=[
            pl.BlockSpec((2, RB, H1), lambda i: (0, i, 0)),
            pl.BlockSpec((RB, H1), lambda i: (i, 0)),
            pl.BlockSpec((RB, 1), lambda i: (i, 0)),
            pl.BlockSpec((H1, C), lambda i: (0, 0)),
        ],
        out_specs=[
            pl.BlockSpec((RB, C), lambda i: (i, 0)),
            pl.BlockSpec((RB, C), lambda i: (i, 0)),
        ],
        out_shape=[
            jax.ShapeDtypeStruct((N, C), _F32),
            jax.ShapeDtypeStruct((N, C), _F32),
        ],
    )(apart1, pinv1, r, w2t)

    apart2 = _build_gscat(NPAD, C, K)(q2, sidx, didx)

    out = pl.pallas_call(
        _tc3_body,
        grid=(grid,),
        in_specs=[
            pl.BlockSpec((2, RB, C), lambda i: (0, i, 0)),
            pl.BlockSpec((RB, C), lambda i: (i, 0)),
            pl.BlockSpec((RB, 1), lambda i: (i, 0)),
        ],
        out_specs=pl.BlockSpec((RB, C), lambda i: (i, 0)),
        out_shape=jax.ShapeDtypeStruct((N, C), _F32),
    )(apart2, pinv2, r)

    return out

# --- scband reference (transcript-rebuilt; emitter-appended) ---
"""Pipeline reference for scband-method-gcn-12678743458316 (READ-ONLY COPY).

The authoritative reference and input builder live on the scoring server;
editing this copy changes nothing except your own understanding.
"""

import jax
jax.config.update("jax_enable_x64", True)
import jax.numpy as jnp
import numpy as np

N, E, D, H1, C = 10000, 160000, 256, 128, 16

def setup_inputs(seed: int = 0) -> dict:
    key = jax.random.key(seed)
    k1, k2, k3, k4 = jax.random.split(key, 4)
    x = jax.random.normal(k1, (N, D), dtype=jnp.float32)
    edge_index = jax.random.randint(k2, (2, E), 0, N, dtype=jnp.int64)
    # Linear weights per torch nn.Linear init (bias=False): U(-1/sqrt(in), 1/sqrt(in))
    b1 = 1.0 / np.sqrt(D)
    W1 = jax.random.uniform(k3, (H1, D), minval=-b1, maxval=b1, dtype=jnp.float32)
    b2 = 1.0 / np.sqrt(H1)
    W2 = jax.random.uniform(k4, (C, H1), minval=-b2, maxval=b2, dtype=jnp.float32)
    return {"x": x, "edge_index": edge_index, "W1": W1, "W2": W2}

def reference(x, edge_index, W1, W2):
    n = x.shape[0]
    src = edge_index[0]
    dst = edge_index[1]
    # Undirected neighborhood: node i's neighbors are dsts of edges where i is src
    # plus srcs of edges where i is dst (matches the concatenated neighbor lists).
    s2 = jnp.concatenate([src, dst])
    d2 = jnp.concatenate([dst, src])
    ones = jnp.ones(s2.shape[0], dtype=jnp.float32)
    deg = jax.ops.segment_sum(ones, d2, num_segments=n)
    deg = jnp.maximum(deg, 1.0)  # avoid div-by-zero for isolated nodes

    def gcn_layer(h, W):
        # emb_i = sum_{j in N(i)} h_j / sqrt(deg_i * deg_j) + h_i / deg_i
        coeff = 1.0 / jnp.sqrt(deg[d2] * deg[s2])
        msgs = h[s2] * coeff[:, None]
        agg = jax.ops.segment_sum(msgs, d2, num_segments=n)
        out = agg + h / deg[:, None]
        out = out @ W.T  # nn.Linear, no bias
        out = jax.nn.relu(out)
        # dropout is identity in eval / deterministic reference
        return out

    h1 = gcn_layer(x, W1)   # gcn_1: D -> H1
    h2 = gcn_layer(h1, W2)  # gcn_2: H1 -> C
    return h2

if __name__ == "__main__":
    import jax
    _d = setup_inputs()
    print(jax.jit(kernel)(*tuple(_d.values())))

</pallas_src>

<mosaic_0001>
#map = affine_map<(d0, d1) -> (0, 0, 0)>
module attributes {stable_mosaic.version = 14 : i64} {
  func.func @hist(%arg0: i32, %arg1: i32, %arg2: memref<32x80x128xi32, #tpu.memory_space<hbm>>, %arg3: memref<2x10240x16xf32, #tpu.memory_space<hbm>>, %arg4: memref<80x128xi32, #tpu.memory_space<vmem>>, %arg5: memref<128x16xf32, #tpu.memory_space<vmem>>, %arg6: memref<128x16xf32, #tpu.memory_space<vmem>>, %arg7: memref<10240x16xf32, #tpu.memory_space<vmem_shared>>) attributes {dimension_semantics = [#tpu.dimension_semantics<core_parallel>, #tpu.dimension_semantics<subcore_parallel>], iteration_bounds = array<i64: 2, 16>, scalar_prefetch = 0 : i64, scratch_operands = 4 : i64, tpu.core_type = #tpu.core_type<sc_vector_subcore>, window_params = [{transform_indices = #map}, {transform_indices = #map}]} {
    %mul3A = arith.constant 2 : i32
    %mul3A_0 = arith.muli %arg1, %mul3A : i32
    %add3A = arith.addi %mul3A_0, %arg0 : i32
    %broadcast_in_dim3A = arith.constant 1.000000e+00 : f32
    %broadcast_in_dim3A_1 = vector.broadcast %broadcast_in_dim3A : f32 to vector<16xf32>
    %scan3A = arith.constant 0 : i32
    %scan3A_2 = arith.constant 0 : i32
    %scan3A_3 = arith.constant 128 : i32
    %scan3A_4 = arith.addi %scan3A_2, %scan3A_3 : i32
    %scan3A_5 = arith.constant 1 : i32
    scf.for %scan3A_34 = %scan3A_2 to %scan3A_4 step %scan3A_5  : i32 {
      %scan3A_35 = arith.constant 0 : i32
      %mul3A_36 = arith.constant 16 : i32
      %mul3A_37 = arith.muli %scan3A_35, %mul3A_36 : i32
      %swap3A = arith.index_cast %scan3A_34 : i32 to index
      %swap3A_38 = arith.index_cast %mul3A_37 : i32 to index
      %swap3A_39 = tpu.vector_load %arg5[%swap3A, %swap3A_38] {strides = array<i32>} : memref<128x16xf32, #tpu.memory_space<vmem>>, vector<1x16xf32>,
      %swap3A_40 = vector.shape_cast %swap3A_39 : vector<1x16xf32> to vector<16xf32>
      %swap3A_41 = vector.shape_cast %broadcast_in_dim3A_1 : vector<16xf32> to vector<1x16xf32>
      tpu.vector_store %arg5[%swap3A, %swap3A_38], %swap3A_41 {strides = array<i32>} : memref<128x16xf32, #tpu.memory_space<vmem>>, vector<1x16xf32>,
      %scan3A_42 = arith.constant 1 : i32
    }
    %scan3A_6 = arith.constant 128 : i32
    %broadcast_in_dim3A_7 = arith.constant 0.000000e+00 : f32
    %broadcast_in_dim3A_8 = vector.broadcast %broadcast_in_dim3A_7 : f32 to vector<16xf32>
    %scan3A_9 = arith.constant 0 : i32
    %scan3A_10 = arith.constant 0 : i32
    %scan3A_11 = arith.constant 128 : i32
    %scan3A_12 = arith.addi %scan3A_10, %scan3A_11 : i32
    %scan3A_13 = arith.constant 1 : i32
    scf.for %scan3A_34 = %scan3A_10 to %scan3A_12 step %scan3A_13  : i32 {
      %scan3A_35 = arith.constant 0 : i32
      %mul3A_36 = arith.constant 16 : i32
      %mul3A_37 = arith.muli %scan3A_35, %mul3A_36 : i32
      %swap3A = arith.index_cast %scan3A_34 : i32 to index
      %swap3A_38 = arith.index_cast %mul3A_37 : i32 to index
      %swap3A_39 = tpu.vector_load %arg6[%swap3A, %swap3A_38] {strides = array<i32>} : memref<128x16xf32, #tpu.memory_space<vmem>>, vector<1x16xf32>,
      %swap3A_40 = vector.shape_cast %swap3A_39 : vector<1x16xf32> to vector<16xf32>
      %swap3A_41 = vector.shape_cast %broadcast_in_dim3A_8 : vector<16xf32> to vector<1x16xf32>
      tpu.vector_store %arg6[%swap3A, %swap3A_38], %swap3A_41 {strides = array<i32>} : memref<128x16xf32, #tpu.memory_space<vmem>>, vector<1x16xf32>,
      %scan3A_42 = arith.constant 1 : i32
    }
    %scan3A_14 = arith.constant 128 : i32
    %scan3A_15 = arith.constant 0 : i32
    %scan3A_16 = arith.constant 0 : i32
    %scan3A_17 = arith.constant 5 : i32
    %scan3A_18 = arith.addi %scan3A_16, %scan3A_17 : i32
    %scan3A_19 = arith.constant 1 : i32
    scf.for %scan3A_34 = %scan3A_16 to %scan3A_18 step %scan3A_19  : i32 {
      %mul3A_35 = arith.constant 640 : i32
      %mul3A_36 = arith.muli %arg1, %mul3A_35 : i32
      %mul3A_37 = arith.constant 128 : i32
      %mul3A_38 = arith.muli %scan3A_34, %mul3A_37 : i32
      %add3A_39 = arith.addi %mul3A_36, %mul3A_38 : i32
      "tpu.region"() ({
        %run_scoped3A = tpu.sem_alloc : memref<!tpu.dma_semaphore, #tpu.memory_space<semaphore_mem>>
        %dma_start3A = arith.constant 0 : i32
        %dma_start3A_40 = tpu.memref_slice %arg7[%add3A_39, %dma_start3A] : memref<10240x16xf32, #tpu.memory_space<vmem_shared>> -> memref<128x16xf32, #tpu.memory_space<vmem_shared>>
        %dma_start3A_41 = arith.constant 0 : i32
        %dma_start3A_42 = tpu.memref_slice %arg7[%add3A_39, %dma_start3A_41] : memref<10240x16xf32, #tpu.memory_space<vmem_shared>> -> memref<128x16xf32, #tpu.memory_space<vmem_shared>>
        tpu.enqueue_dma source(%arg6 : memref<128x16xf32, #tpu.memory_space<vmem>>) target(%dma_start3A_42 : memref<128x16xf32, #tpu.memory_space<vmem_shared>>) target_semaphore(%run_scoped3A : memref<!tpu.dma_semaphore, #tpu.memory_space<semaphore_mem>>)
        %dma_wait3A = arith.constant 0 : i32
        %dma_wait3A_43 = tpu.memref_slice %arg7[%add3A_39, %dma_wait3A] : memref<10240x16xf32, #tpu.memory_space<vmem_shared>> -> memref<128x16xf32, #tpu.memory_space<vmem_shared>>
        %dma_wait3A_44 = arith.constant 0 : i32
        %dma_wait3A_45 = tpu.memref_slice %arg7[%add3A_39, %dma_wait3A_44] : memref<10240x16xf32, #tpu.memory_space<vmem_shared>> -> memref<128x16xf32, #tpu.memory_space<vmem_shared>>
        tpu.wait_dma2 semaphore(%run_scoped3A : memref<!tpu.dma_semaphore, #tpu.memory_space<semaphore_mem>>) src(%arg6 : memref<128x16xf32, #tpu.memory_space<vmem>>) dst(%dma_wait3A_45 : memref<128x16xf32, #tpu.memory_space<vmem_shared>>)
        tpu.yield
      }) : () -> ()
    }
    %scan3A_20 = arith.constant 5 : i32
    %barrier3A = arith.constant 0 : index
    tpu.barrier barrier_id(%barrier3A)
    "tpu.region"() ({
      %run_scoped3A = tpu.sem_alloc : memref<!tpu.dma_semaphore, #tpu.memory_space<semaphore_mem>>
      %dma_start3A = arith.constant 0 : i32
      %dma_start3A_34 = arith.constant 0 : i32
      %dma_start3A_35 = tpu.memref_slice %arg2[%add3A, %dma_start3A, %dma_start3A_34] : memref<32x80x128xi32, #tpu.memory_space<hbm>> -> memref<1x80x128xi32, #tpu.memory_space<hbm>>
      %dma_start3A_36 = tpu.memref_squeeze %dma_start3A_35 : memref<1x80x128xi32, #tpu.memory_space<hbm>> -> memref<80x128xi32, #tpu.memory_space<hbm>>
      %dma_start3A_37 = arith.constant 0 : i32
      %dma_start3A_38 = arith.constant 0 : i32
      %dma_start3A_39 = tpu.memref_slice %arg2[%add3A, %dma_start3A_37, %dma_start3A_38] : memref<32x80x128xi32, #tpu.memory_space<hbm>> -> memref<1x80x128xi32, #tpu.memory_space<hbm>>
      %dma_start3A_40 = tpu.memref_squeeze %dma_start3A_39 : memref<1x80x128xi32, #tpu.memory_space<hbm>> -> memref<80x128xi32, #tpu.memory_space<hbm>>
      tpu.enqueue_dma source(%dma_start3A_40 : memref<80x128xi32, #tpu.memory_space<hbm>>) target(%arg4 : memref<80x128xi32, #tpu.memory_space<vmem>>) target_semaphore(%run_scoped3A : memref<!tpu.dma_semaphore, #tpu.memory_space<semaphore_mem>>)
      %dma_wait3A = arith.constant 0 : i32
      %dma_wait3A_41 = arith.constant 0 : i32
      %dma_wait3A_42 = tpu.memref_slice %arg2[%add3A, %dma_wait3A, %dma_wait3A_41] : memref<32x80x128xi32, #tpu.memory_space<hbm>> -> memref<1x80x128xi32, #tpu.memory_space<hbm>>
      %dma_wait3A_43 = tpu.memref_squeeze %dma_wait3A_42 : memref<1x80x128xi32, #tpu.memory_space<hbm>> -> memref<80x128xi32, #tpu.memory_space<hbm>>
      %dma_wait3A_44 = arith.constant 0 : i32
      %dma_wait3A_45 = arith.constant 0 : i32
      %dma_wait3A_46 = tpu.memref_slice %arg2[%add3A, %dma_wait3A_44, %dma_wait3A_45] : memref<32x80x128xi32, #tpu.memory_space<hbm>> -> memref<1x80x128xi32, #tpu.memory_space<hbm>>
      %dma_wait3A_47 = tpu.memref_squeeze %dma_wait3A_46 : memref<1x80x128xi32, #tpu.memory_space<hbm>> -> memref<80x128xi32, #tpu.memory_space<hbm>>
      tpu.wait_dma2 semaphore(%run_scoped3A : memref<!tpu.dma_semaphore, #tpu.memory_space<semaphore_mem>>) src(%dma_wait3A_47 : memref<80x128xi32, #tpu.memory_space<hbm>>) dst(%arg4 : memref<80x128xi32, #tpu.memory_space<vmem>>)
      tpu.yield
    }) : () -> ()
    %scan3A_21 = arith.constant 0 : i32
    %scan3A_22 = arith.constant 0 : i32
    %scan3A_23 = arith.constant 80 : i32
    %scan3A_24 = arith.addi %scan3A_22, %scan3A_23 : i32
    %scan3A_25 = arith.constant 1 : i32
    scf.for %scan3A_34 = %scan3A_22 to %scan3A_24 step %scan3A_25  : i32 {
      "tpu.region"() ({
        %run_scoped3A = tpu.sem_alloc : memref<!tpu.dma_semaphore, #tpu.memory_space<semaphore_mem>>
        %dma_start3A = arith.constant 0 : i32
        %dma_start3A_35 = tpu.memref_slice %arg4[%scan3A_34, %dma_start3A] : memref<80x128xi32, #tpu.memory_space<vmem>> -> memref<1x128xi32, #tpu.memory_space<vmem>>
        %dma_start3A_36 = tpu.memref_squeeze %dma_start3A_35 : memref<1x128xi32, #tpu.memory_space<vmem>> -> memref<128xi32, #tpu.memory_space<vmem>>
        %dma_start3A_37 = arith.constant 0 : i32
        %dma_start3A_38 = arith.constant 0 : i32
        %dma_start3A_39 = tpu.memref_slice %arg7[%dma_start3A_37, %dma_start3A_38] : memref<10240x16xf32, #tpu.memory_space<vmem_shared>> -> memref<10240x16xf32, #tpu.memory_space<vmem_shared>>
        tpu.enqueue_indirect_dma source(%arg5 : memref<128x16xf32, #tpu.memory_space<vmem>>) target(%dma_start3A_39 : memref<10240x16xf32, #tpu.memory_space<vmem_shared>>) offsets(%dma_start3A_36 : memref<128xi32, #tpu.memory_space<vmem>>) semaphore(%run_scoped3A : memref<!tpu.dma_semaphore, #tpu.memory_space<semaphore_mem>>) {add = true}
        %dma_wait3A = arith.constant 0 : i32
        %dma_wait3A_40 = tpu.memref_slice %arg4[%scan3A_34, %dma_wait3A] : memref<80x128xi32, #tpu.memory_space<vmem>> -> memref<1x128xi32, #tpu.memory_space<vmem>>
        %dma_wait3A_41 = tpu.memref_squeeze %dma_wait3A_40 : memref<1x128xi32, #tpu.memory_space<vmem>> -> memref<128xi32, #tpu.memory_space<vmem>>
        %dma_wait3A_42 = arith.constant 0 : i32
        %dma_wait3A_43 = arith.constant 0 : i32
        %dma_wait3A_44 = tpu.memref_slice %arg7[%dma_wait3A_42, %dma_wait3A_43] : memref<10240x16xf32, #tpu.memory_space<vmem_shared>> -> memref<10240x16xf32, #tpu.memory_space<vmem_shared>>
        tpu.wait_indirect_dma semaphore(%run_scoped3A : memref<!tpu.dma_semaphore, #tpu.memory_space<semaphore_mem>>) src(%arg5 : memref<128x16xf32, #tpu.memory_space<vmem>>) dst(%dma_wait3A_44 : memref<10240x16xf32, #tpu.memory_space<vmem_shared>>)
        tpu.yield
      }) : () -> ()
    }
    %scan3A_26 = arith.constant 80 : i32
    %barrier3A_27 = arith.constant 0 : index
    tpu.barrier barrier_id(%barrier3A_27)
    %scan3A_28 = arith.constant 0 : i32
    %scan3A_29 = arith.constant 0 : i32
    %scan3A_30 = arith.constant 5 : i32
    %scan3A_31 = arith.addi %scan3A_29, %scan3A_30 : i32
    %scan3A_32 = arith.constant 1 : i32
    scf.for %scan3A_34 = %scan3A_29 to %scan3A_31 step %scan3A_32  : i32 {
      %mul3A_35 = arith.constant 640 : i32
      %mul3A_36 = arith.muli %arg1, %mul3A_35 : i32
      %mul3A_37 = arith.constant 128 : i32
      %mul3A_38 = arith.muli %scan3A_34, %mul3A_37 : i32
      %add3A_39 = arith.addi %mul3A_36, %mul3A_38 : i32
      "tpu.region"() ({
        %run_scoped3A = tpu.sem_alloc : memref<!tpu.dma_semaphore, #tpu.memory_space<semaphore_mem>>
        %dma_start3A = arith.constant 0 : i32
        %dma_start3A_40 = tpu.memref_slice %arg7[%add3A_39, %dma_start3A] : memref<10240x16xf32, #tpu.memory_space<vmem_shared>> -> memref<128x16xf32, #tpu.memory_space<vmem_shared>>
        %dma_start3A_41 = arith.constant 0 : i32
        %dma_start3A_42 = tpu.memref_slice %arg7[%add3A_39, %dma_start3A_41] : memref<10240x16xf32, #tpu.memory_space<vmem_shared>> -> memref<128x16xf32, #tpu.memory_space<vmem_shared>>
        tpu.enqueue_dma source(%dma_start3A_42 : memref<128x16xf32, #tpu.memory_space<vmem_shared>>) target(%arg6 : memref<128x16xf32, #tpu.memory_space<vmem>>) target_semaphore(%run_scoped3A : memref<!tpu.dma_semaphore, #tpu.memory_space<semaphore_mem>>)
        %dma_wait3A = arith.constant 0 : i32
        %dma_wait3A_43 = tpu.memref_slice %arg7[%add3A_39, %dma_wait3A] : memref<10240x16xf32, #tpu.memory_space<vmem_shared>> -> memref<128x16xf32, #tpu.memory_space<vmem_shared>>
        %dma_wait3A_44 = arith.constant 0 : i32
        %dma_wait3A_45 = tpu.memref_slice %arg7[%add3A_39, %dma_wait3A_44] : memref<10240x16xf32, #tpu.memory_space<vmem_shared>> -> memref<128x16xf32, #tpu.memory_space<vmem_shared>>
        tpu.wait_dma2 semaphore(%run_scoped3A : memref<!tpu.dma_semaphore, #tpu.memory_space<semaphore_mem>>) src(%dma_wait3A_45 : memref<128x16xf32, #tpu.memory_space<vmem_shared>>) dst(%arg6 : memref<128x16xf32, #tpu.memory_space<vmem>>)
        tpu.yield
      }) : () -> ()
      "tpu.region"() ({
        %run_scoped3A = tpu.sem_alloc : memref<!tpu.dma_semaphore, #tpu.memory_space<semaphore_mem>>
        %dma_start3A = arith.constant 0 : i32
        %dma_start3A_40 = tpu.memref_slice %arg3[%arg0, %add3A_39, %dma_start3A] : memref<2x10240x16xf32, #tpu.memory_space<hbm>> -> memref<1x128x16xf32, #tpu.memory_space<hbm>>
        %dma_start3A_41 = tpu.memref_squeeze %dma_start3A_40 : memref<1x128x16xf32, #tpu.memory_space<hbm>> -> memref<128x16xf32, #tpu.memory_space<hbm>>
        %dma_start3A_42 = arith.constant 0 : i32
        %dma_start3A_43 = tpu.memref_slice %arg3[%arg0, %add3A_39, %dma_start3A_42] : memref<2x10240x16xf32, #tpu.memory_space<hbm>> -> memref<1x128x16xf32, #tpu.memory_space<hbm>>
        %dma_start3A_44 = tpu.memref_squeeze %dma_start3A_43 : memref<1x128x16xf32, #tpu.memory_space<hbm>> -> memref<128x16xf32, #tpu.memory_space<hbm>>
        tpu.enqueue_dma source(%arg6 : memref<128x16xf32, #tpu.memory_space<vmem>>) target(%dma_start3A_44 : memref<128x16xf32, #tpu.memory_space<hbm>>) target_semaphore(%run_scoped3A : memref<!tpu.dma_semaphore, #tpu.memory_space<semaphore_mem>>)
        %dma_wait3A = arith.constant 0 : i32
        %dma_wait3A_45 = tpu.memref_slice %arg3[%arg0, %add3A_39, %dma_wait3A] : memref<2x10240x16xf32, #tpu.memory_space<hbm>> -> memref<1x128x16xf32, #tpu.memory_space<hbm>>
        %dma_wait3A_46 = tpu.memref_squeeze %dma_wait3A_45 : memref<1x128x16xf32, #tpu.memory_space<hbm>> -> memref<128x16xf32, #tpu.memory_space<hbm>>
        %dma_wait3A_47 = arith.constant 0 : i32
        %dma_wait3A_48 = tpu.memref_slice %arg3[%arg0, %add3A_39, %dma_wait3A_47] : memref<2x10240x16xf32, #tpu.memory_space<hbm>> -> memref<1x128x16xf32, #tpu.memory_space<hbm>>
        %dma_wait3A_49 = tpu.memref_squeeze %dma_wait3A_48 : memref<1x128x16xf32, #tpu.memory_space<hbm>> -> memref<128x16xf32, #tpu.memory_space<hbm>>
        tpu.wait_dma2 semaphore(%run_scoped3A : memref<!tpu.dma_semaphore, #tpu.memory_space<semaphore_mem>>) src(%arg6 : memref<128x16xf32, #tpu.memory_space<vmem>>) dst(%dma_wait3A_49 : memref<128x16xf32, #tpu.memory_space<hbm>>)
        tpu.yield
      }) : () -> ()
    }
    %scan3A_33 = arith.constant 5 : i32
    return
  }
}

#map = affine_map<(d0, d1) -> (0, 0)>
#map1 = affine_map<(d0, d1) -> (0, 0, 0)>
module attributes {stable_mosaic.version = 14 : i64} {
  func.func @gscatw(%arg0: i32, %arg1: i32, %arg2: memref<10000x128xf32, #tpu.memory_space<hbm>>, %arg3: memref<32x80x128xi32, #tpu.memory_space<hbm>>, %arg4: memref<32x80x128xi32, #tpu.memory_space<hbm>>, %arg5: memref<2x10240x128xf32, #tpu.memory_space<hbm>>, %arg6: memref<80x128xi32, #tpu.memory_space<vmem>>, %arg7: memref<8x128xi32, #tpu.memory_space<vmem>>, %arg8: memref<8x128xi32, #tpu.memory_space<vmem>>, %arg9: memref<128x128xf32, #tpu.memory_space<vmem>>, %arg10: memref<128x128xf32, #tpu.memory_space<vmem>>, %arg11: memref<10240x128xf32, #tpu.memory_space<vmem_shared>>, %arg12: memref<!tpu.dma_semaphore, #tpu.memory_space<semaphore_mem>>, %arg13: memref<!tpu.dma_semaphore, #tpu.memory_space<semaphore_mem>>, %arg14: memref<!tpu.dma_semaphore, #tpu.memory_space<semaphore_mem>>, %arg15: memref<!tpu.dma_semaphore, #tpu.memory_space<semaphore_mem>>, %arg16: memref<!tpu.dma_semaphore, #tpu.memory_space<semaphore_mem>>, %arg17: memref<!tpu.dma_semaphore, #tpu.memory_space<semaphore_mem>>) attributes {dimension_semantics = [#tpu.dimension_semantics<core_parallel>, #tpu.dimension_semantics<subcore_parallel>], iteration_bounds = array<i64: 2, 16>, scalar_prefetch = 0 : i64, scratch_operands = 12 : i64, tpu.core_type = #tpu.core_type<sc_vector_subcore>, window_params = [{transform_indices = #map}, {transform_indices = #map1}, {transform_indices = #map1}, {transform_indices = #map1}]} {
    %mul3A = arith.constant 2 : i32
    %mul3A_0 = arith.muli %arg1, %mul3A : i32
    %add3A = arith.addi %mul3A_0, %arg0 : i32
    %broadcast_in_dim3A = arith.constant 0.000000e+00 : f32
    %broadcast_in_dim3A_1 = vector.broadcast %broadcast_in_dim3A : f32 to vector<16xf32>
    %scan3A = arith.constant 0 : i32
    %scan3A_2 = arith.constant 0 : i32
    %scan3A_3 = arith.constant 128 : i32
    %scan3A_4 = arith.addi %scan3A_2, %scan3A_3 : i32
    %scan3A_5 = arith.constant 1 : i32
    scf.for %scan3A_46 = %scan3A_2 to %scan3A_4 step %scan3A_5  : i32 {
      %scan3A_47 = arith.constant 0 : i32
      %scan3A_48 = arith.constant 8 : i32
      %scan3A_49 = arith.addi %scan3A_47, %scan3A_48 : i32
      %scan3A_50 = arith.constant 1 : i32
      scf.for %scan3A_52 = %scan3A_47 to %scan3A_49 step %scan3A_50  : i32 {
        %mul3A_53 = arith.constant 16 : i32
        %mul3A_54 = arith.muli %scan3A_52, %mul3A_53 : i32
        %swap3A = arith.index_cast %scan3A_46 : i32 to index
        %swap3A_55 = arith.index_cast %mul3A_54 : i32 to index
        %swap3A_56 = tpu.vector_load %arg9[%swap3A, %swap3A_55] {strides = array<i32>} : memref<128x128xf32, #tpu.memory_space<vmem>>, vector<1x16xf32>,
        %swap3A_57 = vector.shape_cast %swap3A_56 : vector<1x16xf32> to vector<16xf32>
        %swap3A_58 = vector.shape_cast %broadcast_in_dim3A_1 : vector<16xf32> to vector<1x16xf32>
        tpu.vector_store %arg9[%swap3A, %swap3A_55], %swap3A_58 {strides = array<i32>} : memref<128x128xf32, #tpu.memory_space<vmem>>, vector<1x16xf32>,
      }
      %scan3A_51 = arith.constant 8 : i32
    }
    %scan3A_6 = arith.constant 128 : i32
    %scan3A_7 = arith.constant 0 : i32
    %scan3A_8 = arith.constant 0 : i32
    %scan3A_9 = arith.constant 5 : i32
    %scan3A_10 = arith.addi %scan3A_8, %scan3A_9 : i32
    %scan3A_11 = arith.constant 1 : i32
    scf.for %scan3A_46 = %scan3A_8 to %scan3A_10 step %scan3A_11  : i32 {
      %mul3A_47 = arith.constant 640 : i32
      %mul3A_48 = arith.muli %arg1, %mul3A_47 : i32
      %mul3A_49 = arith.constant 128 : i32
      %mul3A_50 = arith.muli %scan3A_46, %mul3A_49 : i32
      %add3A_51 = arith.addi %mul3A_48, %mul3A_50 : i32
      "tpu.region"() ({
        %run_scoped3A = tpu.sem_alloc : memref<!tpu.dma_semaphore, #tpu.memory_space<semaphore_mem>>
        %dma_start3A_52 = arith.constant 0 : i32
        %dma_start3A_53 = tpu.memref_slice %arg11[%add3A_51, %dma_start3A_52] : memref<10240x128xf32, #tpu.memory_space<vmem_shared>> -> memref<128x128xf32, #tpu.memory_space<vmem_shared>>
        %dma_start3A_54 = arith.constant 0 : i32
        %dma_start3A_55 = tpu.memref_slice %arg11[%add3A_51, %dma_start3A_54] : memref<10240x128xf32, #tpu.memory_space<vmem_shared>> -> memref<128x128xf32, #tpu.memory_space<vmem_shared>>
        tpu.enqueue_dma source(%arg9 : memref<128x128xf32, #tpu.memory_space<vmem>>) target(%dma_start3A_55 : memref<128x128xf32, #tpu.memory_space<vmem_shared>>) target_semaphore(%run_scoped3A : memref<!tpu.dma_semaphore, #tpu.memory_space<semaphore_mem>>)
        %dma_wait3A_56 = arith.constant 0 : i32
        %dma_wait3A_57 = tpu.memref_slice %arg11[%add3A_51, %dma_wait3A_56] : memref<10240x128xf32, #tpu.memory_space<vmem_shared>> -> memref<128x128xf32, #tpu.memory_space<vmem_shared>>
        %dma_wait3A_58 = arith.constant 0 : i32
        %dma_wait3A_59 = tpu.memref_slice %arg11[%add3A_51, %dma_wait3A_58] : memref<10240x128xf32, #tpu.memory_space<vmem_shared>> -> memref<128x128xf32, #tpu.memory_space<vmem_shared>>
        tpu.wait_dma2 semaphore(%run_scoped3A : memref<!tpu.dma_semaphore, #tpu.memory_space<semaphore_mem>>) src(%arg9 : memref<128x128xf32, #tpu.memory_space<vmem>>) dst(%dma_wait3A_59 : memref<128x128xf32, #tpu.memory_space<vmem_shared>>)
        tpu.yield
      }) : () -> ()
    }
    %scan3A_12 = arith.constant 5 : i32
    %barrier3A = arith.constant 0 : index
    tpu.barrier barrier_id(%barrier3A)
    "tpu.region"() ({
      %run_scoped3A = tpu.sem_alloc : memref<!tpu.dma_semaphore, #tpu.memory_space<semaphore_mem>>
      %dma_start3A_46 = arith.constant 0 : i32
      %dma_start3A_47 = arith.constant 0 : i32
      %dma_start3A_48 = tpu.memref_slice %arg4[%add3A, %dma_start3A_46, %dma_start3A_47] : memref<32x80x128xi32, #tpu.memory_space<hbm>> -> memref<1x80x128xi32, #tpu.memory_space<hbm>>
      %dma_start3A_49 = tpu.memref_squeeze %dma_start3A_48 : memref<1x80x128xi32, #tpu.memory_space<hbm>> -> memref<80x128xi32, #tpu.memory_space<hbm>>
      %dma_start3A_50 = arith.constant 0 : i32
      %dma_start3A_51 = arith.constant 0 : i32
      %dma_start3A_52 = tpu.memref_slice %arg4[%add3A, %dma_start3A_50, %dma_start3A_51] : memref<32x80x128xi32, #tpu.memory_space<hbm>> -> memref<1x80x128xi32, #tpu.memory_space<hbm>>
      %dma_start3A_53 = tpu.memref_squeeze %dma_start3A_52 : memref<1x80x128xi32, #tpu.memory_space<hbm>> -> memref<80x128xi32, #tpu.memory_space<hbm>>
      tpu.enqueue_dma source(%dma_start3A_53 : memref<80x128xi32, #tpu.memory_space<hbm>>) target(%arg6 : memref<80x128xi32, #tpu.memory_space<vmem>>) target_semaphore(%run_scoped3A : memref<!tpu.dma_semaphore, #tpu.memory_space<semaphore_mem>>)
      %dma_wait3A_54 = arith.constant 0 : i32
      %dma_wait3A_55 = arith.constant 0 : i32
      %dma_wait3A_56 = tpu.memref_slice %arg4[%add3A, %dma_wait3A_54, %dma_wait3A_55] : memref<32x80x128xi32, #tpu.memory_space<hbm>> -> memref<1x80x128xi32, #tpu.memory_space<hbm>>
      %dma_wait3A_57 = tpu.memref_squeeze %dma_wait3A_56 : memref<1x80x128xi32, #tpu.memory_space<hbm>> -> memref<80x128xi32, #tpu.memory_space<hbm>>
      %dma_wait3A_58 = arith.constant 0 : i32
      %dma_wait3A_59 = arith.constant 0 : i32
      %dma_wait3A_60 = tpu.memref_slice %arg4[%add3A, %dma_wait3A_58, %dma_wait3A_59] : memref<32x80x128xi32, #tpu.memory_space<hbm>> -> memref<1x80x128xi32, #tpu.memory_space<hbm>>
      %dma_wait3A_61 = tpu.memref_squeeze %dma_wait3A_60 : memref<1x80x128xi32, #tpu.memory_space<hbm>> -> memref<80x128xi32, #tpu.memory_space<hbm>>
      tpu.wait_dma2 semaphore(%run_scoped3A : memref<!tpu.dma_semaphore, #tpu.memory_space<semaphore_mem>>) src(%dma_wait3A_61 : memref<80x128xi32, #tpu.memory_space<hbm>>) dst(%arg6 : memref<80x128xi32, #tpu.memory_space<vmem>>)
      tpu.yield
    }) : () -> ()
    "tpu.region"() ({
      %run_scoped3A = tpu.sem_alloc : memref<!tpu.dma_semaphore, #tpu.memory_space<semaphore_mem>>
      %dma_start3A_46 = arith.constant 0 : i32
      %dma_start3A_47 = arith.constant 0 : i32
      %dma_start3A_48 = tpu.memref_slice %arg3[%add3A, %dma_start3A_46, %dma_start3A_47] : memref<32x80x128xi32, #tpu.memory_space<hbm>> -> memref<1x8x128xi32, #tpu.memory_space<hbm>>
      %dma_start3A_49 = tpu.memref_squeeze %dma_start3A_48 : memref<1x8x128xi32, #tpu.memory_space<hbm>> -> memref<8x128xi32, #tpu.memory_space<hbm>>
      %dma_start3A_50 = arith.constant 0 : i32
      %dma_start3A_51 = arith.constant 0 : i32
      %dma_start3A_52 = tpu.memref_slice %arg3[%add3A, %dma_start3A_50, %dma_start3A_51] : memref<32x80x128xi32, #tpu.memory_space<hbm>> -> memref<1x8x128xi32, #tpu.memory_space<hbm>>
      %dma_start3A_53 = tpu.memref_squeeze %dma_start3A_52 : memref<1x8x128xi32, #tpu.memory_space<hbm>> -> memref<8x128xi32, #tpu.memory_space<hbm>>
      tpu.enqueue_dma source(%dma_start3A_53 : memref<8x128xi32, #tpu.memory_space<hbm>>) target(%arg7 : memref<8x128xi32, #tpu.memory_space<vmem>>) target_semaphore(%run_scoped3A : memref<!tpu.dma_semaphore, #tpu.memory_space<semaphore_mem>>)
      %dma_wait3A_54 = arith.constant 0 : i32
      %dma_wait3A_55 = arith.constant 0 : i32
      %dma_wait3A_56 = tpu.memref_slice %arg3[%add3A, %dma_wait3A_54, %dma_wait3A_55] : memref<32x80x128xi32, #tpu.memory_space<hbm>> -> memref<1x8x128xi32, #tpu.memory_space<hbm>>
      %dma_wait3A_57 = tpu.memref_squeeze %dma_wait3A_56 : memref<1x8x128xi32, #tpu.memory_space<hbm>> -> memref<8x128xi32, #tpu.memory_space<hbm>>
      %dma_wait3A_58 = arith.constant 0 : i32
      %dma_wait3A_59 = arith.constant 0 : i32
      %dma_wait3A_60 = tpu.memref_slice %arg3[%add3A, %dma_wait3A_58, %dma_wait3A_59] : memref<32x80x128xi32, #tpu.memory_space<hbm>> -> memref<1x8x128xi32, #tpu.memory_space<hbm>>
      %dma_wait3A_61 = tpu.memref_squeeze %dma_wait3A_60 : memref<1x8x128xi32, #tpu.memory_space<hbm>> -> memref<8x128xi32, #tpu.memory_space<hbm>>
      tpu.wait_dma2 semaphore(%run_scoped3A : memref<!tpu.dma_semaphore, #tpu.memory_space<semaphore_mem>>) src(%dma_wait3A_61 : memref<8x128xi32, #tpu.memory_space<hbm>>) dst(%arg7 : memref<8x128xi32, #tpu.memory_space<vmem>>)
      tpu.yield
    }) : () -> ()
    %dma_start3A = arith.constant 8 : i32
    %dma_start3A_13 = arith.constant 0 : i32
    %dma_start3A_14 = tpu.memref_slice %arg3[%add3A, %dma_start3A, %dma_start3A_13] : memref<32x80x128xi32, #tpu.memory_space<hbm>> -> memref<1x8x128xi32, #tpu.memory_space<hbm>>
    %dma_start3A_15 = tpu.memref_squeeze %dma_start3A_14 : memref<1x8x128xi32, #tpu.memory_space<hbm>> -> memref<8x128xi32, #tpu.memory_space<hbm>>
    %dma_start3A_16 = arith.constant 8 : i32
    %dma_start3A_17 = arith.constant 0 : i32
    %dma_start3A_18 = tpu.memref_slice %arg3[%add3A, %dma_start3A_16, %dma_start3A_17] : memref<32x80x128xi32, #tpu.memory_space<hbm>> -> memref<1x8x128xi32, #tpu.memory_space<hbm>>
    %dma_start3A_19 = tpu.memref_squeeze %dma_start3A_18 : memref<1x8x128xi32, #tpu.memory_space<hbm>> -> memref<8x128xi32, #tpu.memory_space<hbm>>
    tpu.enqueue_dma source(%dma_start3A_19 : memref<8x128xi32, #tpu.memory_space<hbm>>) target(%arg8 : memref<8x128xi32, #tpu.memory_space<vmem>>) target_semaphore(%arg17 : memref<!tpu.dma_semaphore, #tpu.memory_space<semaphore_mem>>)
    %dma_start3A_20 = arith.constant 0 : i32
    %dma_start3A_21 = arith.constant 0 : i32
    %dma_start3A_22 = tpu.memref_slice %arg7[%dma_start3A_20, %dma_start3A_21] : memref<8x128xi32, #tpu.memory_space<vmem>> -> memref<1x128xi32, #tpu.memory_space<vmem>>
    %dma_start3A_23 = tpu.memref_squeeze %dma_start3A_22 : memref<1x128xi32, #tpu.memory_space<vmem>> -> memref<128xi32, #tpu.memory_space<vmem>>
    %dma_start3A_24 = arith.constant 0 : i32
    %dma_start3A_25 = arith.constant 0 : i32
    %dma_start3A_26 = tpu.memref_slice %arg2[%dma_start3A_24, %dma_start3A_25] : memref<10000x128xf32, #tpu.memory_space<hbm>> -> memref<10000x128xf32, #tpu.memory_space<hbm>>
    tpu.enqueue_indirect_dma source(%dma_start3A_26 : memref<10000x128xf32, #tpu.memory_space<hbm>>) target(%arg9 : memref<128x128xf32, #tpu.memory_space<vmem>>) offsets(%dma_start3A_23 : memref<128xi32, #tpu.memory_space<vmem>>) semaphore(%arg12 : memref<!tpu.dma_semaphore, #tpu.memory_space<semaphore_mem>>)
    %scan3A_27 = arith.constant 0 : i32
    %scan3A_28 = arith.constant 0 : i32
    %scan3A_29 = arith.constant 5 : i32
    %scan3A_30 = arith.addi %scan3A_28, %scan3A_29 : i32
    %scan3A_31 = arith.constant 1 : i32
    scf.for %scan3A_46 = %scan3A_28 to %scan3A_30 step %scan3A_31  : i32 {
      %mul3A_47 = arith.constant 2 : i32
      %mul3A_48 = arith.muli %scan3A_46, %mul3A_47 : i32
      %add3A_49 = arith.constant 0 : i32
      %add3A_50 = arith.addi %mul3A_48, %add3A_49 : i32
      %ge3A = arith.constant 1 : i32
      %ge3A_51 = arith.cmpi sge, %add3A_50, %ge3A : i32
      %add3A_52 = arith.constant 1 : i32
      %add3A_53 = arith.addi %add3A_50, %add3A_52 : i32
      %lt3A = arith.constant 10 : i32
      %lt3A_54 = arith.cmpi slt, %add3A_53, %lt3A : i32
      %and3A = arith.andi %ge3A_51, %lt3A_54 : i1
      %convert_element_type3A = arith.extui %and3A : i1 to i32
      %cond3A = arith.constant 0 : i32
      %cond3A_55 = arith.cmpi ne, %convert_element_type3A, %cond3A : i32
      scf.if %cond3A_55 {
        %add3A_534 = arith.constant 1 : i32
        %add3A_535 = arith.addi %add3A_50, %add3A_534 : i32
        %mul3A_536 = arith.constant 8 : i32
        %mul3A_537 = arith.muli %add3A_535, %mul3A_536 : i32
        %dma_start3A_538 = arith.constant 0 : i32
        %dma_start3A_539 = tpu.memref_slice %arg3[%add3A, %mul3A_537, %dma_start3A_538] : memref<32x80x128xi32, #tpu.memory_space<hbm>> -> memref<1x8x128xi32, #tpu.memory_space<hbm>>
        %dma_start3A_540 = tpu.memref_squeeze %dma_start3A_539 : memref<1x8x128xi32, #tpu.memory_space<hbm>> -> memref<8x128xi32, #tpu.memory_space<hbm>>
        %dma_start3A_541 = arith.constant 0 : i32
        %dma_start3A_542 = tpu.memref_slice %arg3[%add3A, %mul3A_537, %dma_start3A_541] : memref<32x80x128xi32, #tpu.memory_space<hbm>> -> memref<1x8x128xi32, #tpu.memory_space<hbm>>
        %dma_start3A_543 = tpu.memref_squeeze %dma_start3A_542 : memref<1x8x128xi32, #tpu.memory_space<hbm>> -> memref<8x128xi32, #tpu.memory_space<hbm>>
        tpu.enqueue_dma source(%dma_start3A_543 : memref<8x128xi32, #tpu.memory_space<hbm>>) target(%arg8 : memref<8x128xi32, #tpu.memory_space<vmem>>) target_semaphore(%arg17 : memref<!tpu.dma_semaphore, #tpu.memory_space<semaphore_mem>>)
      } else {
      }
      %mul3A_56 = arith.constant 8 : i32
      %mul3A_57 = arith.muli %add3A_50, %mul3A_56 : i32
      %add3A_58 = arith.constant 0 : i32
      %add3A_59 = arith.addi %mul3A_57, %add3A_58 : i32
      %ge3A_60 = arith.constant 1 : i32
      %ge3A_61 = arith.cmpi sge, %add3A_59, %ge3A_60 : i32
      %convert_element_type3A_62 = arith.extui %ge3A_61 : i1 to i32
      %cond3A_63 = arith.constant 0 : i32
      %cond3A_64 = arith.cmpi ne, %convert_element_type3A_62, %cond3A_63 : i32
      scf.if %cond3A_64 {
        %sub3A = arith.constant 1 : i32
        %sub3A_534 = arith.subi %add3A_59, %sub3A : i32
        %dma_wait3A_535 = arith.constant 0 : i32
        %dma_wait3A_536 = tpu.memref_slice %arg6[%sub3A_534, %dma_wait3A_535] : memref<80x128xi32, #tpu.memory_space<vmem>> -> memref<1x128xi32, #tpu.memory_space<vmem>>
        %dma_wait3A_537 = tpu.memref_squeeze %dma_wait3A_536 : memref<1x128xi32, #tpu.memory_space<vmem>> -> memref<128xi32, #tpu.memory_space<vmem>>
        %dma_wait3A_538 = arith.constant 0 : i32
        %dma_wait3A_539 = arith.constant 0 : i32
        %dma_wait3A_540 = tpu.memref_slice %arg11[%dma_wait3A_538, %dma_wait3A_539] : memref<10240x128xf32, #tpu.memory_space<vmem_shared>> -> memref<10240x128xf32, #tpu.memory_space<vmem_shared>>
        tpu.wait_indirect_dma semaphore(%arg15 : memref<!tpu.dma_semaphore, #tpu.memory_space<semaphore_mem>>) src(%arg10 : memref<128x128xf32, #tpu.memory_space<vmem>>) dst(%dma_wait3A_540 : memref<10240x128xf32, #tpu.memory_space<vmem_shared>>)
      } else {
      }
      %dma_start3A_65 = arith.constant 1 : i32
      %dma_start3A_66 = arith.constant 0 : i32
      %dma_start3A_67 = tpu.memref_slice %arg7[%dma_start3A_65, %dma_start3A_66] : memref<8x128xi32, #tpu.memory_space<vmem>> -> memref<1x128xi32, #tpu.memory_space<vmem>>
      %dma_start3A_68 = tpu.memref_squeeze %dma_start3A_67 : memref<1x128xi32, #tpu.memory_space<vmem>> -> memref<128xi32, #tpu.memory_space<vmem>>
      %dma_start3A_69 = arith.constant 0 : i32
      %dma_start3A_70 = arith.constant 0 : i32
      %dma_start3A_71 = tpu.memref_slice %arg2[%dma_start3A_69, %dma_start3A_70] : memref<10000x128xf32, #tpu.memory_space<hbm>> -> memref<10000x128xf32, #tpu.memory_space<hbm>>
      tpu.enqueue_indirect_dma source(%dma_start3A_71 : memref<10000x128xf32, #tpu.memory_space<hbm>>) target(%arg10 : memref<128x128xf32, #tpu.memory_space<vmem>>) offsets(%dma_start3A_68 : memref<128xi32, #tpu.memory_space<vmem>>) semaphore(%arg13 : memref<!tpu.dma_semaphore, #tpu.memory_space<semaphore_mem>>)
      %dma_wait3A_72 = arith.constant 0 : i32
      %dma_wait3A_73 = arith.constant 0 : i32
      %dma_wait3A_74 = tpu.memref_slice %arg7[%dma_wait3A_72, %dma_wait3A_73] : memref<8x128xi32, #tpu.memory_space<vmem>> -> memref<1x128xi32, #tpu.memory_space<vmem>>
      %dma_wait3A_75 = tpu.memref_squeeze %dma_wait3A_74 : memref<1x128xi32, #tpu.memory_space<vmem>> -> memref<128xi32, #tpu.memory_space<vmem>>
      %dma_wait3A_76 = arith.constant 0 : i32
      %dma_wait3A_77 = arith.constant 0 : i32
      %dma_wait3A_78 = tpu.memref_slice %arg2[%dma_wait3A_76, %dma_wait3A_77] : memref<10000x128xf32, #tpu.memory_space<hbm>> -> memref<10000x128xf32, #tpu.memory_space<hbm>>
      tpu.wait_indirect_dma semaphore(%arg12 : memref<!tpu.dma_semaphore, #tpu.memory_space<semaphore_mem>>) src(%dma_wait3A_78 : memref<10000x128xf32, #tpu.memory_space<hbm>>) dst(%arg9 : memref<128x128xf32, #tpu.memory_space<vmem>>)
      %dma_start3A_79 = arith.constant 0 : i32
      %dma_start3A_80 = tpu.memref_slice %arg6[%add3A_59, %dma_start3A_79] : memref<80x128xi32, #tpu.memory_space<vmem>> -> memref<1x128xi32, #tpu.memory_space<vmem>>
      %dma_start3A_81 = tpu.memref_squeeze %dma_start3A_80 : memref<1x128xi32, #tpu.memory_space<vmem>> -> memref<128xi32, #tpu.memory_space<vmem>>
      %dma_start3A_82 = arith.constant 0 : i32
      %dma_start3A_83 = arith.constant 0 : i32
      %dma_start3A_84 = tpu.memref_slice %arg11[%dma_start3A_82, %dma_start3A_83] : memref<10240x128xf32, #tpu.memory_space<vmem_shared>> -> memref<10240x128xf32, #tpu.memory_space<vmem_shared>>
      tpu.enqueue_indirect_dma source(%arg9 : memref<128x128xf32, #tpu.memory_space<vmem>>) target(%dma_start3A_84 : memref<10240x128xf32, #tpu.memory_space<vmem_shared>>) offsets(%dma_start3A_81 : memref<128xi32, #tpu.memory_space<vmem>>) semaphore(%arg14 : memref<!tpu.dma_semaphore, #tpu.memory_space<semaphore_mem>>) {add = true}
      %mul3A_85 = arith.constant 8 : i32
      %mul3A_86 = arith.muli %add3A_50, %mul3A_85 : i32
      %add3A_87 = arith.constant 1 : i32
      %add3A_88 = arith.addi %mul3A_86, %add3A_87 : i32
      %ge3A_89 = arith.constant 1 : i32
      %ge3A_90 = arith.cmpi sge, %add3A_88, %ge3A_89 : i32
      %convert_element_type3A_91 = arith.extui %ge3A_90 : i1 to i32
      %cond3A_92 = arith.constant 0 : i32
      %cond3A_93 = arith.cmpi ne, %convert_element_type3A_91, %cond3A_92 : i32
      scf.if %cond3A_93 {
        %sub3A = arith.constant 1 : i32
        %sub3A_534 = arith.subi %add3A_88, %sub3A : i32
        %dma_wait3A_535 = arith.constant 0 : i32
        %dma_wait3A_536 = tpu.memref_slice %arg6[%sub3A_534, %dma_wait3A_535] : memref<80x128xi32, #tpu.memory_space<vmem>> -> memref<1x128xi32, #tpu.memory_space<vmem>>
        %dma_wait3A_537 = tpu.memref_squeeze %dma_wait3A_536 : memref<1x128xi32, #tpu.memory_space<vmem>> -> memref<128xi32, #tpu.memory_space<vmem>>
        %dma_wait3A_538 = arith.constant 0 : i32
        %dma_wait3A_539 = arith.constant 0 : i32
        %dma_wait3A_540 = tpu.memref_slice %arg11[%dma_wait3A_538, %dma_wait3A_539] : memref<10240x128xf32, #tpu.memory_space<vmem_shared>> -> memref<10240x128xf32, #tpu.memory_space<vmem_shared>>
        tpu.wait_indirect_dma semaphore(%arg14 : memref<!tpu.dma_semaphore, #tpu.memory_space<semaphore_mem>>) src(%arg9 : memref<128x128xf32, #tpu.memory_space<vmem>>) dst(%dma_wait3A_540 : memref<10240x128xf32, #tpu.memory_space<vmem_shared>>)
      } else {
      }
      %dma_start3A_94 = arith.constant 2 : i32
      %dma_start3A_95 = arith.constant 0 : i32
      %dma_start3A_96 = tpu.memref_slice %arg7[%dma_start3A_94, %dma_start3A_95] : memref<8x128xi32, #tpu.memory_space<vmem>> -> memref<1x128xi32, #tpu.memory_space<vmem>>
      %dma_start3A_97 = tpu.memref_squeeze %dma_start3A_96 : memref<1x128xi32, #tpu.memory_space<vmem>> -> memref<128xi32, #tpu.memory_space<vmem>>
      %dma_start3A_98 = arith.constant 0 : i32
      %dma_start3A_99 = arith.constant 0 : i32
      %dma_start3A_100 = tpu.memref_slice %arg2[%dma_start3A_98, %dma_start3A_99] : memref<10000x128xf32, #tpu.memory_space<hbm>> -> memref<10000x128xf32, #tpu.memory_space<hbm>>
      tpu.enqueue_indirect_dma source(%dma_start3A_100 : memref<10000x128xf32, #tpu.memory_space<hbm>>) target(%arg9 : memref<128x128xf32, #tpu.memory_space<vmem>>) offsets(%dma_start3A_97 : memref<128xi32, #tpu.memory_space<vmem>>) semaphore(%arg12 : memref<!tpu.dma_semaphore, #tpu.memory_space<semaphore_mem>>)
      %dma_wait3A_101 = arith.constant 1 : i32
      %dma_wait3A_102 = arith.constant 0 : i32
      %dma_wait3A_103 = tpu.memref_slice %arg7[%dma_wait3A_101, %dma_wait3A_102] : memref<8x128xi32, #tpu.memory_space<vmem>> -> memref<1x128xi32, #tpu.memory_space<vmem>>
      %dma_wait3A_104 = tpu.memref_squeeze %dma_wait3A_103 : memref<1x128xi32, #tpu.memory_space<vmem>> -> memref<128xi32, #tpu.memory_space<vmem>>
      %dma_wait3A_105 = arith.constant 0 : i32
      %dma_wait3A_106 = arith.constant 0 : i32
      %dma_wait3A_107 = tpu.memref_slice %arg2[%dma_wait3A_105, %dma_wait3A_106] : memref<10000x128xf32, #tpu.memory_space<hbm>> -> memref<10000x128xf32, #tpu.memory_space<hbm>>
      tpu.wait_indirect_dma semaphore(%arg13 : memref<!tpu.dma_semaphore, #tpu.memory_space<semaphore_mem>>) src(%dma_wait3A_107 : memref<10000x128xf32, #tpu.memory_space<hbm>>) dst(%arg10 : memref<128x128xf32, #tpu.memory_space<vmem>>)
      %dma_start3A_108 = arith.constant 0 : i32
      %dma_start3A_109 = tpu.memref_slice %arg6[%add3A_88, %dma_start3A_108] : memref<80x128xi32, #tpu.memory_space<vmem>> -> memref<1x128xi32, #tpu.memory_space<vmem>>
      %dma_start3A_110 = tpu.memref_squeeze %dma_start3A_109 : memref<1x128xi32, #tpu.memory_space<vmem>> -> memref<128xi32, #tpu.memory_space<vmem>>
      %dma_start3A_111 = arith.constant 0 : i32
      %dma_start3A_112 = arith.constant 0 : i32
      %dma_start3A_113 = tpu.memref_slice %arg11[%dma_start3A_111, %dma_start3A_112] : memref<10240x128xf32, #tpu.memory_space<vmem_shared>> -> memref<10240x128xf32, #tpu.memory_space<vmem_shared>>
      tpu.enqueue_indirect_dma source(%arg10 : memref<128x128xf32, #tpu.memory_space<vmem>>) target(%dma_start3A_113 : memref<10240x128xf32, #tpu.memory_space<vmem_shared>>) offsets(%dma_start3A_110 : memref<128xi32, #tpu.memory_space<vmem>>) semaphore(%arg15 : memref<!tpu.dma_semaphore, #tpu.memory_space<semaphore_mem>>) {add = true}
      %mul3A_114 = arith.constant 8 : i32
      %mul3A_115 = arith.muli %add3A_50, %mul3A_114 : i32
      %add3A_116 = arith.constant 2 : i32
      %add3A_117 = arith.addi %mul3A_115, %add3A_116 : i32
      %ge3A_118 = arith.constant 1 : i32
      %ge3A_119 = arith.cmpi sge, %add3A_117, %ge3A_118 : i32
      %convert_element_type3A_120 = arith.extui %ge3A_119 : i1 to i32
      %cond3A_121 = arith.constant 0 : i32
      %cond3A_122 = arith.cmpi ne, %convert_element_type3A_120, %cond3A_121 : i32
      scf.if %cond3A_122 {
        %sub3A = arith.constant 1 : i32
        %sub3A_534 = arith.subi %add3A_117, %sub3A : i32
        %dma_wait3A_535 = arith.constant 0 : i32
        %dma_wait3A_536 = tpu.memref_slice %arg6[%sub3A_534, %dma_wait3A_535] : memref<80x128xi32, #tpu.memory_space<vmem>> -> memref<1x128xi32, #tpu.memory_space<vmem>>
        %dma_wait3A_537 = tpu.memref_squeeze %dma_wait3A_536 : memref<1x128xi32, #tpu.memory_space<vmem>> -> memref<128xi32, #tpu.memory_space<vmem>>
        %dma_wait3A_538 = arith.constant 0 : i32
        %dma_wait3A_539 = arith.constant 0 : i32
        %dma_wait3A_540 = tpu.memref_slice %arg11[%dma_wait3A_538, %dma_wait3A_539] : memref<10240x128xf32, #tpu.memory_space<vmem_shared>> -> memref<10240x128xf32, #tpu.memory_space<vmem_shared>>
        tpu.wait_indirect_dma semaphore(%arg15 : memref<!tpu.dma_semaphore, #tpu.memory_space<semaphore_mem>>) src(%arg10 : memref<128x128xf32, #tpu.memory_space<vmem>>) dst(%dma_wait3A_540 : memref<10240x128xf32, #tpu.memory_space<vmem_shared>>)
      } else {
      }
      %dma_start3A_123 = arith.constant 3 : i32
      %dma_start3A_124 = arith.constant 0 : i32
      %dma_start3A_125 = tpu.memref_slice %arg7[%dma_start3A_123, %dma_start3A_124] : memref<8x128xi32, #tpu.memory_space<vmem>> -> memref<1x128xi32, #tpu.memory_space<vmem>>
      %dma_start3A_126 = tpu.memref_squeeze %dma_start3A_125 : memref<1x128xi32, #tpu.memory_space<vmem>> -> memref<128xi32, #tpu.memory_space<vmem>>
      %dma_start3A_127 = arith.constant 0 : i32
      %dma_start3A_128 = arith.constant 0 : i32
      %dma_start3A_129 = tpu.memref_slice %arg2[%dma_start3A_127, %dma_start3A_128] : memref<10000x128xf32, #tpu.memory_space<hbm>> -> memref<10000x128xf32, #tpu.memory_space<hbm>>
      tpu.enqueue_indirect_dma source(%dma_start3A_129 : memref<10000x128xf32, #tpu.memory_space<hbm>>) target(%arg10 : memref<128x128xf32, #tpu.memory_space<vmem>>) offsets(%dma_start3A_126 : memref<128xi32, #tpu.memory_space<vmem>>) semaphore(%arg13 : memref<!tpu.dma_semaphore, #tpu.memory_space<semaphore_mem>>)
      %dma_wait3A_130 = arith.constant 2 : i32
      %dma_wait3A_131 = arith.constant 0 : i32
      %dma_wait3A_132 = tpu.memref_slice %arg7[%dma_wait3A_130, %dma_wait3A_131] : memref<8x128xi32, #tpu.memory_space<vmem>> -> memref<1x128xi32, #tpu.memory_space<vmem>>
      %dma_wait3A_133 = tpu.memref_squeeze %dma_wait3A_132 : memref<1x128xi32, #tpu.memory_space<vmem>> -> memref<128xi32, #tpu.memory_space<vmem>>
      %dma_wait3A_134 = arith.constant 0 : i32
      %dma_wait3A_135 = arith.constant 0 : i32
      %dma_wait3A_136 = tpu.memref_slice %arg2[%dma_wait3A_134, %dma_wait3A_135] : memref<10000x128xf32, #tpu.memory_space<hbm>> -> memref<10000x128xf32, #tpu.memory_space<hbm>>
      tpu.wait_indirect_dma semaphore(%arg12 : memref<!tpu.dma_semaphore, #tpu.memory_space<semaphore_mem>>) src(%dma_wait3A_136 : memref<10000x128xf32, #tpu.memory_space<hbm>>) dst(%arg9 : memref<128x128xf32, #tpu.memory_space<vmem>>)
      %dma_start3A_137 = arith.constant 0 : i32
      %dma_start3A_138 = tpu.memref_slice %arg6[%add3A_117, %dma_start3A_137] : memref<80x128xi32, #tpu.memory_space<vmem>> -> memref<1x128xi32, #tpu.memory_space<vmem>>
      %dma_start3A_139 = tpu.memref_squeeze %dma_start3A_138 : memref<1x128xi32, #tpu.memory_space<vmem>> -> memref<128xi32, #tpu.memory_space<vmem>>
      %dma_start3A_140 = arith.constant 0 : i32
      %dma_start3A_141 = arith.constant 0 : i32
      %dma_start3A_142 = tpu.memref_slice %arg11[%dma_start3A_140, %dma_start3A_141] : memref<10240x128xf32, #tpu.memory_space<vmem_shared>> -> memref<10240x128xf32, #tpu.memory_space<vmem_shared>>
      tpu.enqueue_indirect_dma source(%arg9 : memref<128x128xf32, #tpu.memory_space<vmem>>) target(%dma_start3A_142 : memref<10240x128xf32, #tpu.memory_space<vmem_shared>>) offsets(%dma_start3A_139 : memref<128xi32, #tpu.memory_space<vmem>>) semaphore(%arg14 : memref<!tpu.dma_semaphore, #tpu.memory_space<semaphore_mem>>) {add = true}
      %mul3A_143 = arith.constant 8 : i32
      %mul3A_144 = arith.muli %add3A_50, %mul3A_143 : i32
      %add3A_145 = arith.constant 3 : i32
      %add3A_146 = arith.addi %mul3A_144, %add3A_145 : i32
      %ge3A_147 = arith.constant 1 : i32
      %ge3A_148 = arith.cmpi sge, %add3A_146, %ge3A_147 : i32
      %convert_element_type3A_149 = arith.extui %ge3A_148 : i1 to i32
      %cond3A_150 = arith.constant 0 : i32
      %cond3A_151 = arith.cmpi ne, %convert_element_type3A_149, %cond3A_150 : i32
      scf.if %cond3A_151 {
        %sub3A = arith.constant 1 : i32
        %sub3A_534 = arith.subi %add3A_146, %sub3A : i32
        %dma_wait3A_535 = arith.constant 0 : i32
        %dma_wait3A_536 = tpu.memref_slice %arg6[%sub3A_534, %dma_wait3A_535] : memref<80x128xi32, #tpu.memory_space<vmem>> -> memref<1x128xi32, #tpu.memory_space<vmem>>
        %dma_wait3A_537 = tpu.memref_squeeze %dma_wait3A_536 : memref<1x128xi32, #tpu.memory_space<vmem>> -> memref<128xi32, #tpu.memory_space<vmem>>
        %dma_wait3A_538 = arith.constant 0 : i32
        %dma_wait3A_539 = arith.constant 0 : i32
        %dma_wait3A_540 = tpu.memref_slice %arg11[%dma_wait3A_538, %dma_wait3A_539] : memref<10240x128xf32, #tpu.memory_space<vmem_shared>> -> memref<10240x128xf32, #tpu.memory_space<vmem_shared>>
        tpu.wait_indirect_dma semaphore(%arg14 : memref<!tpu.dma_semaphore, #tpu.memory_space<semaphore_mem>>) src(%arg9 : memref<128x128xf32, #tpu.memory_space<vmem>>) dst(%dma_wait3A_540 : memref<10240x128xf32, #tpu.memory_space<vmem_shared>>)
      } else {
      }
      %dma_start3A_152 = arith.constant 4 : i32
      %dma_start3A_153 = arith.constant 0 : i32
      %dma_start3A_154 = tpu.memref_slice %arg7[%dma_start3A_152, %dma_start3A_153] : memref<8x128xi32, #tpu.memory_space<vmem>> -> memref<1x128xi32, #tpu.memory_space<vmem>>
      %dma_start3A_155 = tpu.memref_squeeze %dma_start3A_154 : memref<1x128xi32, #tpu.memory_space<vmem>> -> memref<128xi32, #tpu.memory_space<vmem>>
      %dma_start3A_156 = arith.constant 0 : i32
      %dma_start3A_157 = arith.constant 0 : i32
      %dma_start3A_158 = tpu.memref_slice %arg2[%dma_start3A_156, %dma_start3A_157] : memref<10000x128xf32, #tpu.memory_space<hbm>> -> memref<10000x128xf32, #tpu.memory_space<hbm>>
      tpu.enqueue_indirect_dma source(%dma_start3A_158 : memref<10000x128xf32, #tpu.memory_space<hbm>>) target(%arg9 : memref<128x128xf32, #tpu.memory_space<vmem>>) offsets(%dma_start3A_155 : memref<128xi32, #tpu.memory_space<vmem>>) semaphore(%arg12 : memref<!tpu.dma_semaphore, #tpu.memory_space<semaphore_mem>>)
      %dma_wait3A_159 = arith.constant 3 : i32
      %dma_wait3A_160 = arith.constant 0 : i32
      %dma_wait3A_161 = tpu.memref_slice %arg7[%dma_wait3A_159, %dma_wait3A_160] : memref<8x128xi32, #tpu.memory_space<vmem>> -> memref<1x128xi32, #tpu.memory_space<vmem>>
      %dma_wait3A_162 = tpu.memref_squeeze %dma_wait3A_161 : memref<1x128xi32, #tpu.memory_space<vmem>> -> memref<128xi32, #tpu.memory_space<vmem>>
      %dma_wait3A_163 = arith.constant 0 : i32
      %dma_wait3A_164 = arith.constant 0 : i32
      %dma_wait3A_165 = tpu.memref_slice %arg2[%dma_wait3A_163, %dma_wait3A_164] : memref<10000x128xf32, #tpu.memory_space<hbm>> -> memref<10000x128xf32, #tpu.memory_space<hbm>>
      tpu.wait_indirect_dma semaphore(%arg13 : memref<!tpu.dma_semaphore, #tpu.memory_space<semaphore_mem>>) src(%dma_wait3A_165 : memref<10000x128xf32, #tpu.memory_space<hbm>>) dst(%arg10 : memref<128x128xf32, #tpu.memory_space<vmem>>)
      %dma_start3A_166 = arith.constant 0 : i32
      %dma_start3A_167 = tpu.memref_slice %arg6[%add3A_146, %dma_start3A_166] : memref<80x128xi32, #tpu.memory_space<vmem>> -> memref<1x128xi32, #tpu.memory_space<vmem>>
      %dma_start3A_168 = tpu.memref_squeeze %dma_start3A_167 : memref<1x128xi32, #tpu.memory_space<vmem>> -> memref<128xi32, #tpu.memory_space<vmem>>
      %dma_start3A_169 = arith.constant 0 : i32
      %dma_start3A_170 = arith.constant 0 : i32
      %dma_start3A_171 = tpu.memref_slice %arg11[%dma_start3A_169, %dma_start3A_170] : memref<10240x128xf32, #tpu.memory_space<vmem_shared>> -> memref<10240x128xf32, #tpu.memory_space<vmem_shared>>
      tpu.enqueue_indirect_dma source(%arg10 : memref<128x128xf32, #tpu.memory_space<vmem>>) target(%dma_start3A_171 : memref<10240x128xf32, #tpu.memory_space<vmem_shared>>) offsets(%dma_start3A_168 : memref<128xi32, #tpu.memory_space<vmem>>) semaphore(%arg15 : memref<!tpu.dma_semaphore, #tpu.memory_space<semaphore_mem>>) {add = true}
      %mul3A_172 = arith.constant 8 : i32
      %mul3A_173 = arith.muli %add3A_50, %mul3A_172 : i32
      %add3A_174 = arith.constant 4 : i32
      %add3A_175 = arith.addi %mul3A_173, %add3A_174 : i32
      %ge3A_176 = arith.constant 1 : i32
      %ge3A_177 = arith.cmpi sge, %add3A_175, %ge3A_176 : i32
      %convert_element_type3A_178 = arith.extui %ge3A_177 : i1 to i32
      %cond3A_179 = arith.constant 0 : i32
      %cond3A_180 = arith.cmpi ne, %convert_element_type3A_178, %cond3A_179 : i32
      scf.if %cond3A_180 {
        %sub3A = arith.constant 1 : i32
        %sub3A_534 = arith.subi %add3A_175, %sub3A : i32
        %dma_wait3A_535 = arith.constant 0 : i32
        %dma_wait3A_536 = tpu.memref_slice %arg6[%sub3A_534, %dma_wait3A_535] : memref<80x128xi32, #tpu.memory_space<vmem>> -> memref<1x128xi32, #tpu.memory_space<vmem>>
        %dma_wait3A_537 = tpu.memref_squeeze %dma_wait3A_536 : memref<1x128xi32, #tpu.memory_space<vmem>> -> memref<128xi32, #tpu.memory_space<vmem>>
        %dma_wait3A_538 = arith.constant 0 : i32
        %dma_wait3A_539 = arith.constant 0 : i32
        %dma_wait3A_540 = tpu.memref_slice %arg11[%dma_wait3A_538, %dma_wait3A_539] : memref<10240x128xf32, #tpu.memory_space<vmem_shared>> -> memref<10240x128xf32, #tpu.memory_space<vmem_shared>>
        tpu.wait_indirect_dma semaphore(%arg15 : memref<!tpu.dma_semaphore, #tpu.memory_space<semaphore_mem>>) src(%arg10 : memref<128x128xf32, #tpu.memory_space<vmem>>) dst(%dma_wait3A_540 : memref<10240x128xf32, #tpu.memory_space<vmem_shared>>)
      } else {
      }
      %dma_start3A_181 = arith.constant 5 : i32
      %dma_start3A_182 = arith.constant 0 : i32
      %dma_start3A_183 = tpu.memref_slice %arg7[%dma_start3A_181, %dma_start3A_182] : memref<8x128xi32, #tpu.memory_space<vmem>> -> memref<1x128xi32, #tpu.memory_space<vmem>>
      %dma_start3A_184 = tpu.memref_squeeze %dma_start3A_183 : memref<1x128xi32, #tpu.memory_space<vmem>> -> memref<128xi32, #tpu.memory_space<vmem>>
      %dma_start3A_185 = arith.constant 0 : i32
      %dma_start3A_186 = arith.constant 0 : i32
      %dma_start3A_187 = tpu.memref_slice %arg2[%dma_start3A_185, %dma_start3A_186] : memref<10000x128xf32, #tpu.memory_space<hbm>> -> memref<10000x128xf32, #tpu.memory_space<hbm>>
      tpu.enqueue_indirect_dma source(%dma_start3A_187 : memref<10000x128xf32, #tpu.memory_space<hbm>>) target(%arg10 : memref<128x128xf32, #tpu.memory_space<vmem>>) offsets(%dma_start3A_184 : memref<128xi32, #tpu.memory_space<vmem>>) semaphore(%arg13 : memref<!tpu.dma_semaphore, #tpu.memory_space<semaphore_mem>>)
      %dma_wait3A_188 = arith.constant 4 : i32
      %dma_wait3A_189 = arith.constant 0 : i32
      %dma_wait3A_190 = tpu.memref_slice %arg7[%dma_wait3A_188, %dma_wait3A_189] : memref<8x128xi32, #tpu.memory_space<vmem>> -> memref<1x128xi32, #tpu.memory_space<vmem>>
      %dma_wait3A_191 = tpu.memref_squeeze %dma_wait3A_190 : memref<1x128xi32, #tpu.memory_space<vmem>> -> memref<128xi32, #tpu.memory_space<vmem>>
      %dma_wait3A_192 = arith.constant 0 : i32
      %dma_wait3A_193 = arith.constant 0 : i32
      %dma_wait3A_194 = tpu.memref_slice %arg2[%dma_wait3A_192, %dma_wait3A_193] : memref<10000x128xf32, #tpu.memory_space<hbm>> -> memref<10000x128xf32, #tpu.memory_space<hbm>>
      tpu.wait_indirect_dma semaphore(%arg12 : memref<!tpu.dma_semaphore, #tpu.memory_space<semaphore_mem>>) src(%dma_wait3A_194 : memref<10000x128xf32, #tpu.memory_space<hbm>>) dst(%arg9 : memref<128x128xf32, #tpu.memory_space<vmem>>)
      %dma_start3A_195 = arith.constant 0 : i32
      %dma_start3A_196 = tpu.memref_slice %arg6[%add3A_175, %dma_start3A_195] : memref<80x128xi32, #tpu.memory_space<vmem>> -> memref<1x128xi32, #tpu.memory_space<vmem>>
      %dma_start3A_197 = tpu.memref_squeeze %dma_start3A_196 : memref<1x128xi32, #tpu.memory_space<vmem>> -> memref<128xi32, #tpu.memory_space<vmem>>
      %dma_start3A_198 = arith.constant 0 : i32
      %dma_start3A_199 = arith.constant 0 : i32
      %dma_start3A_200 = tpu.memref_slice %arg11[%dma_start3A_198, %dma_start3A_199] : memref<10240x128xf32, #tpu.memory_space<vmem_shared>> -> memref<10240x128xf32, #tpu.memory_space<vmem_shared>>
      tpu.enqueue_indirect_dma source(%arg9 : memref<128x128xf32, #tpu.memory_space<vmem>>) target(%dma_start3A_200 : memref<10240x128xf32, #tpu.memory_space<vmem_shared>>) offsets(%dma_start3A_197 : memref<128xi32, #tpu.memory_space<vmem>>) semaphore(%arg14 : memref<!tpu.dma_semaphore, #tpu.memory_space<semaphore_mem>>) {add = true}
      %mul3A_201 = arith.constant 8 : i32
      %mul3A_202 = arith.muli %add3A_50, %mul3A_201 : i32
      %add3A_203 = arith.constant 5 : i32
      %add3A_204 = arith.addi %mul3A_202, %add3A_203 : i32
      %ge3A_205 = arith.constant 1 : i32
      %ge3A_206 = arith.cmpi sge, %add3A_204, %ge3A_205 : i32
      %convert_element_type3A_207 = arith.extui %ge3A_206 : i1 to i32
      %cond3A_208 = arith.constant 0 : i32
      %cond3A_209 = arith.cmpi ne, %convert_element_type3A_207, %cond3A_208 : i32
      scf.if %cond3A_209 {
        %sub3A = arith.constant 1 : i32
        %sub3A_534 = arith.subi %add3A_204, %sub3A : i32
        %dma_wait3A_535 = arith.constant 0 : i32
        %dma_wait3A_536 = tpu.memref_slice %arg6[%sub3A_534, %dma_wait3A_535] : memref<80x128xi32, #tpu.memory_space<vmem>> -> memref<1x128xi32, #tpu.memory_space<vmem>>
        %dma_wait3A_537 = tpu.memref_squeeze %dma_wait3A_536 : memref<1x128xi32, #tpu.memory_space<vmem>> -> memref<128xi32, #tpu.memory_space<vmem>>
        %dma_wait3A_538 = arith.constant 0 : i32
        %dma_wait3A_539 = arith.constant 0 : i32
        %dma_wait3A_540 = tpu.memref_slice %arg11[%dma_wait3A_538, %dma_wait3A_539] : memref<10240x128xf32, #tpu.memory_space<vmem_shared>> -> memref<10240x128xf32, #tpu.memory_space<vmem_shared>>
        tpu.wait_indirect_dma semaphore(%arg14 : memref<!tpu.dma_semaphore, #tpu.memory_space<semaphore_mem>>) src(%arg9 : memref<128x128xf32, #tpu.memory_space<vmem>>) dst(%dma_wait3A_540 : memref<10240x128xf32, #tpu.memory_space<vmem_shared>>)
      } else {
      }
      %dma_start3A_210 = arith.constant 6 : i32
      %dma_start3A_211 = arith.constant 0 : i32
      %dma_start3A_212 = tpu.memref_slice %arg7[%dma_start3A_210, %dma_start3A_211] : memref<8x128xi32, #tpu.memory_space<vmem>> -> memref<1x128xi32, #tpu.memory_space<vmem>>
      %dma_start3A_213 = tpu.memref_squeeze %dma_start3A_212 : memref<1x128xi32, #tpu.memory_space<vmem>> -> memref<128xi32, #tpu.memory_space<vmem>>
      %dma_start3A_214 = arith.constant 0 : i32
      %dma_start3A_215 = arith.constant 0 : i32
      %dma_start3A_216 = tpu.memref_slice %arg2[%dma_start3A_214, %dma_start3A_215] : memref<10000x128xf32, #tpu.memory_space<hbm>> -> memref<10000x128xf32, #tpu.memory_space<hbm>>
      tpu.enqueue_indirect_dma source(%dma_start3A_216 : memref<10000x128xf32, #tpu.memory_space<hbm>>) target(%arg9 : memref<128x128xf32, #tpu.memory_space<vmem>>) offsets(%dma_start3A_213 : memref<128xi32, #tpu.memory_space<vmem>>) semaphore(%arg12 : memref<!tpu.dma_semaphore, #tpu.memory_space<semaphore_mem>>)
      %dma_wait3A_217 = arith.constant 5 : i32
      %dma_wait3A_218 = arith.constant 0 : i32
      %dma_wait3A_219 = tpu.memref_slice %arg7[%dma_wait3A_217, %dma_wait3A_218] : memref<8x128xi32, #tpu.memory_space<vmem>> -> memref<1x128xi32, #tpu.memory_space<vmem>>
      %dma_wait3A_220 = tpu.memref_squeeze %dma_wait3A_219 : memref<1x128xi32, #tpu.memory_space<vmem>> -> memref<128xi32, #tpu.memory_space<vmem>>
      %dma_wait3A_221 = arith.constant 0 : i32
      %dma_wait3A_222 = arith.constant 0 : i32
      %dma_wait3A_223 = tpu.memref_slice %arg2[%dma_wait3A_221, %dma_wait3A_222] : memref<10000x128xf32, #tpu.memory_space<hbm>> -> memref<10000x128xf32, #tpu.memory_space<hbm>>
      tpu.wait_indirect_dma semaphore(%arg13 : memref<!tpu.dma_semaphore, #tpu.memory_space<semaphore_mem>>) src(%dma_wait3A_223 : memref<10000x128xf32, #tpu.memory_space<hbm>>) dst(%arg10 : memref<128x128xf32, #tpu.memory_space<vmem>>)
      %dma_start3A_224 = arith.constant 0 : i32
      %dma_start3A_225 = tpu.memref_slice %arg6[%add3A_204, %dma_start3A_224] : memref<80x128xi32, #tpu.memory_space<vmem>> -> memref<1x128xi32, #tpu.memory_space<vmem>>
      %dma_start3A_226 = tpu.memref_squeeze %dma_start3A_225 : memref<1x128xi32, #tpu.memory_space<vmem>> -> memref<128xi32, #tpu.memory_space<vmem>>
      %dma_start3A_227 = arith.constant 0 : i32
      %dma_start3A_228 = arith.constant 0 : i32
      %dma_start3A_229 = tpu.memref_slice %arg11[%dma_start3A_227, %dma_start3A_228] : memref<10240x128xf32, #tpu.memory_space<vmem_shared>> -> memref<10240x128xf32, #tpu.memory_space<vmem_shared>>
      tpu.enqueue_indirect_dma source(%arg10 : memref<128x128xf32, #tpu.memory_space<vmem>>) target(%dma_start3A_229 : memref<10240x128xf32, #tpu.memory_space<vmem_shared>>) offsets(%dma_start3A_226 : memref<128xi32, #tpu.memory_space<vmem>>) semaphore(%arg15 : memref<!tpu.dma_semaphore, #tpu.memory_space<semaphore_mem>>) {add = true}
      %mul3A_230 = arith.constant 8 : i32
      %mul3A_231 = arith.muli %add3A_50, %mul3A_230 : i32
      %add3A_232 = arith.constant 6 : i32
      %add3A_233 = arith.addi %mul3A_231, %add3A_232 : i32
      %ge3A_234 = arith.constant 1 : i32
      %ge3A_235 = arith.cmpi sge, %add3A_233, %ge3A_234 : i32
      %convert_element_type3A_236 = arith.extui %ge3A_235 : i1 to i32
      %cond3A_237 = arith.constant 0 : i32
      %cond3A_238 = arith.cmpi ne, %convert_element_type3A_236, %cond3A_237 : i32
      scf.if %cond3A_238 {
        %sub3A = arith.constant 1 : i32
        %sub3A_534 = arith.subi %add3A_233, %sub3A : i32
        %dma_wait3A_535 = arith.constant 0 : i32
        %dma_wait3A_536 = tpu.memref_slice %arg6[%sub3A_534, %dma_wait3A_535] : memref<80x128xi32, #tpu.memory_space<vmem>> -> memref<1x128xi32, #tpu.memory_space<vmem>>
        %dma_wait3A_537 = tpu.memref_squeeze %dma_wait3A_536 : memref<1x128xi32, #tpu.memory_space<vmem>> -> memref<128xi32, #tpu.memory_space<vmem>>
        %dma_wait3A_538 = arith.constant 0 : i32
        %dma_wait3A_539 = arith.constant 0 : i32
        %dma_wait3A_540 = tpu.memref_slice %arg11[%dma_wait3A_538, %dma_wait3A_539] : memref<10240x128xf32, #tpu.memory_space<vmem_shared>> -> memref<10240x128xf32, #tpu.memory_space<vmem_shared>>
        tpu.wait_indirect_dma semaphore(%arg15 : memref<!tpu.dma_semaphore, #tpu.memory_space<semaphore_mem>>) src(%arg10 : memref<128x128xf32, #tpu.memory_space<vmem>>) dst(%dma_wait3A_540 : memref<10240x128xf32, #tpu.memory_space<vmem_shared>>)
      } else {
      }
      %dma_start3A_239 = arith.constant 7 : i32
      %dma_start3A_240 = arith.constant 0 : i32
      %dma_start3A_241 = tpu.memref_slice %arg7[%dma_start3A_239, %dma_start3A_240] : memref<8x128xi32, #tpu.memory_space<vmem>> -> memref<1x128xi32, #tpu.memory_space<vmem>>
      %dma_start3A_242 = tpu.memref_squeeze %dma_start3A_241 : memref<1x128xi32, #tpu.memory_space<vmem>> -> memref<128xi32, #tpu.memory_space<vmem>>
      %dma_start3A_243 = arith.constant 0 : i32
      %dma_start3A_244 = arith.constant 0 : i32
      %dma_start3A_245 = tpu.memref_slice %arg2[%dma_start3A_243, %dma_start3A_244] : memref<10000x128xf32, #tpu.memory_space<hbm>> -> memref<10000x128xf32, #tpu.memory_space<hbm>>
      tpu.enqueue_indirect_dma source(%dma_start3A_245 : memref<10000x128xf32, #tpu.memory_space<hbm>>) target(%arg10 : memref<128x128xf32, #tpu.memory_space<vmem>>) offsets(%dma_start3A_242 : memref<128xi32, #tpu.memory_space<vmem>>) semaphore(%arg13 : memref<!tpu.dma_semaphore, #tpu.memory_space<semaphore_mem>>)
      %dma_wait3A_246 = arith.constant 6 : i32
      %dma_wait3A_247 = arith.constant 0 : i32
      %dma_wait3A_248 = tpu.memref_slice %arg7[%dma_wait3A_246, %dma_wait3A_247] : memref<8x128xi32, #tpu.memory_space<vmem>> -> memref<1x128xi32, #tpu.memory_space<vmem>>
      %dma_wait3A_249 = tpu.memref_squeeze %dma_wait3A_248 : memref<1x128xi32, #tpu.memory_space<vmem>> -> memref<128xi32, #tpu.memory_space<vmem>>
      %dma_wait3A_250 = arith.constant 0 : i32
      %dma_wait3A_251 = arith.constant 0 : i32
      %dma_wait3A_252 = tpu.memref_slice %arg2[%dma_wait3A_250, %dma_wait3A_251] : memref<10000x128xf32, #tpu.memory_space<hbm>> -> memref<10000x128xf32, #tpu.memory_space<hbm>>
      tpu.wait_indirect_dma semaphore(%arg12 : memref<!tpu.dma_semaphore, #tpu.memory_space<semaphore_mem>>) src(%dma_wait3A_252 : memref<10000x128xf32, #tpu.memory_space<hbm>>) dst(%arg9 : memref<128x128xf32, #tpu.memory_space<vmem>>)
      %dma_start3A_253 = arith.constant 0 : i32
      %dma_start3A_254 = tpu.memref_slice %arg6[%add3A_233, %dma_start3A_253] : memref<80x128xi32, #tpu.memory_space<vmem>> -> memref<1x128xi32, #tpu.memory_space<vmem>>
      %dma_start3A_255 = tpu.memref_squeeze %dma_start3A_254 : memref<1x128xi32, #tpu.memory_space<vmem>> -> memref<128xi32, #tpu.memory_space<vmem>>
      %dma_start3A_256 = arith.constant 0 : i32
      %dma_start3A_257 = arith.constant 0 : i32
      %dma_start3A_258 = tpu.memref_slice %arg11[%dma_start3A_256, %dma_start3A_257] : memref<10240x128xf32, #tpu.memory_space<vmem_shared>> -> memref<10240x128xf32, #tpu.memory_space<vmem_shared>>
      tpu.enqueue_indirect_dma source(%arg9 : memref<128x128xf32, #tpu.memory_space<vmem>>) target(%dma_start3A_258 : memref<10240x128xf32, #tpu.memory_space<vmem_shared>>) offsets(%dma_start3A_255 : memref<128xi32, #tpu.memory_space<vmem>>) semaphore(%arg14 : memref<!tpu.dma_semaphore, #tpu.memory_space<semaphore_mem>>) {add = true}
      %mul3A_259 = arith.constant 8 : i32
      %mul3A_260 = arith.muli %add3A_50, %mul3A_259 : i32
      %add3A_261 = arith.constant 7 : i32
      %add3A_262 = arith.addi %mul3A_260, %add3A_261 : i32
      %ge3A_263 = arith.constant 1 : i32
      %ge3A_264 = arith.cmpi sge, %add3A_262, %ge3A_263 : i32
      %convert_element_type3A_265 = arith.extui %ge3A_264 : i1 to i32
      %cond3A_266 = arith.constant 0 : i32
      %cond3A_267 = arith.cmpi ne, %convert_element_type3A_265, %cond3A_266 : i32
      scf.if %cond3A_267 {
        %sub3A = arith.constant 1 : i32
        %sub3A_534 = arith.subi %add3A_262, %sub3A : i32
        %dma_wait3A_535 = arith.constant 0 : i32
        %dma_wait3A_536 = tpu.memref_slice %arg6[%sub3A_534, %dma_wait3A_535] : memref<80x128xi32, #tpu.memory_space<vmem>> -> memref<1x128xi32, #tpu.memory_space<vmem>>
        %dma_wait3A_537 = tpu.memref_squeeze %dma_wait3A_536 : memref<1x128xi32, #tpu.memory_space<vmem>> -> memref<128xi32, #tpu.memory_space<vmem>>
        %dma_wait3A_538 = arith.constant 0 : i32
        %dma_wait3A_539 = arith.constant 0 : i32
        %dma_wait3A_540 = tpu.memref_slice %arg11[%dma_wait3A_538, %dma_wait3A_539] : memref<10240x128xf32, #tpu.memory_space<vmem_shared>> -> memref<10240x128xf32, #tpu.memory_space<vmem_shared>>
        tpu.wait_indirect_dma semaphore(%arg14 : memref<!tpu.dma_semaphore, #tpu.memory_space<semaphore_mem>>) src(%arg9 : memref<128x128xf32, #tpu.memory_space<vmem>>) dst(%dma_wait3A_540 : memref<10240x128xf32, #tpu.memory_space<vmem_shared>>)
      } else {
      }
      %add3A_268 = arith.constant 1 : i32
      %add3A_269 = arith.addi %add3A_50, %add3A_268 : i32
      %lt3A_270 = arith.constant 10 : i32
      %lt3A_271 = arith.cmpi slt, %add3A_269, %lt3A_270 : i32
      %convert_element_type3A_272 = arith.extui %lt3A_271 : i1 to i32
      %cond3A_273 = arith.constant 0 : i32
      %cond3A_274 = arith.cmpi ne, %convert_element_type3A_272, %cond3A_273 : i32
      scf.if %cond3A_274 {
        %add3A_534 = arith.constant 1 : i32
        %add3A_535 = arith.addi %add3A_50, %add3A_534 : i32
        %mul3A_536 = arith.constant 8 : i32
        %mul3A_537 = arith.muli %add3A_535, %mul3A_536 : i32
        %dma_wait3A_538 = arith.constant 0 : i32
        %dma_wait3A_539 = tpu.memref_slice %arg3[%add3A, %mul3A_537, %dma_wait3A_538] : memref<32x80x128xi32, #tpu.memory_space<hbm>> -> memref<1x8x128xi32, #tpu.memory_space<hbm>>
        %dma_wait3A_540 = tpu.memref_squeeze %dma_wait3A_539 : memref<1x8x128xi32, #tpu.memory_space<hbm>> -> memref<8x128xi32, #tpu.memory_space<hbm>>
        %dma_wait3A_541 = arith.constant 0 : i32
        %dma_wait3A_542 = tpu.memref_slice %arg3[%add3A, %mul3A_537, %dma_wait3A_541] : memref<32x80x128xi32, #tpu.memory_space<hbm>> -> memref<1x8x128xi32, #tpu.memory_space<hbm>>
        %dma_wait3A_543 = tpu.memref_squeeze %dma_wait3A_542 : memref<1x8x128xi32, #tpu.memory_space<hbm>> -> memref<8x128xi32, #tpu.memory_space<hbm>>
        tpu.wait_dma2 semaphore(%arg17 : memref<!tpu.dma_semaphore, #tpu.memory_space<semaphore_mem>>) src(%dma_wait3A_543 : memref<8x128xi32, #tpu.memory_space<hbm>>) dst(%arg8 : memref<8x128xi32, #tpu.memory_space<vmem>>)
        %dma_start3A_544 = arith.constant 0 : i32
        %dma_start3A_545 = arith.constant 0 : i32
        %dma_start3A_546 = tpu.memref_slice %arg8[%dma_start3A_544, %dma_start3A_545] : memref<8x128xi32, #tpu.memory_space<vmem>> -> memref<1x128xi32, #tpu.memory_space<vmem>>
        %dma_start3A_547 = tpu.memref_squeeze %dma_start3A_546 : memref<1x128xi32, #tpu.memory_space<vmem>> -> memref<128xi32, #tpu.memory_space<vmem>>
        %dma_start3A_548 = arith.constant 0 : i32
        %dma_start3A_549 = arith.constant 0 : i32
        %dma_start3A_550 = tpu.memref_slice %arg2[%dma_start3A_548, %dma_start3A_549] : memref<10000x128xf32, #tpu.memory_space<hbm>> -> memref<10000x128xf32, #tpu.memory_space<hbm>>
        tpu.enqueue_indirect_dma source(%dma_start3A_550 : memref<10000x128xf32, #tpu.memory_space<hbm>>) target(%arg9 : memref<128x128xf32, #tpu.memory_space<vmem>>) offsets(%dma_start3A_547 : memref<128xi32, #tpu.memory_space<vmem>>) semaphore(%arg12 : memref<!tpu.dma_semaphore, #tpu.memory_space<semaphore_mem>>)
      } else {
      }
      %dma_wait3A_275 = arith.constant 7 : i32
      %dma_wait3A_276 = arith.constant 0 : i32
      %dma_wait3A_277 = tpu.memref_slice %arg7[%dma_wait3A_275, %dma_wait3A_276] : memref<8x128xi32, #tpu.memory_space<vmem>> -> memref<1x128xi32, #tpu.memory_space<vmem>>
      %dma_wait3A_278 = tpu.memref_squeeze %dma_wait3A_277 : memref<1x128xi32, #tpu.memory_space<vmem>> -> memref<128xi32, #tpu.memory_space<vmem>>
      %dma_wait3A_279 = arith.constant 0 : i32
      %dma_wait3A_280 = arith.constant 0 : i32
      %dma_wait3A_281 = tpu.memref_slice %arg2[%dma_wait3A_279, %dma_wait3A_280] : memref<10000x128xf32, #tpu.memory_space<hbm>> -> memref<10000x128xf32, #tpu.memory_space<hbm>>
      tpu.wait_indirect_dma semaphore(%arg13 : memref<!tpu.dma_semaphore, #tpu.memory_space<semaphore_mem>>) src(%dma_wait3A_281 : memref<10000x128xf32, #tpu.memory_space<hbm>>) dst(%arg10 : memref<128x128xf32, #tpu.memory_space<vmem>>)
      %dma_start3A_282 = arith.constant 0 : i32
      %dma_start3A_283 = tpu.memref_slice %arg6[%add3A_262, %dma_start3A_282] : memref<80x128xi32, #tpu.memory_space<vmem>> -> memref<1x128xi32, #tpu.memory_space<vmem>>
      %dma_start3A_284 = tpu.memref_squeeze %dma_start3A_283 : memref<1x128xi32, #tpu.memory_space<vmem>> -> memref<128xi32, #tpu.memory_space<vmem>>
      %dma_start3A_285 = arith.constant 0 : i32
      %dma_start3A_286 = arith.constant 0 : i32
      %dma_start3A_287 = tpu.memref_slice %arg11[%dma_start3A_285, %dma_start3A_286] : memref<10240x128xf32, #tpu.memory_space<vmem_shared>> -> memref<10240x128xf32, #tpu.memory_space<vmem_shared>>
      tpu.enqueue_indirect_dma source(%arg10 : memref<128x128xf32, #tpu.memory_space<vmem>>) target(%dma_start3A_287 : memref<10240x128xf32, #tpu.memory_space<vmem_shared>>) offsets(%dma_start3A_284 : memref<128xi32, #tpu.memory_space<vmem>>) semaphore(%arg15 : memref<!tpu.dma_semaphore, #tpu.memory_space<semaphore_mem>>) {add = true}
      %mul3A_288 = arith.constant 2 : i32
      %mul3A_289 = arith.muli %scan3A_46, %mul3A_288 : i32
      %add3A_290 = arith.constant 1 : i32
      %add3A_291 = arith.addi %mul3A_289, %add3A_290 : i32
      %ge3A_292 = arith.constant 1 : i32
      %ge3A_293 = arith.cmpi sge, %add3A_291, %ge3A_292 : i32
      %add3A_294 = arith.constant 1 : i32
      %add3A_295 = arith.addi %add3A_291, %add3A_294 : i32
      %lt3A_296 = arith.constant 10 : i32
      %lt3A_297 = arith.cmpi slt, %add3A_295, %lt3A_296 : i32
      %and3A_298 = arith.andi %ge3A_293, %lt3A_297 : i1
      %convert_element_type3A_299 = arith.extui %and3A_298 : i1 to i32
      %cond3A_300 = arith.constant 0 : i32
      %cond3A_301 = arith.cmpi ne, %convert_element_type3A_299, %cond3A_300 : i32
      scf.if %cond3A_301 {
        %add3A_534 = arith.constant 1 : i32
        %add3A_535 = arith.addi %add3A_291, %add3A_534 : i32
        %mul3A_536 = arith.constant 8 : i32
        %mul3A_537 = arith.muli %add3A_535, %mul3A_536 : i32
        %dma_start3A_538 = arith.constant 0 : i32
        %dma_start3A_539 = tpu.memref_slice %arg3[%add3A, %mul3A_537, %dma_start3A_538] : memref<32x80x128xi32, #tpu.memory_space<hbm>> -> memref<1x8x128xi32, #tpu.memory_space<hbm>>
        %dma_start3A_540 = tpu.memref_squeeze %dma_start3A_539 : memref<1x8x128xi32, #tpu.memory_space<hbm>> -> memref<8x128xi32, #tpu.memory_space<hbm>>
        %dma_start3A_541 = arith.constant 0 : i32
        %dma_start3A_542 = tpu.memref_slice %arg3[%add3A, %mul3A_537, %dma_start3A_541] : memref<32x80x128xi32, #tpu.memory_space<hbm>> -> memref<1x8x128xi32, #tpu.memory_space<hbm>>
        %dma_start3A_543 = tpu.memref_squeeze %dma_start3A_542 : memref<1x8x128xi32, #tpu.memory_space<hbm>> -> memref<8x128xi32, #tpu.memory_space<hbm>>
        tpu.enqueue_dma source(%dma_start3A_543 : memref<8x128xi32, #tpu.memory_space<hbm>>) target(%arg7 : memref<8x128xi32, #tpu.memory_space<vmem>>) target_semaphore(%arg16 : memref<!tpu.dma_semaphore, #tpu.memory_space<semaphore_mem>>)
      } else {
      }
      %mul3A_302 = arith.constant 8 : i32
      %mul3A_303 = arith.muli %add3A_291, %mul3A_302 : i32
      %add3A_304 = arith.constant 0 : i32
      %add3A_305 = arith.addi %mul3A_303, %add3A_304 : i32
      %ge3A_306 = arith.constant 1 : i32
      %ge3A_307 = arith.cmpi sge, %add3A_305, %ge3A_306 : i32
      %convert_element_type3A_308 = arith.extui %ge3A_307 : i1 to i32
      %cond3A_309 = arith.constant 0 : i32
      %cond3A_310 = arith.cmpi ne, %convert_element_type3A_308, %cond3A_309 : i32
      scf.if %cond3A_310 {
        %sub3A = arith.constant 1 : i32
        %sub3A_534 = arith.subi %add3A_305, %sub3A : i32
        %dma_wait3A_535 = arith.constant 0 : i32
        %dma_wait3A_536 = tpu.memref_slice %arg6[%sub3A_534, %dma_wait3A_535] : memref<80x128xi32, #tpu.memory_space<vmem>> -> memref<1x128xi32, #tpu.memory_space<vmem>>
        %dma_wait3A_537 = tpu.memref_squeeze %dma_wait3A_536 : memref<1x128xi32, #tpu.memory_space<vmem>> -> memref<128xi32, #tpu.memory_space<vmem>>
        %dma_wait3A_538 = arith.constant 0 : i32
        %dma_wait3A_539 = arith.constant 0 : i32
        %dma_wait3A_540 = tpu.memref_slice %arg11[%dma_wait3A_538, %dma_wait3A_539] : memref<10240x128xf32, #tpu.memory_space<vmem_shared>> -> memref<10240x128xf32, #tpu.memory_space<vmem_shared>>
        tpu.wait_indirect_dma semaphore(%arg15 : memref<!tpu.dma_semaphore, #tpu.memory_space<semaphore_mem>>) src(%arg10 : memref<128x128xf32, #tpu.memory_space<vmem>>) dst(%dma_wait3A_540 : memref<10240x128xf32, #tpu.memory_space<vmem_shared>>)
      } else {
      }
      %dma_start3A_311 = arith.constant 1 : i32
      %dma_start3A_312 = arith.constant 0 : i32
      %dma_start3A_313 = tpu.memref_slice %arg8[%dma_start3A_311, %dma_start3A_312] : memref<8x128xi32, #tpu.memory_space<vmem>> -> memref<1x128xi32, #tpu.memory_space<vmem>>
      %dma_start3A_314 = tpu.memref_squeeze %dma_start3A_313 : memref<1x128xi32, #tpu.memory_space<vmem>> -> memref<128xi32, #tpu.memory_space<vmem>>
      %dma_start3A_315 = arith.constant 0 : i32
      %dma_start3A_316 = arith.constant 0 : i32
      %dma_start3A_317 = tpu.memref_slice %arg2[%dma_start3A_315, %dma_start3A_316] : memref<10000x128xf32, #tpu.memory_space<hbm>> -> memref<10000x128xf32, #tpu.memory_space<hbm>>
      tpu.enqueue_indirect_dma source(%dma_start3A_317 : memref<10000x128xf32, #tpu.memory_space<hbm>>) target(%arg10 : memref<128x128xf32, #tpu.memory_space<vmem>>) offsets(%dma_start3A_314 : memref<128xi32, #tpu.memory_space<vmem>>) semaphore(%arg13 : memref<!tpu.dma_semaphore, #tpu.memory_space<semaphore_mem>>)
      %dma_wait3A_318 = arith.constant 0 : i32
      %dma_wait3A_319 = arith.constant 0 : i32
      %dma_wait3A_320 = tpu.memref_slice %arg8[%dma_wait3A_318, %dma_wait3A_319] : memref<8x128xi32, #tpu.memory_space<vmem>> -> memref<1x128xi32, #tpu.memory_space<vmem>>
      %dma_wait3A_321 = tpu.memref_squeeze %dma_wait3A_320 : memref<1x128xi32, #tpu.memory_space<vmem>> -> memref<128xi32, #tpu.memory_space<vmem>>
      %dma_wait3A_322 = arith.constant 0 : i32
      %dma_wait3A_323 = arith.constant 0 : i32
      %dma_wait3A_324 = tpu.memref_slice %arg2[%dma_wait3A_322, %dma_wait3A_323] : memref<10000x128xf32, #tpu.memory_space<hbm>> -> memref<10000x128xf32, #tpu.memory_space<hbm>>
      tpu.wait_indirect_dma semaphore(%arg12 : memref<!tpu.dma_semaphore, #tpu.memory_space<semaphore_mem>>) src(%dma_wait3A_324 : memref<10000x128xf32, #tpu.memory_space<hbm>>) dst(%arg9 : memref<128x128xf32, #tpu.memory_space<vmem>>)
      %dma_start3A_325 = arith.constant 0 : i32
      %dma_start3A_326 = tpu.memref_slice %arg6[%add3A_305, %dma_start3A_325] : memref<80x128xi32, #tpu.memory_space<vmem>> -> memref<1x128xi32, #tpu.memory_space<vmem>>
      %dma_start3A_327 = tpu.memref_squeeze %dma_start3A_326 : memref<1x128xi32, #tpu.memory_space<vmem>> -> memref<128xi32, #tpu.memory_space<vmem>>
      %dma_start3A_328 = arith.constant 0 : i32
      %dma_start3A_329 = arith.constant 0 : i32
      %dma_start3A_330 = tpu.memref_slice %arg11[%dma_start3A_328, %dma_start3A_329] : memref<10240x128xf32, #tpu.memory_space<vmem_shared>> -> memref<10240x128xf32, #tpu.memory_space<vmem_shared>>
      tpu.enqueue_indirect_dma source(%arg9 : memref<128x128xf32, #tpu.memory_space<vmem>>) target(%dma_start3A_330 : memref<10240x128xf32, #tpu.memory_space<vmem_shared>>) offsets(%dma_start3A_327 : memref<128xi32, #tpu.memory_space<vmem>>) semaphore(%arg14 : memref<!tpu.dma_semaphore, #tpu.memory_space<semaphore_mem>>) {add = true}
      %mul3A_331 = arith.constant 8 : i32
      %mul3A_332 = arith.muli %add3A_291, %mul3A_331 : i32
      %add3A_333 = arith.constant 1 : i32
      %add3A_334 = arith.addi %mul3A_332, %add3A_333 : i32
      %ge3A_335 = arith.constant 1 : i32
      %ge3A_336 = arith.cmpi sge, %add3A_334, %ge3A_335 : i32
      %convert_element_type3A_337 = arith.extui %ge3A_336 : i1 to i32
      %cond3A_338 = arith.constant 0 : i32
      %cond3A_339 = arith.cmpi ne, %convert_element_type3A_337, %cond3A_338 : i32
      scf.if %cond3A_339 {
        %sub3A = arith.constant 1 : i32
        %sub3A_534 = arith.subi %add3A_334, %sub3A : i32
        %dma_wait3A_535 = arith.constant 0 : i32
        %dma_wait3A_536 = tpu.memref_slice %arg6[%sub3A_534, %dma_wait3A_535] : memref<80x128xi32, #tpu.memory_space<vmem>> -> memref<1x128xi32, #tpu.memory_space<vmem>>
        %dma_wait3A_537 = tpu.memref_squeeze %dma_wait3A_536 : memref<1x128xi32, #tpu.memory_space<vmem>> -> memref<128xi32, #tpu.memory_space<vmem>>
        %dma_wait3A_538 = arith.constant 0 : i32
        %dma_wait3A_539 = arith.constant 0 : i32
        %dma_wait3A_540 = tpu.memref_slice %arg11[%dma_wait3A_538, %dma_wait3A_539] : memref<10240x128xf32, #tpu.memory_space<vmem_shared>> -> memref<10240x128xf32, #tpu.memory_space<vmem_shared>>
        tpu.wait_indirect_dma semaphore(%arg14 : memref<!tpu.dma_semaphore, #tpu.memory_space<semaphore_mem>>) src(%arg9 : memref<128x128xf32, #tpu.memory_space<vmem>>) dst(%dma_wait3A_540 : memref<10240x128xf32, #tpu.memory_space<vmem_shared>>)
      } else {
      }
      %dma_start3A_340 = arith.constant 2 : i32
      %dma_start3A_341 = arith.constant 0 : i32
      %dma_start3A_342 = tpu.memref_slice %arg8[%dma_start3A_340, %dma_start3A_341] : memref<8x128xi32, #tpu.memory_space<vmem>> -> memref<1x128xi32, #tpu.memory_space<vmem>>
      %dma_start3A_343 = tpu.memref_squeeze %dma_start3A_342 : memref<1x128xi32, #tpu.memory_space<vmem>> -> memref<128xi32, #tpu.memory_space<vmem>>
      %dma_start3A_344 = arith.constant 0 : i32
      %dma_start3A_345 = arith.constant 0 : i32
      %dma_start3A_346 = tpu.memref_slice %arg2[%dma_start3A_344, %dma_start3A_345] : memref<10000x128xf32, #tpu.memory_space<hbm>> -> memref<10000x128xf32, #tpu.memory_space<hbm>>
      tpu.enqueue_indirect_dma source(%dma_start3A_346 : memref<10000x128xf32, #tpu.memory_space<hbm>>) target(%arg9 : memref<128x128xf32, #tpu.memory_space<vmem>>) offsets(%dma_start3A_343 : memref<128xi32, #tpu.memory_space<vmem>>) semaphore(%arg12 : memref<!tpu.dma_semaphore, #tpu.memory_space<semaphore_mem>>)
      %dma_wait3A_347 = arith.constant 1 : i32
      %dma_wait3A_348 = arith.constant 0 : i32
      %dma_wait3A_349 = tpu.memref_slice %arg8[%dma_wait3A_347, %dma_wait3A_348] : memref<8x128xi32, #tpu.memory_space<vmem>> -> memref<1x128xi32, #tpu.memory_space<vmem>>
      %dma_wait3A_350 = tpu.memref_squeeze %dma_wait3A_349 : memref<1x128xi32, #tpu.memory_space<vmem>> -> memref<128xi32, #tpu.memory_space<vmem>>
      %dma_wait3A_351 = arith.constant 0 : i32
      %dma_wait3A_352 = arith.constant 0 : i32
      %dma_wait3A_353 = tpu.memref_slice %arg2[%dma_wait3A_351, %dma_wait3A_352] : memref<10000x128xf32, #tpu.memory_space<hbm>> -> memref<10000x128xf32, #tpu.memory_space<hbm>>
      tpu.wait_indirect_dma semaphore(%arg13 : memref<!tpu.dma_semaphore, #tpu.memory_space<semaphore_mem>>) src(%dma_wait3A_353 : memref<10000x128xf32, #tpu.memory_space<hbm>>) dst(%arg10 : memref<128x128xf32, #tpu.memory_space<vmem>>)
      %dma_start3A_354 = arith.constant 0 : i32
      %dma_start3A_355 = tpu.memref_slice %arg6[%add3A_334, %dma_start3A_354] : memref<80x128xi32, #tpu.memory_space<vmem>> -> memref<1x128xi32, #tpu.memory_space<vmem>>
      %dma_start3A_356 = tpu.memref_squeeze %dma_start3A_355 : memref<1x128xi32, #tpu.memory_space<vmem>> -> memref<128xi32, #tpu.memory_space<vmem>>
      %dma_start3A_357 = arith.constant 0 : i32
      %dma_start3A_358 = arith.constant 0 : i32
      %dma_start3A_359 = tpu.memref_slice %arg11[%dma_start3A_357, %dma_start3A_358] : memref<10240x128xf32, #tpu.memory_space<vmem_shared>> -> memref<10240x128xf32, #tpu.memory_space<vmem_shared>>
      tpu.enqueue_indirect_dma source(%arg10 : memref<128x128xf32, #tpu.memory_space<vmem>>) target(%dma_start3A_359 : memref<10240x128xf32, #tpu.memory_space<vmem_shared>>) offsets(%dma_start3A_356 : memref<128xi32, #tpu.memory_space<vmem>>) semaphore(%arg15 : memref<!tpu.dma_semaphore, #tpu.memory_space<semaphore_mem>>) {add = true}
      %mul3A_360 = arith.constant 8 : i32
      %mul3A_361 = arith.muli %add3A_291, %mul3A_360 : i32
      %add3A_362 = arith.constant 2 : i32
      %add3A_363 = arith.addi %mul3A_361, %add3A_362 : i32
      %ge3A_364 = arith.constant 1 : i32
      %ge3A_365 = arith.cmpi sge, %add3A_363, %ge3A_364 : i32
      %convert_element_type3A_366 = arith.extui %ge3A_365 : i1 to i32
      %cond3A_367 = arith.constant 0 : i32
      %cond3A_368 = arith.cmpi ne, %convert_element_type3A_366, %cond3A_367 : i32
      scf.if %cond3A_368 {
        %sub3A = arith.constant 1 : i32
        %sub3A_534 = arith.subi %add3A_363, %sub3A : i32
        %dma_wait3A_535 = arith.constant 0 : i32
        %dma_wait3A_536 = tpu.memref_slice %arg6[%sub3A_534, %dma_wait3A_535] : memref<80x128xi32, #tpu.memory_space<vmem>> -> memref<1x128xi32, #tpu.memory_space<vmem>>
        %dma_wait3A_537 = tpu.memref_squeeze %dma_wait3A_536 : memref<1x128xi32, #tpu.memory_space<vmem>> -> memref<128xi32, #tpu.memory_space<vmem>>
        %dma_wait3A_538 = arith.constant 0 : i32
        %dma_wait3A_539 = arith.constant 0 : i32
        %dma_wait3A_540 = tpu.memref_slice %arg11[%dma_wait3A_538, %dma_wait3A_539] : memref<10240x128xf32, #tpu.memory_space<vmem_shared>> -> memref<10240x128xf32, #tpu.memory_space<vmem_shared>>
        tpu.wait_indirect_dma semaphore(%arg15 : memref<!tpu.dma_semaphore, #tpu.memory_space<semaphore_mem>>) src(%arg10 : memref<128x128xf32, #tpu.memory_space<vmem>>) dst(%dma_wait3A_540 : memref<10240x128xf32, #tpu.memory_space<vmem_shared>>)
      } else {
      }
      %dma_start3A_369 = arith.constant 3 : i32
      %dma_start3A_370 = arith.constant 0 : i32
      %dma_start3A_371 = tpu.memref_slice %arg8[%dma_start3A_369, %dma_start3A_370] : memref<8x128xi32, #tpu.memory_space<vmem>> -> memref<1x128xi32, #tpu.memory_space<vmem>>
      %dma_start3A_372 = tpu.memref_squeeze %dma_start3A_371 : memref<1x128xi32, #tpu.memory_space<vmem>> -> memref<128xi32, #tpu.memory_space<vmem>>
      %dma_start3A_373 = arith.constant 0 : i32
      %dma_start3A_374 = arith.constant 0 : i32
      %dma_start3A_375 = tpu.memref_slice %arg2[%dma_start3A_373, %dma_start3A_374] : memref<10000x128xf32, #tpu.memory_space<hbm>> -> memref<10000x128xf32, #tpu.memory_space<hbm>>
      tpu.enqueue_indirect_dma source(%dma_start3A_375 : memref<10000x128xf32, #tpu.memory_space<hbm>>) target(%arg10 : memref<128x128xf32, #tpu.memory_space<vmem>>) offsets(%dma_start3A_372 : memref<128xi32, #tpu.memory_space<vmem>>) semaphore(%arg13 : memref<!tpu.dma_semaphore, #tpu.memory_space<semaphore_mem>>)
      %dma_wait3A_376 = arith.constant 2 : i32
      %dma_wait3A_377 = arith.constant 0 : i32
      %dma_wait3A_378 = tpu.memref_slice %arg8[%dma_wait3A_376, %dma_wait3A_377] : memref<8x128xi32, #tpu.memory_space<vmem>> -> memref<1x128xi32, #tpu.memory_space<vmem>>
      %dma_wait3A_379 = tpu.memref_squeeze %dma_wait3A_378 : memref<1x128xi32, #tpu.memory_space<vmem>> -> memref<128xi32, #tpu.memory_space<vmem>>
      %dma_wait3A_380 = arith.constant 0 : i32
      %dma_wait3A_381 = arith.constant 0 : i32
      %dma_wait3A_382 = tpu.memref_slice %arg2[%dma_wait3A_380, %dma_wait3A_381] : memref<10000x128xf32, #tpu.memory_space<hbm>> -> memref<10000x128xf32, #tpu.memory_space<hbm>>
      tpu.wait_indirect_dma semaphore(%arg12 : memref<!tpu.dma_semaphore, #tpu.memory_space<semaphore_mem>>) src(%dma_wait3A_382 : memref<10000x128xf32, #tpu.memory_space<hbm>>) dst(%arg9 : memref<128x128xf32, #tpu.memory_space<vmem>>)
      %dma_start3A_383 = arith.constant 0 : i32
      %dma_start3A_384 = tpu.memref_slice %arg6[%add3A_363, %dma_start3A_383] : memref<80x128xi32, #tpu.memory_space<vmem>> -> memref<1x128xi32, #tpu.memory_space<vmem>>
      %dma_start3A_385 = tpu.memref_squeeze %dma_start3A_384 : memref<1x128xi32, #tpu.memory_space<vmem>> -> memref<128xi32, #tpu.memory_space<vmem>>
      %dma_start3A_386 = arith.constant 0 : i32
      %dma_start3A_387 = arith.constant 0 : i32
      %dma_start3A_388 = tpu.memref_slice %arg11[%dma_start3A_386, %dma_start3A_387] : memref<10240x128xf32, #tpu.memory_space<vmem_shared>> -> memref<10240x128xf32, #tpu.memory_space<vmem_shared>>
      tpu.enqueue_indirect_dma source(%arg9 : memref<128x128xf32, #tpu.memory_space<vmem>>) target(%dma_start3A_388 : memref<10240x128xf32, #tpu.memory_space<vmem_shared>>) offsets(%dma_start3A_385 : memref<128xi32, #tpu.memory_space<vmem>>) semaphore(%arg14 : memref<!tpu.dma_semaphore, #tpu.memory_space<semaphore_mem>>) {add = true}
      %mul3A_389 = arith.constant 8 : i32
      %mul3A_390 = arith.muli %add3A_291, %mul3A_389 : i32
      %add3A_391 = arith.constant 3 : i32
      %add3A_392 = arith.addi %mul3A_390, %add3A_391 : i32
      %ge3A_393 = arith.constant 1 : i32
      %ge3A_394 = arith.cmpi sge, %add3A_392, %ge3A_393 : i32
      %convert_element_type3A_395 = arith.extui %ge3A_394 : i1 to i32
      %cond3A_396 = arith.constant 0 : i32
      %cond3A_397 = arith.cmpi ne, %convert_element_type3A_395, %cond3A_396 : i32
      scf.if %cond3A_397 {
        %sub3A = arith.constant 1 : i32
        %sub3A_534 = arith.subi %add3A_392, %sub3A : i32
        %dma_wait3A_535 = arith.constant 0 : i32
        %dma_wait3A_536 = tpu.memref_slice %arg6[%sub3A_534, %dma_wait3A_535] : memref<80x128xi32, #tpu.memory_space<vmem>> -> memref<1x128xi32, #tpu.memory_space<vmem>>
        %dma_wait3A_537 = tpu.memref_squeeze %dma_wait3A_536 : memref<1x128xi32, #tpu.memory_space<vmem>> -> memref<128xi32, #tpu.memory_space<vmem>>
        %dma_wait3A_538 = arith.constant 0 : i32
        %dma_wait3A_539 = arith.constant 0 : i32
        %dma_wait3A_540 = tpu.memref_slice %arg11[%dma_wait3A_538, %dma_wait3A_539] : memref<10240x128xf32, #tpu.memory_space<vmem_shared>> -> memref<10240x128xf32, #tpu.memory_space<vmem_shared>>
        tpu.wait_indirect_dma semaphore(%arg14 : memref<!tpu.dma_semaphore, #tpu.memory_space<semaphore_mem>>) src(%arg9 : memref<128x128xf32, #tpu.memory_space<vmem>>) dst(%dma_wait3A_540 : memref<10240x128xf32, #tpu.memory_space<vmem_shared>>)
      } else {
      }
      %dma_start3A_398 = arith.constant 4 : i32
      %dma_start3A_399 = arith.constant 0 : i32
      %dma_start3A_400 = tpu.memref_slice %arg8[%dma_start3A_398, %dma_start3A_399] : memref<8x128xi32, #tpu.memory_space<vmem>> -> memref<1x128xi32, #tpu.memory_space<vmem>>
      %dma_start3A_401 = tpu.memref_squeeze %dma_start3A_400 : memref<1x128xi32, #tpu.memory_space<vmem>> -> memref<128xi32, #tpu.memory_space<vmem>>
      %dma_start3A_402 = arith.constant 0 : i32
      %dma_start3A_403 = arith.constant 0 : i32
      %dma_start3A_404 = tpu.memref_slice %arg2[%dma_start3A_402, %dma_start3A_403] : memref<10000x128xf32, #tpu.memory_space<hbm>> -> memref<10000x128xf32, #tpu.memory_space<hbm>>
      tpu.enqueue_indirect_dma source(%dma_start3A_404 : memref<10000x128xf32, #tpu.memory_space<hbm>>) target(%arg9 : memref<128x128xf32, #tpu.memory_space<vmem>>) offsets(%dma_start3A_401 : memref<128xi32, #tpu.memory_space<vmem>>) semaphore(%arg12 : memref<!tpu.dma_semaphore, #tpu.memory_space<semaphore_mem>>)
      %dma_wait3A_405 = arith.constant 3 : i32
      %dma_wait3A_406 = arith.constant 0 : i32
      %dma_wait3A_407 = tpu.memref_slice %arg8[%dma_wait3A_405, %dma_wait3A_406] : memref<8x128xi32, #tpu.memory_space<vmem>> -> memref<1x128xi32, #tpu.memory_space<vmem>>
      %dma_wait3A_408 = tpu.memref_squeeze %dma_wait3A_407 : memref<1x128xi32, #tpu.memory_space<vmem>> -> memref<128xi32, #tpu.memory_space<vmem>>
      %dma_wait3A_409 = arith.constant 0 : i32
      %dma_wait3A_410 = arith.constant 0 : i32
      %dma_wait3A_411 = tpu.memref_slice %arg2[%dma_wait3A_409, %dma_wait3A_410] : memref<10000x128xf32, #tpu.memory_space<hbm>> -> memref<10000x128xf32, #tpu.memory_space<hbm>>
      tpu.wait_indirect_dma semaphore(%arg13 : memref<!tpu.dma_semaphore, #tpu.memory_space<semaphore_mem>>) src(%dma_wait3A_411 : memref<10000x128xf32, #tpu.memory_space<hbm>>) dst(%arg10 : memref<128x128xf32, #tpu.memory_space<vmem>>)
      %dma_start3A_412 = arith.constant 0 : i32
      %dma_start3A_413 = tpu.memref_slice %arg6[%add3A_392, %dma_start3A_412] : memref<80x128xi32, #tpu.memory_space<vmem>> -> memref<1x128xi32, #tpu.memory_space<vmem>>
      %dma_start3A_414 = tpu.memref_squeeze %dma_start3A_413 : memref<1x128xi32, #tpu.memory_space<vmem>> -> memref<128xi32, #tpu.memory_space<vmem>>
      %dma_start3A_415 = arith.constant 0 : i32
      %dma_start3A_416 = arith.constant 0 : i32
      %dma_start3A_417 = tpu.memref_slice %arg11[%dma_start3A_415, %dma_start3A_416] : memref<10240x128xf32, #tpu.memory_space<vmem_shared>> -> memref<10240x128xf32, #tpu.memory_space<vmem_shared>>
      tpu.enqueue_indirect_dma source(%arg10 : memref<128x128xf32, #tpu.memory_space<vmem>>) target(%dma_start3A_417 : memref<10240x128xf32, #tpu.memory_space<vmem_shared>>) offsets(%dma_start3A_414 : memref<128xi32, #tpu.memory_space<vmem>>) semaphore(%arg15 : memref<!tpu.dma_semaphore, #tpu.memory_space<semaphore_mem>>) {add = true}
      %mul3A_418 = arith.constant 8 : i32
      %mul3A_419 = arith.muli %add3A_291, %mul3A_418 : i32
      %add3A_420 = arith.constant 4 : i32
      %add3A_421 = arith.addi %mul3A_419, %add3A_420 : i32
      %ge3A_422 = arith.constant 1 : i32
      %ge3A_423 = arith.cmpi sge, %add3A_421, %ge3A_422 : i32
      %convert_element_type3A_424 = arith.extui %ge3A_423 : i1 to i32
      %cond3A_425 = arith.constant 0 : i32
      %cond3A_426 = arith.cmpi ne, %convert_element_type3A_424, %cond3A_425 : i32
      scf.if %cond3A_426 {
        %sub3A = arith.constant 1 : i32
        %sub3A_534 = arith.subi %add3A_421, %sub3A : i32
        %dma_wait3A_535 = arith.constant 0 : i32
        %dma_wait3A_536 = tpu.memref_slice %arg6[%sub3A_534, %dma_wait3A_535] : memref<80x128xi32, #tpu.memory_space<vmem>> -> memref<1x128xi32, #tpu.memory_space<vmem>>
        %dma_wait3A_537 = tpu.memref_squeeze %dma_wait3A_536 : memref<1x128xi32, #tpu.memory_space<vmem>> -> memref<128xi32, #tpu.memory_space<vmem>>
        %dma_wait3A_538 = arith.constant 0 : i32
        %dma_wait3A_539 = arith.constant 0 : i32
        %dma_wait3A_540 = tpu.memref_slice %arg11[%dma_wait3A_538, %dma_wait3A_539] : memref<10240x128xf32, #tpu.memory_space<vmem_shared>> -> memref<10240x128xf32, #tpu.memory_space<vmem_shared>>
        tpu.wait_indirect_dma semaphore(%arg15 : memref<!tpu.dma_semaphore, #tpu.memory_space<semaphore_mem>>) src(%arg10 : memref<128x128xf32, #tpu.memory_space<vmem>>) dst(%dma_wait3A_540 : memref<10240x128xf32, #tpu.memory_space<vmem_shared>>)
      } else {
      }
      %dma_start3A_427 = arith.constant 5 : i32
      %dma_start3A_428 = arith.constant 0 : i32
      %dma_start3A_429 = tpu.memref_slice %arg8[%dma_start3A_427, %dma_start3A_428] : memref<8x128xi32, #tpu.memory_space<vmem>> -> memref<1x128xi32, #tpu.memory_space<vmem>>
      %dma_start3A_430 = tpu.memref_squeeze %dma_start3A_429 : memref<1x128xi32, #tpu.memory_space<vmem>> -> memref<128xi32, #tpu.memory_space<vmem>>
      %dma_start3A_431 = arith.constant 0 : i32
      %dma_start3A_432 = arith.constant 0 : i32
      %dma_start3A_433 = tpu.memref_slice %arg2[%dma_start3A_431, %dma_start3A_432] : memref<10000x128xf32, #tpu.memory_space<hbm>> -> memref<10000x128xf32, #tpu.memory_space<hbm>>
      tpu.enqueue_indirect_dma source(%dma_start3A_433 : memref<10000x128xf32, #tpu.memory_space<hbm>>) target(%arg10 : memref<128x128xf32, #tpu.memory_space<vmem>>) offsets(%dma_start3A_430 : memref<128xi32, #tpu.memory_space<vmem>>) semaphore(%arg13 : memref<!tpu.dma_semaphore, #tpu.memory_space<semaphore_mem>>)
      %dma_wait3A_434 = arith.constant 4 : i32
      %dma_wait3A_435 = arith.constant 0 : i32
      %dma_wait3A_436 = tpu.memref_slice %arg8[%dma_wait3A_434, %dma_wait3A_435] : memref<8x128xi32, #tpu.memory_space<vmem>> -> memref<1x128xi32, #tpu.memory_space<vmem>>
      %dma_wait3A_437 = tpu.memref_squeeze %dma_wait3A_436 : memref<1x128xi32, #tpu.memory_space<vmem>> -> memref<128xi32, #tpu.memory_space<vmem>>
      %dma_wait3A_438 = arith.constant 0 : i32
      %dma_wait3A_439 = arith.constant 0 : i32
      %dma_wait3A_440 = tpu.memref_slice %arg2[%dma_wait3A_438, %dma_wait3A_439] : memref<10000x128xf32, #tpu.memory_space<hbm>> -> memref<10000x128xf32, #tpu.memory_space<hbm>>
      tpu.wait_indirect_dma semaphore(%arg12 : memref<!tpu.dma_semaphore, #tpu.memory_space<semaphore_mem>>) src(%dma_wait3A_440 : memref<10000x128xf32, #tpu.memory_space<hbm>>) dst(%arg9 : memref<128x128xf32, #tpu.memory_space<vmem>>)
      %dma_start3A_441 = arith.constant 0 : i32
      %dma_start3A_442 = tpu.memref_slice %arg6[%add3A_421, %dma_start3A_441] : memref<80x128xi32, #tpu.memory_space<vmem>> -> memref<1x128xi32, #tpu.memory_space<vmem>>
      %dma_start3A_443 = tpu.memref_squeeze %dma_start3A_442 : memref<1x128xi32, #tpu.memory_space<vmem>> -> memref<128xi32, #tpu.memory_space<vmem>>
      %dma_start3A_444 = arith.constant 0 : i32
      %dma_start3A_445 = arith.constant 0 : i32
      %dma_start3A_446 = tpu.memref_slice %arg11[%dma_start3A_444, %dma_start3A_445] : memref<10240x128xf32, #tpu.memory_space<vmem_shared>> -> memref<10240x128xf32, #tpu.memory_space<vmem_shared>>
      tpu.enqueue_indirect_dma source(%arg9 : memref<128x128xf32, #tpu.memory_space<vmem>>) target(%dma_start3A_446 : memref<10240x128xf32, #tpu.memory_space<vmem_shared>>) offsets(%dma_start3A_443 : memref<128xi32, #tpu.memory_space<vmem>>) semaphore(%arg14 : memref<!tpu.dma_semaphore, #tpu.memory_space<semaphore_mem>>) {add = true}
      %mul3A_447 = arith.constant 8 : i32
      %mul3A_448 = arith.muli %add3A_291, %mul3A_447 : i32
      %add3A_449 = arith.constant 5 : i32
      %add3A_450 = arith.addi %mul3A_448, %add3A_449 : i32
      %ge3A_451 = arith.constant 1 : i32
      %ge3A_452 = arith.cmpi sge, %add3A_450, %ge3A_451 : i32
      %convert_element_type3A_453 = arith.extui %ge3A_452 : i1 to i32
      %cond3A_454 = arith.constant 0 : i32
      %cond3A_455 = arith.cmpi ne, %convert_element_type3A_453, %cond3A_454 : i32
      scf.if %cond3A_455 {
        %sub3A = arith.constant 1 : i32
        %sub3A_534 = arith.subi %add3A_450, %sub3A : i32
        %dma_wait3A_535 = arith.constant 0 : i32
        %dma_wait3A_536 = tpu.memref_slice %arg6[%sub3A_534, %dma_wait3A_535] : memref<80x128xi32, #tpu.memory_space<vmem>> -> memref<1x128xi32, #tpu.memory_space<vmem>>
        %dma_wait3A_537 = tpu.memref_squeeze %dma_wait3A_536 : memref<1x128xi32, #tpu.memory_space<vmem>> -> memref<128xi32, #tpu.memory_space<vmem>>
        %dma_wait3A_538 = arith.constant 0 : i32
        %dma_wait3A_539 = arith.constant 0 : i32
        %dma_wait3A_540 = tpu.memref_slice %arg11[%dma_wait3A_538, %dma_wait3A_539] : memref<10240x128xf32, #tpu.memory_space<vmem_shared>> -> memref<10240x128xf32, #tpu.memory_space<vmem_shared>>
        tpu.wait_indirect_dma semaphore(%arg14 : memref<!tpu.dma_semaphore, #tpu.memory_space<semaphore_mem>>) src(%arg9 : memref<128x128xf32, #tpu.memory_space<vmem>>) dst(%dma_wait3A_540 : memref<10240x128xf32, #tpu.memory_space<vmem_shared>>)
      } else {
      }
      %dma_start3A_456 = arith.constant 6 : i32
      %dma_start3A_457 = arith.constant 0 : i32
      %dma_start3A_458 = tpu.memref_slice %arg8[%dma_start3A_456, %dma_start3A_457] : memref<8x128xi32, #tpu.memory_space<vmem>> -> memref<1x128xi32, #tpu.memory_space<vmem>>
      %dma_start3A_459 = tpu.memref_squeeze %dma_start3A_458 : memref<1x128xi32, #tpu.memory_space<vmem>> -> memref<128xi32, #tpu.memory_space<vmem>>
      %dma_start3A_460 = arith.constant 0 : i32
      %dma_start3A_461 = arith.constant 0 : i32
      %dma_start3A_462 = tpu.memref_slice %arg2[%dma_start3A_460, %dma_start3A_461] : memref<10000x128xf32, #tpu.memory_space<hbm>> -> memref<10000x128xf32, #tpu.memory_space<hbm>>
      tpu.enqueue_indirect_dma source(%dma_start3A_462 : memref<10000x128xf32, #tpu.memory_space<hbm>>) target(%arg9 : memref<128x128xf32, #tpu.memory_space<vmem>>) offsets(%dma_start3A_459 : memref<128xi32, #tpu.memory_space<vmem>>) semaphore(%arg12 : memref<!tpu.dma_semaphore, #tpu.memory_space<semaphore_mem>>)
      %dma_wait3A_463 = arith.constant 5 : i32
      %dma_wait3A_464 = arith.constant 0 : i32
      %dma_wait3A_465 = tpu.memref_slice %arg8[%dma_wait3A_463, %dma_wait3A_464] : memref<8x128xi32, #tpu.memory_space<vmem>> -> memref<1x128xi32, #tpu.memory_space<vmem>>
      %dma_wait3A_466 = tpu.memref_squeeze %dma_wait3A_465 : memref<1x128xi32, #tpu.memory_space<vmem>> -> memref<128xi32, #tpu.memory_space<vmem>>
      %dma_wait3A_467 = arith.constant 0 : i32
      %dma_wait3A_468 = arith.constant 0 : i32
      %dma_wait3A_469 = tpu.memref_slice %arg2[%dma_wait3A_467, %dma_wait3A_468] : memref<10000x128xf32, #tpu.memory_space<hbm>> -> memref<10000x128xf32, #tpu.memory_space<hbm>>
      tpu.wait_indirect_dma semaphore(%arg13 : memref<!tpu.dma_semaphore, #tpu.memory_space<semaphore_mem>>) src(%dma_wait3A_469 : memref<10000x128xf32, #tpu.memory_space<hbm>>) dst(%arg10 : memref<128x128xf32, #tpu.memory_space<vmem>>)
      %dma_start3A_470 = arith.constant 0 : i32
      %dma_start3A_471 = tpu.memref_slice %arg6[%add3A_450, %dma_start3A_470] : memref<80x128xi32, #tpu.memory_space<vmem>> -> memref<1x128xi32, #tpu.memory_space<vmem>>
      %dma_start3A_472 = tpu.memref_squeeze %dma_start3A_471 : memref<1x128xi32, #tpu.memory_space<vmem>> -> memref<128xi32, #tpu.memory_space<vmem>>
      %dma_start3A_473 = arith.constant 0 : i32
      %dma_start3A_474 = arith.constant 0 : i32
      %dma_start3A_475 = tpu.memref_slice %arg11[%dma_start3A_473, %dma_start3A_474] : memref<10240x128xf32, #tpu.memory_space<vmem_shared>> -> memref<10240x128xf32, #tpu.memory_space<vmem_shared>>
      tpu.enqueue_indirect_dma source(%arg10 : memref<128x128xf32, #tpu.memory_space<vmem>>) target(%dma_start3A_475 : memref<10240x128xf32, #tpu.memory_space<vmem_shared>>) offsets(%dma_start3A_472 : memref<128xi32, #tpu.memory_space<vmem>>) semaphore(%arg15 : memref<!tpu.dma_semaphore, #tpu.memory_space<semaphore_mem>>) {add = true}
      %mul3A_476 = arith.constant 8 : i32
      %mul3A_477 = arith.muli %add3A_291, %mul3A_476 : i32
      %add3A_478 = arith.constant 6 : i32
      %add3A_479 = arith.addi %mul3A_477, %add3A_478 : i32
      %ge3A_480 = arith.constant 1 : i32
      %ge3A_481 = arith.cmpi sge, %add3A_479, %ge3A_480 : i32
      %convert_element_type3A_482 = arith.extui %ge3A_481 : i1 to i32
      %cond3A_483 = arith.constant 0 : i32
      %cond3A_484 = arith.cmpi ne, %convert_element_type3A_482, %cond3A_483 : i32
      scf.if %cond3A_484 {
        %sub3A = arith.constant 1 : i32
        %sub3A_534 = arith.subi %add3A_479, %sub3A : i32
        %dma_wait3A_535 = arith.constant 0 : i32
        %dma_wait3A_536 = tpu.memref_slice %arg6[%sub3A_534, %dma_wait3A_535] : memref<80x128xi32, #tpu.memory_space<vmem>> -> memref<1x128xi32, #tpu.memory_space<vmem>>
        %dma_wait3A_537 = tpu.memref_squeeze %dma_wait3A_536 : memref<1x128xi32, #tpu.memory_space<vmem>> -> memref<128xi32, #tpu.memory_space<vmem>>
        %dma_wait3A_538 = arith.constant 0 : i32
        %dma_wait3A_539 = arith.constant 0 : i32
        %dma_wait3A_540 = tpu.memref_slice %arg11[%dma_wait3A_538, %dma_wait3A_539] : memref<10240x128xf32, #tpu.memory_space<vmem_shared>> -> memref<10240x128xf32, #tpu.memory_space<vmem_shared>>
        tpu.wait_indirect_dma semaphore(%arg15 : memref<!tpu.dma_semaphore, #tpu.memory_space<semaphore_mem>>) src(%arg10 : memref<128x128xf32, #tpu.memory_space<vmem>>) dst(%dma_wait3A_540 : memref<10240x128xf32, #tpu.memory_space<vmem_shared>>)
      } else {
      }
      %dma_start3A_485 = arith.constant 7 : i32
      %dma_start3A_486 = arith.constant 0 : i32
      %dma_start3A_487 = tpu.memref_slice %arg8[%dma_start3A_485, %dma_start3A_486] : memref<8x128xi32, #tpu.memory_space<vmem>> -> memref<1x128xi32, #tpu.memory_space<vmem>>
      %dma_start3A_488 = tpu.memref_squeeze %dma_start3A_487 : memref<1x128xi32, #tpu.memory_space<vmem>> -> memref<128xi32, #tpu.memory_space<vmem>>
      %dma_start3A_489 = arith.constant 0 : i32
      %dma_start3A_490 = arith.constant 0 : i32
      %dma_start3A_491 = tpu.memref_slice %arg2[%dma_start3A_489, %dma_start3A_490] : memref<10000x128xf32, #tpu.memory_space<hbm>> -> memref<10000x128xf32, #tpu.memory_space<hbm>>
      tpu.enqueue_indirect_dma source(%dma_start3A_491 : memref<10000x128xf32, #tpu.memory_space<hbm>>) target(%arg10 : memref<128x128xf32, #tpu.memory_space<vmem>>) offsets(%dma_start3A_488 : memref<128xi32, #tpu.memory_space<vmem>>) semaphore(%arg13 : memref<!tpu.dma_semaphore, #tpu.memory_space<semaphore_mem>>)
      %dma_wait3A_492 = arith.constant 6 : i32
      %dma_wait3A_493 = arith.constant 0 : i32
      %dma_wait3A_494 = tpu.memref_slice %arg8[%dma_wait3A_492, %dma_wait3A_493] : memref<8x128xi32, #tpu.memory_space<vmem>> -> memref<1x128xi32, #tpu.memory_space<vmem>>
      %dma_wait3A_495 = tpu.memref_squeeze %dma_wait3A_494 : memref<1x128xi32, #tpu.memory_space<vmem>> -> memref<128xi32, #tpu.memory_space<vmem>>
      %dma_wait3A_496 = arith.constant 0 : i32
      %dma_wait3A_497 = arith.constant 0 : i32
      %dma_wait3A_498 = tpu.memref_slice %arg2[%dma_wait3A_496, %dma_wait3A_497] : memref<10000x128xf32, #tpu.memory_space<hbm>> -> memref<10000x128xf32, #tpu.memory_space<hbm>>
      tpu.wait_indirect_dma semaphore(%arg12 : memref<!tpu.dma_semaphore, #tpu.memory_space<semaphore_mem>>) src(%dma_wait3A_498 : memref<10000x128xf32, #tpu.memory_space<hbm>>) dst(%arg9 : memref<128x128xf32, #tpu.memory_space<vmem>>)
      %dma_start3A_499 = arith.constant 0 : i32
      %dma_start3A_500 = tpu.memref_slice %arg6[%add3A_479, %dma_start3A_499] : memref<80x128xi32, #tpu.memory_space<vmem>> -> memref<1x128xi32, #tpu.memory_space<vmem>>
      %dma_start3A_501 = tpu.memref_squeeze %dma_start3A_500 : memref<1x128xi32, #tpu.memory_space<vmem>> -> memref<128xi32, #tpu.memory_space<vmem>>
      %dma_start3A_502 = arith.constant 0 : i32
      %dma_start3A_503 = arith.constant 0 : i32
      %dma_start3A_504 = tpu.memref_slice %arg11[%dma_start3A_502, %dma_start3A_503] : memref<10240x128xf32, #tpu.memory_space<vmem_shared>> -> memref<10240x128xf32, #tpu.memory_space<vmem_shared>>
      tpu.enqueue_indirect_dma source(%arg9 : memref<128x128xf32, #tpu.memory_space<vmem>>) target(%dma_start3A_504 : memref<10240x128xf32, #tpu.memory_space<vmem_shared>>) offsets(%dma_start3A_501 : memref<128xi32, #tpu.memory_space<vmem>>) semaphore(%arg14 : memref<!tpu.dma_semaphore, #tpu.memory_space<semaphore_mem>>) {add = true}
      %mul3A_505 = arith.constant 8 : i32
      %mul3A_506 = arith.muli %add3A_291, %mul3A_505 : i32
      %add3A_507 = arith.constant 7 : i32
      %add3A_508 = arith.addi %mul3A_506, %add3A_507 : i32
      %ge3A_509 = arith.constant 1 : i32
      %ge3A_510 = arith.cmpi sge, %add3A_508, %ge3A_509 : i32
      %convert_element_type3A_511 = arith.extui %ge3A_510 : i1 to i32
      %cond3A_512 = arith.constant 0 : i32
      %cond3A_513 = arith.cmpi ne, %convert_element_type3A_511, %cond3A_512 : i32
      scf.if %cond3A_513 {
        %sub3A = arith.constant 1 : i32
        %sub3A_534 = arith.subi %add3A_508, %sub3A : i32
        %dma_wait3A_535 = arith.constant 0 : i32
        %dma_wait3A_536 = tpu.memref_slice %arg6[%sub3A_534, %dma_wait3A_535] : memref<80x128xi32, #tpu.memory_space<vmem>> -> memref<1x128xi32, #tpu.memory_space<vmem>>
        %dma_wait3A_537 = tpu.memref_squeeze %dma_wait3A_536 : memref<1x128xi32, #tpu.memory_space<vmem>> -> memref<128xi32, #tpu.memory_space<vmem>>
        %dma_wait3A_538 = arith.constant 0 : i32
        %dma_wait3A_539 = arith.constant 0 : i32
        %dma_wait3A_540 = tpu.memref_slice %arg11[%dma_wait3A_538, %dma_wait3A_539] : memref<10240x128xf32, #tpu.memory_space<vmem_shared>> -> memref<10240x128xf32, #tpu.memory_space<vmem_shared>>
        tpu.wait_indirect_dma semaphore(%arg14 : memref<!tpu.dma_semaphore, #tpu.memory_space<semaphore_mem>>) src(%arg9 : memref<128x128xf32, #tpu.memory_space<vmem>>) dst(%dma_wait3A_540 : memref<10240x128xf32, #tpu.memory_space<vmem_shared>>)
      } else {
      }
      %add3A_514 = arith.constant 1 : i32
      %add3A_515 = arith.addi %add3A_291, %add3A_514 : i32
      %lt3A_516 = arith.constant 10 : i32
      %lt3A_517 = arith.cmpi slt, %add3A_515, %lt3A_516 : i32
      %convert_element_type3A_518 = arith.extui %lt3A_517 : i1 to i32
      %cond3A_519 = arith.constant 0 : i32
      %cond3A_520 = arith.cmpi ne, %convert_element_type3A_518, %cond3A_519 : i32
      scf.if %cond3A_520 {
        %add3A_534 = arith.constant 1 : i32
        %add3A_535 = arith.addi %add3A_291, %add3A_534 : i32
        %mul3A_536 = arith.constant 8 : i32
        %mul3A_537 = arith.muli %add3A_535, %mul3A_536 : i32
        %dma_wait3A_538 = arith.constant 0 : i32
        %dma_wait3A_539 = tpu.memref_slice %arg3[%add3A, %mul3A_537, %dma_wait3A_538] : memref<32x80x128xi32, #tpu.memory_space<hbm>> -> memref<1x8x128xi32, #tpu.memory_space<hbm>>
        %dma_wait3A_540 = tpu.memref_squeeze %dma_wait3A_539 : memref<1x8x128xi32, #tpu.memory_space<hbm>> -> memref<8x128xi32, #tpu.memory_space<hbm>>
        %dma_wait3A_541 = arith.constant 0 : i32
        %dma_wait3A_542 = tpu.memref_slice %arg3[%add3A, %mul3A_537, %dma_wait3A_541] : memref<32x80x128xi32, #tpu.memory_space<hbm>> -> memref<1x8x128xi32, #tpu.memory_space<hbm>>
        %dma_wait3A_543 = tpu.memref_squeeze %dma_wait3A_542 : memref<1x8x128xi32, #tpu.memory_space<hbm>> -> memref<8x128xi32, #tpu.memory_space<hbm>>
        tpu.wait_dma2 semaphore(%arg16 : memref<!tpu.dma_semaphore, #tpu.memory_space<semaphore_mem>>) src(%dma_wait3A_543 : memref<8x128xi32, #tpu.memory_space<hbm>>) dst(%arg7 : memref<8x128xi32, #tpu.memory_space<vmem>>)
        %dma_start3A_544 = arith.constant 0 : i32
        %dma_start3A_545 = arith.constant 0 : i32
        %dma_start3A_546 = tpu.memref_slice %arg7[%dma_start3A_544, %dma_start3A_545] : memref<8x128xi32, #tpu.memory_space<vmem>> -> memref<1x128xi32, #tpu.memory_space<vmem>>
        %dma_start3A_547 = tpu.memref_squeeze %dma_start3A_546 : memref<1x128xi32, #tpu.memory_space<vmem>> -> memref<128xi32, #tpu.memory_space<vmem>>
        %dma_start3A_548 = arith.constant 0 : i32
        %dma_start3A_549 = arith.constant 0 : i32
        %dma_start3A_550 = tpu.memref_slice %arg2[%dma_start3A_548, %dma_start3A_549] : memref<10000x128xf32, #tpu.memory_space<hbm>> -> memref<10000x128xf32, #tpu.memory_space<hbm>>
        tpu.enqueue_indirect_dma source(%dma_start3A_550 : memref<10000x128xf32, #tpu.memory_space<hbm>>) target(%arg9 : memref<128x128xf32, #tpu.memory_space<vmem>>) offsets(%dma_start3A_547 : memref<128xi32, #tpu.memory_space<vmem>>) semaphore(%arg12 : memref<!tpu.dma_semaphore, #tpu.memory_space<semaphore_mem>>)
      } else {
      }
      %dma_wait3A_521 = arith.constant 7 : i32
      %dma_wait3A_522 = arith.constant 0 : i32
      %dma_wait3A_523 = tpu.memref_slice %arg8[%dma_wait3A_521, %dma_wait3A_522] : memref<8x128xi32, #tpu.memory_space<vmem>> -> memref<1x128xi32, #tpu.memory_space<vmem>>
      %dma_wait3A_524 = tpu.memref_squeeze %dma_wait3A_523 : memref<1x128xi32, #tpu.memory_space<vmem>> -> memref<128xi32, #tpu.memory_space<vmem>>
      %dma_wait3A_525 = arith.constant 0 : i32
      %dma_wait3A_526 = arith.constant 0 : i32
      %dma_wait3A_527 = tpu.memref_slice %arg2[%dma_wait3A_525, %dma_wait3A_526] : memref<10000x128xf32, #tpu.memory_space<hbm>> -> memref<10000x128xf32, #tpu.memory_space<hbm>>
      tpu.wait_indirect_dma semaphore(%arg13 : memref<!tpu.dma_semaphore, #tpu.memory_space<semaphore_mem>>) src(%dma_wait3A_527 : memref<10000x128xf32, #tpu.memory_space<hbm>>) dst(%arg10 : memref<128x128xf32, #tpu.memory_space<vmem>>)
      %dma_start3A_528 = arith.constant 0 : i32
      %dma_start3A_529 = tpu.memref_slice %arg6[%add3A_508, %dma_start3A_528] : memref<80x128xi32, #tpu.memory_space<vmem>> -> memref<1x128xi32, #tpu.memory_space<vmem>>
      %dma_start3A_530 = tpu.memref_squeeze %dma_start3A_529 : memref<1x128xi32, #tpu.memory_space<vmem>> -> memref<128xi32, #tpu.memory_space<vmem>>
      %dma_start3A_531 = arith.constant 0 : i32
      %dma_start3A_532 = arith.constant 0 : i32
      %dma_start3A_533 = tpu.memref_slice %arg11[%dma_start3A_531, %dma_start3A_532] : memref<10240x128xf32, #tpu.memory_space<vmem_shared>> -> memref<10240x128xf32, #tpu.memory_space<vmem_shared>>
      tpu.enqueue_indirect_dma source(%arg10 : memref<128x128xf32, #tpu.memory_space<vmem>>) target(%dma_start3A_533 : memref<10240x128xf32, #tpu.memory_space<vmem_shared>>) offsets(%dma_start3A_530 : memref<128xi32, #tpu.memory_space<vmem>>) semaphore(%arg15 : memref<!tpu.dma_semaphore, #tpu.memory_space<semaphore_mem>>) {add = true}
    }
    %scan3A_32 = arith.constant 5 : i32
    %dma_wait3A = arith.constant 79 : i32
    %dma_wait3A_33 = arith.constant 0 : i32
    %dma_wait3A_34 = tpu.memref_slice %arg6[%dma_wait3A, %dma_wait3A_33] : memref<80x128xi32, #tpu.memory_space<vmem>> -> memref<1x128xi32, #tpu.memory_space<vmem>>
    %dma_wait3A_35 = tpu.memref_squeeze %dma_wait3A_34 : memref<1x128xi32, #tpu.memory_space<vmem>> -> memref<128xi32, #tpu.memory_space<vmem>>
    %dma_wait3A_36 = arith.constant 0 : i32
    %dma_wait3A_37 = arith.constant 0 : i32
    %dma_wait3A_38 = tpu.memref_slice %arg11[%dma_wait3A_36, %dma_wait3A_37] : memref<10240x128xf32, #tpu.memory_space<vmem_shared>> -> memref<10240x128xf32, #tpu.memory_space<vmem_shared>>
    tpu.wait_indirect_dma semaphore(%arg15 : memref<!tpu.dma_semaphore, #tpu.memory_space<semaphore_mem>>) src(%arg10 : memref<128x128xf32, #tpu.memory_space<vmem>>) dst(%dma_wait3A_38 : memref<10240x128xf32, #tpu.memory_space<vmem_shared>>)
    %barrier3A_39 = arith.constant 0 : index
    tpu.barrier barrier_id(%barrier3A_39)
    %scan3A_40 = arith.constant 0 : i32
    %scan3A_41 = arith.constant 0 : i32
    %scan3A_42 = arith.constant 5 : i32
    %scan3A_43 = arith.addi %scan3A_41, %scan3A_42 : i32
    %scan3A_44 = arith.constant 1 : i32
    scf.for %scan3A_46 = %scan3A_41 to %scan3A_43 step %scan3A_44  : i32 {
      %mul3A_47 = arith.constant 640 : i32
      %mul3A_48 = arith.muli %arg1, %mul3A_47 : i32
      %mul3A_49 = arith.constant 128 : i32
      %mul3A_50 = arith.muli %scan3A_46, %mul3A_49 : i32
      %add3A_51 = arith.addi %mul3A_48, %mul3A_50 : i32
      "tpu.region"() ({
        %run_scoped3A = tpu.sem_alloc : memref<!tpu.dma_semaphore, #tpu.memory_space<semaphore_mem>>
        %dma_start3A_52 = arith.constant 0 : i32
        %dma_start3A_53 = tpu.memref_slice %arg11[%add3A_51, %dma_start3A_52] : memref<10240x128xf32, #tpu.memory_space<vmem_shared>> -> memref<128x128xf32, #tpu.memory_space<vmem_shared>>
        %dma_start3A_54 = arith.constant 0 : i32
        %dma_start3A_55 = tpu.memref_slice %arg11[%add3A_51, %dma_start3A_54] : memref<10240x128xf32, #tpu.memory_space<vmem_shared>> -> memref<128x128xf32, #tpu.memory_space<vmem_shared>>
        tpu.enqueue_dma source(%dma_start3A_55 : memref<128x128xf32, #tpu.memory_space<vmem_shared>>) target(%arg9 : memref<128x128xf32, #tpu.memory_space<vmem>>) target_semaphore(%run_scoped3A : memref<!tpu.dma_semaphore, #tpu.memory_space<semaphore_mem>>)
        %dma_wait3A_56 = arith.constant 0 : i32
        %dma_wait3A_57 = tpu.memref_slice %arg11[%add3A_51, %dma_wait3A_56] : memref<10240x128xf32, #tpu.memory_space<vmem_shared>> -> memref<128x128xf32, #tpu.memory_space<vmem_shared>>
        %dma_wait3A_58 = arith.constant 0 : i32
        %dma_wait3A_59 = tpu.memref_slice %arg11[%add3A_51, %dma_wait3A_58] : memref<10240x128xf32, #tpu.memory_space<vmem_shared>> -> memref<128x128xf32, #tpu.memory_space<vmem_shared>>
        tpu.wait_dma2 semaphore(%run_scoped3A : memref<!tpu.dma_semaphore, #tpu.memory_space<semaphore_mem>>) src(%dma_wait3A_59 : memref<128x128xf32, #tpu.memory_space<vmem_shared>>) dst(%arg9 : memref<128x128xf32, #tpu.memory_space<vmem>>)
        tpu.yield
      }) : () -> ()
      "tpu.region"() ({
        %run_scoped3A = tpu.sem_alloc : memref<!tpu.dma_semaphore, #tpu.memory_space<semaphore_mem>>
        %dma_start3A_52 = arith.constant 0 : i32
        %dma_start3A_53 = tpu.memref_slice %arg5[%arg0, %add3A_51, %dma_start3A_52] : memref<2x10240x128xf32, #tpu.memory_space<hbm>> -> memref<1x128x128xf32, #tpu.memory_space<hbm>>
        %dma_start3A_54 = tpu.memref_squeeze %dma_start3A_53 : memref<1x128x128xf32, #tpu.memory_space<hbm>> -> memref<128x128xf32, #tpu.memory_space<hbm>>
        %dma_start3A_55 = arith.constant 0 : i32
        %dma_start3A_56 = tpu.memref_slice %arg5[%arg0, %add3A_51, %dma_start3A_55] : memref<2x10240x128xf32, #tpu.memory_space<hbm>> -> memref<1x128x128xf32, #tpu.memory_space<hbm>>
        %dma_start3A_57 = tpu.memref_squeeze %dma_start3A_56 : memref<1x128x128xf32, #tpu.memory_space<hbm>> -> memref<128x128xf32, #tpu.memory_space<hbm>>
        tpu.enqueue_dma source(%arg9 : memref<128x128xf32, #tpu.memory_space<vmem>>) target(%dma_start3A_57 : memref<128x128xf32, #tpu.memory_space<hbm>>) target_semaphore(%run_scoped3A : memref<!tpu.dma_semaphore, #tpu.memory_space<semaphore_mem>>)
        %dma_wait3A_58 = arith.constant 0 : i32
        %dma_wait3A_59 = tpu.memref_slice %arg5[%arg0, %add3A_51, %dma_wait3A_58] : memref<2x10240x128xf32, #tpu.memory_space<hbm>> -> memref<1x128x128xf32, #tpu.memory_space<hbm>>
        %dma_wait3A_60 = tpu.memref_squeeze %dma_wait3A_59 : memref<1x128x128xf32, #tpu.memory_space<hbm>> -> memref<128x128xf32, #tpu.memory_space<hbm>>
        %dma_wait3A_61 = arith.constant 0 : i32
        %dma_wait3A_62 = tpu.memref_slice %arg5[%arg0, %add3A_51, %dma_wait3A_61] : memref<2x10240x128xf32, #tpu.memory_space<hbm>> -> memref<1x128x128xf32, #tpu.memory_space<hbm>>
        %dma_wait3A_63 = tpu.memref_squeeze %dma_wait3A_62 : memref<1x128x128xf32, #tpu.memory_space<hbm>> -> memref<128x128xf32, #tpu.memory_space<hbm>>
        tpu.wait_dma2 semaphore(%run_scoped3A : memref<!tpu.dma_semaphore, #tpu.memory_space<semaphore_mem>>) src(%arg9 : memref<128x128xf32, #tpu.memory_space<vmem>>) dst(%dma_wait3A_63 : memref<128x128xf32, #tpu.memory_space<hbm>>)
        tpu.yield
      }) : () -> ()
    }
    %scan3A_45 = arith.constant 5 : i32
    return
  }
}

#map = affine_map<(d0, d1) -> (0, 0)>
#map1 = affine_map<(d0, d1) -> (0, 0, 0)>
module attributes {stable_mosaic.version = 14 : i64} {
  func.func @gscat(%arg0: i32, %arg1: i32, %arg2: memref<10000x16xf32, #tpu.memory_space<hbm>>, %arg3: memref<32x80x128xi32, #tpu.memory_space<hbm>>, %arg4: memref<32x80x128xi32, #tpu.memory_space<hbm>>, %arg5: memref<2x10240x16xf32, #tpu.memory_space<hbm>>, %arg6: memref<80x128xi32, #tpu.memory_space<vmem>>, %arg7: memref<80x128xi32, #tpu.memory_space<vmem>>, %arg8: memref<128x16xf32, #tpu.memory_space<vmem>>, %arg9: memref<128x16xf32, #tpu.memory_space<vmem>>, %arg10: memref<128x16xf32, #tpu.memory_space<vmem>>, %arg11: memref<128x16xf32, #tpu.memory_space<vmem>>, %arg12: memref<128x16xf32, #tpu.memory_space<vmem>>, %arg13: memref<128x16xf32, #tpu.memory_space<vmem>>, %arg14: memref<128x16xf32, #tpu.memory_space<vmem>>, %arg15: memref<128x16xf32, #tpu.memory_space<vmem>>, %arg16: memref<10240x16xf32, #tpu.memory_space<vmem_shared>>, %arg17: memref<!tpu.dma_semaphore, #tpu.memory_space<semaphore_mem>>, %arg18: memref<!tpu.dma_semaphore, #tpu.memory_space<semaphore_mem>>, %arg19: memref<!tpu.dma_semaphore, #tpu.memory_space<semaphore_mem>>, %arg20: memref<!tpu.dma_semaphore, #tpu.memory_space<semaphore_mem>>, %arg21: memref<!tpu.dma_semaphore, #tpu.memory_space<semaphore_mem>>, %arg22: memref<!tpu.dma_semaphore, #tpu.memory_space<semaphore_mem>>, %arg23: memref<!tpu.dma_semaphore, #tpu.memory_space<semaphore_mem>>, %arg24: memref<!tpu.dma_semaphore, #tpu.memory_space<semaphore_mem>>, %arg25: memref<!tpu.dma_semaphore, #tpu.memory_space<semaphore_mem>>, %arg26: memref<!tpu.dma_semaphore, #tpu.memory_space<semaphore_mem>>, %arg27: memref<!tpu.dma_semaphore, #tpu.memory_space<semaphore_mem>>, %arg28: memref<!tpu.dma_semaphore, #tpu.memory_space<semaphore_mem>>, %arg29: memref<!tpu.dma_semaphore, #tpu.memory_space<semaphore_mem>>, %arg30: memref<!tpu.dma_semaphore, #tpu.memory_space<semaphore_mem>>, %arg31: memref<!tpu.dma_semaphore, #tpu.memory_space<semaphore_mem>>, %arg32: memref<!tpu.dma_semaphore, #tpu.memory_space<semaphore_mem>>) attributes {dimension_semantics = [#tpu.dimension_semantics<core_parallel>, #tpu.dimension_semantics<subcore_parallel>], iteration_bounds = array<i64: 2, 16>, scalar_prefetch = 0 : i64, scratch_operands = 27 : i64, tpu.core_type = #tpu.core_type<sc_vector_subcore>, window_params = [{transform_indices = #map}, {transform_indices = #map1}, {transform_indices = #map1}, {transform_indices = #map1}]} {
    %mul3A = arith.constant 2 : i32
    %mul3A_0 = arith.muli %arg1, %mul3A : i32
    %add3A = arith.addi %mul3A_0, %arg0 : i32
    %broadcast_in_dim3A = arith.constant 0.000000e+00 : f32
    %broadcast_in_dim3A_1 = vector.broadcast %broadcast_in_dim3A : f32 to vector<16xf32>
    %scan3A = arith.constant 0 : i32
    %scan3A_2 = arith.constant 0 : i32
    %scan3A_3 = arith.constant 128 : i32
    %scan3A_4 = arith.addi %scan3A_2, %scan3A_3 : i32
    %scan3A_5 = arith.constant 1 : i32
    scf.for %scan3A_122 = %scan3A_2 to %scan3A_4 step %scan3A_5  : i32 {
      %scan3A_123 = arith.constant 0 : i32
      %mul3A_124 = arith.constant 16 : i32
      %mul3A_125 = arith.muli %scan3A_123, %mul3A_124 : i32
      %swap3A = arith.index_cast %scan3A_122 : i32 to index
      %swap3A_126 = arith.index_cast %mul3A_125 : i32 to index
      %swap3A_127 = tpu.vector_load %arg8[%swap3A, %swap3A_126] {strides = array<i32>} : memref<128x16xf32, #tpu.memory_space<vmem>>, vector<1x16xf32>,
      %swap3A_128 = vector.shape_cast %swap3A_127 : vector<1x16xf32> to vector<16xf32>
      %swap3A_129 = vector.shape_cast %broadcast_in_dim3A_1 : vector<16xf32> to vector<1x16xf32>
      tpu.vector_store %arg8[%swap3A, %swap3A_126], %swap3A_129 {strides = array<i32>} : memref<128x16xf32, #tpu.memory_space<vmem>>, vector<1x16xf32>,
      %scan3A_130 = arith.constant 1 : i32
    }
    %scan3A_6 = arith.constant 128 : i32
    %scan3A_7 = arith.constant 0 : i32
    %scan3A_8 = arith.constant 0 : i32
    %scan3A_9 = arith.constant 5 : i32
    %scan3A_10 = arith.addi %scan3A_8, %scan3A_9 : i32
    %scan3A_11 = arith.constant 1 : i32
    scf.for %scan3A_122 = %scan3A_8 to %scan3A_10 step %scan3A_11  : i32 {
      %mul3A_123 = arith.constant 640 : i32
      %mul3A_124 = arith.muli %arg1, %mul3A_123 : i32
      %mul3A_125 = arith.constant 128 : i32
      %mul3A_126 = arith.muli %scan3A_122, %mul3A_125 : i32
      %add3A_127 = arith.addi %mul3A_124, %mul3A_126 : i32
      "tpu.region"() ({
        %run_scoped3A = tpu.sem_alloc : memref<!tpu.dma_semaphore, #tpu.memory_space<semaphore_mem>>
        %dma_start3A_128 = arith.constant 0 : i32
        %dma_start3A_129 = tpu.memref_slice %arg16[%add3A_127, %dma_start3A_128] : memref<10240x16xf32, #tpu.memory_space<vmem_shared>> -> memref<128x16xf32, #tpu.memory_space<vmem_shared>>
        %dma_start3A_130 = arith.constant 0 : i32
        %dma_start3A_131 = tpu.memref_slice %arg16[%add3A_127, %dma_start3A_130] : memref<10240x16xf32, #tpu.memory_space<vmem_shared>> -> memref<128x16xf32, #tpu.memory_space<vmem_shared>>
        tpu.enqueue_dma source(%arg8 : memref<128x16xf32, #tpu.memory_space<vmem>>) target(%dma_start3A_131 : memref<128x16xf32, #tpu.memory_space<vmem_shared>>) target_semaphore(%run_scoped3A : memref<!tpu.dma_semaphore, #tpu.memory_space<semaphore_mem>>)
        %dma_wait3A_132 = arith.constant 0 : i32
        %dma_wait3A_133 = tpu.memref_slice %arg16[%add3A_127, %dma_wait3A_132] : memref<10240x16xf32, #tpu.memory_space<vmem_shared>> -> memref<128x16xf32, #tpu.memory_space<vmem_shared>>
        %dma_wait3A_134 = arith.constant 0 : i32
        %dma_wait3A_135 = tpu.memref_slice %arg16[%add3A_127, %dma_wait3A_134] : memref<10240x16xf32, #tpu.memory_space<vmem_shared>> -> memref<128x16xf32, #tpu.memory_space<vmem_shared>>
        tpu.wait_dma2 semaphore(%run_scoped3A : memref<!tpu.dma_semaphore, #tpu.memory_space<semaphore_mem>>) src(%arg8 : memref<128x16xf32, #tpu.memory_space<vmem>>) dst(%dma_wait3A_135 : memref<128x16xf32, #tpu.memory_space<vmem_shared>>)
        tpu.yield
      }) : () -> ()
    }
    %scan3A_12 = arith.constant 5 : i32
    %barrier3A = arith.constant 0 : index
    tpu.barrier barrier_id(%barrier3A)
    "tpu.region"() ({
      %run_scoped3A = tpu.sem_alloc : memref<!tpu.dma_semaphore, #tpu.memory_space<semaphore_mem>>
      %dma_start3A_122 = arith.constant 0 : i32
      %dma_start3A_123 = arith.constant 0 : i32
      %dma_start3A_124 = tpu.memref_slice %arg3[%add3A, %dma_start3A_122, %dma_start3A_123] : memref<32x80x128xi32, #tpu.memory_space<hbm>> -> memref<1x80x128xi32, #tpu.memory_space<hbm>>
      %dma_start3A_125 = tpu.memref_squeeze %dma_start3A_124 : memref<1x80x128xi32, #tpu.memory_space<hbm>> -> memref<80x128xi32, #tpu.memory_space<hbm>>
      %dma_start3A_126 = arith.constant 0 : i32
      %dma_start3A_127 = arith.constant 0 : i32
      %dma_start3A_128 = tpu.memref_slice %arg3[%add3A, %dma_start3A_126, %dma_start3A_127] : memref<32x80x128xi32, #tpu.memory_space<hbm>> -> memref<1x80x128xi32, #tpu.memory_space<hbm>>
      %dma_start3A_129 = tpu.memref_squeeze %dma_start3A_128 : memref<1x80x128xi32, #tpu.memory_space<hbm>> -> memref<80x128xi32, #tpu.memory_space<hbm>>
      tpu.enqueue_dma source(%dma_start3A_129 : memref<80x128xi32, #tpu.memory_space<hbm>>) target(%arg6 : memref<80x128xi32, #tpu.memory_space<vmem>>) target_semaphore(%run_scoped3A : memref<!tpu.dma_semaphore, #tpu.memory_space<semaphore_mem>>)
      %dma_wait3A_130 = arith.constant 0 : i32
      %dma_wait3A_131 = arith.constant 0 : i32
      %dma_wait3A_132 = tpu.memref_slice %arg3[%add3A, %dma_wait3A_130, %dma_wait3A_131] : memref<32x80x128xi32, #tpu.memory_space<hbm>> -> memref<1x80x128xi32, #tpu.memory_space<hbm>>
      %dma_wait3A_133 = tpu.memref_squeeze %dma_wait3A_132 : memref<1x80x128xi32, #tpu.memory_space<hbm>> -> memref<80x128xi32, #tpu.memory_space<hbm>>
      %dma_wait3A_134 = arith.constant 0 : i32
      %dma_wait3A_135 = arith.constant 0 : i32
      %dma_wait3A_136 = tpu.memref_slice %arg3[%add3A, %dma_wait3A_134, %dma_wait3A_135] : memref<32x80x128xi32, #tpu.memory_space<hbm>> -> memref<1x80x128xi32, #tpu.memory_space<hbm>>
      %dma_wait3A_137 = tpu.memref_squeeze %dma_wait3A_136 : memref<1x80x128xi32, #tpu.memory_space<hbm>> -> memref<80x128xi32, #tpu.memory_space<hbm>>
      tpu.wait_dma2 semaphore(%run_scoped3A : memref<!tpu.dma_semaphore, #tpu.memory_space<semaphore_mem>>) src(%dma_wait3A_137 : memref<80x128xi32, #tpu.memory_space<hbm>>) dst(%arg6 : memref<80x128xi32, #tpu.memory_space<vmem>>)
      tpu.yield
    }) : () -> ()
    "tpu.region"() ({
      %run_scoped3A = tpu.sem_alloc : memref<!tpu.dma_semaphore, #tpu.memory_space<semaphore_mem>>
      %dma_start3A_122 = arith.constant 0 : i32
      %dma_start3A_123 = arith.constant 0 : i32
      %dma_start3A_124 = tpu.memref_slice %arg4[%add3A, %dma_start3A_122, %dma_start3A_123] : memref<32x80x128xi32, #tpu.memory_space<hbm>> -> memref<1x80x128xi32, #tpu.memory_space<hbm>>
      %dma_start3A_125 = tpu.memref_squeeze %dma_start3A_124 : memref<1x80x128xi32, #tpu.memory_space<hbm>> -> memref<80x128xi32, #tpu.memory_space<hbm>>
      %dma_start3A_126 = arith.constant 0 : i32
      %dma_start3A_127 = arith.constant 0 : i32
      %dma_start3A_128 = tpu.memref_slice %arg4[%add3A, %dma_start3A_126, %dma_start3A_127] : memref<32x80x128xi32, #tpu.memory_space<hbm>> -> memref<1x80x128xi32, #tpu.memory_space<hbm>>
      %dma_start3A_129 = tpu.memref_squeeze %dma_start3A_128 : memref<1x80x128xi32, #tpu.memory_space<hbm>> -> memref<80x128xi32, #tpu.memory_space<hbm>>
      tpu.enqueue_dma source(%dma_start3A_129 : memref<80x128xi32, #tpu.memory_space<hbm>>) target(%arg7 : memref<80x128xi32, #tpu.memory_space<vmem>>) target_semaphore(%run_scoped3A : memref<!tpu.dma_semaphore, #tpu.memory_space<semaphore_mem>>)
      %dma_wait3A_130 = arith.constant 0 : i32
      %dma_wait3A_131 = arith.constant 0 : i32
      %dma_wait3A_132 = tpu.memref_slice %arg4[%add3A, %dma_wait3A_130, %dma_wait3A_131] : memref<32x80x128xi32, #tpu.memory_space<hbm>> -> memref<1x80x128xi32, #tpu.memory_space<hbm>>
      %dma_wait3A_133 = tpu.memref_squeeze %dma_wait3A_132 : memref<1x80x128xi32, #tpu.memory_space<hbm>> -> memref<80x128xi32, #tpu.memory_space<hbm>>
      %dma_wait3A_134 = arith.constant 0 : i32
      %dma_wait3A_135 = arith.constant 0 : i32
      %dma_wait3A_136 = tpu.memref_slice %arg4[%add3A, %dma_wait3A_134, %dma_wait3A_135] : memref<32x80x128xi32, #tpu.memory_space<hbm>> -> memref<1x80x128xi32, #tpu.memory_space<hbm>>
      %dma_wait3A_137 = tpu.memref_squeeze %dma_wait3A_136 : memref<1x80x128xi32, #tpu.memory_space<hbm>> -> memref<80x128xi32, #tpu.memory_space<hbm>>
      tpu.wait_dma2 semaphore(%run_scoped3A : memref<!tpu.dma_semaphore, #tpu.memory_space<semaphore_mem>>) src(%dma_wait3A_137 : memref<80x128xi32, #tpu.memory_space<hbm>>) dst(%arg7 : memref<80x128xi32, #tpu.memory_space<vmem>>)
      tpu.yield
    }) : () -> ()
    %dma_start3A = arith.constant 0 : i32
    %dma_start3A_13 = arith.constant 0 : i32
    %dma_start3A_14 = tpu.memref_slice %arg6[%dma_start3A, %dma_start3A_13] : memref<80x128xi32, #tpu.memory_space<vmem>> -> memref<1x128xi32, #tpu.memory_space<vmem>>
    %dma_start3A_15 = tpu.memref_squeeze %dma_start3A_14 : memref<1x128xi32, #tpu.memory_space<vmem>> -> memref<128xi32, #tpu.memory_space<vmem>>
    %dma_start3A_16 = arith.constant 0 : i32
    %dma_start3A_17 = arith.constant 0 : i32
    %dma_start3A_18 = tpu.memref_slice %arg2[%dma_start3A_16, %dma_start3A_17] : memref<10000x16xf32, #tpu.memory_space<hbm>> -> memref<10000x16xf32, #tpu.memory_space<hbm>>
    tpu.enqueue_indirect_dma source(%dma_start3A_18 : memref<10000x16xf32, #tpu.memory_space<hbm>>) target(%arg8 : memref<128x16xf32, #tpu.memory_space<vmem>>) offsets(%dma_start3A_15 : memref<128xi32, #tpu.memory_space<vmem>>) semaphore(%arg17 : memref<!tpu.dma_semaphore, #tpu.memory_space<semaphore_mem>>)
    %dma_start3A_19 = arith.constant 1 : i32
    %dma_start3A_20 = arith.constant 0 : i32
    %dma_start3A_21 = tpu.memref_slice %arg6[%dma_start3A_19, %dma_start3A_20] : memref<80x128xi32, #tpu.memory_space<vmem>> -> memref<1x128xi32, #tpu.memory_space<vmem>>
    %dma_start3A_22 = tpu.memref_squeeze %dma_start3A_21 : memref<1x128xi32, #tpu.memory_space<vmem>> -> memref<128xi32, #tpu.memory_space<vmem>>
    %dma_start3A_23 = arith.constant 0 : i32
    %dma_start3A_24 = arith.constant 0 : i32
    %dma_start3A_25 = tpu.memref_slice %arg2[%dma_start3A_23, %dma_start3A_24] : memref<10000x16xf32, #tpu.memory_space<hbm>> -> memref<10000x16xf32, #tpu.memory_space<hbm>>
    tpu.enqueue_indirect_dma source(%dma_start3A_25 : memref<10000x16xf32, #tpu.memory_space<hbm>>) target(%arg9 : memref<128x16xf32, #tpu.memory_space<vmem>>) offsets(%dma_start3A_22 : memref<128xi32, #tpu.memory_space<vmem>>) semaphore(%arg18 : memref<!tpu.dma_semaphore, #tpu.memory_space<semaphore_mem>>)
    %dma_start3A_26 = arith.constant 2 : i32
    %dma_start3A_27 = arith.constant 0 : i32
    %dma_start3A_28 = tpu.memref_slice %arg6[%dma_start3A_26, %dma_start3A_27] : memref<80x128xi32, #tpu.memory_space<vmem>> -> memref<1x128xi32, #tpu.memory_space<vmem>>
    %dma_start3A_29 = tpu.memref_squeeze %dma_start3A_28 : memref<1x128xi32, #tpu.memory_space<vmem>> -> memref<128xi32, #tpu.memory_space<vmem>>
    %dma_start3A_30 = arith.constant 0 : i32
    %dma_start3A_31 = arith.constant 0 : i32
    %dma_start3A_32 = tpu.memref_slice %arg2[%dma_start3A_30, %dma_start3A_31] : memref<10000x16xf32, #tpu.memory_space<hbm>> -> memref<10000x16xf32, #tpu.memory_space<hbm>>
    tpu.enqueue_indirect_dma source(%dma_start3A_32 : memref<10000x16xf32, #tpu.memory_space<hbm>>) target(%arg10 : memref<128x16xf32, #tpu.memory_space<vmem>>) offsets(%dma_start3A_29 : memref<128xi32, #tpu.memory_space<vmem>>) semaphore(%arg19 : memref<!tpu.dma_semaphore, #tpu.memory_space<semaphore_mem>>)
    %dma_start3A_33 = arith.constant 3 : i32
    %dma_start3A_34 = arith.constant 0 : i32
    %dma_start3A_35 = tpu.memref_slice %arg6[%dma_start3A_33, %dma_start3A_34] : memref<80x128xi32, #tpu.memory_space<vmem>> -> memref<1x128xi32, #tpu.memory_space<vmem>>
    %dma_start3A_36 = tpu.memref_squeeze %dma_start3A_35 : memref<1x128xi32, #tpu.memory_space<vmem>> -> memref<128xi32, #tpu.memory_space<vmem>>
    %dma_start3A_37 = arith.constant 0 : i32
    %dma_start3A_38 = arith.constant 0 : i32
    %dma_start3A_39 = tpu.memref_slice %arg2[%dma_start3A_37, %dma_start3A_38] : memref<10000x16xf32, #tpu.memory_space<hbm>> -> memref<10000x16xf32, #tpu.memory_space<hbm>>
    tpu.enqueue_indirect_dma source(%dma_start3A_39 : memref<10000x16xf32, #tpu.memory_space<hbm>>) target(%arg11 : memref<128x16xf32, #tpu.memory_space<vmem>>) offsets(%dma_start3A_36 : memref<128xi32, #tpu.memory_space<vmem>>) semaphore(%arg20 : memref<!tpu.dma_semaphore, #tpu.memory_space<semaphore_mem>>)
    %dma_start3A_40 = arith.constant 4 : i32
    %dma_start3A_41 = arith.constant 0 : i32
    %dma_start3A_42 = tpu.memref_slice %arg6[%dma_start3A_40, %dma_start3A_41] : memref<80x128xi32, #tpu.memory_space<vmem>> -> memref<1x128xi32, #tpu.memory_space<vmem>>
    %dma_start3A_43 = tpu.memref_squeeze %dma_start3A_42 : memref<1x128xi32, #tpu.memory_space<vmem>> -> memref<128xi32, #tpu.memory_space<vmem>>
    %dma_start3A_44 = arith.constant 0 : i32
    %dma_start3A_45 = arith.constant 0 : i32
    %dma_start3A_46 = tpu.memref_slice %arg2[%dma_start3A_44, %dma_start3A_45] : memref<10000x16xf32, #tpu.memory_space<hbm>> -> memref<10000x16xf32, #tpu.memory_space<hbm>>
    tpu.enqueue_indirect_dma source(%dma_start3A_46 : memref<10000x16xf32, #tpu.memory_space<hbm>>) target(%arg12 : memref<128x16xf32, #tpu.memory_space<vmem>>) offsets(%dma_start3A_43 : memref<128xi32, #tpu.memory_space<vmem>>) semaphore(%arg21 : memref<!tpu.dma_semaphore, #tpu.memory_space<semaphore_mem>>)
    %dma_start3A_47 = arith.constant 5 : i32
    %dma_start3A_48 = arith.constant 0 : i32
    %dma_start3A_49 = tpu.memref_slice %arg6[%dma_start3A_47, %dma_start3A_48] : memref<80x128xi32, #tpu.memory_space<vmem>> -> memref<1x128xi32, #tpu.memory_space<vmem>>
    %dma_start3A_50 = tpu.memref_squeeze %dma_start3A_49 : memref<1x128xi32, #tpu.memory_space<vmem>> -> memref<128xi32, #tpu.memory_space<vmem>>
    %dma_start3A_51 = arith.constant 0 : i32
    %dma_start3A_52 = arith.constant 0 : i32
    %dma_start3A_53 = tpu.memref_slice %arg2[%dma_start3A_51, %dma_start3A_52] : memref<10000x16xf32, #tpu.memory_space<hbm>> -> memref<10000x16xf32, #tpu.memory_space<hbm>>
    tpu.enqueue_indirect_dma source(%dma_start3A_53 : memref<10000x16xf32, #tpu.memory_space<hbm>>) target(%arg13 : memref<128x16xf32, #tpu.memory_space<vmem>>) offsets(%dma_start3A_50 : memref<128xi32, #tpu.memory_space<vmem>>) semaphore(%arg22 : memref<!tpu.dma_semaphore, #tpu.memory_space<semaphore_mem>>)
    %scan3A_54 = arith.constant 0 : i32
    %scan3A_55 = arith.constant 0 : i32
    %scan3A_56 = arith.constant 10 : i32
    %scan3A_57 = arith.addi %scan3A_55, %scan3A_56 : i32
    %scan3A_58 = arith.constant 1 : i32
    scf.for %scan3A_122 = %scan3A_55 to %scan3A_57 step %scan3A_58  : i32 {
      %mul3A_123 = arith.constant 8 : i32
      %mul3A_124 = arith.muli %scan3A_122, %mul3A_123 : i32
      %add3A_125 = arith.constant 0 : i32
      %add3A_126 = arith.addi %mul3A_124, %add3A_125 : i32
      %add3A_127 = arith.constant 6 : i32
      %add3A_128 = arith.addi %add3A_126, %add3A_127 : i32
      %lt3A = arith.constant 80 : i32
      %lt3A_129 = arith.cmpi slt, %add3A_128, %lt3A : i32
      %convert_element_type3A = arith.extui %lt3A_129 : i1 to i32
      %cond3A = arith.constant 0 : i32
      %cond3A_130 = arith.cmpi ne, %convert_element_type3A, %cond3A : i32
      scf.if %cond3A_130 {
        %ge3A = arith.constant 8 : i32
        %ge3A_290 = arith.cmpi sge, %add3A_128, %ge3A : i32
        %convert_element_type3A_291 = arith.extui %ge3A_290 : i1 to i32
        %cond3A_292 = arith.constant 0 : i32
        %cond3A_293 = arith.cmpi ne, %convert_element_type3A_291, %cond3A_292 : i32
        scf.if %cond3A_293 {
          %sub3A = arith.constant 8 : i32
          %sub3A_300 = arith.subi %add3A_128, %sub3A : i32
          %dma_wait3A_301 = arith.constant 0 : i32
          %dma_wait3A_302 = tpu.memref_slice %arg7[%sub3A_300, %dma_wait3A_301] : memref<80x128xi32, #tpu.memory_space<vmem>> -> memref<1x128xi32, #tpu.memory_space<vmem>>
          %dma_wait3A_303 = tpu.memref_squeeze %dma_wait3A_302 : memref<1x128xi32, #tpu.memory_space<vmem>> -> memref<128xi32, #tpu.memory_space<vmem>>
          %dma_wait3A_304 = arith.constant 0 : i32
          %dma_wait3A_305 = arith.constant 0 : i32
          %dma_wait3A_306 = tpu.memref_slice %arg16[%dma_wait3A_304, %dma_wait3A_305] : memref<10240x16xf32, #tpu.memory_space<vmem_shared>> -> memref<10240x16xf32, #tpu.memory_space<vmem_shared>>
          tpu.wait_indirect_dma semaphore(%arg31 : memref<!tpu.dma_semaphore, #tpu.memory_space<semaphore_mem>>) src(%arg14 : memref<128x16xf32, #tpu.memory_space<vmem>>) dst(%dma_wait3A_306 : memref<10240x16xf32, #tpu.memory_space<vmem_shared>>)
        } else {
        }
        %dma_start3A_294 = arith.constant 0 : i32
        %dma_start3A_295 = tpu.memref_slice %arg6[%add3A_128, %dma_start3A_294] : memref<80x128xi32, #tpu.memory_space<vmem>> -> memref<1x128xi32, #tpu.memory_space<vmem>>
        %dma_start3A_296 = tpu.memref_squeeze %dma_start3A_295 : memref<1x128xi32, #tpu.memory_space<vmem>> -> memref<128xi32, #tpu.memory_space<vmem>>
        %dma_start3A_297 = arith.constant 0 : i32
        %dma_start3A_298 = arith.constant 0 : i32
        %dma_start3A_299 = tpu.memref_slice %arg2[%dma_start3A_297, %dma_start3A_298] : memref<10000x16xf32, #tpu.memory_space<hbm>> -> memref<10000x16xf32, #tpu.memory_space<hbm>>
        tpu.enqueue_indirect_dma source(%dma_start3A_299 : memref<10000x16xf32, #tpu.memory_space<hbm>>) target(%arg14 : memref<128x16xf32, #tpu.memory_space<vmem>>) offsets(%dma_start3A_296 : memref<128xi32, #tpu.memory_space<vmem>>) semaphore(%arg23 : memref<!tpu.dma_semaphore, #tpu.memory_space<semaphore_mem>>)
      } else {
      }
      %dma_wait3A_131 = arith.constant 0 : i32
      %dma_wait3A_132 = tpu.memref_slice %arg6[%add3A_126, %dma_wait3A_131] : memref<80x128xi32, #tpu.memory_space<vmem>> -> memref<1x128xi32, #tpu.memory_space<vmem>>
      %dma_wait3A_133 = tpu.memref_squeeze %dma_wait3A_132 : memref<1x128xi32, #tpu.memory_space<vmem>> -> memref<128xi32, #tpu.memory_space<vmem>>
      %dma_wait3A_134 = arith.constant 0 : i32
      %dma_wait3A_135 = arith.constant 0 : i32
      %dma_wait3A_136 = tpu.memref_slice %arg2[%dma_wait3A_134, %dma_wait3A_135] : memref<10000x16xf32, #tpu.memory_space<hbm>> -> memref<10000x16xf32, #tpu.memory_space<hbm>>
      tpu.wait_indirect_dma semaphore(%arg17 : memref<!tpu.dma_semaphore, #tpu.memory_space<semaphore_mem>>) src(%dma_wait3A_136 : memref<10000x16xf32, #tpu.memory_space<hbm>>) dst(%arg8 : memref<128x16xf32, #tpu.memory_space<vmem>>)
      %dma_start3A_137 = arith.constant 0 : i32
      %dma_start3A_138 = tpu.memref_slice %arg7[%add3A_126, %dma_start3A_137] : memref<80x128xi32, #tpu.memory_space<vmem>> -> memref<1x128xi32, #tpu.memory_space<vmem>>
      %dma_start3A_139 = tpu.memref_squeeze %dma_start3A_138 : memref<1x128xi32, #tpu.memory_space<vmem>> -> memref<128xi32, #tpu.memory_space<vmem>>
      %dma_start3A_140 = arith.constant 0 : i32
      %dma_start3A_141 = arith.constant 0 : i32
      %dma_start3A_142 = tpu.memref_slice %arg16[%dma_start3A_140, %dma_start3A_141] : memref<10240x16xf32, #tpu.memory_space<vmem_shared>> -> memref<10240x16xf32, #tpu.memory_space<vmem_shared>>
      tpu.enqueue_indirect_dma source(%arg8 : memref<128x16xf32, #tpu.memory_space<vmem>>) target(%dma_start3A_142 : memref<10240x16xf32, #tpu.memory_space<vmem_shared>>) offsets(%dma_start3A_139 : memref<128xi32, #tpu.memory_space<vmem>>) semaphore(%arg25 : memref<!tpu.dma_semaphore, #tpu.memory_space<semaphore_mem>>) {add = true}
      %add3A_143 = arith.constant 1 : i32
      %add3A_144 = arith.addi %mul3A_124, %add3A_143 : i32
      %add3A_145 = arith.constant 6 : i32
      %add3A_146 = arith.addi %add3A_144, %add3A_145 : i32
      %lt3A_147 = arith.constant 80 : i32
      %lt3A_148 = arith.cmpi slt, %add3A_146, %lt3A_147 : i32
      %convert_element_type3A_149 = arith.extui %lt3A_148 : i1 to i32
      %cond3A_150 = arith.constant 0 : i32
      %cond3A_151 = arith.cmpi ne, %convert_element_type3A_149, %cond3A_150 : i32
      scf.if %cond3A_151 {
        %ge3A = arith.constant 8 : i32
        %ge3A_290 = arith.cmpi sge, %add3A_146, %ge3A : i32
        %convert_element_type3A_291 = arith.extui %ge3A_290 : i1 to i32
        %cond3A_292 = arith.constant 0 : i32
        %cond3A_293 = arith.cmpi ne, %convert_element_type3A_291, %cond3A_292 : i32
        scf.if %cond3A_293 {
          %sub3A = arith.constant 8 : i32
          %sub3A_300 = arith.subi %add3A_146, %sub3A : i32
          %dma_wait3A_301 = arith.constant 0 : i32
          %dma_wait3A_302 = tpu.memref_slice %arg7[%sub3A_300, %dma_wait3A_301] : memref<80x128xi32, #tpu.memory_space<vmem>> -> memref<1x128xi32, #tpu.memory_space<vmem>>
          %dma_wait3A_303 = tpu.memref_squeeze %dma_wait3A_302 : memref<1x128xi32, #tpu.memory_space<vmem>> -> memref<128xi32, #tpu.memory_space<vmem>>
          %dma_wait3A_304 = arith.constant 0 : i32
          %dma_wait3A_305 = arith.constant 0 : i32
          %dma_wait3A_306 = tpu.memref_slice %arg16[%dma_wait3A_304, %dma_wait3A_305] : memref<10240x16xf32, #tpu.memory_space<vmem_shared>> -> memref<10240x16xf32, #tpu.memory_space<vmem_shared>>
          tpu.wait_indirect_dma semaphore(%arg32 : memref<!tpu.dma_semaphore, #tpu.memory_space<semaphore_mem>>) src(%arg15 : memref<128x16xf32, #tpu.memory_space<vmem>>) dst(%dma_wait3A_306 : memref<10240x16xf32, #tpu.memory_space<vmem_shared>>)
        } else {
        }
        %dma_start3A_294 = arith.constant 0 : i32
        %dma_start3A_295 = tpu.memref_slice %arg6[%add3A_146, %dma_start3A_294] : memref<80x128xi32, #tpu.memory_space<vmem>> -> memref<1x128xi32, #tpu.memory_space<vmem>>
        %dma_start3A_296 = tpu.memref_squeeze %dma_start3A_295 : memref<1x128xi32, #tpu.memory_space<vmem>> -> memref<128xi32, #tpu.memory_space<vmem>>
        %dma_start3A_297 = arith.constant 0 : i32
        %dma_start3A_298 = arith.constant 0 : i32
        %dma_start3A_299 = tpu.memref_slice %arg2[%dma_start3A_297, %dma_start3A_298] : memref<10000x16xf32, #tpu.memory_space<hbm>> -> memref<10000x16xf32, #tpu.memory_space<hbm>>
        tpu.enqueue_indirect_dma source(%dma_start3A_299 : memref<10000x16xf32, #tpu.memory_space<hbm>>) target(%arg15 : memref<128x16xf32, #tpu.memory_space<vmem>>) offsets(%dma_start3A_296 : memref<128xi32, #tpu.memory_space<vmem>>) semaphore(%arg24 : memref<!tpu.dma_semaphore, #tpu.memory_space<semaphore_mem>>)
      } else {
      }
      %dma_wait3A_152 = arith.constant 0 : i32
      %dma_wait3A_153 = tpu.memref_slice %arg6[%add3A_144, %dma_wait3A_152] : memref<80x128xi32, #tpu.memory_space<vmem>> -> memref<1x128xi32, #tpu.memory_space<vmem>>
      %dma_wait3A_154 = tpu.memref_squeeze %dma_wait3A_153 : memref<1x128xi32, #tpu.memory_space<vmem>> -> memref<128xi32, #tpu.memory_space<vmem>>
      %dma_wait3A_155 = arith.constant 0 : i32
      %dma_wait3A_156 = arith.constant 0 : i32
      %dma_wait3A_157 = tpu.memref_slice %arg2[%dma_wait3A_155, %dma_wait3A_156] : memref<10000x16xf32, #tpu.memory_space<hbm>> -> memref<10000x16xf32, #tpu.memory_space<hbm>>
      tpu.wait_indirect_dma semaphore(%arg18 : memref<!tpu.dma_semaphore, #tpu.memory_space<semaphore_mem>>) src(%dma_wait3A_157 : memref<10000x16xf32, #tpu.memory_space<hbm>>) dst(%arg9 : memref<128x16xf32, #tpu.memory_space<vmem>>)
      %dma_start3A_158 = arith.constant 0 : i32
      %dma_start3A_159 = tpu.memref_slice %arg7[%add3A_144, %dma_start3A_158] : memref<80x128xi32, #tpu.memory_space<vmem>> -> memref<1x128xi32, #tpu.memory_space<vmem>>
      %dma_start3A_160 = tpu.memref_squeeze %dma_start3A_159 : memref<1x128xi32, #tpu.memory_space<vmem>> -> memref<128xi32, #tpu.memory_space<vmem>>
      %dma_start3A_161 = arith.constant 0 : i32
      %dma_start3A_162 = arith.constant 0 : i32
      %dma_start3A_163 = tpu.memref_slice %arg16[%dma_start3A_161, %dma_start3A_162] : memref<10240x16xf32, #tpu.memory_space<vmem_shared>> -> memref<10240x16xf32, #tpu.memory_space<vmem_shared>>
      tpu.enqueue_indirect_dma source(%arg9 : memref<128x16xf32, #tpu.memory_space<vmem>>) target(%dma_start3A_163 : memref<10240x16xf32, #tpu.memory_space<vmem_shared>>) offsets(%dma_start3A_160 : memref<128xi32, #tpu.memory_space<vmem>>) semaphore(%arg26 : memref<!tpu.dma_semaphore, #tpu.memory_space<semaphore_mem>>) {add = true}
      %add3A_164 = arith.constant 2 : i32
      %add3A_165 = arith.addi %mul3A_124, %add3A_164 : i32
      %add3A_166 = arith.constant 6 : i32
      %add3A_167 = arith.addi %add3A_165, %add3A_166 : i32
      %lt3A_168 = arith.constant 80 : i32
      %lt3A_169 = arith.cmpi slt, %add3A_167, %lt3A_168 : i32
      %convert_element_type3A_170 = arith.extui %lt3A_169 : i1 to i32
      %cond3A_171 = arith.constant 0 : i32
      %cond3A_172 = arith.cmpi ne, %convert_element_type3A_170, %cond3A_171 : i32
      scf.if %cond3A_172 {
        %ge3A = arith.constant 8 : i32
        %ge3A_290 = arith.cmpi sge, %add3A_167, %ge3A : i32
        %convert_element_type3A_291 = arith.extui %ge3A_290 : i1 to i32
        %cond3A_292 = arith.constant 0 : i32
        %cond3A_293 = arith.cmpi ne, %convert_element_type3A_291, %cond3A_292 : i32
        scf.if %cond3A_293 {
          %sub3A = arith.constant 8 : i32
          %sub3A_300 = arith.subi %add3A_167, %sub3A : i32
          %dma_wait3A_301 = arith.constant 0 : i32
          %dma_wait3A_302 = tpu.memref_slice %arg7[%sub3A_300, %dma_wait3A_301] : memref<80x128xi32, #tpu.memory_space<vmem>> -> memref<1x128xi32, #tpu.memory_space<vmem>>
          %dma_wait3A_303 = tpu.memref_squeeze %dma_wait3A_302 : memref<1x128xi32, #tpu.memory_space<vmem>> -> memref<128xi32, #tpu.memory_space<vmem>>
          %dma_wait3A_304 = arith.constant 0 : i32
          %dma_wait3A_305 = arith.constant 0 : i32
          %dma_wait3A_306 = tpu.memref_slice %arg16[%dma_wait3A_304, %dma_wait3A_305] : memref<10240x16xf32, #tpu.memory_space<vmem_shared>> -> memref<10240x16xf32, #tpu.memory_space<vmem_shared>>
          tpu.wait_indirect_dma semaphore(%arg25 : memref<!tpu.dma_semaphore, #tpu.memory_space<semaphore_mem>>) src(%arg8 : memref<128x16xf32, #tpu.memory_space<vmem>>) dst(%dma_wait3A_306 : memref<10240x16xf32, #tpu.memory_space<vmem_shared>>)
        } else {
        }
        %dma_start3A_294 = arith.constant 0 : i32
        %dma_start3A_295 = tpu.memref_slice %arg6[%add3A_167, %dma_start3A_294] : memref<80x128xi32, #tpu.memory_space<vmem>> -> memref<1x128xi32, #tpu.memory_space<vmem>>
        %dma_start3A_296 = tpu.memref_squeeze %dma_start3A_295 : memref<1x128xi32, #tpu.memory_space<vmem>> -> memref<128xi32, #tpu.memory_space<vmem>>
        %dma_start3A_297 = arith.constant 0 : i32
        %dma_start3A_298 = arith.constant 0 : i32
        %dma_start3A_299 = tpu.memref_slice %arg2[%dma_start3A_297, %dma_start3A_298] : memref<10000x16xf32, #tpu.memory_space<hbm>> -> memref<10000x16xf32, #tpu.memory_space<hbm>>
        tpu.enqueue_indirect_dma source(%dma_start3A_299 : memref<10000x16xf32, #tpu.memory_space<hbm>>) target(%arg8 : memref<128x16xf32, #tpu.memory_space<vmem>>) offsets(%dma_start3A_296 : memref<128xi32, #tpu.memory_space<vmem>>) semaphore(%arg17 : memref<!tpu.dma_semaphore, #tpu.memory_space<semaphore_mem>>)
      } else {
      }
      %dma_wait3A_173 = arith.constant 0 : i32
      %dma_wait3A_174 = tpu.memref_slice %arg6[%add3A_165, %dma_wait3A_173] : memref<80x128xi32, #tpu.memory_space<vmem>> -> memref<1x128xi32, #tpu.memory_space<vmem>>
      %dma_wait3A_175 = tpu.memref_squeeze %dma_wait3A_174 : memref<1x128xi32, #tpu.memory_space<vmem>> -> memref<128xi32, #tpu.memory_space<vmem>>
      %dma_wait3A_176 = arith.constant 0 : i32
      %dma_wait3A_177 = arith.constant 0 : i32
      %dma_wait3A_178 = tpu.memref_slice %arg2[%dma_wait3A_176, %dma_wait3A_177] : memref<10000x16xf32, #tpu.memory_space<hbm>> -> memref<10000x16xf32, #tpu.memory_space<hbm>>
      tpu.wait_indirect_dma semaphore(%arg19 : memref<!tpu.dma_semaphore, #tpu.memory_space<semaphore_mem>>) src(%dma_wait3A_178 : memref<10000x16xf32, #tpu.memory_space<hbm>>) dst(%arg10 : memref<128x16xf32, #tpu.memory_space<vmem>>)
      %dma_start3A_179 = arith.constant 0 : i32
      %dma_start3A_180 = tpu.memref_slice %arg7[%add3A_165, %dma_start3A_179] : memref<80x128xi32, #tpu.memory_space<vmem>> -> memref<1x128xi32, #tpu.memory_space<vmem>>
      %dma_start3A_181 = tpu.memref_squeeze %dma_start3A_180 : memref<1x128xi32, #tpu.memory_space<vmem>> -> memref<128xi32, #tpu.memory_space<vmem>>
      %dma_start3A_182 = arith.constant 0 : i32
      %dma_start3A_183 = arith.constant 0 : i32
      %dma_start3A_184 = tpu.memref_slice %arg16[%dma_start3A_182, %dma_start3A_183] : memref<10240x16xf32, #tpu.memory_space<vmem_shared>> -> memref<10240x16xf32, #tpu.memory_space<vmem_shared>>
      tpu.enqueue_indirect_dma source(%arg10 : memref<128x16xf32, #tpu.memory_space<vmem>>) target(%dma_start3A_184 : memref<10240x16xf32, #tpu.memory_space<vmem_shared>>) offsets(%dma_start3A_181 : memref<128xi32, #tpu.memory_space<vmem>>) semaphore(%arg27 : memref<!tpu.dma_semaphore, #tpu.memory_space<semaphore_mem>>) {add = true}
      %add3A_185 = arith.constant 3 : i32
      %add3A_186 = arith.addi %mul3A_124, %add3A_185 : i32
      %add3A_187 = arith.constant 6 : i32
      %add3A_188 = arith.addi %add3A_186, %add3A_187 : i32
      %lt3A_189 = arith.constant 80 : i32
      %lt3A_190 = arith.cmpi slt, %add3A_188, %lt3A_189 : i32
      %convert_element_type3A_191 = arith.extui %lt3A_190 : i1 to i32
      %cond3A_192 = arith.constant 0 : i32
      %cond3A_193 = arith.cmpi ne, %convert_element_type3A_191, %cond3A_192 : i32
      scf.if %cond3A_193 {
        %ge3A = arith.constant 8 : i32
        %ge3A_290 = arith.cmpi sge, %add3A_188, %ge3A : i32
        %convert_element_type3A_291 = arith.extui %ge3A_290 : i1 to i32
        %cond3A_292 = arith.constant 0 : i32
        %cond3A_293 = arith.cmpi ne, %convert_element_type3A_291, %cond3A_292 : i32
        scf.if %cond3A_293 {
          %sub3A = arith.constant 8 : i32
          %sub3A_300 = arith.subi %add3A_188, %sub3A : i32
          %dma_wait3A_301 = arith.constant 0 : i32
          %dma_wait3A_302 = tpu.memref_slice %arg7[%sub3A_300, %dma_wait3A_301] : memref<80x128xi32, #tpu.memory_space<vmem>> -> memref<1x128xi32, #tpu.memory_space<vmem>>
          %dma_wait3A_303 = tpu.memref_squeeze %dma_wait3A_302 : memref<1x128xi32, #tpu.memory_space<vmem>> -> memref<128xi32, #tpu.memory_space<vmem>>
          %dma_wait3A_304 = arith.constant 0 : i32
          %dma_wait3A_305 = arith.constant 0 : i32
          %dma_wait3A_306 = tpu.memref_slice %arg16[%dma_wait3A_304, %dma_wait3A_305] : memref<10240x16xf32, #tpu.memory_space<vmem_shared>> -> memref<10240x16xf32, #tpu.memory_space<vmem_shared>>
          tpu.wait_indirect_dma semaphore(%arg26 : memref<!tpu.dma_semaphore, #tpu.memory_space<semaphore_mem>>) src(%arg9 : memref<128x16xf32, #tpu.memory_space<vmem>>) dst(%dma_wait3A_306 : memref<10240x16xf32, #tpu.memory_space<vmem_shared>>)
        } else {
        }
        %dma_start3A_294 = arith.constant 0 : i32
        %dma_start3A_295 = tpu.memref_slice %arg6[%add3A_188, %dma_start3A_294] : memref<80x128xi32, #tpu.memory_space<vmem>> -> memref<1x128xi32, #tpu.memory_space<vmem>>
        %dma_start3A_296 = tpu.memref_squeeze %dma_start3A_295 : memref<1x128xi32, #tpu.memory_space<vmem>> -> memref<128xi32, #tpu.memory_space<vmem>>
        %dma_start3A_297 = arith.constant 0 : i32
        %dma_start3A_298 = arith.constant 0 : i32
        %dma_start3A_299 = tpu.memref_slice %arg2[%dma_start3A_297, %dma_start3A_298] : memref<10000x16xf32, #tpu.memory_space<hbm>> -> memref<10000x16xf32, #tpu.memory_space<hbm>>
        tpu.enqueue_indirect_dma source(%dma_start3A_299 : memref<10000x16xf32, #tpu.memory_space<hbm>>) target(%arg9 : memref<128x16xf32, #tpu.memory_space<vmem>>) offsets(%dma_start3A_296 : memref<128xi32, #tpu.memory_space<vmem>>) semaphore(%arg18 : memref<!tpu.dma_semaphore, #tpu.memory_space<semaphore_mem>>)
      } else {
      }
      %dma_wait3A_194 = arith.constant 0 : i32
      %dma_wait3A_195 = tpu.memref_slice %arg6[%add3A_186, %dma_wait3A_194] : memref<80x128xi32, #tpu.memory_space<vmem>> -> memref<1x128xi32, #tpu.memory_space<vmem>>
      %dma_wait3A_196 = tpu.memref_squeeze %dma_wait3A_195 : memref<1x128xi32, #tpu.memory_space<vmem>> -> memref<128xi32, #tpu.memory_space<vmem>>
      %dma_wait3A_197 = arith.constant 0 : i32
      %dma_wait3A_198 = arith.constant 0 : i32
      %dma_wait3A_199 = tpu.memref_slice %arg2[%dma_wait3A_197, %dma_wait3A_198] : memref<10000x16xf32, #tpu.memory_space<hbm>> -> memref<10000x16xf32, #tpu.memory_space<hbm>>
      tpu.wait_indirect_dma semaphore(%arg20 : memref<!tpu.dma_semaphore, #tpu.memory_space<semaphore_mem>>) src(%dma_wait3A_199 : memref<10000x16xf32, #tpu.memory_space<hbm>>) dst(%arg11 : memref<128x16xf32, #tpu.memory_space<vmem>>)
      %dma_start3A_200 = arith.constant 0 : i32
      %dma_start3A_201 = tpu.memref_slice %arg7[%add3A_186, %dma_start3A_200] : memref<80x128xi32, #tpu.memory_space<vmem>> -> memref<1x128xi32, #tpu.memory_space<vmem>>
      %dma_start3A_202 = tpu.memref_squeeze %dma_start3A_201 : memref<1x128xi32, #tpu.memory_space<vmem>> -> memref<128xi32, #tpu.memory_space<vmem>>
      %dma_start3A_203 = arith.constant 0 : i32
      %dma_start3A_204 = arith.constant 0 : i32
      %dma_start3A_205 = tpu.memref_slice %arg16[%dma_start3A_203, %dma_start3A_204] : memref<10240x16xf32, #tpu.memory_space<vmem_shared>> -> memref<10240x16xf32, #tpu.memory_space<vmem_shared>>
      tpu.enqueue_indirect_dma source(%arg11 : memref<128x16xf32, #tpu.memory_space<vmem>>) target(%dma_start3A_205 : memref<10240x16xf32, #tpu.memory_space<vmem_shared>>) offsets(%dma_start3A_202 : memref<128xi32, #tpu.memory_space<vmem>>) semaphore(%arg28 : memref<!tpu.dma_semaphore, #tpu.memory_space<semaphore_mem>>) {add = true}
      %add3A_206 = arith.constant 4 : i32
      %add3A_207 = arith.addi %mul3A_124, %add3A_206 : i32
      %add3A_208 = arith.constant 6 : i32
      %add3A_209 = arith.addi %add3A_207, %add3A_208 : i32
      %lt3A_210 = arith.constant 80 : i32
      %lt3A_211 = arith.cmpi slt, %add3A_209, %lt3A_210 : i32
      %convert_element_type3A_212 = arith.extui %lt3A_211 : i1 to i32
      %cond3A_213 = arith.constant 0 : i32
      %cond3A_214 = arith.cmpi ne, %convert_element_type3A_212, %cond3A_213 : i32
      scf.if %cond3A_214 {
        %ge3A = arith.constant 8 : i32
        %ge3A_290 = arith.cmpi sge, %add3A_209, %ge3A : i32
        %convert_element_type3A_291 = arith.extui %ge3A_290 : i1 to i32
        %cond3A_292 = arith.constant 0 : i32
        %cond3A_293 = arith.cmpi ne, %convert_element_type3A_291, %cond3A_292 : i32
        scf.if %cond3A_293 {
          %sub3A = arith.constant 8 : i32
          %sub3A_300 = arith.subi %add3A_209, %sub3A : i32
          %dma_wait3A_301 = arith.constant 0 : i32
          %dma_wait3A_302 = tpu.memref_slice %arg7[%sub3A_300, %dma_wait3A_301] : memref<80x128xi32, #tpu.memory_space<vmem>> -> memref<1x128xi32, #tpu.memory_space<vmem>>
          %dma_wait3A_303 = tpu.memref_squeeze %dma_wait3A_302 : memref<1x128xi32, #tpu.memory_space<vmem>> -> memref<128xi32, #tpu.memory_space<vmem>>
          %dma_wait3A_304 = arith.constant 0 : i32
          %dma_wait3A_305 = arith.constant 0 : i32
          %dma_wait3A_306 = tpu.memref_slice %arg16[%dma_wait3A_304, %dma_wait3A_305] : memref<10240x16xf32, #tpu.memory_space<vmem_shared>> -> memref<10240x16xf32, #tpu.memory_space<vmem_shared>>
          tpu.wait_indirect_dma semaphore(%arg27 : memref<!tpu.dma_semaphore, #tpu.memory_space<semaphore_mem>>) src(%arg10 : memref<128x16xf32, #tpu.memory_space<vmem>>) dst(%dma_wait3A_306 : memref<10240x16xf32, #tpu.memory_space<vmem_shared>>)
        } else {
        }
        %dma_start3A_294 = arith.constant 0 : i32
        %dma_start3A_295 = tpu.memref_slice %arg6[%add3A_209, %dma_start3A_294] : memref<80x128xi32, #tpu.memory_space<vmem>> -> memref<1x128xi32, #tpu.memory_space<vmem>>
        %dma_start3A_296 = tpu.memref_squeeze %dma_start3A_295 : memref<1x128xi32, #tpu.memory_space<vmem>> -> memref<128xi32, #tpu.memory_space<vmem>>
        %dma_start3A_297 = arith.constant 0 : i32
        %dma_start3A_298 = arith.constant 0 : i32
        %dma_start3A_299 = tpu.memref_slice %arg2[%dma_start3A_297, %dma_start3A_298] : memref<10000x16xf32, #tpu.memory_space<hbm>> -> memref<10000x16xf32, #tpu.memory_space<hbm>>
        tpu.enqueue_indirect_dma source(%dma_start3A_299 : memref<10000x16xf32, #tpu.memory_space<hbm>>) target(%arg10 : memref<128x16xf32, #tpu.memory_space<vmem>>) offsets(%dma_start3A_296 : memref<128xi32, #tpu.memory_space<vmem>>) semaphore(%arg19 : memref<!tpu.dma_semaphore, #tpu.memory_space<semaphore_mem>>)
      } else {
      }
      %dma_wait3A_215 = arith.constant 0 : i32
      %dma_wait3A_216 = tpu.memref_slice %arg6[%add3A_207, %dma_wait3A_215] : memref<80x128xi32, #tpu.memory_space<vmem>> -> memref<1x128xi32, #tpu.memory_space<vmem>>
      %dma_wait3A_217 = tpu.memref_squeeze %dma_wait3A_216 : memref<1x128xi32, #tpu.memory_space<vmem>> -> memref<128xi32, #tpu.memory_space<vmem>>
      %dma_wait3A_218 = arith.constant 0 : i32
      %dma_wait3A_219 = arith.constant 0 : i32
      %dma_wait3A_220 = tpu.memref_slice %arg2[%dma_wait3A_218, %dma_wait3A_219] : memref<10000x16xf32, #tpu.memory_space<hbm>> -> memref<10000x16xf32, #tpu.memory_space<hbm>>
      tpu.wait_indirect_dma semaphore(%arg21 : memref<!tpu.dma_semaphore, #tpu.memory_space<semaphore_mem>>) src(%dma_wait3A_220 : memref<10000x16xf32, #tpu.memory_space<hbm>>) dst(%arg12 : memref<128x16xf32, #tpu.memory_space<vmem>>)
      %dma_start3A_221 = arith.constant 0 : i32
      %dma_start3A_222 = tpu.memref_slice %arg7[%add3A_207, %dma_start3A_221] : memref<80x128xi32, #tpu.memory_space<vmem>> -> memref<1x128xi32, #tpu.memory_space<vmem>>
      %dma_start3A_223 = tpu.memref_squeeze %dma_start3A_222 : memref<1x128xi32, #tpu.memory_space<vmem>> -> memref<128xi32, #tpu.memory_space<vmem>>
      %dma_start3A_224 = arith.constant 0 : i32
      %dma_start3A_225 = arith.constant 0 : i32
      %dma_start3A_226 = tpu.memref_slice %arg16[%dma_start3A_224, %dma_start3A_225] : memref<10240x16xf32, #tpu.memory_space<vmem_shared>> -> memref<10240x16xf32, #tpu.memory_space<vmem_shared>>
      tpu.enqueue_indirect_dma source(%arg12 : memref<128x16xf32, #tpu.memory_space<vmem>>) target(%dma_start3A_226 : memref<10240x16xf32, #tpu.memory_space<vmem_shared>>) offsets(%dma_start3A_223 : memref<128xi32, #tpu.memory_space<vmem>>) semaphore(%arg29 : memref<!tpu.dma_semaphore, #tpu.memory_space<semaphore_mem>>) {add = true}
      %add3A_227 = arith.constant 5 : i32
      %add3A_228 = arith.addi %mul3A_124, %add3A_227 : i32
      %add3A_229 = arith.constant 6 : i32
      %add3A_230 = arith.addi %add3A_228, %add3A_229 : i32
      %lt3A_231 = arith.constant 80 : i32
      %lt3A_232 = arith.cmpi slt, %add3A_230, %lt3A_231 : i32
      %convert_element_type3A_233 = arith.extui %lt3A_232 : i1 to i32
      %cond3A_234 = arith.constant 0 : i32
      %cond3A_235 = arith.cmpi ne, %convert_element_type3A_233, %cond3A_234 : i32
      scf.if %cond3A_235 {
        %ge3A = arith.constant 8 : i32
        %ge3A_290 = arith.cmpi sge, %add3A_230, %ge3A : i32
        %convert_element_type3A_291 = arith.extui %ge3A_290 : i1 to i32
        %cond3A_292 = arith.constant 0 : i32
        %cond3A_293 = arith.cmpi ne, %convert_element_type3A_291, %cond3A_292 : i32
        scf.if %cond3A_293 {
          %sub3A = arith.constant 8 : i32
          %sub3A_300 = arith.subi %add3A_230, %sub3A : i32
          %dma_wait3A_301 = arith.constant 0 : i32
          %dma_wait3A_302 = tpu.memref_slice %arg7[%sub3A_300, %dma_wait3A_301] : memref<80x128xi32, #tpu.memory_space<vmem>> -> memref<1x128xi32, #tpu.memory_space<vmem>>
          %dma_wait3A_303 = tpu.memref_squeeze %dma_wait3A_302 : memref<1x128xi32, #tpu.memory_space<vmem>> -> memref<128xi32, #tpu.memory_space<vmem>>
          %dma_wait3A_304 = arith.constant 0 : i32
          %dma_wait3A_305 = arith.constant 0 : i32
          %dma_wait3A_306 = tpu.memref_slice %arg16[%dma_wait3A_304, %dma_wait3A_305] : memref<10240x16xf32, #tpu.memory_space<vmem_shared>> -> memref<10240x16xf32, #tpu.memory_space<vmem_shared>>
          tpu.wait_indirect_dma semaphore(%arg28 : memref<!tpu.dma_semaphore, #tpu.memory_space<semaphore_mem>>) src(%arg11 : memref<128x16xf32, #tpu.memory_space<vmem>>) dst(%dma_wait3A_306 : memref<10240x16xf32, #tpu.memory_space<vmem_shared>>)
        } else {
        }
        %dma_start3A_294 = arith.constant 0 : i32
        %dma_start3A_295 = tpu.memref_slice %arg6[%add3A_230, %dma_start3A_294] : memref<80x128xi32, #tpu.memory_space<vmem>> -> memref<1x128xi32, #tpu.memory_space<vmem>>
        %dma_start3A_296 = tpu.memref_squeeze %dma_start3A_295 : memref<1x128xi32, #tpu.memory_space<vmem>> -> memref<128xi32, #tpu.memory_space<vmem>>
        %dma_start3A_297 = arith.constant 0 : i32
        %dma_start3A_298 = arith.constant 0 : i32
        %dma_start3A_299 = tpu.memref_slice %arg2[%dma_start3A_297, %dma_start3A_298] : memref<10000x16xf32, #tpu.memory_space<hbm>> -> memref<10000x16xf32, #tpu.memory_space<hbm>>
        tpu.enqueue_indirect_dma source(%dma_start3A_299 : memref<10000x16xf32, #tpu.memory_space<hbm>>) target(%arg11 : memref<128x16xf32, #tpu.memory_space<vmem>>) offsets(%dma_start3A_296 : memref<128xi32, #tpu.memory_space<vmem>>) semaphore(%arg20 : memref<!tpu.dma_semaphore, #tpu.memory_space<semaphore_mem>>)
      } else {
      }
      %dma_wait3A_236 = arith.constant 0 : i32
      %dma_wait3A_237 = tpu.memref_slice %arg6[%add3A_228, %dma_wait3A_236] : memref<80x128xi32, #tpu.memory_space<vmem>> -> memref<1x128xi32, #tpu.memory_space<vmem>>
      %dma_wait3A_238 = tpu.memref_squeeze %dma_wait3A_237 : memref<1x128xi32, #tpu.memory_space<vmem>> -> memref<128xi32, #tpu.memory_space<vmem>>
      %dma_wait3A_239 = arith.constant 0 : i32
      %dma_wait3A_240 = arith.constant 0 : i32
      %dma_wait3A_241 = tpu.memref_slice %arg2[%dma_wait3A_239, %dma_wait3A_240] : memref<10000x16xf32, #tpu.memory_space<hbm>> -> memref<10000x16xf32, #tpu.memory_space<hbm>>
      tpu.wait_indirect_dma semaphore(%arg22 : memref<!tpu.dma_semaphore, #tpu.memory_space<semaphore_mem>>) src(%dma_wait3A_241 : memref<10000x16xf32, #tpu.memory_space<hbm>>) dst(%arg13 : memref<128x16xf32, #tpu.memory_space<vmem>>)
      %dma_start3A_242 = arith.constant 0 : i32
      %dma_start3A_243 = tpu.memref_slice %arg7[%add3A_228, %dma_start3A_242] : memref<80x128xi32, #tpu.memory_space<vmem>> -> memref<1x128xi32, #tpu.memory_space<vmem>>
      %dma_start3A_244 = tpu.memref_squeeze %dma_start3A_243 : memref<1x128xi32, #tpu.memory_space<vmem>> -> memref<128xi32, #tpu.memory_space<vmem>>
      %dma_start3A_245 = arith.constant 0 : i32
      %dma_start3A_246 = arith.constant 0 : i32
      %dma_start3A_247 = tpu.memref_slice %arg16[%dma_start3A_245, %dma_start3A_246] : memref<10240x16xf32, #tpu.memory_space<vmem_shared>> -> memref<10240x16xf32, #tpu.memory_space<vmem_shared>>
      tpu.enqueue_indirect_dma source(%arg13 : memref<128x16xf32, #tpu.memory_space<vmem>>) target(%dma_start3A_247 : memref<10240x16xf32, #tpu.memory_space<vmem_shared>>) offsets(%dma_start3A_244 : memref<128xi32, #tpu.memory_space<vmem>>) semaphore(%arg30 : memref<!tpu.dma_semaphore, #tpu.memory_space<semaphore_mem>>) {add = true}
      %add3A_248 = arith.constant 6 : i32
      %add3A_249 = arith.addi %mul3A_124, %add3A_248 : i32
      %add3A_250 = arith.constant 6 : i32
      %add3A_251 = arith.addi %add3A_249, %add3A_250 : i32
      %lt3A_252 = arith.constant 80 : i32
      %lt3A_253 = arith.cmpi slt, %add3A_251, %lt3A_252 : i32
      %convert_element_type3A_254 = arith.extui %lt3A_253 : i1 to i32
      %cond3A_255 = arith.constant 0 : i32
      %cond3A_256 = arith.cmpi ne, %convert_element_type3A_254, %cond3A_255 : i32
      scf.if %cond3A_256 {
        %ge3A = arith.constant 8 : i32
        %ge3A_290 = arith.cmpi sge, %add3A_251, %ge3A : i32
        %convert_element_type3A_291 = arith.extui %ge3A_290 : i1 to i32
        %cond3A_292 = arith.constant 0 : i32
        %cond3A_293 = arith.cmpi ne, %convert_element_type3A_291, %cond3A_292 : i32
        scf.if %cond3A_293 {
          %sub3A = arith.constant 8 : i32
          %sub3A_300 = arith.subi %add3A_251, %sub3A : i32
          %dma_wait3A_301 = arith.constant 0 : i32
          %dma_wait3A_302 = tpu.memref_slice %arg7[%sub3A_300, %dma_wait3A_301] : memref<80x128xi32, #tpu.memory_space<vmem>> -> memref<1x128xi32, #tpu.memory_space<vmem>>
          %dma_wait3A_303 = tpu.memref_squeeze %dma_wait3A_302 : memref<1x128xi32, #tpu.memory_space<vmem>> -> memref<128xi32, #tpu.memory_space<vmem>>
          %dma_wait3A_304 = arith.constant 0 : i32
          %dma_wait3A_305 = arith.constant 0 : i32
          %dma_wait3A_306 = tpu.memref_slice %arg16[%dma_wait3A_304, %dma_wait3A_305] : memref<10240x16xf32, #tpu.memory_space<vmem_shared>> -> memref<10240x16xf32, #tpu.memory_space<vmem_shared>>
          tpu.wait_indirect_dma semaphore(%arg29 : memref<!tpu.dma_semaphore, #tpu.memory_space<semaphore_mem>>) src(%arg12 : memref<128x16xf32, #tpu.memory_space<vmem>>) dst(%dma_wait3A_306 : memref<10240x16xf32, #tpu.memory_space<vmem_shared>>)
        } else {
        }
        %dma_start3A_294 = arith.constant 0 : i32
        %dma_start3A_295 = tpu.memref_slice %arg6[%add3A_251, %dma_start3A_294] : memref<80x128xi32, #tpu.memory_space<vmem>> -> memref<1x128xi32, #tpu.memory_space<vmem>>
        %dma_start3A_296 = tpu.memref_squeeze %dma_start3A_295 : memref<1x128xi32, #tpu.memory_space<vmem>> -> memref<128xi32, #tpu.memory_space<vmem>>
        %dma_start3A_297 = arith.constant 0 : i32
        %dma_start3A_298 = arith.constant 0 : i32
        %dma_start3A_299 = tpu.memref_slice %arg2[%dma_start3A_297, %dma_start3A_298] : memref<10000x16xf32, #tpu.memory_space<hbm>> -> memref<10000x16xf32, #tpu.memory_space<hbm>>
        tpu.enqueue_indirect_dma source(%dma_start3A_299 : memref<10000x16xf32, #tpu.memory_space<hbm>>) target(%arg12 : memref<128x16xf32, #tpu.memory_space<vmem>>) offsets(%dma_start3A_296 : memref<128xi32, #tpu.memory_space<vmem>>) semaphore(%arg21 : memref<!tpu.dma_semaphore, #tpu.memory_space<semaphore_mem>>)
      } else {
      }
      %dma_wait3A_257 = arith.constant 0 : i32
      %dma_wait3A_258 = tpu.memref_slice %arg6[%add3A_249, %dma_wait3A_257] : memref<80x128xi32, #tpu.memory_space<vmem>> -> memref<1x128xi32, #tpu.memory_space<vmem>>
      %dma_wait3A_259 = tpu.memref_squeeze %dma_wait3A_258 : memref<1x128xi32, #tpu.memory_space<vmem>> -> memref<128xi32, #tpu.memory_space<vmem>>
      %dma_wait3A_260 = arith.constant 0 : i32
      %dma_wait3A_261 = arith.constant 0 : i32
      %dma_wait3A_262 = tpu.memref_slice %arg2[%dma_wait3A_260, %dma_wait3A_261] : memref<10000x16xf32, #tpu.memory_space<hbm>> -> memref<10000x16xf32, #tpu.memory_space<hbm>>
      tpu.wait_indirect_dma semaphore(%arg23 : memref<!tpu.dma_semaphore, #tpu.memory_space<semaphore_mem>>) src(%dma_wait3A_262 : memref<10000x16xf32, #tpu.memory_space<hbm>>) dst(%arg14 : memref<128x16xf32, #tpu.memory_space<vmem>>)
      %dma_start3A_263 = arith.constant 0 : i32
      %dma_start3A_264 = tpu.memref_slice %arg7[%add3A_249, %dma_start3A_263] : memref<80x128xi32, #tpu.memory_space<vmem>> -> memref<1x128xi32, #tpu.memory_space<vmem>>
      %dma_start3A_265 = tpu.memref_squeeze %dma_start3A_264 : memref<1x128xi32, #tpu.memory_space<vmem>> -> memref<128xi32, #tpu.memory_space<vmem>>
      %dma_start3A_266 = arith.constant 0 : i32
      %dma_start3A_267 = arith.constant 0 : i32
      %dma_start3A_268 = tpu.memref_slice %arg16[%dma_start3A_266, %dma_start3A_267] : memref<10240x16xf32, #tpu.memory_space<vmem_shared>> -> memref<10240x16xf32, #tpu.memory_space<vmem_shared>>
      tpu.enqueue_indirect_dma source(%arg14 : memref<128x16xf32, #tpu.memory_space<vmem>>) target(%dma_start3A_268 : memref<10240x16xf32, #tpu.memory_space<vmem_shared>>) offsets(%dma_start3A_265 : memref<128xi32, #tpu.memory_space<vmem>>) semaphore(%arg31 : memref<!tpu.dma_semaphore, #tpu.memory_space<semaphore_mem>>) {add = true}
      %add3A_269 = arith.constant 7 : i32
      %add3A_270 = arith.addi %mul3A_124, %add3A_269 : i32
      %add3A_271 = arith.constant 6 : i32
      %add3A_272 = arith.addi %add3A_270, %add3A_271 : i32
      %lt3A_273 = arith.constant 80 : i32
      %lt3A_274 = arith.cmpi slt, %add3A_272, %lt3A_273 : i32
      %convert_element_type3A_275 = arith.extui %lt3A_274 : i1 to i32
      %cond3A_276 = arith.constant 0 : i32
      %cond3A_277 = arith.cmpi ne, %convert_element_type3A_275, %cond3A_276 : i32
      scf.if %cond3A_277 {
        %ge3A = arith.constant 8 : i32
        %ge3A_290 = arith.cmpi sge, %add3A_272, %ge3A : i32
        %convert_element_type3A_291 = arith.extui %ge3A_290 : i1 to i32
        %cond3A_292 = arith.constant 0 : i32
        %cond3A_293 = arith.cmpi ne, %convert_element_type3A_291, %cond3A_292 : i32
        scf.if %cond3A_293 {
          %sub3A = arith.constant 8 : i32
          %sub3A_300 = arith.subi %add3A_272, %sub3A : i32
          %dma_wait3A_301 = arith.constant 0 : i32
          %dma_wait3A_302 = tpu.memref_slice %arg7[%sub3A_300, %dma_wait3A_301] : memref<80x128xi32, #tpu.memory_space<vmem>> -> memref<1x128xi32, #tpu.memory_space<vmem>>
          %dma_wait3A_303 = tpu.memref_squeeze %dma_wait3A_302 : memref<1x128xi32, #tpu.memory_space<vmem>> -> memref<128xi32, #tpu.memory_space<vmem>>
          %dma_wait3A_304 = arith.constant 0 : i32
          %dma_wait3A_305 = arith.constant 0 : i32
          %dma_wait3A_306 = tpu.memref_slice %arg16[%dma_wait3A_304, %dma_wait3A_305] : memref<10240x16xf32, #tpu.memory_space<vmem_shared>> -> memref<10240x16xf32, #tpu.memory_space<vmem_shared>>
          tpu.wait_indirect_dma semaphore(%arg30 : memref<!tpu.dma_semaphore, #tpu.memory_space<semaphore_mem>>) src(%arg13 : memref<128x16xf32, #tpu.memory_space<vmem>>) dst(%dma_wait3A_306 : memref<10240x16xf32, #tpu.memory_space<vmem_shared>>)
        } else {
        }
        %dma_start3A_294 = arith.constant 0 : i32
        %dma_start3A_295 = tpu.memref_slice %arg6[%add3A_272, %dma_start3A_294] : memref<80x128xi32, #tpu.memory_space<vmem>> -> memref<1x128xi32, #tpu.memory_space<vmem>>
        %dma_start3A_296 = tpu.memref_squeeze %dma_start3A_295 : memref<1x128xi32, #tpu.memory_space<vmem>> -> memref<128xi32, #tpu.memory_space<vmem>>
        %dma_start3A_297 = arith.constant 0 : i32
        %dma_start3A_298 = arith.constant 0 : i32
        %dma_start3A_299 = tpu.memref_slice %arg2[%dma_start3A_297, %dma_start3A_298] : memref<10000x16xf32, #tpu.memory_space<hbm>> -> memref<10000x16xf32, #tpu.memory_space<hbm>>
        tpu.enqueue_indirect_dma source(%dma_start3A_299 : memref<10000x16xf32, #tpu.memory_space<hbm>>) target(%arg13 : memref<128x16xf32, #tpu.memory_space<vmem>>) offsets(%dma_start3A_296 : memref<128xi32, #tpu.memory_space<vmem>>) semaphore(%arg22 : memref<!tpu.dma_semaphore, #tpu.memory_space<semaphore_mem>>)
      } else {
      }
      %dma_wait3A_278 = arith.constant 0 : i32
      %dma_wait3A_279 = tpu.memref_slice %arg6[%add3A_270, %dma_wait3A_278] : memref<80x128xi32, #tpu.memory_space<vmem>> -> memref<1x128xi32, #tpu.memory_space<vmem>>
      %dma_wait3A_280 = tpu.memref_squeeze %dma_wait3A_279 : memref<1x128xi32, #tpu.memory_space<vmem>> -> memref<128xi32, #tpu.memory_space<vmem>>
      %dma_wait3A_281 = arith.constant 0 : i32
      %dma_wait3A_282 = arith.constant 0 : i32
      %dma_wait3A_283 = tpu.memref_slice %arg2[%dma_wait3A_281, %dma_wait3A_282] : memref<10000x16xf32, #tpu.memory_space<hbm>> -> memref<10000x16xf32, #tpu.memory_space<hbm>>
      tpu.wait_indirect_dma semaphore(%arg24 : memref<!tpu.dma_semaphore, #tpu.memory_space<semaphore_mem>>) src(%dma_wait3A_283 : memref<10000x16xf32, #tpu.memory_space<hbm>>) dst(%arg15 : memref<128x16xf32, #tpu.memory_space<vmem>>)
      %dma_start3A_284 = arith.constant 0 : i32
      %dma_start3A_285 = tpu.memref_slice %arg7[%add3A_270, %dma_start3A_284] : memref<80x128xi32, #tpu.memory_space<vmem>> -> memref<1x128xi32, #tpu.memory_space<vmem>>
      %dma_start3A_286 = tpu.memref_squeeze %dma_start3A_285 : memref<1x128xi32, #tpu.memory_space<vmem>> -> memref<128xi32, #tpu.memory_space<vmem>>
      %dma_start3A_287 = arith.constant 0 : i32
      %dma_start3A_288 = arith.constant 0 : i32
      %dma_start3A_289 = tpu.memref_slice %arg16[%dma_start3A_287, %dma_start3A_288] : memref<10240x16xf32, #tpu.memory_space<vmem_shared>> -> memref<10240x16xf32, #tpu.memory_space<vmem_shared>>
      tpu.enqueue_indirect_dma source(%arg15 : memref<128x16xf32, #tpu.memory_space<vmem>>) target(%dma_start3A_289 : memref<10240x16xf32, #tpu.memory_space<vmem_shared>>) offsets(%dma_start3A_286 : memref<128xi32, #tpu.memory_space<vmem>>) semaphore(%arg32 : memref<!tpu.dma_semaphore, #tpu.memory_space<semaphore_mem>>) {add = true}
    }
    %scan3A_59 = arith.constant 10 : i32
    %dma_wait3A = arith.constant 72 : i32
    %dma_wait3A_60 = arith.constant 0 : i32
    %dma_wait3A_61 = tpu.memref_slice %arg7[%dma_wait3A, %dma_wait3A_60] : memref<80x128xi32, #tpu.memory_space<vmem>> -> memref<1x128xi32, #tpu.memory_space<vmem>>
    %dma_wait3A_62 = tpu.memref_squeeze %dma_wait3A_61 : memref<1x128xi32, #tpu.memory_space<vmem>> -> memref<128xi32, #tpu.memory_space<vmem>>
    %dma_wait3A_63 = arith.constant 0 : i32
    %dma_wait3A_64 = arith.constant 0 : i32
    %dma_wait3A_65 = tpu.memref_slice %arg16[%dma_wait3A_63, %dma_wait3A_64] : memref<10240x16xf32, #tpu.memory_space<vmem_shared>> -> memref<10240x16xf32, #tpu.memory_space<vmem_shared>>
    tpu.wait_indirect_dma semaphore(%arg25 : memref<!tpu.dma_semaphore, #tpu.memory_space<semaphore_mem>>) src(%arg8 : memref<128x16xf32, #tpu.memory_space<vmem>>) dst(%dma_wait3A_65 : memref<10240x16xf32, #tpu.memory_space<vmem_shared>>)
    %dma_wait3A_66 = arith.constant 73 : i32
    %dma_wait3A_67 = arith.constant 0 : i32
    %dma_wait3A_68 = tpu.memref_slice %arg7[%dma_wait3A_66, %dma_wait3A_67] : memref<80x128xi32, #tpu.memory_space<vmem>> -> memref<1x128xi32, #tpu.memory_space<vmem>>
    %dma_wait3A_69 = tpu.memref_squeeze %dma_wait3A_68 : memref<1x128xi32, #tpu.memory_space<vmem>> -> memref<128xi32, #tpu.memory_space<vmem>>
    %dma_wait3A_70 = arith.constant 0 : i32
    %dma_wait3A_71 = arith.constant 0 : i32
    %dma_wait3A_72 = tpu.memref_slice %arg16[%dma_wait3A_70, %dma_wait3A_71] : memref<10240x16xf32, #tpu.memory_space<vmem_shared>> -> memref<10240x16xf32, #tpu.memory_space<vmem_shared>>
    tpu.wait_indirect_dma semaphore(%arg26 : memref<!tpu.dma_semaphore, #tpu.memory_space<semaphore_mem>>) src(%arg9 : memref<128x16xf32, #tpu.memory_space<vmem>>) dst(%dma_wait3A_72 : memref<10240x16xf32, #tpu.memory_space<vmem_shared>>)
    %dma_wait3A_73 = arith.constant 74 : i32
    %dma_wait3A_74 = arith.constant 0 : i32
    %dma_wait3A_75 = tpu.memref_slice %arg7[%dma_wait3A_73, %dma_wait3A_74] : memref<80x128xi32, #tpu.memory_space<vmem>> -> memref<1x128xi32, #tpu.memory_space<vmem>>
    %dma_wait3A_76 = tpu.memref_squeeze %dma_wait3A_75 : memref<1x128xi32, #tpu.memory_space<vmem>> -> memref<128xi32, #tpu.memory_space<vmem>>
    %dma_wait3A_77 = arith.constant 0 : i32
    %dma_wait3A_78 = arith.constant 0 : i32
    %dma_wait3A_79 = tpu.memref_slice %arg16[%dma_wait3A_77, %dma_wait3A_78] : memref<10240x16xf32, #tpu.memory_space<vmem_shared>> -> memref<10240x16xf32, #tpu.memory_space<vmem_shared>>
    tpu.wait_indirect_dma semaphore(%arg27 : memref<!tpu.dma_semaphore, #tpu.memory_space<semaphore_mem>>) src(%arg10 : memref<128x16xf32, #tpu.memory_space<vmem>>) dst(%dma_wait3A_79 : memref<10240x16xf32, #tpu.memory_space<vmem_shared>>)
    %dma_wait3A_80 = arith.constant 75 : i32
    %dma_wait3A_81 = arith.constant 0 : i32
    %dma_wait3A_82 = tpu.memref_slice %arg7[%dma_wait3A_80, %dma_wait3A_81] : memref<80x128xi32, #tpu.memory_space<vmem>> -> memref<1x128xi32, #tpu.memory_space<vmem>>
    %dma_wait3A_83 = tpu.memref_squeeze %dma_wait3A_82 : memref<1x128xi32, #tpu.memory_space<vmem>> -> memref<128xi32, #tpu.memory_space<vmem>>
    %dma_wait3A_84 = arith.constant 0 : i32
    %dma_wait3A_85 = arith.constant 0 : i32
    %dma_wait3A_86 = tpu.memref_slice %arg16[%dma_wait3A_84, %dma_wait3A_85] : memref<10240x16xf32, #tpu.memory_space<vmem_shared>> -> memref<10240x16xf32, #tpu.memory_space<vmem_shared>>
    tpu.wait_indirect_dma semaphore(%arg28 : memref<!tpu.dma_semaphore, #tpu.memory_space<semaphore_mem>>) src(%arg11 : memref<128x16xf32, #tpu.memory_space<vmem>>) dst(%dma_wait3A_86 : memref<10240x16xf32, #tpu.memory_space<vmem_shared>>)
    %dma_wait3A_87 = arith.constant 76 : i32
    %dma_wait3A_88 = arith.constant 0 : i32
    %dma_wait3A_89 = tpu.memref_slice %arg7[%dma_wait3A_87, %dma_wait3A_88] : memref<80x128xi32, #tpu.memory_space<vmem>> -> memref<1x128xi32, #tpu.memory_space<vmem>>
    %dma_wait3A_90 = tpu.memref_squeeze %dma_wait3A_89 : memref<1x128xi32, #tpu.memory_space<vmem>> -> memref<128xi32, #tpu.memory_space<vmem>>
    %dma_wait3A_91 = arith.constant 0 : i32
    %dma_wait3A_92 = arith.constant 0 : i32
    %dma_wait3A_93 = tpu.memref_slice %arg16[%dma_wait3A_91, %dma_wait3A_92] : memref<10240x16xf32, #tpu.memory_space<vmem_shared>> -> memref<10240x16xf32, #tpu.memory_space<vmem_shared>>
    tpu.wait_indirect_dma semaphore(%arg29 : memref<!tpu.dma_semaphore, #tpu.memory_space<semaphore_mem>>) src(%arg12 : memref<128x16xf32, #tpu.memory_space<vmem>>) dst(%dma_wait3A_93 : memref<10240x16xf32, #tpu.memory_space<vmem_shared>>)
    %dma_wait3A_94 = arith.constant 77 : i32
    %dma_wait3A_95 = arith.constant 0 : i32
    %dma_wait3A_96 = tpu.memref_slice %arg7[%dma_wait3A_94, %dma_wait3A_95] : memref<80x128xi32, #tpu.memory_space<vmem>> -> memref<1x128xi32, #tpu.memory_space<vmem>>
    %dma_wait3A_97 = tpu.memref_squeeze %dma_wait3A_96 : memref<1x128xi32, #tpu.memory_space<vmem>> -> memref<128xi32, #tpu.memory_space<vmem>>
    %dma_wait3A_98 = arith.constant 0 : i32
    %dma_wait3A_99 = arith.constant 0 : i32
    %dma_wait3A_100 = tpu.memref_slice %arg16[%dma_wait3A_98, %dma_wait3A_99] : memref<10240x16xf32, #tpu.memory_space<vmem_shared>> -> memref<10240x16xf32, #tpu.memory_space<vmem_shared>>
    tpu.wait_indirect_dma semaphore(%arg30 : memref<!tpu.dma_semaphore, #tpu.memory_space<semaphore_mem>>) src(%arg13 : memref<128x16xf32, #tpu.memory_space<vmem>>) dst(%dma_wait3A_100 : memref<10240x16xf32, #tpu.memory_space<vmem_shared>>)
    %dma_wait3A_101 = arith.constant 78 : i32
    %dma_wait3A_102 = arith.constant 0 : i32
    %dma_wait3A_103 = tpu.memref_slice %arg7[%dma_wait3A_101, %dma_wait3A_102] : memref<80x128xi32, #tpu.memory_space<vmem>> -> memref<1x128xi32, #tpu.memory_space<vmem>>
    %dma_wait3A_104 = tpu.memref_squeeze %dma_wait3A_103 : memref<1x128xi32, #tpu.memory_space<vmem>> -> memref<128xi32, #tpu.memory_space<vmem>>
    %dma_wait3A_105 = arith.constant 0 : i32
    %dma_wait3A_106 = arith.constant 0 : i32
    %dma_wait3A_107 = tpu.memref_slice %arg16[%dma_wait3A_105, %dma_wait3A_106] : memref<10240x16xf32, #tpu.memory_space<vmem_shared>> -> memref<10240x16xf32, #tpu.memory_space<vmem_shared>>
    tpu.wait_indirect_dma semaphore(%arg31 : memref<!tpu.dma_semaphore, #tpu.memory_space<semaphore_mem>>) src(%arg14 : memref<128x16xf32, #tpu.memory_space<vmem>>) dst(%dma_wait3A_107 : memref<10240x16xf32, #tpu.memory_space<vmem_shared>>)
    %dma_wait3A_108 = arith.constant 79 : i32
    %dma_wait3A_109 = arith.constant 0 : i32
    %dma_wait3A_110 = tpu.memref_slice %arg7[%dma_wait3A_108, %dma_wait3A_109] : memref<80x128xi32, #tpu.memory_space<vmem>> -> memref<1x128xi32, #tpu.memory_space<vmem>>
    %dma_wait3A_111 = tpu.memref_squeeze %dma_wait3A_110 : memref<1x128xi32, #tpu.memory_space<vmem>> -> memref<128xi32, #tpu.memory_space<vmem>>
    %dma_wait3A_112 = arith.constant 0 : i32
    %dma_wait3A_113 = arith.constant 0 : i32
    %dma_wait3A_114 = tpu.memref_slice %arg16[%dma_wait3A_112, %dma_wait3A_113] : memref<10240x16xf32, #tpu.memory_space<vmem_shared>> -> memref<10240x16xf32, #tpu.memory_space<vmem_shared>>
    tpu.wait_indirect_dma semaphore(%arg32 : memref<!tpu.dma_semaphore, #tpu.memory_space<semaphore_mem>>) src(%arg15 : memref<128x16xf32, #tpu.memory_space<vmem>>) dst(%dma_wait3A_114 : memref<10240x16xf32, #tpu.memory_space<vmem_shared>>)
    %barrier3A_115 = arith.constant 0 : index
    tpu.barrier barrier_id(%barrier3A_115)
    %scan3A_116 = arith.constant 0 : i32
    %scan3A_117 = arith.constant 0 : i32
    %scan3A_118 = arith.constant 5 : i32
    %scan3A_119 = arith.addi %scan3A_117, %scan3A_118 : i32
    %scan3A_120 = arith.constant 1 : i32
    scf.for %scan3A_122 = %scan3A_117 to %scan3A_119 step %scan3A_120  : i32 {
      %mul3A_123 = arith.constant 640 : i32
      %mul3A_124 = arith.muli %arg1, %mul3A_123 : i32
      %mul3A_125 = arith.constant 128 : i32
      %mul3A_126 = arith.muli %scan3A_122, %mul3A_125 : i32
      %add3A_127 = arith.addi %mul3A_124, %mul3A_126 : i32
      "tpu.region"() ({
        %run_scoped3A = tpu.sem_alloc : memref<!tpu.dma_semaphore, #tpu.memory_space<semaphore_mem>>
        %dma_start3A_128 = arith.constant 0 : i32
        %dma_start3A_129 = tpu.memref_slice %arg16[%add3A_127, %dma_start3A_128] : memref<10240x16xf32, #tpu.memory_space<vmem_shared>> -> memref<128x16xf32, #tpu.memory_space<vmem_shared>>
        %dma_start3A_130 = arith.constant 0 : i32
        %dma_start3A_131 = tpu.memref_slice %arg16[%add3A_127, %dma_start3A_130] : memref<10240x16xf32, #tpu.memory_space<vmem_shared>> -> memref<128x16xf32, #tpu.memory_space<vmem_shared>>
        tpu.enqueue_dma source(%dma_start3A_131 : memref<128x16xf32, #tpu.memory_space<vmem_shared>>) target(%arg8 : memref<128x16xf32, #tpu.memory_space<vmem>>) target_semaphore(%run_scoped3A : memref<!tpu.dma_semaphore, #tpu.memory_space<semaphore_mem>>)
        %dma_wait3A_132 = arith.constant 0 : i32
        %dma_wait3A_133 = tpu.memref_slice %arg16[%add3A_127, %dma_wait3A_132] : memref<10240x16xf32, #tpu.memory_space<vmem_shared>> -> memref<128x16xf32, #tpu.memory_space<vmem_shared>>
        %dma_wait3A_134 = arith.constant 0 : i32
        %dma_wait3A_135 = tpu.memref_slice %arg16[%add3A_127, %dma_wait3A_134] : memref<10240x16xf32, #tpu.memory_space<vmem_shared>> -> memref<128x16xf32, #tpu.memory_space<vmem_shared>>
        tpu.wait_dma2 semaphore(%run_scoped3A : memref<!tpu.dma_semaphore, #tpu.memory_space<semaphore_mem>>) src(%dma_wait3A_135 : memref<128x16xf32, #tpu.memory_space<vmem_shared>>) dst(%arg8 : memref<128x16xf32, #tpu.memory_space<vmem>>)
        tpu.yield
      }) : () -> ()
      "tpu.region"() ({
        %run_scoped3A = tpu.sem_alloc : memref<!tpu.dma_semaphore, #tpu.memory_space<semaphore_mem>>
        %dma_start3A_128 = arith.constant 0 : i32
        %dma_start3A_129 = tpu.memref_slice %arg5[%arg0, %add3A_127, %dma_start3A_128] : memref<2x10240x16xf32, #tpu.memory_space<hbm>> -> memref<1x128x16xf32, #tpu.memory_space<hbm>>
        %dma_start3A_130 = tpu.memref_squeeze %dma_start3A_129 : memref<1x128x16xf32, #tpu.memory_space<hbm>> -> memref<128x16xf32, #tpu.memory_space<hbm>>
        %dma_start3A_131 = arith.constant 0 : i32
        %dma_start3A_132 = tpu.memref_slice %arg5[%arg0, %add3A_127, %dma_start3A_131] : memref<2x10240x16xf32, #tpu.memory_space<hbm>> -> memref<1x128x16xf32, #tpu.memory_space<hbm>>
        %dma_start3A_133 = tpu.memref_squeeze %dma_start3A_132 : memref<1x128x16xf32, #tpu.memory_space<hbm>> -> memref<128x16xf32, #tpu.memory_space<hbm>>
        tpu.enqueue_dma source(%arg8 : memref<128x16xf32, #tpu.memory_space<vmem>>) target(%dma_start3A_133 : memref<128x16xf32, #tpu.memory_space<hbm>>) target_semaphore(%run_scoped3A : memref<!tpu.dma_semaphore, #tpu.memory_space<semaphore_mem>>)
        %dma_wait3A_134 = arith.constant 0 : i32
        %dma_wait3A_135 = tpu.memref_slice %arg5[%arg0, %add3A_127, %dma_wait3A_134] : memref<2x10240x16xf32, #tpu.memory_space<hbm>> -> memref<1x128x16xf32, #tpu.memory_space<hbm>>
        %dma_wait3A_136 = tpu.memref_squeeze %dma_wait3A_135 : memref<1x128x16xf32, #tpu.memory_space<hbm>> -> memref<128x16xf32, #tpu.memory_space<hbm>>
        %dma_wait3A_137 = arith.constant 0 : i32
        %dma_wait3A_138 = tpu.memref_slice %arg5[%arg0, %add3A_127, %dma_wait3A_137] : memref<2x10240x16xf32, #tpu.memory_space<hbm>> -> memref<1x128x16xf32, #tpu.memory_space<hbm>>
        %dma_wait3A_139 = tpu.memref_squeeze %dma_wait3A_138 : memref<1x128x16xf32, #tpu.memory_space<hbm>> -> memref<128x16xf32, #tpu.memory_space<hbm>>
        tpu.wait_dma2 semaphore(%run_scoped3A : memref<!tpu.dma_semaphore, #tpu.memory_space<semaphore_mem>>) src(%arg8 : memref<128x16xf32, #tpu.memory_space<vmem>>) dst(%dma_wait3A_139 : memref<128x16xf32, #tpu.memory_space<hbm>>)
        tpu.yield
      }) : () -> ()
    }
    %scan3A_121 = arith.constant 5 : i32
    return
  }
}

module attributes {stable_mosaic.version = 14 : i64} {
  func.func @_tcmm_body(%arg0: i32, %arg1: memref<1000x256xf32, #tpu.memory_space<vmem>>, %arg2: memref<256x128xf32, #tpu.memory_space<vmem>>, %arg3: memref<1000x128xf32, #tpu.memory_space<vmem>>) attributes {dimension_semantics = [#tpu.dimension_semantics<arbitrary>], iteration_bounds = array<i64: 10>, scalar_prefetch = 0 : i64, scratch_operands = 0 : i64, tpu.core_type = #tpu.core_type<tc>, window_params = [{transform_indices = @transform_0, window_bounds = array<i64: 1000, 256>}, {pipeline_mode = #tpu.pipeline_mode<synchronous>, transform_indices = @transform_1, window_bounds = array<i64: 256, 128>}, {transform_indices = @transform_2, window_bounds = array<i64: 1000, 128>}]} {
    %get3A = arith.constant 0 : index
    %get3A_0 = arith.constant 0 : index
    %get3A_1 = vector.load %arg1[%get3A, %get3A_0] : memref<1000x256xf32, #tpu.memory_space<vmem>>, vector<1000x256xf32>
    %get3A_2 = arith.constant 0 : index
    %get3A_3 = arith.constant 0 : index
    %get3A_4 = vector.load %arg2[%get3A_2, %get3A_3] : memref<256x128xf32, #tpu.memory_space<vmem>>, vector<256x128xf32>
    %dot_general3A = arith.constant dense<0.000000e+00> : vector<1000x128xf32>
    %dot_general3A_5 = tpu.matmul %get3A_1, %get3A_4, %dot_general3A {dimension_numbers = #tpu.dot_dimension_numbers<[1], [0], [0], [1], [0, 0, 1, 1], [], []>, transpose_lhs_hint = false} : vector<1000x256xf32>, vector<256x128xf32>, vector<1000x128xf32> -> vector<1000x128xf32>
    %swap3A = arith.constant 0 : index
    %swap3A_6 = arith.constant 0 : index
    %swap3A_7 = vector.load %arg3[%swap3A, %swap3A_6] : memref<1000x128xf32, #tpu.memory_space<vmem>>, vector<1000x128xf32>
    tpu.vector_store %arg3[%swap3A, %swap3A_6], %dot_general3A_5 {strides = array<i32>} : memref<1000x128xf32, #tpu.memory_space<vmem>>, vector<1000x128xf32>,
    return
  }
  func.func @transform_0(%arg0: i32) -> (i32, i32) {
    %c0_i32 = arith.constant 0 : i32
    %c0_i32_0 = arith.constant 0 : i32
    return %arg0, %c0_i32 : i32, i32
  }
  func.func @transform_1(%arg0: i32) -> (i32, i32) {
    %c0_i32 = arith.constant 0 : i32
    %c0_i32_0 = arith.constant 0 : i32
    %c0_i32_1 = arith.constant 0 : i32
    return %c0_i32, %c0_i32_0 : i32, i32
  }
  func.func @transform_2(%arg0: i32) -> (i32, i32) {
    %c0_i32 = arith.constant 0 : i32
    %c0_i32_0 = arith.constant 0 : i32
    return %arg0, %c0_i32 : i32, i32
  }
}

module attributes {stable_mosaic.version = 14 : i64} {
  func.func @_tc1_body(%arg0: i32, %arg1: memref<2x1000x16xf32, #tpu.memory_space<vmem>>, %arg2: memref<1000x128xf32, #tpu.memory_space<vmem>>, %arg3: memref<1000x128xf32, #tpu.memory_space<vmem>>, %arg4: memref<1000x128xf32, #tpu.memory_space<vmem>>, %arg5: memref<1000x1xf32, #tpu.memory_space<vmem>>) attributes {dimension_semantics = [#tpu.dimension_semantics<arbitrary>], iteration_bounds = array<i64: 10>, scalar_prefetch = 0 : i64, scratch_operands = 0 : i64, tpu.core_type = #tpu.core_type<tc>, window_params = [{transform_indices = @transform_0, window_bounds = array<i64: 2, 1000, 16>}, {transform_indices = @transform_1, window_bounds = array<i64: 1000, 128>}, {transform_indices = @transform_2, window_bounds = array<i64: 1000, 128>}, {transform_indices = @transform_3, window_bounds = array<i64: 1000, 128>}, {transform_indices = @transform_4, window_bounds = array<i64: 1000, 1>}]} {
    %get3A = arith.constant 0 : index
    %get3A_0 = arith.constant 0 : index
    %get3A_1 = arith.constant 0 : index
    %get3A_2 = vector.load %arg1[%get3A, %get3A_0, %get3A_1] : memref<2x1000x16xf32, #tpu.memory_space<vmem>>, vector<1x1000x16xf32>
    %get3A_3 = vector.shape_cast %get3A_2 : vector<1x1000x16xf32> to vector<1000x16xf32>
    %slice3A = vector.extract_strided_slice %get3A_3 {offsets = [0, 0], sizes = [1000, 1], strides = [1, 1]} : vector<1000x16xf32> to vector<1000x1xf32>
    %get3A_4 = arith.constant 1 : index
    %get3A_5 = arith.constant 0 : index
    %get3A_6 = arith.constant 0 : index
    %get3A_7 = vector.load %arg1[%get3A_4, %get3A_5, %get3A_6] : memref<2x1000x16xf32, #tpu.memory_space<vmem>>, vector<1x1000x16xf32>
    %get3A_8 = vector.shape_cast %get3A_7 : vector<1x1000x16xf32> to vector<1000x16xf32>
    %slice3A_9 = vector.extract_strided_slice %get3A_8 {offsets = [0, 0], sizes = [1000, 1], strides = [1, 1]} : vector<1000x16xf32> to vector<1000x1xf32>
    %add3A = arith.addf %slice3A, %slice3A_9 : vector<1000x1xf32>
    %max3A = arith.constant 1.000000e+00 : f32
    %max3A_10 = vector.broadcast %max3A : f32 to vector<1000x1xf32>
    %max3A_11 = arith.maximumf %add3A, %max3A_10 : vector<1000x1xf32>
    %rsqrt3A = math.rsqrt %max3A_11 : vector<1000x1xf32>
    %get3A_12 = arith.constant 0 : index
    %get3A_13 = arith.constant 0 : index
    %get3A_14 = vector.load %arg2[%get3A_12, %get3A_13] : memref<1000x128xf32, #tpu.memory_space<vmem>>, vector<1000x128xf32>
    %mul3A = vector.broadcast %rsqrt3A : vector<1000x1xf32> to vector<1000x128xf32>
    %mul3A_15 = arith.mulf %get3A_14, %mul3A : vector<1000x128xf32>
    %swap3A = arith.constant 0 : index
    %swap3A_16 = arith.constant 0 : index
    %swap3A_17 = vector.load %arg3[%swap3A, %swap3A_16] : memref<1000x128xf32, #tpu.memory_space<vmem>>, vector<1000x128xf32>
    tpu.vector_store %arg3[%swap3A, %swap3A_16], %mul3A_15 {strides = array<i32>} : memref<1000x128xf32, #tpu.memory_space<vmem>>, vector<1000x128xf32>,
    %mul3A_18 = arith.mulf %rsqrt3A, %rsqrt3A : vector<1000x1xf32>
    %mul3A_19 = vector.broadcast %mul3A_18 : vector<1000x1xf32> to vector<1000x128xf32>
    %mul3A_20 = arith.mulf %get3A_14, %mul3A_19 : vector<1000x128xf32>
    %swap3A_21 = arith.constant 0 : index
    %swap3A_22 = arith.constant 0 : index
    %swap3A_23 = vector.load %arg4[%swap3A_21, %swap3A_22] : memref<1000x128xf32, #tpu.memory_space<vmem>>, vector<1000x128xf32>
    tpu.vector_store %arg4[%swap3A_21, %swap3A_22], %mul3A_20 {strides = array<i32>} : memref<1000x128xf32, #tpu.memory_space<vmem>>, vector<1000x128xf32>,
    %swap3A_24 = arith.constant 0 : index
    %swap3A_25 = arith.constant 0 : index
    %swap3A_26 = vector.load %arg5[%swap3A_24, %swap3A_25] : memref<1000x1xf32, #tpu.memory_space<vmem>>, vector<1000x1xf32>
    tpu.vector_store %arg5[%swap3A_24, %swap3A_25], %rsqrt3A {strides = array<i32>} : memref<1000x1xf32, #tpu.memory_space<vmem>>, vector<1000x1xf32>,
    return
  }
  func.func @transform_0(%arg0: i32) -> (i32, i32, i32) {
    %c0_i32 = arith.constant 0 : i32
    %c0_i32_0 = arith.constant 0 : i32
    %c0_i32_1 = arith.constant 0 : i32
    return %c0_i32, %arg0, %c0_i32_0 : i32, i32, i32
  }
  func.func @transform_1(%arg0: i32) -> (i32, i32) {
    %c0_i32 = arith.constant 0 : i32
    %c0_i32_0 = arith.constant 0 : i32
    return %arg0, %c0_i32 : i32, i32
  }
  func.func @transform_2(%arg0: i32) -> (i32, i32) {
    %c0_i32 = arith.constant 0 : i32
    %c0_i32_0 = arith.constant 0 : i32
    return %arg0, %c0_i32 : i32, i32
  }
  func.func @transform_3(%arg0: i32) -> (i32, i32) {
    %c0_i32 = arith.constant 0 : i32
    %c0_i32_0 = arith.constant 0 : i32
    return %arg0, %c0_i32 : i32, i32
  }
  func.func @transform_4(%arg0: i32) -> (i32, i32) {
    %c0_i32 = arith.constant 0 : i32
    %c0_i32_0 = arith.constant 0 : i32
    return %arg0, %c0_i32 : i32, i32
  }
}

module attributes {stable_mosaic.version = 14 : i64} {
  func.func @_tc2_body(%arg0: i32, %arg1: memref<2x1000x128xf32, #tpu.memory_space<vmem>>, %arg2: memref<1000x128xf32, #tpu.memory_space<vmem>>, %arg3: memref<1000x1xf32, #tpu.memory_space<vmem>>, %arg4: memref<128x16xf32, #tpu.memory_space<vmem>>, %arg5: memref<1000x16xf32, #tpu.memory_space<vmem>>, %arg6: memref<1000x16xf32, #tpu.memory_space<vmem>>) attributes {dimension_semantics = [#tpu.dimension_semantics<arbitrary>], iteration_bounds = array<i64: 10>, scalar_prefetch = 0 : i64, scratch_operands = 0 : i64, tpu.core_type = #tpu.core_type<tc>, window_params = [{transform_indices = @transform_0, window_bounds = array<i64: 2, 1000, 128>}, {transform_indices = @transform_1, window_bounds = array<i64: 1000, 128>}, {transform_indices = @transform_2, window_bounds = array<i64: 1000, 1>}, {pipeline_mode = #tpu.pipeline_mode<synchronous>, transform_indices = @transform_3, window_bounds = array<i64: 128, 16>}, {transform_indices = @transform_4, window_bounds = array<i64: 1000, 16>}, {transform_indices = @transform_5, window_bounds = array<i64: 1000, 16>}]} {
    %get3A = arith.constant 0 : index
    %get3A_0 = arith.constant 0 : index
    %get3A_1 = vector.load %arg3[%get3A, %get3A_0] : memref<1000x1xf32, #tpu.memory_space<vmem>>, vector<1000x1xf32>
    %get3A_2 = arith.constant 0 : index
    %get3A_3 = arith.constant 0 : index
    %get3A_4 = arith.constant 0 : index
    %get3A_5 = vector.load %arg1[%get3A_2, %get3A_3, %get3A_4] : memref<2x1000x128xf32, #tpu.memory_space<vmem>>, vector<1x1000x128xf32>
    %get3A_6 = vector.shape_cast %get3A_5 : vector<1x1000x128xf32> to vector<1000x128xf32>
    %get3A_7 = arith.constant 1 : index
    %get3A_8 = arith.constant 0 : index
    %get3A_9 = arith.constant 0 : index
    %get3A_10 = vector.load %arg1[%get3A_7, %get3A_8, %get3A_9] : memref<2x1000x128xf32, #tpu.memory_space<vmem>>, vector<1x1000x128xf32>
    %get3A_11 = vector.shape_cast %get3A_10 : vector<1x1000x128xf32> to vector<1000x128xf32>
    %add3A = arith.addf %get3A_6, %get3A_11 : vector<1000x128xf32>
    %mul3A = vector.broadcast %get3A_1 : vector<1000x1xf32> to vector<1000x128xf32>
    %mul3A_12 = arith.mulf %mul3A, %add3A : vector<1000x128xf32>
    %get3A_13 = arith.constant 0 : index
    %get3A_14 = arith.constant 0 : index
    %get3A_15 = vector.load %arg2[%get3A_13, %get3A_14] : memref<1000x128xf32, #tpu.memory_space<vmem>>, vector<1000x128xf32>
    %add3A_16 = arith.addf %mul3A_12, %get3A_15 : vector<1000x128xf32>
    %max3A = arith.constant 0.000000e+00 : f32
    %max3A_17 = vector.broadcast %max3A : f32 to vector<1000x128xf32>
    %max3A_18 = arith.maximumf %add3A_16, %max3A_17 : vector<1000x128xf32>
    %get3A_19 = arith.constant 0 : index
    %get3A_20 = arith.constant 0 : index
    %get3A_21 = vector.load %arg4[%get3A_19, %get3A_20] : memref<128x16xf32, #tpu.memory_space<vmem>>, vector<128x16xf32>
    %dot_general3A = arith.constant dense<0.000000e+00> : vector<1000x16xf32>
    %dot_general3A_22 = tpu.matmul %max3A_18, %get3A_21, %dot_general3A {dimension_numbers = #tpu.dot_dimension_numbers<[1], [0], [0], [1], [0, 0, 1, 1], [], []>, transpose_lhs_hint = false} : vector<1000x128xf32>, vector<128x16xf32>, vector<1000x16xf32> -> vector<1000x16xf32>
    %mul3A_23 = vector.broadcast %get3A_1 : vector<1000x1xf32> to vector<1000x16xf32>
    %mul3A_24 = arith.mulf %dot_general3A_22, %mul3A_23 : vector<1000x16xf32>
    %swap3A = arith.constant 0 : index
    %swap3A_25 = arith.constant 0 : index
    %swap3A_26 = vector.load %arg5[%swap3A, %swap3A_25] : memref<1000x16xf32, #tpu.memory_space<vmem>>, vector<1000x16xf32>
    tpu.vector_store %arg5[%swap3A, %swap3A_25], %mul3A_24 {strides = array<i32>} : memref<1000x16xf32, #tpu.memory_space<vmem>>, vector<1000x16xf32>,
    %mul3A_27 = arith.mulf %get3A_1, %get3A_1 : vector<1000x1xf32>
    %mul3A_28 = vector.broadcast %mul3A_27 : vector<1000x1xf32> to vector<1000x16xf32>
    %mul3A_29 = arith.mulf %dot_general3A_22, %mul3A_28 : vector<1000x16xf32>
    %swap3A_30 = arith.constant 0 : index
    %swap3A_31 = arith.constant 0 : index
    %swap3A_32 = vector.load %arg6[%swap3A_30, %swap3A_31] : memref<1000x16xf32, #tpu.memory_space<vmem>>, vector<1000x16xf32>
    tpu.vector_store %arg6[%swap3A_30, %swap3A_31], %mul3A_29 {strides = array<i32>} : memref<1000x16xf32, #tpu.memory_space<vmem>>, vector<1000x16xf32>,
    return
  }
  func.func @transform_0(%arg0: i32) -> (i32, i32, i32) {
    %c0_i32 = arith.constant 0 : i32
    %c0_i32_0 = arith.constant 0 : i32
    %c0_i32_1 = arith.constant 0 : i32
    return %c0_i32, %arg0, %c0_i32_0 : i32, i32, i32
  }
  func.func @transform_1(%arg0: i32) -> (i32, i32) {
    %c0_i32 = arith.constant 0 : i32
    %c0_i32_0 = arith.constant 0 : i32
    return %arg0, %c0_i32 : i32, i32
  }
  func.func @transform_2(%arg0: i32) -> (i32, i32) {
    %c0_i32 = arith.constant 0 : i32
    %c0_i32_0 = arith.constant 0 : i32
    return %arg0, %c0_i32 : i32, i32
  }
  func.func @transform_3(%arg0: i32) -> (i32, i32) {
    %c0_i32 = arith.constant 0 : i32
    %c0_i32_0 = arith.constant 0 : i32
    %c0_i32_1 = arith.constant 0 : i32
    return %c0_i32, %c0_i32_0 : i32, i32
  }
  func.func @transform_4(%arg0: i32) -> (i32, i32) {
    %c0_i32 = arith.constant 0 : i32
    %c0_i32_0 = arith.constant 0 : i32
    return %arg0, %c0_i32 : i32, i32
  }
  func.func @transform_5(%arg0: i32) -> (i32, i32) {
    %c0_i32 = arith.constant 0 : i32
    %c0_i32_0 = arith.constant 0 : i32
    return %arg0, %c0_i32 : i32, i32
  }
}

module attributes {stable_mosaic.version = 14 : i64} {
  func.func @_tc3_body(%arg0: i32, %arg1: memref<2x1000x16xf32, #tpu.memory_space<vmem>>, %arg2: memref<1000x16xf32, #tpu.memory_space<vmem>>, %arg3: memref<1000x1xf32, #tpu.memory_space<vmem>>, %arg4: memref<1000x16xf32, #tpu.memory_space<vmem>>) attributes {dimension_semantics = [#tpu.dimension_semantics<arbitrary>], iteration_bounds = array<i64: 10>, scalar_prefetch = 0 : i64, scratch_operands = 0 : i64, tpu.core_type = #tpu.core_type<tc>, window_params = [{transform_indices = @transform_0, window_bounds = array<i64: 2, 1000, 16>}, {transform_indices = @transform_1, window_bounds = array<i64: 1000, 16>}, {transform_indices = @transform_2, window_bounds = array<i64: 1000, 1>}, {transform_indices = @transform_3, window_bounds = array<i64: 1000, 16>}]} {
    %get3A = arith.constant 0 : index
    %get3A_0 = arith.constant 0 : index
    %get3A_1 = vector.load %arg3[%get3A, %get3A_0] : memref<1000x1xf32, #tpu.memory_space<vmem>>, vector<1000x1xf32>
    %get3A_2 = arith.constant 0 : index
    %get3A_3 = arith.constant 0 : index
    %get3A_4 = arith.constant 0 : index
    %get3A_5 = vector.load %arg1[%get3A_2, %get3A_3, %get3A_4] : memref<2x1000x16xf32, #tpu.memory_space<vmem>>, vector<1x1000x16xf32>
    %get3A_6 = vector.shape_cast %get3A_5 : vector<1x1000x16xf32> to vector<1000x16xf32>
    %get3A_7 = arith.constant 1 : index
    %get3A_8 = arith.constant 0 : index
    %get3A_9 = arith.constant 0 : index
    %get3A_10 = vector.load %arg1[%get3A_7, %get3A_8, %get3A_9] : memref<2x1000x16xf32, #tpu.memory_space<vmem>>, vector<1x1000x16xf32>
    %get3A_11 = vector.shape_cast %get3A_10 : vector<1x1000x16xf32> to vector<1000x16xf32>
    %add3A = arith.addf %get3A_6, %get3A_11 : vector<1000x16xf32>
    %mul3A = vector.broadcast %get3A_1 : vector<1000x1xf32> to vector<1000x16xf32>
    %mul3A_12 = arith.mulf %mul3A, %add3A : vector<1000x16xf32>
    %get3A_13 = arith.constant 0 : index
    %get3A_14 = arith.constant 0 : index
    %get3A_15 = vector.load %arg2[%get3A_13, %get3A_14] : memref<1000x16xf32, #tpu.memory_space<vmem>>, vector<1000x16xf32>
    %add3A_16 = arith.addf %mul3A_12, %get3A_15 : vector<1000x16xf32>
    %max3A = arith.constant 0.000000e+00 : f32
    %max3A_17 = vector.broadcast %max3A : f32 to vector<1000x16xf32>
    %max3A_18 = arith.maximumf %add3A_16, %max3A_17 : vector<1000x16xf32>
    %swap3A = arith.constant 0 : index
    %swap3A_19 = arith.constant 0 : index
    %swap3A_20 = vector.load %arg4[%swap3A, %swap3A_19] : memref<1000x16xf32, #tpu.memory_space<vmem>>, vector<1000x16xf32>
    tpu.vector_store %arg4[%swap3A, %swap3A_19], %max3A_18 {strides = array<i32>} : memref<1000x16xf32, #tpu.memory_space<vmem>>, vector<1000x16xf32>,
    return
  }
  func.func @transform_0(%arg0: i32) -> (i32, i32, i32) {
    %c0_i32 = arith.constant 0 : i32
    %c0_i32_0 = arith.constant 0 : i32
    %c0_i32_1 = arith.constant 0 : i32
    return %c0_i32, %arg0, %c0_i32_0 : i32, i32, i32
  }
  func.func @transform_1(%arg0: i32) -> (i32, i32) {
    %c0_i32 = arith.constant 0 : i32
    %c0_i32_0 = arith.constant 0 : i32
    return %arg0, %c0_i32 : i32, i32
  }
  func.func @transform_2(%arg0: i32) -> (i32, i32) {
    %c0_i32 = arith.constant 0 : i32
    %c0_i32_0 = arith.constant 0 : i32
    return %arg0, %c0_i32 : i32, i32
  }
  func.func @transform_3(%arg0: i32) -> (i32, i32) {
    %c0_i32 = arith.constant 0 : i32
    %c0_i32_0 = arith.constant 0 : i32
    return %arg0, %c0_i32 : i32, i32
  }
}

</mosaic_0001>

<sc_bundles>
// kernel: kernel.12.cloned.1.call-start
scs
__scs_entry_jumppad:
0x0: {  	(pc) =	sbr.rel $0x88, $3  }
0x1: {  	(tag) =	ssettag $0x0;
	lr =	simm.s32 $0x1  }
0x2: {  	[smem:$0x3F9D] =	sst lr;
	_ =	strace $0xD0000000  }
0x3: {  	_ = 	snop  }
0x4: {  	_ = 	snop  }
0x5: {  	_ = 	snop  }
0x6: {  	_ = 	snop  }
0x7: {  	_ = 	snop  }
__scs_overlays_trampoline_lowered:
0x8: {  	[smem:$0x3FAC] =	sst s0  }
0x9: {  	[smem:$0x3FAD] =	sst s1  }
0xa: {  	[smem:$0x3FAE] =	sst s2  }
0xb: {  	[smem:$0x3FAF] =	sst s3  }
0xc: {  	[smem:$0x3FB0] =	sst s4  }
0xd: {  	[smem:$0x3FB1] =	sst s5  }
0xe: {  	[smem:$0x3FB2] =	sst s6  }
0xf: {  	[smem:$0x3FB3] =	sst s7  }
0x10: {  	[smem:$0x3FB4] =	sst s8  }
0x11: {  	[smem:$0x3FB5] =	sst s9;
	s0 =	simm.s32 @!p0 $0x0  }
0x12: {  	s1 =	sld [smem:$0x3F9B];
	s0 =	simm.s32 @p0 $0x1  }
0x13: {  	[smem:$0x3FB6] =	sst s0;
	s0 =	simm.s32 @!p1 $0x0  }
0x14: {  	s2 =	sld [smem:$0x3F9A];
	s0 =	simm.s32 @p1 $0x1  }
0x15: {  	[smem:$0x3FB7] =	sst s0;
	s0 =	simm.s32 @!p2 $0x0  }
0x16: {  	s3 =	sld [smem:$0x3FDB];
	s0 =	simm.s32 @p2 $0x1  }
0x17: {  	s4 =	simm.s32 $0x1BF5;
	[smem:$0x3FB9] =	sst s0  }
0x18: {  	s0 =	sld [smem:$0x3F9C];
	_ =	swait.ge [sflag:s4], $0x0  }
0x19: {  	s7 =	sld [smem:$0x3F9D]  }
0x1a: {  	s8 =	sadd.s32 $0xFFFFE003, lr  }
0x1b: {  	s9 =	sadd.s32 $0xFFFFFEF7, lr;
	s5 =	simm.s32 $0xFFFFFFFF;
	p2 =	slt.u32 s8, $0xFFFFF086  }
0x1c: {  	p1 =	slt.u32 s9, $0xF7A;
	s5 =	simm.s32 @!p2 $0x0  }
0x1d: {  	s5 =	simm.s32 @p1 $0x1;
	p0 =	seq.s32 s7, s2  }
0x1e: {  	s7 =	smul.u32 @!p0 $0xF7A, s2;
	p2 =	seq.s32 @!p0 s5, $0x0  }
0x1f: {  	s9 =	smul.u32 $0xF7A, s1;
	s8 =	simm.s32 @!p0 $0x1BF5;
	p2 =	por !p2, p0  }
0x20: {  	[sflag:s8] =	ssyncset.s32 @!p0 $0xFFFFF086;
	s6 =	sadd.s32 @!p0 s3, s7;
	s7 =	simm.s32 @!p0 $0x108  }
0x21: {  	s3 =	sadd.s32 s3, s9;
	s6 =	sadd.s32 @!p0 $0x88, s6;
	s7 =	simm.s32 @p2 $0x1082  }
0x22: {  	[simem:s7], [sflag:s8] =	dma.local @!p0 [hbm:s6], $0xF7A  }
0x23: {  	s9 =	sor.u32 $0xD0000000, s2;
	s6 =	simm.s32 $0x108;
	_ =	swait.ge @!p0 [sflag:s8], $0x0  }
0x24: {  	s3 =	sadd.s32 $0x88, s3;
	s6 =	simm.s32 @!p1 $0x1082;
	[sflag:s4] =	ssyncset.s32 $0xFFFFF086  }
0x25: {  	[simem:s6], [sflag:s4] =	dma.local [hbm:s3], $0xF7A  }
0x26: {  	[smem:$0x3F9D] =	sst s1;
	(tag) =	ssettag s2;
	_ =	strace s9  }
0x27: {  	s1 =	sld [smem:$0x3FAD]  }
0x28: {  	s2 =	sld [smem:$0x3FAE]  }
0x29: {  	s4 =	sld [smem:$0x3FB0]  }
0x2a: {  	p0 =	seq.s32 s5, $0x0;
	s5 =	sld [smem:$0x3FB1]  }
0x2b: {  	s6 =	sld [smem:$0x3FB2]  }
0x2c: {  	s7 =	sld [smem:$0x3FB3]  }
0x2d: {  	s3 =	simm.s32 $0x108;
	s8 =	sld [smem:$0x3FB4]  }
0x2e: {  	s3 =	simm.s32 @!p0 $0x1082;
	s9 =	sld [smem:$0x3FB5]  }
0x2f: {  	lr =	sadd.s32 s0, s3;
	s0 =	sld [smem:$0x3FAC]  }
0x30: {  	s3 =	sld [smem:$0x3FAF]  }
0x31: {  	[smem:$0x3FB8] =	sst s10  }
0x32: {  	s10 =	sld [smem:$0x3FB6];
	_ =	sdelay $0x3  }
0x33: {  	p0 =	seq.s32 s10, $0x1;
	s10 =	sld [smem:$0x3FB8];
	_ =	sdelay $0x3  }
0x34: {  	[smem:$0x3FB8] =	sst s10  }
0x35: {  	s10 =	sld [smem:$0x3FB7];
	_ =	sdelay $0x3  }
0x36: {  	p1 =	seq.s32 s10, $0x1;
	s10 =	sld [smem:$0x3FB8];
	_ =	sdelay $0x3  }
0x37: {  	[smem:$0x3FB8] =	sst s10  }
0x38: {  	s10 =	sld [smem:$0x3FB9]  }
0x39: {  	_ = 	snop;
	(pc) =	sbr.ind lr, $3  }
0x3a: {  	_ = 	snop  }
0x3b: {  	_ = 	snop  }
0x3c: {  	p2 =	seq.s32 s10, $0x1;
	s10 =	sld [smem:$0x3FB8]  }
0x3d: {  	_ =	shalt  }
0x3e: {  	_ =	shalt  }
0x3f: {  	_ =	shalt  }
0x40: {  	_ =	shalt  }
0x41: {  	_ =	shalt  }
0x42: {  	_ =	shalt  }
0x43: {  	_ =	shalt  }
0x44: {  	_ =	shalt  }
0x45: {  	_ =	shalt  }
0x46: {  	_ =	shalt  }
0x47: {  	_ =	shalt  }
0x48: {  	_ =	shalt  }
0x49: {  	_ =	shalt  }
0x4a: {  	_ =	shalt  }
0x4b: {  	_ =	shalt  }
0x4c: {  	_ =	shalt  }
0x4d: {  	_ =	shalt  }
0x4e: {  	_ =	shalt  }
0x4f: {  	_ =	shalt  }
0x50: {  	_ =	shalt  }
0x51: {  	_ =	shalt  }
0x52: {  	_ =	shalt  }
0x53: {  	_ =	shalt  }
0x54: {  	_ =	shalt  }
0x55: {  	_ =	shalt  }
0x56: {  	_ =	shalt  }
0x57: {  	_ =	shalt  }
0x58: {  	_ =	shalt  }
0x59: {  	_ =	shalt  }
0x5a: {  	_ =	shalt  }
0x5b: {  	_ =	shalt  }
0x5c: {  	_ =	shalt  }
0x5d: {  	_ =	shalt  }
0x5e: {  	_ =	shalt  }
0x5f: {  	_ =	shalt  }
0x60: {  	_ =	shalt  }
0x61: {  	_ =	shalt  }
0x62: {  	_ =	shalt  }
0x63: {  	_ =	shalt  }
0x64: {  	_ =	shalt  }
0x65: {  	_ =	shalt  }
0x66: {  	_ =	shalt  }
0x67: {  	_ =	shalt  }
0x68: {  	_ =	shalt  }
0x69: {  	_ =	shalt  }
0x6a: {  	_ =	shalt  }
0x6b: {  	_ =	shalt  }
0x6c: {  	_ =	shalt  }
0x6d: {  	_ =	shalt  }
0x6e: {  	_ =	shalt  }
0x6f: {  	_ =	shalt  }
0x70: {  	_ =	shalt  }
0x71: {  	_ =	shalt  }
0x72: {  	_ =	shalt  }
0x73: {  	_ =	shalt  }
0x74: {  	_ =	shalt  }
0x75: {  	_ =	shalt  }
0x76: {  	_ =	shalt  }
0x77: {  	_ =	shalt  }
0x78: {  	_ =	shalt  }
0x79: {  	_ =	shalt  }
0x7a: {  	_ =	shalt  }
0x7b: {  	_ =	shalt  }
0x7c: {  	_ =	shalt  }
0x7d: {  	_ =	shalt  }
0x7e: {  	_ =	shalt  }
0x7f: {  	_ =	shalt  }
0x80: {  	_ =	shalt  }
0x81: {  	_ =	shalt  }
0x82: {  	_ =	shalt  }
0x83: {  	_ =	shalt  }
0x84: {  	_ =	shalt  }
0x85: {  	_ =	shalt  }
0x86: {  	_ =	shalt  }
0x87: {  	_ =	shalt  }
.Lfunc_end0:
.L_simem_size_0:
called_computation.1_lowered:
.L_overlay_start_0:
0x88: {  	s2 =	sld [smem:$0x3FD9]  }
0x89: {  	s3 =	sld [smem:$0x3FFE];
	_ =	sdelay $0x1  }
0x8a: {  	s1 =	srdreg.scid  }
0x8b: {  	s0 =	sand.u32 $0x1, s1  }
0x8c: {  	s16 =	sshll.u32 s0, $0xA;
	s2 =	sadd.s32 s3, s2  }
0x8d: {  	s2 =	sadd.s32 s2, s16  }
0x8e: {  	[smem:$0x3FC4] =	sst s2  }
0x8f: {  	_ = 	snop  }
0x90: {  	(tm) =	ssettm $0x1  }
0x91: {  	s17 =	sld [smem:$0x3FFB];
	_ =	sdelay $0x3  }
0x92: {  	_ =	strace s17  }
0x93: {  	s2 =	sld [smem:$0x3FFC];
	_ =	sdelay $0x3  }
0x94: {  	_ =	strace s2  }
0x95: {  	s2 =	sld [smem:$0x3FFD];
	_ =	sdelay $0x3  }
0x96: {  	_ =	strace s2  }
0x97: {  	_ =	strace $0x8FFFFFFF  }
0x98: {  	s18 =	sld [smem:$0x3FDB];
	_ =	sdelay $0x1  }
0x99: {  	s19 =	simm.s32 $_scs_section_size  }
0x9a: {  	s4 =	simm.s32 $_size__tile_overlayer_lowered;
	s5 =	simm.s32 $_tile_overlayer_lowered  }
0x9b: {  	s22 =	simm.s32 $0x1BFF;
	s21 =	sshll.u32 s5, $0x1;
	s2 =	sadd.s32 s19, s18  }
0x9c: {  	s6 =	simm.s32 $0x0;
	s20 =	sshll.u32 s4, $0x1;
	s4 =	sadd.s32 s21, s2  }
0x9d: {  	[timem:s6], [sflag:s22] =	dma.local [hbm:s4], s20  }
0x9e: {  	_ =	swait.ge [sflag:s22], s20  }
0x9f: {  	s3 =	ssub.s32 $0x0, s20;
	[sflag:s22] =	ssyncset.done $0x0  }
0xa0: {  	[sflag:s22] =	ssyncadd.s32 s3;
	_ =	sdelay $0x1  }
0xa1: {  	s23 =	simm.s32 $0x1B8B  }
0xa2: {  	_ =	swait.ge [sflag:s23], $0x1  }
0xa3: {  	[sflag:s23] =	ssyncset.done $0x0  }
0xa4: {  	s25 =	simm.s32 $0x1B8E;
	s24 =	sld [smem:$0x3FFE];
	[sflag:s23] =	ssyncadd.s32 $0xFFFFFFFF  }
0xa5: {  	s26 =	simm.s32 $execute0_lowered;
	[smem:$0x3FD2] =	sst s25  }
0xa6: {  	s4 =	sshll.u32 s26, $0x1;
	_ =	strace $0x80000049;
	[dreg:$0x1] =	wrdreg $0xFFFFFFFF  }
0xa7: {  	s28 =	simm.s32 $_size_execute0_lowered;
	s2 =	sadd.s32 s2, s4;
	[dreg:$0x0] =	wrdreg $0x0  }
0xa8: {  	s4 =	sshll.u32 s28, $0x1;
	[dreg:$0x2] =	wrdreg s2  }
0xa9: {  	[dreg:$0x3] =	wrdreg s4  }
0xaa: {  	[dreg:$0x4] =	wrdreg $0xC0  }
0xab: {  	_ =	task [dreg:s6], $0x5FFFF  }
0xac: {  	[dreg:$0x1] =	wrdreg $0xFFFFFFFF  }
0xad: {  	[dreg:$0x0] =	wrdreg $0x60  }
0xae: {  	[dreg:$0x2] =	wrdreg s24  }
0xaf: {  	[dreg:$0x3] =	wrdreg $0xB0000  }
0xb0: {  	[dreg:$0x4] =	wrdreg $0x9  }
0xb1: {  	_ =	task.clear_ibuf [dreg:s6], $0x5FFFF;
	_ =	strace $0x90000049  }
0xb2: {  	s29 =	simm.s32 $0x9;
	_ =	strace $0x8000004B  }
0xb3: {  	_ =	swait.ge [sflag:s29], $0x1  }
0xb4: {  	[sflag:s29] =	ssyncadd.s32 $0xFFFFFFFF  }
0xb5: {  	_ =	strace $0x9000004B  }
0xb6: {  	_ =	sfence  }
0xb7: {  	s30 =	sld [smem:$0x0];
	_ =	sdelay $0x2  }
0xb8: {  	s31 =	sshll.u32 s1, $0xD;
	s1 =	sshrl.u32 s1, $0x2  }
0xb9: {  	s3 =	sand.u32 $0x4000, s31;
	s1 =	sadd.s32 s1, s30  }
0xba: {  	s0 =	sor.u32 s3, s0;
	s1 =	sshll.u32 s1, $0x11  }
0xbb: {  	s0 =	sor.u32 s1, s0  }
0xbc: {  	s0 =	sadd.s32 $0x8F2B, s0  }
0xbd: {  	[sflag:s0] =	ssyncadd.remote.s32 $0x1  }
0xbe: {  	_ =	sfence.sel $0xFFFF  }
0xbf: {  	[dreg:$0x0] =	wrdreg $0xFFFFFFFF;
	(pc) =	sbr.abs _section_cstart, $3  }
0xc0: {  	[dreg:$0x1] =	wrdreg $0xFFFFFFFF  }
0xc1: {  	_ =	task.clear_ibuf [dreg:s6], $0x2FFFF;
	_ =	strace $0x9FFFFFFF  }
0xc2: {  	(tm) =	ssettm $0x7FFFFFFF  }
0xc3: {  	_ =	shalt  }
tec
execute0_lowered:
.L_overlay_start_1:
0x0: {  	(tag) =	ssettag $0x1  }
0x1: {  	s1 =	rddreg [dreg:$0x0]  }
0x2: {  	s0 =	srdreg.scid;
	s14 =	stileid.u32  }
0x3: {  	s2 =	rddreg [dreg:$0x1];
	s3 =	simm.s32 $0x0;
	s23 =	simm.s32 $0x2880  }
0x4: {  	s24 =	simm.s32 $0x2900;
	s26 =	simm.s32 $0x2980;
	s29 =	simm.s32 $0x2A00  }
0x5: {  	s28 =	simm.s32 $0x7;
	s30 =	simm.s32 $0x2C00;
	[smem:$0x7FF] =	sst s3  }
0x6: {  	s31 =	simm.s32 $0x80;
	_ =	strace $0x8000004A;
	[dreg:$0x3] =	wrdreg s23  }
0x7: {  	s0 =	sand.u32 $0x1, s0;
	s8 =	smul.u32 $0x50000, s14;
	[dreg:$0x4] =	wrdreg s24  }
0x8: {  	s4 =	sshll.u32 s14, $0x1;
	s15 =	smul.u32 $0x14000, s14;
	[dreg:$0x5] =	wrdreg s26  }
0x9: {  	s4 =	sor.u32 s0, s4;
	s6 =	ssub.s32 $0x2, s0;
	[dreg:$0x6] =	wrdreg s29  }
0xa: {  	s23 =	simm.s32 $0x2E80;
	s24 =	simm.s32 $0x2F00;
	s26 =	simm.s32 $0x2F80  }
0xb: {  	s5 =	smul.u32 $0x2800, s4;
	s10 =	sshrl.u32 s6, $0x1;
	[dreg:$0xe] =	wrdreg s23  }
0xc: {  	s12 =	sshrl.u32 s8, $0x2;
	[dreg:$0xf] =	wrdreg s24;
	s10 =	ssub.s32 s6, s10  }
0xd: {  	[dreg:$0x10] =	wrdreg s26;
	s6 =	sadd.s32 s12, s2;
	s16 =	smax.u32 s10, $0x1  }
0xe: {  	s7 =	sshrl.u32 s5, $0x3;
	s17 =	sadd.s32 $0x4000, s6;
	[dreg:$0x14] =	wrdreg s16  }
0xf: {  	s5 =	sadd.s32 $0x1800, s1;
	s18 =	sadd.s32 $0x8000, s6;
	[dreg:$0x15] =	wrdreg s17  }
0x10: {  	s4 =	sadd.s32 $0x15800, s1;
	s13 =	sadd.s32 s5, s7;
	[dreg:$0x16] =	wrdreg s18  }
0x11: {  	s11 =	sadd.s32 $0x8000, s15;
	s16 =	simm.s32 $0x2B80;
	[dreg:$0x11] =	wrdreg s13  }
0x12: {  	s26 =	simm.s32 $0x3000;
	s17 =	simm.s32 $0x2C80;
	[dreg:$0x9] =	wrdreg s16  }
0x13: {  	s9 =	sadd.s32 s7, s1;
	s18 =	simm.s32 $0x2D00;
	[dreg:$0xa] =	wrdreg s17  }
0x14: {  	s10 =	sadd.s32 $0x4000, s15;
	s9 =	sadd.s32 $0xB800, s9;
	[dreg:$0xb] =	wrdreg s18  }
0x15: {  	s7 =	smul.u32 $0x140000, s0;
	s8 =	sadd.s32 $0x80, s13;
	[dreg:$0x12] =	wrdreg s9  }
0x16: {  	s1 =	sadd.s32 $0x63C00, s1;
	s0 =	smul.u32 $0x2800, s0;
	[dreg:$0x13] =	wrdreg s8  }
0x17: {  	s19 =	sadd.s32 s7, s15;
	s12 =	sadd.s32 s7, s10;
	s13 =	sadd.s32 s7, s11  }
0x18: {  	s8 =	sadd.s32 $0x10000, s15;
	s9 =	sshrl.u32 s19, $0x3;
	s20 =	sshrl.u32 s12, $0x3  }
0x19: {  	s21 =	sshrl.u32 s13, $0x3;
	s12 =	sadd.s32 $0xC000, s15;
	s15 =	simm.s32 $0x2B00  }
0x1a: {  	s19 =	smul.u32 $0x5000, s14;
	s23 =	sadd.s32 s8, s2;
	s9 =	sadd.s32 s1, s9  }
0x1b: {  	s22 =	sadd.s32 s1, s21;
	s25 =	sadd.s32 s7, s12;
	[dreg:$0x8] =	wrdreg s15  }
0x1c: {  	s7 =	sadd.s32 s7, s8;
	s21 =	simm.s32 $0x2E00;
	[dreg:$0x17] =	wrdreg s9  }
0x1d: {  	s8 =	simm.s32 $0x3;
	s9 =	sadd.s32 s1, s20;
	[dreg:$0x19] =	wrdreg s22  }
0x1e: {  	s13 =	sshrl.u32 s25, $0x3;
	s7 =	sshrl.u32 s7, $0x3;
	[dreg:$0xd] =	wrdreg s21  }
0x1f: {  	s20 =	simm.s32 $0x2D80;
	s22 =	sadd.s32 $0xC000, s6;
	[dreg:$0x18] =	wrdreg s9  }
0x20: {  	s0 =	sadd.s32 s0, s19;
	s25 =	sadd.s32 $0x10000, s6;
	[dreg:$0xc] =	wrdreg s20  }
0x21: {  	s21 =	sadd.s32 s11, s2;
	s11 =	simm.s32 $0x6;
	[dreg:$0x1c] =	wrdreg s22  }
0x22: {  	s13 =	sadd.s32 s1, s13;
	s1 =	sadd.s32 s1, s7;
	[dreg:$0x1d] =	wrdreg s25  }
0x23: {  	s20 =	sadd.s32 s10, s2;
	s29 =	sor.u32 $0x400, s0;
	s22 =	sadd.s32 s12, s2  }
0x24: {  	s14 =	sadd.s32 $0x800, s0;
	s0 =	simm.s32 $0x1;
	s9 =	simm.s32 $0x2  }
0x25: {  	s10 =	simm.s32 $0x4;
	s12 =	simm.s32 $0x0;
	[dreg:$0x1a] =	wrdreg s13  }
0x26: {  	s13 =	simm.s32 $0x2A80;
	[dreg:$0x1b] =	wrdreg s1;
	s1 =	sshrl.u32 s29, $0x3  }
0x27: {  	v0 =	vimm.f32 $0.0e+00;
	[dreg:$0x7] =	wrdreg s13;
	s25 =	sadd.s32 s1, s5;
	s1 =	simm.s32 $0x7000  }
.LBB2_1:
0x28: {  	s7 =	simm.s32 $0x0;
	s13 =	simm.s32 $0x200  }
.LBB2_2:
0x29: {  	p0 =	sne.s32 s13, $0xFE00;
	[tilespmem:s7+$0x3070] =	vst v0  }
0x2a: {  	[tilespmem:s7+$0x3000] =	vst v0  }
0x2b: {  	[tilespmem:s7+$0x3010] =	vst v0  }
.Ltmp0:
0x2c: {  	[tilespmem:s7+$0x3020] =	vst v0;
	(pc) =	sbr.rel @p0 .LBB2_2-.Ltmp0, $4  }
0x2d: {  	[tilespmem:s7+$0x3030] =	vst v0  }
0x2e: {  	[tilespmem:s7+$0x3040] =	vst v0  }
0x2f: {  	[tilespmem:s7+$0x3050] =	vst v0  }
0x30: {  	[tilespmem:s7+$0x3060] =	vst v0;
	s7 =	sshra.s32 s13, $0x2;
	s13 =	sadd.s32 $0x200, s13  }
0x31: {  	[tilespmem:s7+$0x3070] =	vst v0  }
0x32: {  	[tilespmem:s7+$0x3000] =	vst v0  }
0x33: {  	[tilespmem:s7+$0x3010] =	vst v0  }
0x34: {  	[tilespmem:s7+$0x3020] =	vst v0  }
0x35: {  	[tilespmem:s7+$0x3030] =	vst v0  }
0x36: {  	[tilespmem:s7+$0x3040] =	vst v0  }
0x37: {  	[tilespmem:s7+$0x3050] =	vst v0  }
0x38: {  	[tilespmem:s7+$0x3060] =	vst v0  }
0x39: {  	[spmem:s6] =	stream.linear.scatter [tilespmem:s26], [sflag:$0x7], $0x4000, $0x38;
	[tilespmem:$0x1F000] =	vst v63  }
0x3a: {  	_ =	swait.ge [sflag:s28], $0x4000  }
0x3b: {  	[sflag:s28] =	ssyncset.done $0x0  }
0x3c: {  	s15 =	rddreg [dreg:$0x15];
	[sflag:s28] =	ssyncadd.s32 $0xFFFFC000  }
0x3d: {  	[spmem:s15] =	stream.linear.scatter [tilespmem:s26], [sflag:$0x7], $0x4000, $0x38;
	[tilespmem:$0x1F000] =	vst v63  }
0x3e: {  	_ =	swait.ge [sflag:s28], $0x4000  }
0x3f: {  	[sflag:s28] =	ssyncset.done $0x0  }
0x40: {  	s16 =	rddreg [dreg:$0x16];
	[sflag:s28] =	ssyncadd.s32 $0xFFFFC000  }
0x41: {  	[spmem:s16] =	stream.linear.scatter [tilespmem:s26], [sflag:$0x7], $0x4000, $0x38;
	[tilespmem:$0x1F000] =	vst v63  }
0x42: {  	_ =	swait.ge [sflag:s28], $0x4000  }
0x43: {  	[sflag:s28] =	ssyncset.done $0x0  }
0x44: {  	s17 =	rddreg [dreg:$0x1c];
	[sflag:s28] =	ssyncadd.s32 $0xFFFFC000  }
0x45: {  	[spmem:s17] =	stream.linear.scatter [tilespmem:s26], [sflag:$0x7], $0x4000, $0x38;
	[tilespmem:$0x1F000] =	vst v63  }
0x46: {  	_ =	swait.ge [sflag:s28], $0x4000  }
0x47: {  	[sflag:s28] =	ssyncset.done $0x0  }
0x48: {  	s18 =	rddreg [dreg:$0x1d];
	[sflag:s28] =	ssyncadd.s32 $0xFFFFC000  }
0x49: {  	[spmem:s18] =	stream.linear.scatter [tilespmem:s26], [sflag:$0x7], $0x4000, $0x38;
	[tilespmem:$0x1F000] =	vst v63  }
0x4a: {  	_ =	swait.ge [sflag:s28], $0x4000  }
0x4b: {  	[sflag:s28] =	ssyncset.done $0x0  }
0x4c: {  	[sflag:s28] =	ssyncadd.s32 $0xFFFFC000  }
0x4d: {  	[bflag:$0x0] =	sbarrier.arrive $0xFFFF  }
0x4e: {  	s19 =	simm.s32 $0x0;
	s13 =	rddreg [dreg:$0x12]  }
0x4f: {  	[tilespmem:s19], [sflag:$0x7] =	stream.linear.gather [hbm4b:s13+s19], $0x2800, $0x38;
	[tilespmem:$0x1F000] =	vst v63  }
0x50: {  	_ =	swait.ge [sflag:s28], $0x2800  }
0x51: {  	[sflag:s28] =	ssyncset.done $0x0  }
0x52: {  	s15 =	simm.s32 $0x2800;
	s24 =	rddreg [dreg:$0x11];
	[sflag:s28] =	ssyncadd.s32 $0xFFFFD800  }
0x53: {  	[tilespmem:s15], [sflag:$0x7] =	stream.linear.gather [hbm4b:s24+s19], $0x400, $0x38;
	[tilespmem:$0x1F000] =	vst v63  }
0x54: {  	_ =	swait.ge [sflag:s28], $0x400  }
0x55: {  	[sflag:s28] =	ssyncset.done $0x0  }
0x56: {  	s29 =	rddreg [dreg:$0x13];
	[sflag:s28] =	ssyncadd.s32 $0xFFFFFC00  }
0x57: {  	[tilespmem:s30], [sflag:$0x6] =	stream.linear.gather [hbm4b:s29+s19], $0x400, $0x38;
	[tilespmem:$0x1F000] =	vst v63  }
0x58: {  	p0 =	por $0x1, $0x1  }
0x59: {  	[tilespmem:s26], [sflag:$0x1] =	stream.indirect.gather [hbm4b:s4+s31], $0x80, s15, s31, $0xb8;
	[tilespmem:$0x1F000] =	vst v63  }
0x5a: {  	s7 =	simm.s32 @!p0 $0x4;
	s13 =	simm.s32 @!p0 $0x0;
	s15 =	simm.s32 @!p0 $0x2C00  }
0x5b: {  	[tilespmem:s15], [sflag:$0x6] =	stream.linear.gather @!p0 [hbm4b:s25+s13], $0x400, $0x38;
	[tilespmem:$0x1F000] =	vst v63  }
0x5c: {  	_ =	swait.ge @!p0 [sflag:s7], $0x4000  }
0x5d: {  	[sflag:s7] =	ssyncset.done @!p0 $0x0  }
0x5e: {  	s15 =	rddreg [dreg:$0x3];
	[sflag:s7] =	ssyncadd.s32 @!p0 $0xFFFFC000  }
0x5f: {  	[tilespmem:s1], [sflag:$0x2] =	stream.indirect.gather [hbm4b:s4+s31], $0x80, s15, s31, $0xb8;
	[tilespmem:$0x1F000] =	vst v63  }
0x60: {  	_ =	swait.ge [sflag:s0], $0x4000  }
0x61: {  	[sflag:s0] =	ssyncset.done $0x0  }
0x62: {  	s16 =	simm.s32 $0x0;
	[sflag:s0] =	ssyncadd.s32 $0xFFFFC000  }
0x63: {  	[spmem:s2] =	stream.indirect.scatter.add.f32 [tilespmem:s26], [sflag:$0x3], $0x80, s16, s31, $0xb8;
	[tilespmem:$0x1F000] =	vst v63  }
0x64: {  	_ =	swait.ge [sflag:s8], $0x4000  }
0x65: {  	[sflag:s8] =	ssyncset.done $0x0  }
0x66: {  	s17 =	rddreg [dreg:$0x4];
	[sflag:s8] =	ssyncadd.s32 $0xFFFFC000  }
0x67: {  	[tilespmem:s26], [sflag:$0x1] =	stream.indirect.gather [hbm4b:s4+s31], $0x80, s17, s31, $0xb8;
	[tilespmem:$0x1F000] =	vst v63  }
0x68: {  	_ =	swait.ge [sflag:s9], $0x4000  }
0x69: {  	[sflag:s9] =	ssyncset.done $0x0  }
0x6a: {  	s18 =	simm.s32 $0x80;
	[sflag:s9] =	ssyncadd.s32 $0xFFFFC000  }
0x6b: {  	[spmem:s2] =	stream.indirect.scatter.add.f32 [tilespmem:s1], [sflag:$0x4], $0x80, s18, s31, $0xb8;
	[tilespmem:$0x1F000] =	vst v63  }
0x6c: {  	_ =	swait.ge [sflag:s10], $0x4000  }
0x6d: {  	[sflag:s10] =	ssyncset.done $0x0  }
0x6e: {  	s19 =	rddreg [dreg:$0x5];
	[sflag:s10] =	ssyncadd.s32 $0xFFFFC000  }
0x6f: {  	[tilespmem:s1], [sflag:$0x2] =	stream.indirect.gather [hbm4b:s4+s31], $0x80, s19, s31, $0xb8;
	[tilespmem:$0x1F000] =	vst v63  }
0x70: {  	_ =	swait.ge [sflag:s0], $0x4000  }
0x71: {  	[sflag:s0] =	ssyncset.done $0x0  }
0x72: {  	s24 =	simm.s32 $0x100;
	[sflag:s0] =	ssyncadd.s32 $0xFFFFC000  }
0x73: {  	[spmem:s2] =	stream.indirect.scatter.add.f32 [tilespmem:s26], [sflag:$0x3], $0x80, s24, s31, $0xb8;
	[tilespmem:$0x1F000] =	vst v63  }
0x74: {  	_ =	swait.ge [sflag:s8], $0x4000  }
0x75: {  	[sflag:s8] =	ssyncset.done $0x0  }
0x76: {  	s29 =	rddreg [dreg:$0x6];
	[sflag:s8] =	ssyncadd.s32 $0xFFFFC000  }
0x77: {  	[tilespmem:s26], [sflag:$0x1] =	stream.indirect.gather [hbm4b:s4+s31], $0x80, s29, s31, $0xb8;
	[tilespmem:$0x1F000] =	vst v63  }
0x78: {  	_ =	swait.ge [sflag:s9], $0x4000  }
0x79: {  	[sflag:s9] =	ssyncset.done $0x0  }
0x7a: {  	s13 =	simm.s32 $0x180;
	[sflag:s9] =	ssyncadd.s32 $0xFFFFC000  }
0x7b: {  	[spmem:s2] =	stream.indirect.scatter.add.f32 [tilespmem:s1], [sflag:$0x4], $0x80, s13, s31, $0xb8;
	[tilespmem:$0x1F000] =	vst v63  }
0x7c: {  	_ =	swait.ge [sflag:s10], $0x4000  }
0x7d: {  	[sflag:s10] =	ssyncset.done $0x0  }
0x7e: {  	s15 =	rddreg [dreg:$0x7];
	[sflag:s10] =	ssyncadd.s32 $0xFFFFC000  }
0x7f: {  	[tilespmem:s1], [sflag:$0x2] =	stream.indirect.gather [hbm4b:s4+s31], $0x80, s15, s31, $0xb8;
	[tilespmem:$0x1F000] =	vst v63  }
0x80: {  	_ =	swait.ge [sflag:s0], $0x4000  }
0x81: {  	[sflag:s0] =	ssyncset.done $0x0  }
0x82: {  	s16 =	simm.s32 $0x200;
	[sflag:s0] =	ssyncadd.s32 $0xFFFFC000  }
0x83: {  	[spmem:s2] =	stream.indirect.scatter.add.f32 [tilespmem:s26], [sflag:$0x3], $0x80, s16, s31, $0xb8;
	[tilespmem:$0x1F000] =	vst v63  }
0x84: {  	_ =	swait.ge [sflag:s8], $0x4000  }
0x85: {  	[sflag:s8] =	ssyncset.done $0x0  }
0x86: {  	s17 =	rddreg [dreg:$0x8];
	[sflag:s8] =	ssyncadd.s32 $0xFFFFC000  }
0x87: {  	[tilespmem:s26], [sflag:$0x1] =	stream.indirect.gather [hbm4b:s4+s31], $0x80, s17, s31, $0xb8;
	[tilespmem:$0x1F000] =	vst v63  }
0x88: {  	_ =	swait.ge [sflag:s9], $0x4000  }
0x89: {  	[sflag:s9] =	ssyncset.done $0x0  }
0x8a: {  	s18 =	simm.s32 $0x280;
	[sflag:s9] =	ssyncadd.s32 $0xFFFFC000  }
0x8b: {  	[spmem:s2] =	stream.indirect.scatter.add.f32 [tilespmem:s1], [sflag:$0x4], $0x80, s18, s31, $0xb8;
	[tilespmem:$0x1F000] =	vst v63  }
0x8c: {  	_ =	swait.ge [sflag:s10], $0x4000  }
0x8d: {  	[sflag:s10] =	ssyncset.done $0x0  }
0x8e: {  	s19 =	rddreg [dreg:$0x9];
	[sflag:s10] =	ssyncadd.s32 $0xFFFFC000  }
0x8f: {  	[tilespmem:s1], [sflag:$0x2] =	stream.indirect.gather [hbm4b:s4+s31], $0x80, s19, s31, $0xb8;
	[tilespmem:$0x1F000] =	vst v63  }
0x90: {  	_ =	swait.ge [sflag:s0], $0x4000  }
0x91: {  	[sflag:s0] =	ssyncset.done $0x0  }
0x92: {  	s24 =	simm.s32 $0x300;
	[sflag:s0] =	ssyncadd.s32 $0xFFFFC000  }
0x93: {  	[spmem:s2] =	stream.indirect.scatter.add.f32 [tilespmem:s26], [sflag:$0x3], $0x80, s24, s31, $0xb8;
	[tilespmem:$0x1F000] =	vst v63  }
0x94: {  	_ =	swait.ge [sflag:s8], $0x4000  }
0x95: {  	[sflag:s8] =	ssyncset.done $0x0  }
0x96: {  	[sflag:s8] =	ssyncadd.s32 $0xFFFFC000  }
0x97: {  	_ =	swait.ge [sflag:s11], $0x400  }
0x98: {  	[sflag:s11] =	ssyncset.done $0x0  }
0x99: {  	[sflag:s11] =	ssyncadd.s32 $0xFFFFFC00  }
0x9a: {  	[tilespmem:s26], [sflag:$0x1] =	stream.indirect.gather [hbm4b:s4+s31], $0x80, s30, s31, $0xb8;
	[tilespmem:$0x1F000] =	vst v63  }
0x9b: {  	_ =	swait.ge [sflag:s9], $0x4000  }
0x9c: {  	p0 =	por $0x0, $0x0;
	[sflag:s9] =	ssyncset.done $0x0  }
0x9d: {  	s29 =	simm.s32 $0x380;
	s13 =	sshrl.u32 @!p0 s14, $0x3;
	[sflag:s9] =	ssyncadd.s32 $0xFFFFC000  }
0x9e: {  	[spmem:s2] =	stream.indirect.scatter.add.f32 [tilespmem:s1], [sflag:$0x4], $0x80, s29, s31, $0xb8;
	[tilespmem:$0x1F000] =	vst v63  }
0x9f: {  	s7 =	simm.s32 @!p0 $0x2800;
	s13 =	sadd.s32 @!p0 s5, s13;
	s15 =	simm.s32 @!p0 $0x0  }
0xa0: {  	[tilespmem:s7], [sflag:$0x5] =	stream.linear.gather @!p0 [hbm4b:s13+s15], $0x400, $0x38;
	[tilespmem:$0x1F000] =	vst v63  }
0xa1: {  	_ =	swait.ge [sflag:s10], $0x4000  }
0xa2: {  	[sflag:s10] =	ssyncset.done $0x0  }
0xa3: {  	s15 =	rddreg [dreg:$0xa];
	[sflag:s10] =	ssyncadd.s32 $0xFFFFC000  }
0xa4: {  	[tilespmem:s1], [sflag:$0x2] =	stream.indirect.gather [hbm4b:s4+s31], $0x80, s15, s31, $0xb8;
	[tilespmem:$0x1F000] =	vst v63  }
0xa5: {  	_ =	swait.ge [sflag:s0], $0x4000  }
0xa6: {  	[sflag:s0] =	ssyncset.done $0x0  }
0xa7: {  	s16 =	simm.s32 $0x400;
	[sflag:s0] =	ssyncadd.s32 $0xFFFFC000  }
0xa8: {  	[spmem:s2] =	stream.indirect.scatter.add.f32 [tilespmem:s26], [sflag:$0x3], $0x80, s16, s31, $0xb8;
	[tilespmem:$0x1F000] =	vst v63  }
0xa9: {  	_ =	swait.ge [sflag:s8], $0x4000  }
0xaa: {  	[sflag:s8] =	ssyncset.done $0x0  }
0xab: {  	s17 =	rddreg [dreg:$0xb];
	[sflag:s8] =	ssyncadd.s32 $0xFFFFC000  }
0xac: {  	[tilespmem:s26], [sflag:$0x1] =	stream.indirect.gather [hbm4b:s4+s31], $0x80, s17, s31, $0xb8;
	[tilespmem:$0x1F000] =	vst v63  }
0xad: {  	_ =	swait.ge [sflag:s9], $0x4000  }
0xae: {  	[sflag:s9] =	ssyncset.done $0x0  }
0xaf: {  	s18 =	simm.s32 $0x480;
	[sflag:s9] =	ssyncadd.s32 $0xFFFFC000  }
0xb0: {  	[spmem:s2] =	stream.indirect.scatter.add.f32 [tilespmem:s1], [sflag:$0x4], $0x80, s18, s31, $0xb8;
	[tilespmem:$0x1F000] =	vst v63  }
0xb1: {  	_ =	swait.ge [sflag:s10], $0x4000  }
0xb2: {  	[sflag:s10] =	ssyncset.done $0x0  }
0xb3: {  	s19 =	rddreg [dreg:$0xc];
	[sflag:s10] =	ssyncadd.s32 $0xFFFFC000  }
0xb4: {  	[tilespmem:s1], [sflag:$0x2] =	stream.indirect.gather [hbm4b:s4+s31], $0x80, s19, s31, $0xb8;
	[tilespmem:$0x1F000] =	vst v63  }
0xb5: {  	_ =	swait.ge [sflag:s0], $0x4000  }
0xb6: {  	[sflag:s0] =	ssyncset.done $0x0  }
0xb7: {  	s24 =	simm.s32 $0x500;
	[sflag:s0] =	ssyncadd.s32 $0xFFFFC000  }
0xb8: {  	[spmem:s2] =	stream.indirect.scatter.add.f32 [tilespmem:s26], [sflag:$0x3], $0x80, s24, s31, $0xb8;
	[tilespmem:$0x1F000] =	vst v63  }
0xb9: {  	_ =	swait.ge [sflag:s8], $0x4000  }
0xba: {  	[sflag:s8] =	ssyncset.done $0x0  }
0xbb: {  	s29 =	rddreg [dreg:$0xd];
	[sflag:s8] =	ssyncadd.s32 $0xFFFFC000  }
0xbc: {  	[tilespmem:s26], [sflag:$0x1] =	stream.indirect.gather [hbm4b:s4+s31], $0x80, s29, s31, $0xb8;
	[tilespmem:$0x1F000] =	vst v63  }
0xbd: {  	_ =	swait.ge [sflag:s9], $0x4000  }
0xbe: {  	[sflag:s9] =	ssyncset.done $0x0  }
0xbf: {  	s15 =	simm.s32 $0x580;
	[sflag:s9] =	ssyncadd.s32 $0xFFFFC000  }
0xc0: {  	[spmem:s2] =	stream.indirect.scatter.add.f32 [tilespmem:s1], [sflag:$0x4], $0x80, s15, s31, $0xb8;
	[tilespmem:$0x1F000] =	vst v63  }
0xc1: {  	_ =	swait.ge [sflag:s10], $0x4000  }
0xc2: {  	[sflag:s10] =	ssyncset.done $0x0  }
0xc3: {  	s16 =	rddreg [dreg:$0xe];
	[sflag:s10] =	ssyncadd.s32 $0xFFFFC000  }
0xc4: {  	[tilespmem:s1], [sflag:$0x2] =	stream.indirect.gather [hbm4b:s4+s31], $0x80, s16, s31, $0xb8;
	[tilespmem:$0x1F000] =	vst v63  }
0xc5: {  	_ =	swait.ge [sflag:s0], $0x4000  }
0xc6: {  	[sflag:s0] =	ssyncset.done $0x0  }
0xc7: {  	s17 =	simm.s32 $0x600;
	[sflag:s0] =	ssyncadd.s32 $0xFFFFC000  }
0xc8: {  	[spmem:s2] =	stream.indirect.scatter.add.f32 [tilespmem:s26], [sflag:$0x3], $0x80, s17, s31, $0xb8;
	[tilespmem:$0x1F000] =	vst v63  }
0xc9: {  	_ =	swait.ge [sflag:s8], $0x4000  }
0xca: {  	[sflag:s8] =	ssyncset.done $0x0  }
0xcb: {  	s18 =	rddreg [dreg:$0xf];
	[sflag:s8] =	ssyncadd.s32 $0xFFFFC000  }
0xcc: {  	[tilespmem:s26], [sflag:$0x1] =	stream.indirect.gather [hbm4b:s4+s31], $0x80, s18, s31, $0xb8;
	[tilespmem:$0x1F000] =	vst v63  }
0xcd: {  	_ =	swait.ge [sflag:s9], $0x4000  }
0xce: {  	[sflag:s9] =	ssyncset.done $0x0  }
0xcf: {  	s19 =	simm.s32 $0x680;
	[sflag:s9] =	ssyncadd.s32 $0xFFFFC000  }
0xd0: {  	[spmem:s2] =	stream.indirect.scatter.add.f32 [tilespmem:s1], [sflag:$0x4], $0x80, s19, s31, $0xb8;
	[tilespmem:$0x1F000] =	vst v63  }
0xd1: {  	_ =	swait.ge [sflag:s10], $0x4000  }
0xd2: {  	[sflag:s10] =	ssyncset.done $0x0  }
0xd3: {  	s24 =	rddreg [dreg:$0x10];
	[sflag:s10] =	ssyncadd.s32 $0xFFFFC000  }
0xd4: {  	[tilespmem:s1], [sflag:$0x2] =	stream.indirect.gather [hbm4b:s4+s31], $0x80, s24, s31, $0xb8;
	[tilespmem:$0x1F000] =	vst v63  }
0xd5: {  	_ =	swait.ge [sflag:s0], $0x4000  }
0xd6: {  	[sflag:s0] =	ssyncset.done $0x0  }
0xd7: {  	s29 =	simm.s32 $0x700;
	[sflag:s0] =	ssyncadd.s32 $0xFFFFC000  }
0xd8: {  	[spmem:s2] =	stream.indirect.scatter.add.f32 [tilespmem:s26], [sflag:$0x3], $0x80, s29, s31, $0xb8;
	[tilespmem:$0x1F000] =	vst v63  }
0xd9: {  	_ =	swait.ge [sflag:s8], $0x4000  }
0xda: {  	[sflag:s8] =	ssyncset.done $0x0  }
0xdb: {  	s16 =	simm.s32 @!p0 $0x5;
	[sflag:s8] =	ssyncadd.s32 $0xFFFFC000  }
0xdc: {  	p1 =	por $0x0, $0x0;
	_ =	swait.ge @!p0 [sflag:s16], $0x400  }
0xdd: {  	s13 =	simm.s32 $0x2000;
	s15 =	simm.s32 $0x4000;
	[sflag:s16] =	ssyncset.done @!p0 $0x0  }
0xde: {  	s17 =	simm.s32 @!p0 $0x3000;
	s18 =	simm.s32 @!p0 $0x80;
	[sflag:s16] =	ssyncadd.s32 @!p0 $0xFFFFFC00  }
0xdf: {  	[tilespmem:s17], [sflag:$0x1] =	stream.indirect.gather @!p0 [hbm4b:s4+s18], $0x80, s7, s18, $0xb8;
	[tilespmem:$0x1F000] =	vst v63  }
0xe0: {  	s24 =	smov.u32 s14;
	s16 =	simm.s32 $0x780;
	_ =	swait.ge [sflag:s9], $0x4000  }
0xe1: {  	s7 =	sadd.s32 $0x100, s25;
	s18 =	simm.s32 @!p1 $0x4;
	[sflag:s9] =	ssyncset.done $0x0  }
.LBB2_4:
0xe2: {  	[sflag:s9] =	ssyncadd.s32 $0xFFFFC000  }
0xe3: {  	[spmem:s2] =	stream.indirect.scatter.add.f32 [tilespmem:s1], [sflag:$0x4], $0x80, s16, s31, $0xb8;
	[tilespmem:$0x1F000] =	vst v63  }
0xe4: {  	s19 =	simm.s32 @!p1 $0x2C00;
	s16 =	simm.s32 @!p1 $0x0  }
0xe5: {  	[tilespmem:s19], [sflag:$0x6] =	stream.linear.gather @!p1 [hbm4b:s7+s16], $0x400, $0x38;
	[tilespmem:$0x1F000] =	vst v63  }
0xe6: {  	_ =	swait.ge @!p1 [sflag:s18], $0x4000  }
0xe7: {  	[sflag:s18] =	ssyncset.done @!p1 $0x0  }
0xe8: {  	s19 =	rddreg [dreg:$0x3];
	[sflag:s18] =	ssyncadd.s32 @!p1 $0xFFFFC000  }
0xe9: {  	[tilespmem:s1], [sflag:$0x2] =	stream.indirect.gather [hbm4b:s4+s31], $0x80, s19, s31, $0xb8;
	[tilespmem:$0x1F000] =	vst v63  }
0xea: {  	_ =	swait.ge [sflag:s0], $0x4000  }
0xeb: {  	[sflag:s0] =	ssyncset.done $0x0  }
0xec: {  	s16 =	sshra.s32 s13, $0x2;
	[sflag:s0] =	ssyncadd.s32 $0xFFFFC000  }
0xed: {  	[spmem:s2] =	stream.indirect.scatter.add.f32 [tilespmem:s26], [sflag:$0x3], $0x80, s16, s31, $0xb8;
	[tilespmem:$0x1F000] =	vst v63  }
0xee: {  	_ =	swait.ge [sflag:s8], $0x4000  }
0xef: {  	[sflag:s8] =	ssyncset.done $0x0  }
0xf0: {  	s29 =	rddreg [dreg:$0x4];
	[sflag:s8] =	ssyncadd.s32 $0xFFFFC000  }
0xf1: {  	[tilespmem:s26], [sflag:$0x1] =	stream.indirect.gather [hbm4b:s4+s31], $0x80, s29, s31, $0xb8;
	[tilespmem:$0x1F000] =	vst v63  }
0xf2: {  	_ =	swait.ge [sflag:s9], $0x4000  }
0xf3: {  	[sflag:s9] =	ssyncset.done $0x0  }
0xf4: {  	s19 =	sadd.s32 $0x80, s16;
	[sflag:s9] =	ssyncadd.s32 $0xFFFFC000  }
0xf5: {  	[spmem:s2] =	stream.indirect.scatter.add.f32 [tilespmem:s1], [sflag:$0x4], $0x80, s19, s31, $0xb8;
	[tilespmem:$0x1F000] =	vst v63  }
0xf6: {  	_ =	swait.ge [sflag:s10], $0x4000  }
0xf7: {  	[sflag:s10] =	ssyncset.done $0x0  }
0xf8: {  	s29 =	rddreg [dreg:$0x5];
	[sflag:s10] =	ssyncadd.s32 $0xFFFFC000  }
0xf9: {  	[tilespmem:s1], [sflag:$0x2] =	stream.indirect.gather [hbm4b:s4+s31], $0x80, s29, s31, $0xb8;
	[tilespmem:$0x1F000] =	vst v63  }
0xfa: {  	_ =	swait.ge [sflag:s0], $0x4000  }
0xfb: {  	[sflag:s0] =	ssyncset.done $0x0  }
0xfc: {  	s19 =	sadd.s32 $0x100, s16;
	[sflag:s0] =	ssyncadd.s32 $0xFFFFC000  }
0xfd: {  	[spmem:s2] =	stream.indirect.scatter.add.f32 [tilespmem:s26], [sflag:$0x3], $0x80, s19, s31, $0xb8;
	[tilespmem:$0x1F000] =	vst v63  }
0xfe: {  	_ =	swait.ge [sflag:s8], $0x4000  }
0xff: {  	[sflag:s8] =	ssyncset.done $0x0  }
0x100: {  	s29 =	rddreg [dreg:$0x6];
	[sflag:s8] =	ssyncadd.s32 $0xFFFFC000  }
0x101: {  	[tilespmem:s26], [sflag:$0x1] =	stream.indirect.gather [hbm4b:s4+s31], $0x80, s29, s31, $0xb8;
	[tilespmem:$0x1F000] =	vst v63  }
0x102: {  	_ =	swait.ge [sflag:s9], $0x4000  }
0x103: {  	[sflag:s9] =	ssyncset.done $0x0  }
0x104: {  	s19 =	sadd.s32 $0x180, s16;
	[sflag:s9] =	ssyncadd.s32 $0xFFFFC000  }
0x105: {  	[spmem:s2] =	stream.indirect.scatter.add.f32 [tilespmem:s1], [sflag:$0x4], $0x80, s19, s31, $0xb8;
	[tilespmem:$0x1F000] =	vst v63  }
0x106: {  	_ =	swait.ge [sflag:s10], $0x4000  }
0x107: {  	[sflag:s10] =	ssyncset.done $0x0  }
0x108: {  	s29 =	rddreg [dreg:$0x7];
	[sflag:s10] =	ssyncadd.s32 $0xFFFFC000  }
0x109: {  	[tilespmem:s1], [sflag:$0x2] =	stream.indirect.gather [hbm4b:s4+s31], $0x80, s29, s31, $0xb8;
	[tilespmem:$0x1F000] =	vst v63  }
0x10a: {  	_ =	swait.ge [sflag:s0], $0x4000  }
0x10b: {  	[sflag:s0] =	ssyncset.done $0x0  }
0x10c: {  	s19 =	sadd.s32 $0x200, s16;
	[sflag:s0] =	ssyncadd.s32 $0xFFFFC000  }
0x10d: {  	[spmem:s2] =	stream.indirect.scatter.add.f32 [tilespmem:s26], [sflag:$0x3], $0x80, s19, s31, $0xb8;
	[tilespmem:$0x1F000] =	vst v63  }
0x10e: {  	_ =	swait.ge [sflag:s8], $0x4000  }
0x10f: {  	[sflag:s8] =	ssyncset.done $0x0  }
0x110: {  	s29 =	rddreg [dreg:$0x8];
	[sflag:s8] =	ssyncadd.s32 $0xFFFFC000  }
0x111: {  	[tilespmem:s26], [sflag:$0x1] =	stream.indirect.gather [hbm4b:s4+s31], $0x80, s29, s31, $0xb8;
	[tilespmem:$0x1F000] =	vst v63  }
0x112: {  	_ =	swait.ge [sflag:s9], $0x4000  }
0x113: {  	[sflag:s9] =	ssyncset.done $0x0  }
0x114: {  	s19 =	sadd.s32 $0x280, s16;
	[sflag:s9] =	ssyncadd.s32 $0xFFFFC000  }
0x115: {  	[spmem:s2] =	stream.indirect.scatter.add.f32 [tilespmem:s1], [sflag:$0x4], $0x80, s19, s31, $0xb8;
	[tilespmem:$0x1F000] =	vst v63  }
0x116: {  	_ =	swait.ge [sflag:s10], $0x4000  }
0x117: {  	[sflag:s10] =	ssyncset.done $0x0  }
0x118: {  	s29 =	rddreg [dreg:$0x9];
	[sflag:s10] =	ssyncadd.s32 $0xFFFFC000  }
0x119: {  	[tilespmem:s1], [sflag:$0x2] =	stream.indirect.gather [hbm4b:s4+s31], $0x80, s29, s31, $0xb8;
	[tilespmem:$0x1F000] =	vst v63  }
0x11a: {  	_ =	swait.ge [sflag:s0], $0x4000  }
0x11b: {  	[sflag:s0] =	ssyncset.done $0x0  }
0x11c: {  	s19 =	sadd.s32 $0x300, s16;
	[sflag:s0] =	ssyncadd.s32 $0xFFFFC000  }
0x11d: {  	[spmem:s2] =	stream.indirect.scatter.add.f32 [tilespmem:s26], [sflag:$0x3], $0x80, s19, s31, $0xb8;
	[tilespmem:$0x1F000] =	vst v63  }
0x11e: {  	_ =	swait.ge [sflag:s8], $0x4000  }
0x11f: {  	[sflag:s8] =	ssyncset.done $0x0  }
0x120: {  	[sflag:s8] =	ssyncadd.s32 $0xFFFFC000  }
0x121: {  	_ =	swait.ge [sflag:s11], $0x400  }
0x122: {  	[sflag:s11] =	ssyncset.done $0x0  }
0x123: {  	[sflag:s11] =	ssyncadd.s32 $0xFFFFFC00  }
0x124: {  	[tilespmem:s26], [sflag:$0x1] =	stream.indirect.gather [hbm4b:s4+s31], $0x80, s30, s31, $0xb8;
	[tilespmem:$0x1F000] =	vst v63  }
0x125: {  	_ =	swait.ge [sflag:s9], $0x4000  }
0x126: {  	s24 =	sadd.s32 $0x800, s24;
	p1 =	seq.s32 s13, $0x8000;
	[sflag:s9] =	ssyncset.done $0x0  }
0x127: {  	s13 =	sshrl.u32 @!p1 s24, $0x3;
	s29 =	sadd.s32 $0x380, s16;
	[sflag:s9] =	ssyncadd.s32 $0xFFFFC000  }
0x128: {  	[spmem:s2] =	stream.indirect.scatter.add.f32 [tilespmem:s1], [sflag:$0x4], $0x80, s29, s31, $0xb8;
	[tilespmem:$0x1F000] =	vst v63  }
0x129: {  	s18 =	simm.s32 @!p1 $0x2800;
	s19 =	simm.s32 @!p1 $0x0;
	s29 =	sadd.s32 @!p1 s5, s13  }
0x12a: {  	[tilespmem:s18], [sflag:$0x5] =	stream.linear.gather @!p1 [hbm4b:s29+s19], $0x400, $0x38;
	[tilespmem:$0x1F000] =	vst v63  }
0x12b: {  	_ =	swait.ge [sflag:s10], $0x4000  }
0x12c: {  	[sflag:s10] =	ssyncset.done $0x0  }
0x12d: {  	s19 =	rddreg [dreg:$0xa];
	[sflag:s10] =	ssyncadd.s32 $0xFFFFC000  }
0x12e: {  	[tilespmem:s1], [sflag:$0x2] =	stream.indirect.gather [hbm4b:s4+s31], $0x80, s19, s31, $0xb8;
	[tilespmem:$0x1F000] =	vst v63  }
0x12f: {  	_ =	swait.ge [sflag:s0], $0x4000  }
0x130: {  	[sflag:s0] =	ssyncset.done $0x0  }
0x131: {  	s29 =	sadd.s32 $0x400, s16;
	[sflag:s0] =	ssyncadd.s32 $0xFFFFC000  }
0x132: {  	[spmem:s2] =	stream.indirect.scatter.add.f32 [tilespmem:s26], [sflag:$0x3], $0x80, s29, s31, $0xb8;
	[tilespmem:$0x1F000] =	vst v63  }
0x133: {  	_ =	swait.ge [sflag:s8], $0x4000  }
0x134: {  	[sflag:s8] =	ssyncset.done $0x0  }
0x135: {  	s19 =	rddreg [dreg:$0xb];
	[sflag:s8] =	ssyncadd.s32 $0xFFFFC000  }
0x136: {  	[tilespmem:s26], [sflag:$0x1] =	stream.indirect.gather [hbm4b:s4+s31], $0x80, s19, s31, $0xb8;
	[tilespmem:$0x1F000] =	vst v63  }
0x137: {  	_ =	swait.ge [sflag:s9], $0x4000  }
0x138: {  	[sflag:s9] =	ssyncset.done $0x0  }
0x139: {  	s29 =	sadd.s32 $0x480, s16;
	[sflag:s9] =	ssyncadd.s32 $0xFFFFC000  }
0x13a: {  	[spmem:s2] =	stream.indirect.scatter.add.f32 [tilespmem:s1], [sflag:$0x4], $0x80, s29, s31, $0xb8;
	[tilespmem:$0x1F000] =	vst v63  }
0x13b: {  	_ =	swait.ge [sflag:s10], $0x4000  }
0x13c: {  	[sflag:s10] =	ssyncset.done $0x0  }
0x13d: {  	s19 =	rddreg [dreg:$0xc];
	[sflag:s10] =	ssyncadd.s32 $0xFFFFC000  }
0x13e: {  	[tilespmem:s1], [sflag:$0x2] =	stream.indirect.gather [hbm4b:s4+s31], $0x80, s19, s31, $0xb8;
	[tilespmem:$0x1F000] =	vst v63  }
0x13f: {  	_ =	swait.ge [sflag:s0], $0x4000  }
0x140: {  	[sflag:s0] =	ssyncset.done $0x0  }
0x141: {  	s29 =	sadd.s32 $0x500, s16;
	[sflag:s0] =	ssyncadd.s32 $0xFFFFC000  }
0x142: {  	[spmem:s2] =	stream.indirect.scatter.add.f32 [tilespmem:s26], [sflag:$0x3], $0x80, s29, s31, $0xb8;
	[tilespmem:$0x1F000] =	vst v63  }
0x143: {  	_ =	swait.ge [sflag:s8], $0x4000  }
0x144: {  	[sflag:s8] =	ssyncset.done $0x0  }
0x145: {  	s19 =	rddreg [dreg:$0xd];
	[sflag:s8] =	ssyncadd.s32 $0xFFFFC000  }
0x146: {  	[tilespmem:s26], [sflag:$0x1] =	stream.indirect.gather [hbm4b:s4+s31], $0x80, s19, s31, $0xb8;
	[tilespmem:$0x1F000] =	vst v63  }
0x147: {  	_ =	swait.ge [sflag:s9], $0x4000  }
0x148: {  	[sflag:s9] =	ssyncset.done $0x0  }
0x149: {  	s29 =	sadd.s32 $0x580, s16;
	[sflag:s9] =	ssyncadd.s32 $0xFFFFC000  }
0x14a: {  	[spmem:s2] =	stream.indirect.scatter.add.f32 [tilespmem:s1], [sflag:$0x4], $0x80, s29, s31, $0xb8;
	[tilespmem:$0x1F000] =	vst v63  }
0x14b: {  	_ =	swait.ge [sflag:s10], $0x4000  }
0x14c: {  	[sflag:s10] =	ssyncset.done $0x0  }
0x14d: {  	s19 =	rddreg [dreg:$0xe];
	[sflag:s10] =	ssyncadd.s32 $0xFFFFC000  }
0x14e: {  	[tilespmem:s1], [sflag:$0x2] =	stream.indirect.gather [hbm4b:s4+s31], $0x80, s19, s31, $0xb8;
	[tilespmem:$0x1F000] =	vst v63  }
0x14f: {  	_ =	swait.ge [sflag:s0], $0x4000  }
0x150: {  	[sflag:s0] =	ssyncset.done $0x0  }
0x151: {  	s29 =	sadd.s32 $0x600, s16;
	[sflag:s0] =	ssyncadd.s32 $0xFFFFC000  }
0x152: {  	[spmem:s2] =	stream.indirect.scatter.add.f32 [tilespmem:s26], [sflag:$0x3], $0x80, s29, s31, $0xb8;
	[tilespmem:$0x1F000] =	vst v63  }
0x153: {  	_ =	swait.ge [sflag:s8], $0x4000  }
0x154: {  	[sflag:s8] =	ssyncset.done $0x0  }
0x155: {  	s19 =	rddreg [dreg:$0xf];
	[sflag:s8] =	ssyncadd.s32 $0xFFFFC000  }
0x156: {  	[tilespmem:s26], [sflag:$0x1] =	stream.indirect.gather [hbm4b:s4+s31], $0x80, s19, s31, $0xb8;
	[tilespmem:$0x1F000] =	vst v63  }
0x157: {  	_ =	swait.ge [sflag:s9], $0x4000  }
0x158: {  	[sflag:s9] =	ssyncset.done $0x0  }
0x159: {  	s29 =	sadd.s32 $0x680, s16;
	[sflag:s9] =	ssyncadd.s32 $0xFFFFC000  }
0x15a: {  	[spmem:s2] =	stream.indirect.scatter.add.f32 [tilespmem:s1], [sflag:$0x4], $0x80, s29, s31, $0xb8;
	[tilespmem:$0x1F000] =	vst v63  }
0x15b: {  	_ =	swait.ge [sflag:s10], $0x4000  }
0x15c: {  	[sflag:s10] =	ssyncset.done $0x0  }
0x15d: {  	s19 =	rddreg [dreg:$0x10];
	[sflag:s10] =	ssyncadd.s32 $0xFFFFC000  }
0x15e: {  	[tilespmem:s1], [sflag:$0x2] =	stream.indirect.gather [hbm4b:s4+s31], $0x80, s19, s31, $0xb8;
	[tilespmem:$0x1F000] =	vst v63  }
0x15f: {  	_ =	swait.ge [sflag:s0], $0x4000  }
0x160: {  	[sflag:s0] =	ssyncset.done $0x0  }
0x161: {  	s29 =	sadd.s32 $0x700, s16;
	[sflag:s0] =	ssyncadd.s32 $0xFFFFC000  }
0x162: {  	[spmem:s2] =	stream.indirect.scatter.add.f32 [tilespmem:s26], [sflag:$0x3], $0x80, s29, s31, $0xb8;
	[tilespmem:$0x1F000] =	vst v63  }
0x163: {  	_ =	swait.ge [sflag:s8], $0x4000  }
0x164: {  	s17 =	smov.u32 s15;
	s15 =	sadd.s32 $0x2000, s15;
	[sflag:s8] =	ssyncset.done $0x0  }
0x165: {  	s13 =	smov.u32 s17;
	s17 =	simm.s32 @!p1 $0x5;
	[sflag:s8] =	ssyncadd.s32 $0xFFFFC000  }
0x166: {  	p0 =	sne.s32 s15, $0xA000;
	_ =	swait.ge @!p1 [sflag:s17], $0x400  }
.Ltmp1:
0x167: {  	[sflag:s17] =	ssyncset.done @!p1 $0x0;
	(pc) =	sbr.rel @p0 .LBB2_4-.Ltmp1, $4  }
0x168: {  	s19 =	simm.s32 @!p1 $0x3000;
	s29 =	simm.s32 @!p1 $0x80;
	[sflag:s17] =	ssyncadd.s32 @!p1 $0xFFFFFC00  }
0x169: {  	[tilespmem:s19], [sflag:$0x1] =	stream.indirect.gather @!p1 [hbm4b:s4+s29], $0x80, s18, s29, $0xb8;
	[tilespmem:$0x1F000] =	vst v63  }
0x16a: {  	s7 =	sadd.s32 $0x100, s7;
	p1 =	seq.s32 s13, $0x0;
	_ =	swait.ge [sflag:s9], $0x4000  }
0x16b: {  	s16 =	sadd.s32 $0x780, s16;
	s18 =	simm.s32 @!p1 $0x4;
	[sflag:s9] =	ssyncset.done $0x0  }
0x16c: {  	[sflag:s9] =	ssyncadd.s32 $0xFFFFC000  }
0x16d: {  	[spmem:s2] =	stream.indirect.scatter.add.f32 [tilespmem:s1], [sflag:$0x4], $0x80, s16, s31, $0xb8;
	[tilespmem:$0x1F000] =	vst v63  }
0x16e: {  	s15 =	simm.s32 @!p1 $0x0;
	s16 =	simm.s32 @!p1 $0x2C00  }
0x16f: {  	[tilespmem:s16], [sflag:$0x6] =	stream.linear.gather @!p1 [hbm4b:s7+s15], $0x400, $0x38;
	[tilespmem:$0x1F000] =	vst v63  }
0x170: {  	_ =	swait.ge @!p1 [sflag:s18], $0x4000  }
0x171: {  	[sflag:s18] =	ssyncset.done @!p1 $0x0  }
0x172: {  	s16 =	rddreg [dreg:$0x3];
	[sflag:s18] =	ssyncadd.s32 @!p1 $0xFFFFC000  }
0x173: {  	[tilespmem:s1], [sflag:$0x2] =	stream.indirect.gather [hbm4b:s4+s31], $0x80, s16, s31, $0xb8;
	[tilespmem:$0x1F000] =	vst v63  }
0x174: {  	_ =	swait.ge [sflag:s0], $0x4000  }
0x175: {  	[sflag:s0] =	ssyncset.done $0x0  }
0x176: {  	s7 =	sshra.s32 s13, $0x2;
	[sflag:s0] =	ssyncadd.s32 $0xFFFFC000  }
0x177: {  	[spmem:s2] =	stream.indirect.scatter.add.f32 [tilespmem:s26], [sflag:$0x3], $0x80, s7, s31, $0xb8;
	[tilespmem:$0x1F000] =	vst v63  }
0x178: {  	_ =	swait.ge [sflag:s8], $0x4000  }
0x179: {  	[sflag:s8] =	ssyncset.done $0x0  }
0x17a: {  	s17 =	rddreg [dreg:$0x4];
	[sflag:s8] =	ssyncadd.s32 $0xFFFFC000  }
0x17b: {  	[tilespmem:s26], [sflag:$0x1] =	stream.indirect.gather [hbm4b:s4+s31], $0x80, s17, s31, $0xb8;
	[tilespmem:$0x1F000] =	vst v63  }
0x17c: {  	_ =	swait.ge [sflag:s9], $0x4000  }
0x17d: {  	[sflag:s9] =	ssyncset.done $0x0  }
0x17e: {  	s18 =	sadd.s32 $0x80, s7;
	[sflag:s9] =	ssyncadd.s32 $0xFFFFC000  }
0x17f: {  	[spmem:s2] =	stream.indirect.scatter.add.f32 [tilespmem:s1], [sflag:$0x4], $0x80, s18, s31, $0xb8;
	[tilespmem:$0x1F000] =	vst v63  }
0x180: {  	_ =	swait.ge [sflag:s10], $0x4000  }
0x181: {  	[sflag:s10] =	ssyncset.done $0x0  }
0x182: {  	s19 =	rddreg [dreg:$0x5];
	[sflag:s10] =	ssyncadd.s32 $0xFFFFC000  }
0x183: {  	[tilespmem:s1], [sflag:$0x2] =	stream.indirect.gather [hbm4b:s4+s31], $0x80, s19, s31, $0xb8;
	[tilespmem:$0x1F000] =	vst v63  }
0x184: {  	_ =	swait.ge [sflag:s0], $0x4000  }
0x185: {  	[sflag:s0] =	ssyncset.done $0x0  }
0x186: {  	s29 =	sadd.s32 $0x100, s7;
	[sflag:s0] =	ssyncadd.s32 $0xFFFFC000  }
0x187: {  	[spmem:s2] =	stream.indirect.scatter.add.f32 [tilespmem:s26], [sflag:$0x3], $0x80, s29, s31, $0xb8;
	[tilespmem:$0x1F000] =	vst v63  }
0x188: {  	_ =	swait.ge [sflag:s8], $0x4000  }
0x189: {  	[sflag:s8] =	ssyncset.done $0x0  }
0x18a: {  	s16 =	rddreg [dreg:$0x6];
	[sflag:s8] =	ssyncadd.s32 $0xFFFFC000  }
0x18b: {  	[tilespmem:s26], [sflag:$0x1] =	stream.indirect.gather [hbm4b:s4+s31], $0x80, s16, s31, $0xb8;
	[tilespmem:$0x1F000] =	vst v63  }
0x18c: {  	_ =	swait.ge [sflag:s9], $0x4000  }
0x18d: {  	[sflag:s9] =	ssyncset.done $0x0  }
0x18e: {  	s17 =	sadd.s32 $0x180, s7;
	[sflag:s9] =	ssyncadd.s32 $0xFFFFC000  }
0x18f: {  	[spmem:s2] =	stream.indirect.scatter.add.f32 [tilespmem:s1], [sflag:$0x4], $0x80, s17, s31, $0xb8;
	[tilespmem:$0x1F000] =	vst v63  }
0x190: {  	_ =	swait.ge [sflag:s10], $0x4000  }
0x191: {  	[sflag:s10] =	ssyncset.done $0x0  }
0x192: {  	s18 =	rddreg [dreg:$0x7];
	[sflag:s10] =	ssyncadd.s32 $0xFFFFC000  }
0x193: {  	[tilespmem:s1], [sflag:$0x2] =	stream.indirect.gather [hbm4b:s4+s31], $0x80, s18, s31, $0xb8;
	[tilespmem:$0x1F000] =	vst v63  }
0x194: {  	_ =	swait.ge [sflag:s0], $0x4000  }
0x195: {  	[sflag:s0] =	ssyncset.done $0x0  }
0x196: {  	s19 =	sadd.s32 $0x200, s7;
	[sflag:s0] =	ssyncadd.s32 $0xFFFFC000  }
0x197: {  	[spmem:s2] =	stream.indirect.scatter.add.f32 [tilespmem:s26], [sflag:$0x3], $0x80, s19, s31, $0xb8;
	[tilespmem:$0x1F000] =	vst v63  }
0x198: {  	_ =	swait.ge [sflag:s8], $0x4000  }
0x199: {  	[sflag:s8] =	ssyncset.done $0x0  }
0x19a: {  	s29 =	rddreg [dreg:$0x8];
	[sflag:s8] =	ssyncadd.s32 $0xFFFFC000  }
0x19b: {  	[tilespmem:s26], [sflag:$0x1] =	stream.indirect.gather [hbm4b:s4+s31], $0x80, s29, s31, $0xb8;
	[tilespmem:$0x1F000] =	vst v63  }
0x19c: {  	_ =	swait.ge [sflag:s9], $0x4000  }
0x19d: {  	[sflag:s9] =	ssyncset.done $0x0  }
0x19e: {  	s16 =	sadd.s32 $0x280, s7;
	[sflag:s9] =	ssyncadd.s32 $0xFFFFC000  }
0x19f: {  	[spmem:s2] =	stream.indirect.scatter.add.f32 [tilespmem:s1], [sflag:$0x4], $0x80, s16, s31, $0xb8;
	[tilespmem:$0x1F000] =	vst v63  }
0x1a0: {  	_ =	swait.ge [sflag:s10], $0x4000  }
0x1a1: {  	[sflag:s10] =	ssyncset.done $0x0  }
0x1a2: {  	s17 =	rddreg [dreg:$0x9];
	[sflag:s10] =	ssyncadd.s32 $0xFFFFC000  }
0x1a3: {  	[tilespmem:s1], [sflag:$0x2] =	stream.indirect.gather [hbm4b:s4+s31], $0x80, s17, s31, $0xb8;
	[tilespmem:$0x1F000] =	vst v63  }
0x1a4: {  	_ =	swait.ge [sflag:s0], $0x4000  }
0x1a5: {  	[sflag:s0] =	ssyncset.done $0x0  }
0x1a6: {  	s18 =	sadd.s32 $0x300, s7;
	[sflag:s0] =	ssyncadd.s32 $0xFFFFC000  }
0x1a7: {  	[spmem:s2] =	stream.indirect.scatter.add.f32 [tilespmem:s26], [sflag:$0x3], $0x80, s18, s31, $0xb8;
	[tilespmem:$0x1F000] =	vst v63  }
0x1a8: {  	_ =	swait.ge [sflag:s8], $0x4000  }
0x1a9: {  	[sflag:s8] =	ssyncset.done $0x0  }
0x1aa: {  	[sflag:s8] =	ssyncadd.s32 $0xFFFFC000  }
0x1ab: {  	_ =	swait.ge [sflag:s11], $0x400  }
0x1ac: {  	[sflag:s11] =	ssyncset.done $0x0  }
0x1ad: {  	[sflag:s11] =	ssyncadd.s32 $0xFFFFFC00  }
0x1ae: {  	[tilespmem:s26], [sflag:$0x1] =	stream.indirect.gather [hbm4b:s4+s31], $0x80, s30, s31, $0xb8;
	[tilespmem:$0x1F000] =	vst v63  }
0x1af: {  	_ =	swait.ge [sflag:s9], $0x4000  }
0x1b0: {  	p0 =	seq.s32 s13, $0x8000;
	s15 =	sadd.s32 $0x800, s24;
	[sflag:s9] =	ssyncset.done $0x0  }
0x1b1: {  	s15 =	sshrl.u32 @!p0 s15, $0x3;
	s19 =	sadd.s32 $0x380, s7;
	[sflag:s9] =	ssyncadd.s32 $0xFFFFC000  }
0x1b2: {  	[spmem:s2] =	stream.indirect.scatter.add.f32 [tilespmem:s1], [sflag:$0x4], $0x80, s19, s31, $0xb8;
	[tilespmem:$0x1F000] =	vst v63  }
0x1b3: {  	s13 =	simm.s32 @!p0 $0x2800;
	s15 =	sadd.s32 @!p0 s5, s15;
	s16 =	simm.s32 @!p0 $0x0  }
0x1b4: {  	[tilespmem:s13], [sflag:$0x5] =	stream.linear.gather @!p0 [hbm4b:s15+s16], $0x400, $0x38;
	[tilespmem:$0x1F000] =	vst v63  }
0x1b5: {  	_ =	swait.ge [sflag:s10], $0x4000  }
0x1b6: {  	[sflag:s10] =	ssyncset.done $0x0  }
0x1b7: {  	s24 =	rddreg [dreg:$0xa];
	[sflag:s10] =	ssyncadd.s32 $0xFFFFC000  }
0x1b8: {  	[tilespmem:s1], [sflag:$0x2] =	stream.indirect.gather [hbm4b:s4+s31], $0x80, s24, s31, $0xb8;
	[tilespmem:$0x1F000] =	vst v63  }
0x1b9: {  	_ =	swait.ge [sflag:s0], $0x4000  }
0x1ba: {  	[sflag:s0] =	ssyncset.done $0x0  }
0x1bb: {  	s29 =	sadd.s32 $0x400, s7;
	[sflag:s0] =	ssyncadd.s32 $0xFFFFC000  }
0x1bc: {  	[spmem:s2] =	stream.indirect.scatter.add.f32 [tilespmem:s26], [sflag:$0x3], $0x80, s29, s31, $0xb8;
	[tilespmem:$0x1F000] =	vst v63  }
0x1bd: {  	_ =	swait.ge [sflag:s8], $0x4000  }
0x1be: {  	[sflag:s8] =	ssyncset.done $0x0  }
0x1bf: {  	s16 =	rddreg [dreg:$0xb];
	[sflag:s8] =	ssyncadd.s32 $0xFFFFC000  }
0x1c0: {  	[tilespmem:s26], [sflag:$0x1] =	stream.indirect.gather [hbm4b:s4+s31], $0x80, s16, s31, $0xb8;
	[tilespmem:$0x1F000] =	vst v63  }
0x1c1: {  	_ =	swait.ge [sflag:s9], $0x4000  }
0x1c2: {  	[sflag:s9] =	ssyncset.done $0x0  }
0x1c3: {  	s17 =	sadd.s32 $0x480, s7;
	[sflag:s9] =	ssyncadd.s32 $0xFFFFC000  }
0x1c4: {  	[spmem:s2] =	stream.indirect.scatter.add.f32 [tilespmem:s1], [sflag:$0x4], $0x80, s17, s31, $0xb8;
	[tilespmem:$0x1F000] =	vst v63  }
0x1c5: {  	_ =	swait.ge [sflag:s10], $0x4000  }
0x1c6: {  	[sflag:s10] =	ssyncset.done $0x0  }
0x1c7: {  	s18 =	rddreg [dreg:$0xc];
	[sflag:s10] =	ssyncadd.s32 $0xFFFFC000  }
0x1c8: {  	[tilespmem:s1], [sflag:$0x2] =	stream.indirect.gather [hbm4b:s4+s31], $0x80, s18, s31, $0xb8;
	[tilespmem:$0x1F000] =	vst v63  }
0x1c9: {  	_ =	swait.ge [sflag:s0], $0x4000  }
0x1ca: {  	[sflag:s0] =	ssyncset.done $0x0  }
0x1cb: {  	s19 =	sadd.s32 $0x500, s7;
	[sflag:s0] =	ssyncadd.s32 $0xFFFFC000  }
0x1cc: {  	[spmem:s2] =	stream.indirect.scatter.add.f32 [tilespmem:s26], [sflag:$0x3], $0x80, s19, s31, $0xb8;
	[tilespmem:$0x1F000] =	vst v63  }
0x1cd: {  	_ =	swait.ge [sflag:s8], $0x4000  }
0x1ce: {  	[sflag:s8] =	ssyncset.done $0x0  }
0x1cf: {  	s24 =	rddreg [dreg:$0xd];
	[sflag:s8] =	ssyncadd.s32 $0xFFFFC000  }
0x1d0: {  	[tilespmem:s26], [sflag:$0x1] =	stream.indirect.gather [hbm4b:s4+s31], $0x80, s24, s31, $0xb8;
	[tilespmem:$0x1F000] =	vst v63  }
0x1d1: {  	_ =	swait.ge [sflag:s9], $0x4000  }
0x1d2: {  	[sflag:s9] =	ssyncset.done $0x0  }
0x1d3: {  	s29 =	sadd.s32 $0x580, s7;
	[sflag:s9] =	ssyncadd.s32 $0xFFFFC000  }
0x1d4: {  	[spmem:s2] =	stream.indirect.scatter.add.f32 [tilespmem:s1], [sflag:$0x4], $0x80, s29, s31, $0xb8;
	[tilespmem:$0x1F000] =	vst v63  }
0x1d5: {  	_ =	swait.ge [sflag:s10], $0x4000  }
0x1d6: {  	[sflag:s10] =	ssyncset.done $0x0  }
0x1d7: {  	s16 =	rddreg [dreg:$0xe];
	[sflag:s10] =	ssyncadd.s32 $0xFFFFC000  }
0x1d8: {  	[tilespmem:s1], [sflag:$0x2] =	stream.indirect.gather [hbm4b:s4+s31], $0x80, s16, s31, $0xb8;
	[tilespmem:$0x1F000] =	vst v63  }
0x1d9: {  	_ =	swait.ge [sflag:s0], $0x4000  }
0x1da: {  	[sflag:s0] =	ssyncset.done $0x0  }
0x1db: {  	s17 =	sadd.s32 $0x600, s7;
	[sflag:s0] =	ssyncadd.s32 $0xFFFFC000  }
0x1dc: {  	[spmem:s2] =	stream.indirect.scatter.add.f32 [tilespmem:s26], [sflag:$0x3], $0x80, s17, s31, $0xb8;
	[tilespmem:$0x1F000] =	vst v63  }
0x1dd: {  	_ =	swait.ge [sflag:s8], $0x4000  }
0x1de: {  	[sflag:s8] =	ssyncset.done $0x0  }
0x1df: {  	s18 =	rddreg [dreg:$0xf];
	[sflag:s8] =	ssyncadd.s32 $0xFFFFC000  }
0x1e0: {  	[tilespmem:s26], [sflag:$0x1] =	stream.indirect.gather [hbm4b:s4+s31], $0x80, s18, s31, $0xb8;
	[tilespmem:$0x1F000] =	vst v63  }
0x1e1: {  	_ =	swait.ge [sflag:s9], $0x4000  }
0x1e2: {  	[sflag:s9] =	ssyncset.done $0x0  }
0x1e3: {  	s19 =	sadd.s32 $0x680, s7;
	[sflag:s9] =	ssyncadd.s32 $0xFFFFC000  }
0x1e4: {  	[spmem:s2] =	stream.indirect.scatter.add.f32 [tilespmem:s1], [sflag:$0x4], $0x80, s19, s31, $0xb8;
	[tilespmem:$0x1F000] =	vst v63  }
0x1e5: {  	_ =	swait.ge [sflag:s10], $0x4000  }
0x1e6: {  	[sflag:s10] =	ssyncset.done $0x0  }
0x1e7: {  	s24 =	rddreg [dreg:$0x10];
	[sflag:s10] =	ssyncadd.s32 $0xFFFFC000  }
0x1e8: {  	[tilespmem:s1], [sflag:$0x2] =	stream.indirect.gather [hbm4b:s4+s31], $0x80, s24, s31, $0xb8;
	[tilespmem:$0x1F000] =	vst v63  }
0x1e9: {  	_ =	swait.ge [sflag:s0], $0x4000  }
0x1ea: {  	[sflag:s0] =	ssyncset.done $0x0  }
0x1eb: {  	s29 =	sadd.s32 $0x700, s7;
	[sflag:s0] =	ssyncadd.s32 $0xFFFFC000  }
0x1ec: {  	[spmem:s2] =	stream.indirect.scatter.add.f32 [tilespmem:s26], [sflag:$0x3], $0x80, s29, s31, $0xb8;
	[tilespmem:$0x1F000] =	vst v63  }
0x1ed: {  	_ =	swait.ge [sflag:s8], $0x4000  }
0x1ee: {  	[sflag:s8] =	ssyncset.done $0x0  }
0x1ef: {  	s15 =	simm.s32 @!p0 $0x5;
	[sflag:s8] =	ssyncadd.s32 $0xFFFFC000  }
0x1f0: {  	_ =	swait.ge @!p0 [sflag:s15], $0x400  }
0x1f1: {  	[sflag:s15] =	ssyncset.done @!p0 $0x0  }
0x1f2: {  	s16 =	simm.s32 @!p0 $0x3000;
	[sflag:s15] =	ssyncadd.s32 @!p0 $0xFFFFFC00;
	s15 =	simm.s32 @!p0 $0x80  }
0x1f3: {  	[tilespmem:s16], [sflag:$0x1] =	stream.indirect.gather @!p0 [hbm4b:s4+s15], $0x80, s13, s15, $0xb8;
	[tilespmem:$0x1F000] =	vst v63  }
0x1f4: {  	_ =	swait.ge [sflag:s9], $0x4000  }
0x1f5: {  	[sflag:s9] =	ssyncset.done $0x0  }
0x1f6: {  	s7 =	sadd.s32 $0x780, s7;
	[sflag:s9] =	ssyncadd.s32 $0xFFFFC000  }
0x1f7: {  	[spmem:s2] =	stream.indirect.scatter.add.f32 [tilespmem:s1], [sflag:$0x4], $0x80, s7, s31, $0xb8;
	[tilespmem:$0x1F000] =	vst v63  }
0x1f8: {  	_ =	swait.ge [sflag:s10], $0x4000  }
0x1f9: {  	[sflag:s10] =	ssyncset.done $0x0  }
0x1fa: {  	[sflag:s10] =	ssyncadd.s32 $0xFFFFC000  }
0x1fb: {  	[bflag:$0x0] =	sbarrier.arrive $0xFFFF  }
0x1fc: {  	[tilespmem:s26], [sflag:$0x7] =	stream.linear.gather [spmem:s6], $0x4000, $0x38;
	[tilespmem:$0x1F000] =	vst v63  }
0x1fd: {  	_ =	swait.ge [sflag:s28], $0x4000  }
0x1fe: {  	[sflag:s28] =	ssyncset.done $0x0  }
0x1ff: {  	s16 =	rddreg [dreg:$0x17];
	[sflag:s28] =	ssyncadd.s32 $0xFFFFC000  }
0x200: {  	[hbm4b:s16+s3] =	stream.linear.scatter [tilespmem:s26], [sflag:$0x7], $0x4000, $0x38;
	[tilespmem:$0x1F000] =	vst v63  }
0x201: {  	_ =	swait.ge [sflag:s28], $0x4000  }
0x202: {  	[sflag:s28] =	ssyncset.done $0x0  }
0x203: {  	[sflag:s28] =	ssyncadd.s32 $0xFFFFC000  }
0x204: {  	[tilespmem:s26], [sflag:$0x7] =	stream.linear.gather [spmem:s20], $0x4000, $0x38;
	[tilespmem:$0x1F000] =	vst v63  }
0x205: {  	_ =	swait.ge [sflag:s28], $0x4000  }
0x206: {  	[sflag:s28] =	ssyncset.done $0x0  }
0x207: {  	s17 =	rddreg [dreg:$0x18];
	[sflag:s28] =	ssyncadd.s32 $0xFFFFC000  }
0x208: {  	[hbm4b:s17+s3] =	stream.linear.scatter [tilespmem:s26], [sflag:$0x7], $0x4000, $0x38;
	[tilespmem:$0x1F000] =	vst v63  }
0x209: {  	_ =	swait.ge [sflag:s28], $0x4000  }
0x20a: {  	[sflag:s28] =	ssyncset.done $0x0  }
0x20b: {  	[sflag:s28] =	ssyncadd.s32 $0xFFFFC000  }
0x20c: {  	[tilespmem:s26], [sflag:$0x7] =	stream.linear.gather [spmem:s21], $0x4000, $0x38;
	[tilespmem:$0x1F000] =	vst v63  }
0x20d: {  	_ =	swait.ge [sflag:s28], $0x4000  }
0x20e: {  	[sflag:s28] =	ssyncset.done $0x0  }
0x20f: {  	s18 =	rddreg [dreg:$0x19];
	[sflag:s28] =	ssyncadd.s32 $0xFFFFC000  }
0x210: {  	[hbm4b:s18+s3] =	stream.linear.scatter [tilespmem:s26], [sflag:$0x7], $0x4000, $0x38;
	[tilespmem:$0x1F000] =	vst v63  }
0x211: {  	_ =	swait.ge [sflag:s28], $0x4000  }
0x212: {  	[sflag:s28] =	ssyncset.done $0x0  }
0x213: {  	[sflag:s28] =	ssyncadd.s32 $0xFFFFC000  }
0x214: {  	[tilespmem:s26], [sflag:$0x7] =	stream.linear.gather [spmem:s22], $0x4000, $0x38;
	[tilespmem:$0x1F000] =	vst v63  }
0x215: {  	_ =	swait.ge [sflag:s28], $0x4000  }
0x216: {  	[sflag:s28] =	ssyncset.done $0x0  }
0x217: {  	s19 =	rddreg [dreg:$0x1a];
	[sflag:s28] =	ssyncadd.s32 $0xFFFFC000  }
0x218: {  	[hbm4b:s19+s3] =	stream.linear.scatter [tilespmem:s26], [sflag:$0x7], $0x4000, $0x38;
	[tilespmem:$0x1F000] =	vst v63  }
0x219: {  	_ =	swait.ge [sflag:s28], $0x4000  }
0x21a: {  	[sflag:s28] =	ssyncset.done $0x0  }
0x21b: {  	[sflag:s28] =	ssyncadd.s32 $0xFFFFC000  }
0x21c: {  	[tilespmem:s26], [sflag:$0x7] =	stream.linear.gather [spmem:s23], $0x4000, $0x38;
	[tilespmem:$0x1F000] =	vst v63  }
0x21d: {  	_ =	swait.ge [sflag:s28], $0x4000  }
0x21e: {  	[sflag:s28] =	ssyncset.done $0x0  }
0x21f: {  	s24 =	rddreg [dreg:$0x1b];
	[sflag:s28] =	ssyncadd.s32 $0xFFFFC000  }
0x220: {  	[hbm4b:s24+s3] =	stream.linear.scatter [tilespmem:s26], [sflag:$0x7], $0x4000, $0x38;
	[tilespmem:$0x1F000] =	vst v63  }
0x221: {  	_ =	swait.ge [sflag:s28], $0x4000  }
0x222: {  	s12 =	sadd.s32 $0x1, s12;
	s29 =	rddreg [dreg:$0x14]  }
0x223: {  	p0 =	sne.s32 s12, s29  }
.Ltmp2:
0x224: {  	_ = 	snop;
	(pc) =	sbr.rel @p0 .LBB2_1-.Ltmp2, $3  }
0x225: {  	_ =	sdelay $0x1  }
0x226: {  	[sflag:s28] =	ssyncset.done $0x0  }
0x227: {  	[sflag:s28] =	ssyncadd.s32 $0xFFFFC000  }
0x228: {  	_ =	sfence.sel $0x180000  }
0x229: {  	[bflag:$0x0] =	sbarrier.arrive $0xFFFF  }
0x22a: {  	_ =	strace $0x9000004A  }
0x22b: {  	s0 =	stileid.u32;
	[bflag:$0x2] =	sbarrier.arrive $0xFFFF  }
0x22c: {  	p0 =	sne.s32 s0, $0x0;
	s0 =	rddreg [dreg:$0x2]  }
0x22d: {  	s0 =	sadd.s32 @!p0 $0x100000, s0  }
0x22e: {  	[sflag:s0] =	ssyncadd.tile.s32 @!p0 $0x1;
	_ =	shalt  }
.Lfunc_end2:
_tile_overlayer_lowered:
.L_overlay_start_2:
0x22f: {  	(tag) =	ssettag $0x2  }
0x230: {  	s0 =	rddreg [dreg:$0x0];
	s2 =	stileid.u32  }
0x231: {  	s1 =	rddreg [dreg:$0x1];
	p0 =	sne.s32 s2, $0x0  }
0x232: {  	s3 =	rddreg [dreg:$0x2];
	[bflag:$0x3] =	sbarrier.arrive $0xFFFF;
	s2 =	simm.s32 @!p0 $0x1C07  }
0x233: {  	[timem:s3], [sflag:s2] =	dma.local @!p0 [hbm:s0], s1  }
0x234: {  	s0 =	simm.s32 @!p0 $0x7  }
0x235: {  	_ =	swait.ge @!p0 [sflag:s0], s1  }
0x236: {  	s1 =	ssub.s32 @!p0 $0x0, s1;
	[sflag:s0] =	ssyncset.done @!p0 $0x0  }
0x237: {  	[sflag:s0] =	ssyncadd.s32 @!p0 s1  }
0x238: {  	[bflag:$0x3] =	sbarrier.arrive $0xFFFF  }
0x239: {  	_ =	shalt  }

// kernel: kernel.15.cloned.1.call-start
scs
__scs_entry_jumppad:
0x0: {  	(pc) =	sbr.rel $0x88, $3  }
0x1: {  	(tag) =	ssettag $0x0;
	lr =	simm.s32 $0x1  }
0x2: {  	[smem:$0x3F9D] =	sst lr;
	_ =	strace $0xD0000000  }
0x3: {  	_ = 	snop  }
0x4: {  	_ = 	snop  }
0x5: {  	_ = 	snop  }
0x6: {  	_ = 	snop  }
0x7: {  	_ = 	snop  }
__scs_overlays_trampoline_lowered:
0x8: {  	[smem:$0x3FAC] =	sst s0  }
0x9: {  	[smem:$0x3FAD] =	sst s1  }
0xa: {  	[smem:$0x3FAE] =	sst s2  }
0xb: {  	[smem:$0x3FAF] =	sst s3  }
0xc: {  	[smem:$0x3FB0] =	sst s4  }
0xd: {  	[smem:$0x3FB1] =	sst s5  }
0xe: {  	[smem:$0x3FB2] =	sst s6  }
0xf: {  	[smem:$0x3FB3] =	sst s7  }
0x10: {  	[smem:$0x3FB4] =	sst s8  }
0x11: {  	[smem:$0x3FB5] =	sst s9;
	s0 =	simm.s32 @!p0 $0x0  }
0x12: {  	s1 =	sld [smem:$0x3F9B];
	s0 =	simm.s32 @p0 $0x1  }
0x13: {  	[smem:$0x3FB6] =	sst s0;
	s0 =	simm.s32 @!p1 $0x0  }
0x14: {  	s2 =	sld [smem:$0x3F9A];
	s0 =	simm.s32 @p1 $0x1  }
0x15: {  	[smem:$0x3FB7] =	sst s0;
	s0 =	simm.s32 @!p2 $0x0  }
0x16: {  	s3 =	sld [smem:$0x3FDB];
	s0 =	simm.s32 @p2 $0x1  }
0x17: {  	s4 =	simm.s32 $0x1BF5;
	[smem:$0x3FB9] =	sst s0  }
0x18: {  	s0 =	sld [smem:$0x3F9C];
	_ =	swait.ge [sflag:s4], $0x0  }
0x19: {  	s7 =	sld [smem:$0x3F9D]  }
0x1a: {  	s8 =	sadd.s32 $0xFFFFE003, lr  }
0x1b: {  	s9 =	sadd.s32 $0xFFFFFEF7, lr;
	s5 =	simm.s32 $0xFFFFFFFF;
	p2 =	slt.u32 s8, $0xFFFFF086  }
0x1c: {  	p1 =	slt.u32 s9, $0xF7A;
	s5 =	simm.s32 @!p2 $0x0  }
0x1d: {  	s5 =	simm.s32 @p1 $0x1;
	p0 =	seq.s32 s7, s2  }
0x1e: {  	s7 =	smul.u32 @!p0 $0xF7A, s2;
	p2 =	seq.s32 @!p0 s5, $0x0  }
0x1f: {  	s9 =	smul.u32 $0xF7A, s1;
	s8 =	simm.s32 @!p0 $0x1BF5;
	p2 =	por !p2, p0  }
0x20: {  	[sflag:s8] =	ssyncset.s32 @!p0 $0xFFFFF086;
	s6 =	sadd.s32 @!p0 s3, s7;
	s7 =	simm.s32 @!p0 $0x108  }
0x21: {  	s3 =	sadd.s32 s3, s9;
	s6 =	sadd.s32 @!p0 $0x88, s6;
	s7 =	simm.s32 @p2 $0x1082  }
0x22: {  	[simem:s7], [sflag:s8] =	dma.local @!p0 [hbm:s6], $0xF7A  }
0x23: {  	s9 =	sor.u32 $0xD0000000, s2;
	s6 =	simm.s32 $0x108;
	_ =	swait.ge @!p0 [sflag:s8], $0x0  }
0x24: {  	s3 =	sadd.s32 $0x88, s3;
	s6 =	simm.s32 @!p1 $0x1082;
	[sflag:s4] =	ssyncset.s32 $0xFFFFF086  }
0x25: {  	[simem:s6], [sflag:s4] =	dma.local [hbm:s3], $0xF7A  }
0x26: {  	[smem:$0x3F9D] =	sst s1;
	(tag) =	ssettag s2;
	_ =	strace s9  }
0x27: {  	s1 =	sld [smem:$0x3FAD]  }
0x28: {  	s2 =	sld [smem:$0x3FAE]  }
0x29: {  	s4 =	sld [smem:$0x3FB0]  }
0x2a: {  	p0 =	seq.s32 s5, $0x0;
	s5 =	sld [smem:$0x3FB1]  }
0x2b: {  	s6 =	sld [smem:$0x3FB2]  }
0x2c: {  	s7 =	sld [smem:$0x3FB3]  }
0x2d: {  	s3 =	simm.s32 $0x108;
	s8 =	sld [smem:$0x3FB4]  }
0x2e: {  	s3 =	simm.s32 @!p0 $0x1082;
	s9 =	sld [smem:$0x3FB5]  }
0x2f: {  	lr =	sadd.s32 s0, s3;
	s0 =	sld [smem:$0x3FAC]  }
0x30: {  	s3 =	sld [smem:$0x3FAF]  }
0x31: {  	[smem:$0x3FB8] =	sst s10  }
0x32: {  	s10 =	sld [smem:$0x3FB6];
	_ =	sdelay $0x3  }
0x33: {  	p0 =	seq.s32 s10, $0x1;
	s10 =	sld [smem:$0x3FB8];
	_ =	sdelay $0x3  }
0x34: {  	[smem:$0x3FB8] =	sst s10  }
0x35: {  	s10 =	sld [smem:$0x3FB7];
	_ =	sdelay $0x3  }
0x36: {  	p1 =	seq.s32 s10, $0x1;
	s10 =	sld [smem:$0x3FB8];
	_ =	sdelay $0x3  }
0x37: {  	[smem:$0x3FB8] =	sst s10  }
0x38: {  	s10 =	sld [smem:$0x3FB9]  }
0x39: {  	_ = 	snop;
	(pc) =	sbr.ind lr, $3  }
0x3a: {  	_ = 	snop  }
0x3b: {  	_ = 	snop  }
0x3c: {  	p2 =	seq.s32 s10, $0x1;
	s10 =	sld [smem:$0x3FB8]  }
0x3d: {  	_ =	shalt  }
0x3e: {  	_ =	shalt  }
0x3f: {  	_ =	shalt  }
0x40: {  	_ =	shalt  }
0x41: {  	_ =	shalt  }
0x42: {  	_ =	shalt  }
0x43: {  	_ =	shalt  }
0x44: {  	_ =	shalt  }
0x45: {  	_ =	shalt  }
0x46: {  	_ =	shalt  }
0x47: {  	_ =	shalt  }
0x48: {  	_ =	shalt  }
0x49: {  	_ =	shalt  }
0x4a: {  	_ =	shalt  }
0x4b: {  	_ =	shalt  }
0x4c: {  	_ =	shalt  }
0x4d: {  	_ =	shalt  }
0x4e: {  	_ =	shalt  }
0x4f: {  	_ =	shalt  }
0x50: {  	_ =	shalt  }
0x51: {  	_ =	shalt  }
0x52: {  	_ =	shalt  }
0x53: {  	_ =	shalt  }
0x54: {  	_ =	shalt  }
0x55: {  	_ =	shalt  }
0x56: {  	_ =	shalt  }
0x57: {  	_ =	shalt  }
0x58: {  	_ =	shalt  }
0x59: {  	_ =	shalt  }
0x5a: {  	_ =	shalt  }
0x5b: {  	_ =	shalt  }
0x5c: {  	_ =	shalt  }
0x5d: {  	_ =	shalt  }
0x5e: {  	_ =	shalt  }
0x5f: {  	_ =	shalt  }
0x60: {  	_ =	shalt  }
0x61: {  	_ =	shalt  }
0x62: {  	_ =	shalt  }
0x63: {  	_ =	shalt  }
0x64: {  	_ =	shalt  }
0x65: {  	_ =	shalt  }
0x66: {  	_ =	shalt  }
0x67: {  	_ =	shalt  }
0x68: {  	_ =	shalt  }
0x69: {  	_ =	shalt  }
0x6a: {  	_ =	shalt  }
0x6b: {  	_ =	shalt  }
0x6c: {  	_ =	shalt  }
0x6d: {  	_ =	shalt  }
0x6e: {  	_ =	shalt  }
0x6f: {  	_ =	shalt  }
0x70: {  	_ =	shalt  }
0x71: {  	_ =	shalt  }
0x72: {  	_ =	shalt  }
0x73: {  	_ =	shalt  }
0x74: {  	_ =	shalt  }
0x75: {  	_ =	shalt  }
0x76: {  	_ =	shalt  }
0x77: {  	_ =	shalt  }
0x78: {  	_ =	shalt  }
0x79: {  	_ =	shalt  }
0x7a: {  	_ =	shalt  }
0x7b: {  	_ =	shalt  }
0x7c: {  	_ =	shalt  }
0x7d: {  	_ =	shalt  }
0x7e: {  	_ =	shalt  }
0x7f: {  	_ =	shalt  }
0x80: {  	_ =	shalt  }
0x81: {  	_ =	shalt  }
0x82: {  	_ =	shalt  }
0x83: {  	_ =	shalt  }
0x84: {  	_ =	shalt  }
0x85: {  	_ =	shalt  }
0x86: {  	_ =	shalt  }
0x87: {  	_ =	shalt  }
.Lfunc_end0:
.L_simem_size_0:
called_computation.2_lowered:
.L_overlay_start_0:
0x88: {  	s2 =	sld [smem:$0x3FD9]  }
0x89: {  	s3 =	sld [smem:$0x3FFE];
	_ =	sdelay $0x1  }
0x8a: {  	s1 =	srdreg.scid  }
0x8b: {  	s0 =	sand.u32 $0x1, s1  }
0x8c: {  	s17 =	sshll.u32 s0, $0xA;
	s2 =	sadd.s32 s3, s2  }
0x8d: {  	s2 =	sadd.s32 s2, s17  }
0x8e: {  	[smem:$0x3FC4] =	sst s2  }
0x8f: {  	_ = 	snop  }
0x90: {  	s2 =	sld [smem:$0x3FD0];
	(tm) =	ssettm $0x1  }
0x91: {  	s18 =	sld [smem:$0x3FFB];
	_ =	sdelay $0x3  }
0x92: {  	_ =	strace s18  }
0x93: {  	s3 =	sld [smem:$0x3FFC];
	_ =	sdelay $0x3  }
0x94: {  	_ =	strace s3  }
0x95: {  	s3 =	sld [smem:$0x3FFD];
	_ =	sdelay $0x3  }
0x96: {  	_ =	strace s3  }
0x97: {  	_ =	strace $0x8FFFFFFF  }
0x98: {  	s19 =	sld [smem:$0x3FDB];
	_ =	sdelay $0x1  }
0x99: {  	s4 =	simm.s32 $_scs_section_size  }
0x9a: {  	s5 =	simm.s32 $_size__tile_overlayer_lowered;
	s6 =	simm.s32 $_tile_overlayer_lowered  }
0x9b: {  	s22 =	simm.s32 $0x1BFF;
	s21 =	sshll.u32 s6, $0x1;
	s3 =	sadd.s32 s4, s19  }
0x9c: {  	s7 =	simm.s32 $0x0;
	s20 =	sshll.u32 s5, $0x1;
	s5 =	sadd.s32 s21, s3  }
0x9d: {  	[timem:s7], [sflag:s22] =	dma.local [hbm:s5], s20  }
0x9e: {  	_ =	swait.ge [sflag:s22], s20  }
0x9f: {  	s4 =	ssub.s32 $0x0, s20;
	[sflag:s22] =	ssyncset.done $0x0  }
0xa0: {  	[sflag:s22] =	ssyncadd.s32 s4;
	_ =	sdelay $0x1  }
0xa1: {  	s23 =	simm.s32 $0x1B8B  }
0xa2: {  	_ =	swait.ge [sflag:s23], $0x1  }
0xa3: {  	[sflag:s23] =	ssyncset.done $0x0  }
0xa4: {  	s25 =	simm.s32 $0x1B8E;
	s24 =	sld [smem:$0x3FFE];
	[sflag:s23] =	ssyncadd.s32 $0xFFFFFFFF  }
0xa5: {  	s26 =	simm.s32 $execute0_lowered;
	[smem:$0x3FD2] =	sst s25  }
0xa6: {  	s5 =	sshll.u32 s26, $0x1;
	_ =	strace $0x8000004C;
	[dreg:$0x1] =	wrdreg $0xFFFFFFFF  }
0xa7: {  	s28 =	simm.s32 $_size_execute0_lowered;
	s3 =	sadd.s32 s3, s5;
	[dreg:$0x0] =	wrdreg $0x0  }
0xa8: {  	s5 =	sshll.u32 s28, $0x1;
	[dreg:$0x2] =	wrdreg s3  }
0xa9: {  	[dreg:$0x3] =	wrdreg s5  }
0xaa: {  	[dreg:$0x4] =	wrdreg $0xC0  }
0xab: {  	_ =	task [dreg:s7], $0x5FFFF  }
0xac: {  	[dreg:$0x1] =	wrdreg $0xFFFFFFFF  }
0xad: {  	[dreg:$0x0] =	wrdreg $0x60  }
0xae: {  	[dreg:$0x2] =	wrdreg s2  }
0xaf: {  	[dreg:$0x3] =	wrdreg s24  }
0xb0: {  	[dreg:$0x4] =	wrdreg $0x90000  }
0xb1: {  	[dreg:$0x5] =	wrdreg $0x9  }
0xb2: {  	_ =	task.clear_ibuf [dreg:s7], $0x6FFFF;
	_ =	strace $0x9000004C  }
0xb3: {  	s29 =	simm.s32 $0x9;
	_ =	strace $0x8000004E  }
0xb4: {  	_ =	swait.ge [sflag:s29], $0x1  }
0xb5: {  	[sflag:s29] =	ssyncadd.s32 $0xFFFFFFFF  }
0xb6: {  	_ =	strace $0x9000004E  }
0xb7: {  	_ =	sfence  }
0xb8: {  	s30 =	sld [smem:$0x0];
	_ =	sdelay $0x2  }
0xb9: {  	s31 =	sshll.u32 s1, $0xD;
	s1 =	sshrl.u32 s1, $0x2  }
0xba: {  	s3 =	sand.u32 $0x4000, s31;
	s1 =	sadd.s32 s1, s30  }
0xbb: {  	s0 =	sor.u32 s3, s0;
	s1 =	sshll.u32 s1, $0x11  }
0xbc: {  	s0 =	sor.u32 s1, s0  }
0xbd: {  	s0 =	sadd.s32 $0x8F2B, s0  }
0xbe: {  	[sflag:s0] =	ssyncadd.remote.s32 $0x1  }
0xbf: {  	_ =	sfence.sel $0xFFFF  }
0xc0: {  	[dreg:$0x0] =	wrdreg $0xFFFFFFFF;
	(pc) =	sbr.abs _section_cstart, $3  }
0xc1: {  	[dreg:$0x1] =	wrdreg $0xFFFFFFFF  }
0xc2: {  	_ =	task.clear_ibuf [dreg:s7], $0x2FFFF;
	_ =	strace $0x9FFFFFFF  }
0xc3: {  	(tm) =	ssettm $0x7FFFFFFF  }
tec
execute0_lowered:
.L_overlay_start_1:
0x0: {  	(tag) =	ssettag $0x1  }
0x1: {  	s1 =	rddreg [dreg:$0x0]  }
0x2: {  	s0 =	rddreg [dreg:$0x1];
	s2 =	srdreg.scid  }
0x3: {  	s4 =	stileid.u32;
	s3 =	rddreg [dreg:$0x2]  }
0x4: {  	s6 =	simm.s32 $0x0;
	s30 =	simm.s32 $0x7800;
	s31 =	simm.s32 $0x1  }
0x5: {  	s29 =	simm.s32 $0x4;
	s2 =	sand.u32 $0x1, s2;
	s7 =	smul.u32 $0xA000, s4  }
0x6: {  	s5 =	sshll.u32 s4, $0x1;
	[smem:$0x7FF] =	sst s6;
	s24 =	smul.u32 $0x2800, s4  }
0x7: {  	s5 =	sor.u32 s2, s5;
	s23 =	ssub.s32 $0x2, s2;
	s2 =	smul.u32 $0x28000, s2  }
0x8: {  	_ =	strace $0x8000004D;
	s5 =	smul.u32 $0x500, s5;
	s8 =	sshrl.u32 s23, $0x1  }
0x9: {  	s7 =	sshrl.u32 s7, $0x2;
	s28 =	sadd.s32 s24, s3;
	s12 =	sadd.s32 $0x800, s24  }
0xa: {  	s16 =	sadd.s32 $0x1000, s24;
	s20 =	sadd.s32 $0x1800, s24;
	s21 =	sadd.s32 $0x2000, s24  }
0xb: {  	s6 =	ssub.s32 s23, s8;
	s25 =	sadd.s32 s7, s3;
	[dreg:$0x8] =	wrdreg s28  }
0xc: {  	s10 =	sadd.s32 s2, s24;
	s15 =	sadd.s32 s12, s3;
	[dreg:$0x5] =	wrdreg s25  }
0xd: {  	s14 =	sadd.s32 s2, s12;
	s18 =	sadd.s32 s16, s3;
	[dreg:$0xf] =	wrdreg s15  }
0xe: {  	s19 =	sadd.s32 s2, s16;
	s24 =	sadd.s32 s20, s3;
	[dreg:$0x11] =	wrdreg s18  }
0xf: {  	s23 =	sadd.s32 s2, s20;
	s28 =	simm.s32 $0x8000;
	[dreg:$0x13] =	wrdreg s24  }
0x10: {  	s2 =	sadd.s32 s2, s21;
	s6 =	smax.u32 s6, $0x1;
	[dreg:$0x4] =	wrdreg s28  }
0x11: {  	s5 =	sadd.s32 s5, s0;
	s7 =	sadd.s32 $0x800, s25;
	[dreg:$0x9] =	wrdreg s6  }
0x12: {  	s0 =	sadd.s32 $0x15800, s0;
	s9 =	sadd.s32 $0x1000, s25;
	[dreg:$0xa] =	wrdreg s7  }
0x13: {  	s11 =	sadd.s32 $0x1800, s25;
	s4 =	sadd.s32 $0x2000, s25;
	[dreg:$0xb] =	wrdreg s9  }
0x14: {  	s2 =	sshrl.u32 s2, $0x3;
	s26 =	sadd.s32 $0x1800, s5;
	[dreg:$0xc] =	wrdreg s11  }
0x15: {  	s5 =	sadd.s32 $0xB800, s5;
	[dreg:$0xd] =	wrdreg s4;
	s9 =	simm.s32 $0x11  }
0x16: {  	s6 =	simm.s32 $0x6;
	s7 =	simm.s32 $0x8;
	[dreg:$0x6] =	wrdreg s26  }
0x17: {  	[dreg:$0x7] =	wrdreg s5;
	s5 =	sshrl.u32 s10, $0x3;
	s26 =	sadd.s32 s21, s3  }
0x18: {  	s13 =	sadd.s32 s0, s5;
	s5 =	sshrl.u32 s14, $0x3;
	[dreg:$0x15] =	wrdreg s26  }
0x19: {  	s26 =	simm.s32 $0x80;
	[dreg:$0xe] =	wrdreg s13;
	s17 =	sadd.s32 s0, s5  }
0x1a: {  	s5 =	sshrl.u32 s19, $0x3;
	s13 =	simm.s32 $0x5800;
	[dreg:$0x10] =	wrdreg s17  }
0x1b: {  	s22 =	sadd.s32 s0, s5;
	s5 =	sshrl.u32 s23, $0x3;
	s23 =	simm.s32 $0x5000  }
0x1c: {  	[dreg:$0x12] =	wrdreg s22;
	s25 =	sadd.s32 s0, s5;
	s0 =	sadd.s32 s0, s2  }
0x1d: {  	s2 =	simm.s32 $0x6800;
	s5 =	simm.s32 $0x0;
	[dreg:$0x14] =	wrdreg s25  }
0x1e: {  	v0 =	vimm.f32 $0.0e+00;
	[dreg:$0x16] =	wrdreg s0;
	s0 =	simm.s32 $0x8800;
	s25 =	simm.s32 $0x2  }
.LBB2_1:
0x1f: {  	[dreg:$0x17] =	wrdreg s5;
	s5 =	simm.s32 $0x40;
	s8 =	simm.s32 $0x0  }
.LBB2_2:
0x20: {  	p0 =	sne.s32 s5, $0x1FC0;
	[tilespmem:s8+$0x5000] =	vst v0;
	s8 =	smov.u32 s5;
	s5 =	sadd.s32 $0x40, s5  }
.Ltmp0:
0x21: {  	(pc) =	sbr.rel @p0 .LBB2_2-.Ltmp0, $2  }
0x22: {  	_ =	sdelay $0x2  }
0x23: {  	s8 =	sshra.s32 s8, $0x2  }
0x24: {  	[tilespmem:s8+$0x5000] =	vst v0;
	s4 =	rddreg [dreg:$0x5]  }
0x25: {  	[spmem:s4] =	stream.linear.scatter [tilespmem:s23], [sflag:$0x11], $0x800, $0x38;
	[tilespmem:$0xB800] =	vst v63  }
0x26: {  	_ =	swait.ge [sflag:s9], $0x800  }
0x27: {  	[sflag:s9] =	ssyncset.done $0x0  }
0x28: {  	s20 =	rddreg [dreg:$0xa];
	[sflag:s9] =	ssyncadd.s32 $0xFFFFF800  }
0x29: {  	[spmem:s20] =	stream.linear.scatter [tilespmem:s23], [sflag:$0x11], $0x800, $0x38;
	[tilespmem:$0xB800] =	vst v63  }
0x2a: {  	_ =	swait.ge [sflag:s9], $0x800  }
0x2b: {  	[sflag:s9] =	ssyncset.done $0x0  }
0x2c: {  	s21 =	rddreg [dreg:$0xb];
	[sflag:s9] =	ssyncadd.s32 $0xFFFFF800  }
0x2d: {  	[spmem:s21] =	stream.linear.scatter [tilespmem:s23], [sflag:$0x11], $0x800, $0x38;
	[tilespmem:$0xB800] =	vst v63  }
0x2e: {  	_ =	swait.ge [sflag:s9], $0x800  }
0x2f: {  	[sflag:s9] =	ssyncset.done $0x0  }
0x30: {  	s22 =	rddreg [dreg:$0xc];
	[sflag:s9] =	ssyncadd.s32 $0xFFFFF800  }
0x31: {  	[spmem:s22] =	stream.linear.scatter [tilespmem:s23], [sflag:$0x11], $0x800, $0x38;
	[tilespmem:$0xB800] =	vst v63  }
0x32: {  	_ =	swait.ge [sflag:s9], $0x800  }
0x33: {  	[sflag:s9] =	ssyncset.done $0x0  }
0x34: {  	s24 =	rddreg [dreg:$0xd];
	[sflag:s9] =	ssyncadd.s32 $0xFFFFF800  }
0x35: {  	[spmem:s24] =	stream.linear.scatter [tilespmem:s23], [sflag:$0x11], $0x800, $0x38;
	[tilespmem:$0xB800] =	vst v63  }
0x36: {  	_ =	swait.ge [sflag:s9], $0x800  }
0x37: {  	[sflag:s9] =	ssyncset.done $0x0  }
0x38: {  	[sflag:s9] =	ssyncadd.s32 $0xFFFFF800  }
0x39: {  	[bflag:$0x0] =	sbarrier.arrive $0xFFFF  }
0x3a: {  	s5 =	simm.s32 $0x0;
	s28 =	rddreg [dreg:$0x6]  }
0x3b: {  	[tilespmem:s5], [sflag:$0x11] =	stream.linear.gather [hbm4b:s28+s5], $0x2800, $0x38;
	[tilespmem:$0xB800] =	vst v63  }
0x3c: {  	_ =	swait.ge [sflag:s9], $0x2800  }
0x3d: {  	[sflag:s9] =	ssyncset.done $0x0  }
0x3e: {  	s10 =	simm.s32 $0x2800;
	s8 =	rddreg [dreg:$0x7];
	[sflag:s9] =	ssyncadd.s32 $0xFFFFD800  }
0x3f: {  	[tilespmem:s10], [sflag:$0x11] =	stream.linear.gather [hbm4b:s8+s5], $0x2800, $0x38;
	[tilespmem:$0xB800] =	vst v63  }
0x40: {  	_ =	swait.ge [sflag:s9], $0x2800  }
0x41: {  	[sflag:s9] =	ssyncset.done $0x0  }
0x42: {  	[sflag:s9] =	ssyncadd.s32 $0xFFFFD800  }
0x43: {  	[tilespmem:s23], [sflag:$0x1] =	stream.indirect.gather [hbm4b:s1+s26], $0x10, s5, s26, $0xb8;
	[tilespmem:$0xB800] =	vst v63  }
0x44: {  	_ = 	snop  }
0x45: {  	[tilespmem:s13], [sflag:$0x2] =	stream.indirect.gather [hbm4b:s1+s26], $0x10, s26, s26, $0xb8;
	[tilespmem:$0xB800] =	vst v63  }
0x46: {  	s11 =	simm.s32 $0x100;
	s12 =	simm.s32 $0x6000  }
0x47: {  	[tilespmem:s12], [sflag:$0x3] =	stream.indirect.gather [hbm4b:s1+s26], $0x10, s11, s26, $0xb8;
	[tilespmem:$0xB800] =	vst v63  }
0x48: {  	s14 =	simm.s32 $0x180  }
0x49: {  	[tilespmem:s2], [sflag:$0x4] =	stream.indirect.gather [hbm4b:s1+s26], $0x10, s14, s26, $0xb8;
	[tilespmem:$0xB800] =	vst v63  }
0x4a: {  	s15 =	simm.s32 $0x200;
	s16 =	simm.s32 $0x7000;
	p0 =	por $0x1, $0x1  }
0x4b: {  	[tilespmem:s16], [sflag:$0x5] =	stream.indirect.gather [hbm4b:s1+s26], $0x10, s15, s26, $0xb8;
	[tilespmem:$0xB800] =	vst v63  }
0x4c: {  	s17 =	simm.s32 $0x280;
	s5 =	simm.s32 @!p0 $0xF  }
0x4d: {  	[tilespmem:s30], [sflag:$0x6] =	stream.indirect.gather [hbm4b:s1+s26], $0x10, s17, s26, $0xb8;
	[tilespmem:$0xB800] =	vst v63  }
0x4e: {  	_ =	swait.ge @!p0 [sflag:s5], $0x800  }
0x4f: {  	[sflag:s5] =	ssyncset.done @!p0 $0x0  }
0x50: {  	s19 =	simm.s32 $0x300;
	s18 =	rddreg [dreg:$0x4];
	[sflag:s5] =	ssyncadd.s32 @!p0 $0xFFFFF800  }
0x51: {  	[tilespmem:s18], [sflag:$0x7] =	stream.indirect.gather [hbm4b:s1+s26], $0x10, s19, s26, $0xb8;
	[tilespmem:$0xB800] =	vst v63  }
0x52: {  	_ =	swait.ge [sflag:s31], $0x800  }
0x53: {  	[sflag:s31] =	ssyncset.done $0x0  }
0x54: {  	s20 =	simm.s32 $0x2800;
	s8 =	simm.s32 @!p0 $0x10;
	[sflag:s31] =	ssyncadd.s32 $0xFFFFF800  }
0x55: {  	[spmem:s3] =	stream.indirect.scatter.add.f32 [tilespmem:s23], [sflag:$0x9], $0x10, s20, s26, $0xb8;
	[tilespmem:$0xB800] =	vst v63  }
0x56: {  	_ =	swait.ge @!p0 [sflag:s8], $0x800  }
0x57: {  	[sflag:s8] =	ssyncset.done @!p0 $0x0  }
0x58: {  	s21 =	simm.s32 $0x380;
	[sflag:s8] =	ssyncadd.s32 @!p0 $0xFFFFF800  }
0x59: {  	[tilespmem:s0], [sflag:$0x8] =	stream.indirect.gather [hbm4b:s1+s26], $0x10, s21, s26, $0xb8;
	[tilespmem:$0xB800] =	vst v63  }
0x5a: {  	_ =	swait.ge [sflag:s25], $0x800  }
0x5b: {  	p0 =	por $0x0, $0x0;
	[sflag:s25] =	ssyncset.done $0x0  }
0x5c: {  	s22 =	simm.s32 $0x2880;
	s9 =	simm.s32 @p0 $0x3;
	[sflag:s25] =	ssyncadd.s32 $0xFFFFF800  }
0x5d: {  	[spmem:s3] =	stream.indirect.scatter.add.f32 [tilespmem:s13], [sflag:$0xA], $0x10, s22, s26, $0xb8;
	[tilespmem:$0xB800] =	vst v63  }
0x5e: {  	_ =	swait.ge @p0 [sflag:s9], $0x800  }
0x5f: {  	s5 =	simm.s32 @p0 $0x2900;
	s8 =	simm.s32 @p0 $0x80;
	[sflag:s9] =	ssyncset.done @p0 $0x0  }
0x60: {  	s10 =	simm.s32 @p0 $0x6000;
	[sflag:s9] =	ssyncadd.s32 @p0 $0xFFFFF800;
	s9 =	simm.s32 @!p0 $0x9  }
0x61: {  	[spmem:s3] =	stream.indirect.scatter.add.f32 @p0 [tilespmem:s10], [sflag:$0xB], $0x10, s5, s8, $0xb8;
	[tilespmem:$0xB800] =	vst v63  }
0x62: {  	_ =	swait.ge @!p0 [sflag:s9], $0x800  }
0x63: {  	s11 =	simm.s32 @!p0 $0x5000;
	s10 =	simm.s32 @!p0 $0x400;
	[sflag:s9] =	ssyncset.done @!p0 $0x0  }
0x64: {  	s5 =	simm.s32 @!p0 $0x80;
	[sflag:s9] =	ssyncadd.s32 @!p0 $0xFFFFF800;
	s9 =	simm.s32 @!p0 $0x3  }
0x65: {  	[tilespmem:s11], [sflag:$0x1] =	stream.indirect.gather @!p0 [hbm4b:s1+s5], $0x10, s10, s5, $0xb8;
	[tilespmem:$0xB800] =	vst v63  }
0x66: {  	_ =	swait.ge @!p0 [sflag:s9], $0x800  }
0x67: {  	s10 =	simm.s32 @!p0 $0x2900;
	[sflag:s9] =	ssyncset.done @!p0 $0x0  }
0x68: {  	s11 =	simm.s32 @!p0 $0x6000;
	[sflag:s9] =	ssyncadd.s32 @!p0 $0xFFFFF800;
	s9 =	simm.s32 @!p0 $0xA  }
0x69: {  	[spmem:s3] =	stream.indirect.scatter.add.f32 @!p0 [tilespmem:s11], [sflag:$0xB], $0x10, s10, s5, $0xb8;
	[tilespmem:$0xB800] =	vst v63  }
0x6a: {  	_ =	swait.ge @!p0 [sflag:s9], $0x800  }
0x6b: {  	[sflag:s9] =	ssyncset.done @!p0 $0x0  }
0x6c: {  	s10 =	simm.s32 @!p0 $0x480;
	[sflag:s9] =	ssyncadd.s32 @!p0 $0xFFFFF800;
	s9 =	simm.s32 @!p0 $0x5800  }
0x6d: {  	[tilespmem:s9], [sflag:$0x2] =	stream.indirect.gather @!p0 [hbm4b:s1+s5], $0x10, s10, s5, $0xb8;
	[tilespmem:$0xB800] =	vst v63  }
0x6e: {  	_ =	swait.ge [sflag:s29], $0x800  }
0x6f: {  	[sflag:s29] =	ssyncset.done $0x0  }
0x70: {  	s24 =	simm.s32 $0x2980;
	s10 =	simm.s32 @p0 $0x5;
	[sflag:s29] =	ssyncadd.s32 $0xFFFFF800  }
0x71: {  	[spmem:s3] =	stream.indirect.scatter.add.f32 [tilespmem:s2], [sflag:$0xC], $0x10, s24, s26, $0xb8;
	[tilespmem:$0xB800] =	vst v63  }
0x72: {  	_ =	swait.ge @p0 [sflag:s10], $0x800  }
0x73: {  	[sflag:s10] =	ssyncset.done @p0 $0x0  }
0x74: {  	s9 =	simm.s32 @p0 $0x2A00;
	[sflag:s10] =	ssyncadd.s32 @p0 $0xFFFFF800;
	s10 =	simm.s32 @p0 $0x7000  }
0x75: {  	[spmem:s3] =	stream.indirect.scatter.add.f32 @p0 [tilespmem:s10], [sflag:$0xD], $0x10, s9, s8, $0xb8;
	[tilespmem:$0xB800] =	vst v63  }
0x76: {  	s9 =	simm.s32 @!p0 $0xB  }
0x77: {  	_ =	swait.ge @!p0 [sflag:s9], $0x800  }
0x78: {  	[sflag:s9] =	ssyncset.done @!p0 $0x0  }
0x79: {  	s10 =	simm.s32 @!p0 $0x500;
	[sflag:s9] =	ssyncadd.s32 @!p0 $0xFFFFF800;
	s9 =	simm.s32 @!p0 $0x5  }
0x7a: {  	[tilespmem:s11], [sflag:$0x3] =	stream.indirect.gather @!p0 [hbm4b:s1+s5], $0x10, s10, s5, $0xb8;
	[tilespmem:$0xB800] =	vst v63  }
0x7b: {  	_ =	swait.ge @!p0 [sflag:s9], $0x800  }
0x7c: {  	s10 =	simm.s32 @!p0 $0x2A00;
	[sflag:s9] =	ssyncset.done @!p0 $0x0  }
0x7d: {  	s11 =	simm.s32 @!p0 $0x7000;
	[sflag:s9] =	ssyncadd.s32 @!p0 $0xFFFFF800;
	s9 =	simm.s32 @!p0 $0xC  }
0x7e: {  	[spmem:s3] =	stream.indirect.scatter.add.f32 @!p0 [tilespmem:s11], [sflag:$0xD], $0x10, s10, s5, $0xb8;
	[tilespmem:$0xB800] =	vst v63  }
0x7f: {  	_ =	swait.ge @!p0 [sflag:s9], $0x800  }
0x80: {  	[sflag:s9] =	ssyncset.done @!p0 $0x0  }
0x81: {  	s10 =	simm.s32 @!p0 $0x580;
	[sflag:s9] =	ssyncadd.s32 @!p0 $0xFFFFF800;
	s9 =	simm.s32 @!p0 $0x6800  }
0x82: {  	[tilespmem:s9], [sflag:$0x4] =	stream.indirect.gather @!p0 [hbm4b:s1+s5], $0x10, s10, s5, $0xb8;
	[tilespmem:$0xB800] =	vst v63  }
0x83: {  	_ =	swait.ge [sflag:s6], $0x800  }
0x84: {  	[sflag:s6] =	ssyncset.done $0x0  }
0x85: {  	s28 =	simm.s32 $0x2A80;
	s10 =	simm.s32 @p0 $0x7;
	[sflag:s6] =	ssyncadd.s32 $0xFFFFF800  }
0x86: {  	[spmem:s3] =	stream.indirect.scatter.add.f32 [tilespmem:s30], [sflag:$0xE], $0x10, s28, s26, $0xb8;
	[tilespmem:$0xB800] =	vst v63  }
0x87: {  	_ =	swait.ge @p0 [sflag:s10], $0x800  }
0x88: {  	[sflag:s10] =	ssyncset.done @p0 $0x0  }
0x89: {  	s9 =	simm.s32 @p0 $0x2B00;
	[sflag:s10] =	ssyncadd.s32 @p0 $0xFFFFF800;
	s10 =	simm.s32 @p0 $0x8000  }
0x8a: {  	[spmem:s3] =	stream.indirect.scatter.add.f32 @p0 [tilespmem:s10], [sflag:$0xF], $0x10, s9, s8, $0xb8;
	[tilespmem:$0xB800] =	vst v63  }
0x8b: {  	s8 =	simm.s32 @!p0 $0xD  }
0x8c: {  	_ =	swait.ge @!p0 [sflag:s8], $0x800  }
0x8d: {  	[sflag:s8] =	ssyncset.done @!p0 $0x0  }
0x8e: {  	[sflag:s8] =	ssyncadd.s32 @!p0 $0xFFFFF800;
	s8 =	simm.s32 @!p0 $0x600  }
0x8f: {  	[tilespmem:s11], [sflag:$0x5] =	stream.indirect.gather @!p0 [hbm4b:s1+s5], $0x10, s8, s5, $0xb8;
	[tilespmem:$0xB800] =	vst v63  }
0x90: {  	s8 =	simm.s32 @!p0 $0x7  }
0x91: {  	_ =	swait.ge @!p0 [sflag:s8], $0x800  }
0x92: {  	[sflag:s8] =	ssyncset.done @!p0 $0x0  }
0x93: {  	s9 =	simm.s32 @!p0 $0x2B00;
	[sflag:s8] =	ssyncadd.s32 @!p0 $0xFFFFF800;
	s8 =	simm.s32 @!p0 $0x8000  }
0x94: {  	[spmem:s3] =	stream.indirect.scatter.add.f32 @!p0 [tilespmem:s8], [sflag:$0xF], $0x10, s9, s5, $0xb8;
	[tilespmem:$0xB800] =	vst v63  }
0x95: {  	s8 =	simm.s32 @!p0 $0xE  }
0x96: {  	_ =	swait.ge @!p0 [sflag:s8], $0x800  }
0x97: {  	p1 =	por $0x0, $0x0;
	s17 =	simm.s32 $0x2000;
	[sflag:s8] =	ssyncset.done @!p0 $0x0  }
0x98: {  	s9 =	simm.s32 @!p0 $0x680;
	[sflag:s8] =	ssyncadd.s32 @!p0 $0xFFFFF800;
	s8 =	simm.s32 @!p0 $0x7800  }
0x99: {  	[tilespmem:s8], [sflag:$0x6] =	stream.indirect.gather @!p0 [hbm4b:s1+s5], $0x10, s9, s5, $0xb8;
	[tilespmem:$0xB800] =	vst v63  }
0x9a: {  	s19 =	simm.s32 $0x1000;
	s18 =	simm.s32 $0x2B80;
	_ =	swait.ge [sflag:s7], $0x800  }
.LBB2_4:
0x9b: {  	[sflag:s7] =	ssyncset.done $0x0  }
0x9c: {  	s8 =	simm.s32 @!p1 $0xF;
	[sflag:s7] =	ssyncadd.s32 $0xFFFFF800  }
0x9d: {  	[spmem:s3] =	stream.indirect.scatter.add.f32 [tilespmem:s0], [sflag:$0x10], $0x10, s18, s26, $0xb8;
	[tilespmem:$0xB800] =	vst v63  }
0x9e: {  	_ =	swait.ge @!p1 [sflag:s8], $0x800  }
0x9f: {  	s20 =	sshra.s32 s19, $0x2;
	[sflag:s8] =	ssyncset.done @!p1 $0x0  }
0xa0: {  	s15 =	sadd.s32 $0x300, s20;
	s9 =	rddreg [dreg:$0x4];
	[sflag:s8] =	ssyncadd.s32 @!p1 $0xFFFFF800  }
0xa1: {  	[tilespmem:s9], [sflag:$0x7] =	stream.indirect.gather [hbm4b:s1+s26], $0x10, s15, s26, $0xb8;
	[tilespmem:$0xB800] =	vst v63  }
0xa2: {  	_ =	swait.ge [sflag:s31], $0x800  }
0xa3: {  	[sflag:s31] =	ssyncset.done $0x0  }
0xa4: {  	s16 =	sadd.s32 $0x2800, s20;
	s9 =	simm.s32 @!p1 $0x10;
	[sflag:s31] =	ssyncadd.s32 $0xFFFFF800  }
0xa5: {  	[spmem:s3] =	stream.indirect.scatter.add.f32 [tilespmem:s23], [sflag:$0x9], $0x10, s16, s26, $0xb8;
	[tilespmem:$0xB800] =	vst v63  }
0xa6: {  	_ =	swait.ge @!p1 [sflag:s9], $0x800  }
0xa7: {  	[sflag:s9] =	ssyncset.done @!p1 $0x0  }
0xa8: {  	s21 =	sadd.s32 $0x380, s20;
	[sflag:s9] =	ssyncadd.s32 @!p1 $0xFFFFF800  }
0xa9: {  	[tilespmem:s0], [sflag:$0x8] =	stream.indirect.gather [hbm4b:s1+s26], $0x10, s21, s26, $0xb8;
	[tilespmem:$0xB800] =	vst v63  }
0xaa: {  	_ =	swait.ge [sflag:s25], $0x800  }
0xab: {  	p1 =	seq.s32 s19, $0x9000;
	[sflag:s25] =	ssyncset.done $0x0  }
0xac: {  	s22 =	sadd.s32 $0x2880, s20;
	s9 =	simm.s32 @p1 $0x3;
	[sflag:s25] =	ssyncadd.s32 $0xFFFFF800  }
0xad: {  	[spmem:s3] =	stream.indirect.scatter.add.f32 [tilespmem:s13], [sflag:$0xA], $0x10, s22, s26, $0xb8;
	[tilespmem:$0xB800] =	vst v63  }
0xae: {  	s10 =	sshra.s32 @p1 s19, $0x2;
	_ =	swait.ge @p1 [sflag:s9], $0x800  }
0xaf: {  	s11 =	simm.s32 @p1 $0x6000;
	s8 =	sadd.s32 @p1 $0x2900, s10;
	[sflag:s9] =	ssyncset.done @p1 $0x0  }
0xb0: {  	s22 =	simm.s32 @p1 $0x80;
	[sflag:s9] =	ssyncadd.s32 @p1 $0xFFFFF800;
	s9 =	simm.s32 @!p1 $0x9  }
0xb1: {  	[spmem:s3] =	stream.indirect.scatter.add.f32 @p1 [tilespmem:s11], [sflag:$0xB], $0x10, s8, s22, $0xb8;
	[tilespmem:$0xB800] =	vst v63  }
0xb2: {  	s19 =	sshra.s32 @!p1 s19, $0x2;
	_ =	swait.ge @!p1 [sflag:s9], $0x800  }
0xb3: {  	s21 =	simm.s32 @!p1 $0x80;
	s12 =	sadd.s32 @!p1 $0x400, s19;
	[sflag:s9] =	ssyncset.done @!p1 $0x0  }
0xb4: {  	s11 =	simm.s32 @!p1 $0x5000;
	[sflag:s9] =	ssyncadd.s32 @!p1 $0xFFFFF800;
	s9 =	simm.s32 @!p1 $0x3  }
0xb5: {  	[tilespmem:s11], [sflag:$0x1] =	stream.indirect.gather @!p1 [hbm4b:s1+s21], $0x10, s12, s21, $0xb8;
	[tilespmem:$0xB800] =	vst v63  }
0xb6: {  	_ =	swait.ge @!p1 [sflag:s9], $0x800  }
0xb7: {  	s16 =	simm.s32 @!p1 $0x6000;
	[sflag:s9] =	ssyncset.done @!p1 $0x0  }
0xb8: {  	s24 =	simm.s32 @!p1 $0xA;
	s8 =	sadd.s32 @!p1 $0x2900, s19;
	[sflag:s9] =	ssyncadd.s32 @!p1 $0xFFFFF800  }
0xb9: {  	[spmem:s3] =	stream.indirect.scatter.add.f32 @!p1 [tilespmem:s16], [sflag:$0xB], $0x10, s8, s21, $0xb8;
	[tilespmem:$0xB800] =	vst v63  }
0xba: {  	_ =	swait.ge @!p1 [sflag:s24], $0x800  }
0xbb: {  	s5 =	smov.u32 s17;
	s28 =	simm.s32 @!p1 $0x5800;
	[sflag:s24] =	ssyncset.done @!p1 $0x0  }
0xbc: {  	s14 =	sadd.s32 @p1 $0x2A00, s10;
	s13 =	sadd.s32 @!p1 $0x480, s19;
	[sflag:s24] =	ssyncadd.s32 @!p1 $0xFFFFF800  }
0xbd: {  	[tilespmem:s28], [sflag:$0x2] =	stream.indirect.gather @!p1 [hbm4b:s1+s21], $0x10, s13, s21, $0xb8;
	[tilespmem:$0xB800] =	vst v63  }
0xbe: {  	s15 =	sadd.s32 @!p1 $0x500, s19;
	s4 =	sadd.s32 @!p1 $0x2A00, s19;
	_ =	swait.ge [sflag:s29], $0x800  }
0xbf: {  	s12 =	sadd.s32 @!p1 $0x580, s19;
	s11 =	sadd.s32 @p1 $0x2B00, s10;
	[sflag:s29] =	ssyncset.done $0x0  }
0xc0: {  	s24 =	sadd.s32 $0x2980, s20;
	s13 =	simm.s32 @p1 $0x5;
	[sflag:s29] =	ssyncadd.s32 $0xFFFFF800  }
0xc1: {  	[spmem:s3] =	stream.indirect.scatter.add.f32 [tilespmem:s2], [sflag:$0xC], $0x10, s24, s26, $0xb8;
	[tilespmem:$0xB800] =	vst v63  }
0xc2: {  	s10 =	sadd.s32 @!p1 $0x600, s19;
	s9 =	sadd.s32 @!p1 $0x2B00, s19;
	_ =	swait.ge @p1 [sflag:s13], $0x800  }
0xc3: {  	s8 =	sadd.s32 @!p1 $0x680, s19;
	s19 =	smov.u32 s5;
	[sflag:s13] =	ssyncset.done @p1 $0x0  }
0xc4: {  	s5 =	simm.s32 @p1 $0x7000;
	[sflag:s13] =	ssyncadd.s32 @p1 $0xFFFFF800;
	s13 =	simm.s32 @!p1 $0xB  }
0xc5: {  	[spmem:s3] =	stream.indirect.scatter.add.f32 @p1 [tilespmem:s5], [sflag:$0xD], $0x10, s14, s22, $0xb8;
	[tilespmem:$0xB800] =	vst v63  }
0xc6: {  	_ =	swait.ge @!p1 [sflag:s13], $0x800  }
0xc7: {  	[sflag:s13] =	ssyncset.done @!p1 $0x0  }
0xc8: {  	s5 =	simm.s32 @!p1 $0x5;
	[sflag:s13] =	ssyncadd.s32 @!p1 $0xFFFFF800  }
0xc9: {  	[tilespmem:s16], [sflag:$0x3] =	stream.indirect.gather @!p1 [hbm4b:s1+s21], $0x10, s15, s21, $0xb8;
	[tilespmem:$0xB800] =	vst v63  }
0xca: {  	_ =	swait.ge @!p1 [sflag:s5], $0x800  }
0xcb: {  	[sflag:s5] =	ssyncset.done @!p1 $0x0  }
0xcc: {  	s13 =	simm.s32 @!p1 $0x7000;
	[sflag:s5] =	ssyncadd.s32 @!p1 $0xFFFFF800;
	s5 =	simm.s32 @!p1 $0xC  }
0xcd: {  	[spmem:s3] =	stream.indirect.scatter.add.f32 @!p1 [tilespmem:s13], [sflag:$0xD], $0x10, s4, s21, $0xb8;
	[tilespmem:$0xB800] =	vst v63  }
0xce: {  	_ =	swait.ge @!p1 [sflag:s5], $0x800  }
0xcf: {  	[sflag:s5] =	ssyncset.done @!p1 $0x0  }
0xd0: {  	s4 =	simm.s32 @!p1 $0x6800;
	[sflag:s5] =	ssyncadd.s32 @!p1 $0xFFFFF800  }
0xd1: {  	[tilespmem:s4], [sflag:$0x4] =	stream.indirect.gather @!p1 [hbm4b:s1+s21], $0x10, s12, s21, $0xb8;
	[tilespmem:$0xB800] =	vst v63  }
0xd2: {  	_ =	swait.ge [sflag:s6], $0x800  }
0xd3: {  	[sflag:s6] =	ssyncset.done $0x0  }
0xd4: {  	s28 =	sadd.s32 $0x2A80, s20;
	s5 =	simm.s32 @p1 $0x7;
	[sflag:s6] =	ssyncadd.s32 $0xFFFFF800  }
0xd5: {  	[spmem:s3] =	stream.indirect.scatter.add.f32 [tilespmem:s30], [sflag:$0xE], $0x10, s28, s26, $0xb8;
	[tilespmem:$0xB800] =	vst v63  }
0xd6: {  	_ =	swait.ge @p1 [sflag:s5], $0x800  }
0xd7: {  	[sflag:s5] =	ssyncset.done @p1 $0x0  }
0xd8: {  	s4 =	simm.s32 @p1 $0x8000;
	[sflag:s5] =	ssyncadd.s32 @p1 $0xFFFFF800;
	s5 =	simm.s32 @!p1 $0xD  }
0xd9: {  	[spmem:s3] =	stream.indirect.scatter.add.f32 @p1 [tilespmem:s4], [sflag:$0xF], $0x10, s11, s22, $0xb8;
	[tilespmem:$0xB800] =	vst v63  }
0xda: {  	_ =	swait.ge @!p1 [sflag:s5], $0x800  }
0xdb: {  	[sflag:s5] =	ssyncset.done @!p1 $0x0  }
0xdc: {  	s4 =	simm.s32 @!p1 $0x7;
	[sflag:s5] =	ssyncadd.s32 @!p1 $0xFFFFF800  }
0xdd: {  	[tilespmem:s13], [sflag:$0x5] =	stream.indirect.gather @!p1 [hbm4b:s1+s21], $0x10, s10, s21, $0xb8;
	[tilespmem:$0xB800] =	vst v63  }
0xde: {  	s17 =	sadd.s32 $0x1000, s17;
	_ =	swait.ge @!p1 [sflag:s4], $0x800  }
0xdf: {  	p0 =	sne.s32 s17, $0xA000;
	[sflag:s4] =	ssyncset.done @!p1 $0x0  }
0xe0: {  	s5 =	simm.s32 @!p1 $0x8000;
	[sflag:s4] =	ssyncadd.s32 @!p1 $0xFFFFF800;
	s4 =	simm.s32 @!p1 $0xE  }
0xe1: {  	[spmem:s3] =	stream.indirect.scatter.add.f32 @!p1 [tilespmem:s5], [sflag:$0xF], $0x10, s9, s21, $0xb8;
	[tilespmem:$0xB800] =	vst v63  }
.Ltmp1:
0xe2: {  	_ =	swait.ge @!p1 [sflag:s4], $0x800;
	(pc) =	sbr.rel @p0 .LBB2_4-.Ltmp1, $4  }
0xe3: {  	[sflag:s4] =	ssyncset.done @!p1 $0x0  }
0xe4: {  	s18 =	sadd.s32 $0x2B80, s20;
	s5 =	simm.s32 @!p1 $0x7800;
	[sflag:s4] =	ssyncadd.s32 @!p1 $0xFFFFF800  }
0xe5: {  	[tilespmem:s5], [sflag:$0x6] =	stream.indirect.gather @!p1 [hbm4b:s1+s21], $0x10, s8, s21, $0xb8;
	[tilespmem:$0xB800] =	vst v63  }
0xe6: {  	s13 =	simm.s32 $0x5800;
	p1 =	seq.s32 s19, $0x0;
	_ =	swait.ge [sflag:s7], $0x800  }
0xe7: {  	[sflag:s7] =	ssyncset.done $0x0  }
0xe8: {  	s4 =	simm.s32 @!p1 $0xF;
	[sflag:s7] =	ssyncadd.s32 $0xFFFFF800  }
0xe9: {  	[spmem:s3] =	stream.indirect.scatter.add.f32 [tilespmem:s0], [sflag:$0x10], $0x10, s18, s26, $0xb8;
	[tilespmem:$0xB800] =	vst v63  }
0xea: {  	_ =	swait.ge @!p1 [sflag:s4], $0x800  }
0xeb: {  	s17 =	sshra.s32 s19, $0x2;
	[sflag:s4] =	ssyncset.done @!p1 $0x0  }
0xec: {  	s12 =	sadd.s32 $0x300, s17;
	s5 =	rddreg [dreg:$0x4];
	[sflag:s4] =	ssyncadd.s32 @!p1 $0xFFFFF800  }
0xed: {  	[tilespmem:s5], [sflag:$0x7] =	stream.indirect.gather [hbm4b:s1+s26], $0x10, s12, s26, $0xb8;
	[tilespmem:$0xB800] =	vst v63  }
0xee: {  	_ =	swait.ge [sflag:s31], $0x800  }
0xef: {  	[sflag:s31] =	ssyncset.done $0x0  }
0xf0: {  	s14 =	sadd.s32 $0x2800, s17;
	s5 =	simm.s32 @!p1 $0x10;
	[sflag:s31] =	ssyncadd.s32 $0xFFFFF800  }
0xf1: {  	[spmem:s3] =	stream.indirect.scatter.add.f32 [tilespmem:s23], [sflag:$0x9], $0x10, s14, s26, $0xb8;
	[tilespmem:$0xB800] =	vst v63  }
0xf2: {  	_ =	swait.ge @!p1 [sflag:s5], $0x800  }
0xf3: {  	[sflag:s5] =	ssyncset.done @!p1 $0x0  }
0xf4: {  	s15 =	sadd.s32 $0x380, s17;
	[sflag:s5] =	ssyncadd.s32 @!p1 $0xFFFFF800  }
0xf5: {  	[tilespmem:s0], [sflag:$0x8] =	stream.indirect.gather [hbm4b:s1+s26], $0x10, s15, s26, $0xb8;
	[tilespmem:$0xB800] =	vst v63  }
0xf6: {  	_ =	swait.ge [sflag:s25], $0x800  }
0xf7: {  	p0 =	seq.s32 s19, $0x9000;
	[sflag:s25] =	ssyncset.done $0x0  }
0xf8: {  	s16 =	sadd.s32 $0x2880, s17;
	s5 =	simm.s32 @p0 $0x3;
	[sflag:s25] =	ssyncadd.s32 $0xFFFFF800  }
0xf9: {  	[spmem:s3] =	stream.indirect.scatter.add.f32 [tilespmem:s13], [sflag:$0xA], $0x10, s16, s26, $0xb8;
	[tilespmem:$0xB800] =	vst v63  }
0xfa: {  	s9 =	sshra.s32 @p0 s19, $0x2;
	_ =	swait.ge @p0 [sflag:s5], $0x800  }
0xfb: {  	s10 =	simm.s32 @p0 $0x80;
	s8 =	simm.s32 @p0 $0x6000;
	[sflag:s5] =	ssyncset.done @p0 $0x0  }
0xfc: {  	s11 =	simm.s32 @!p0 $0x9;
	s4 =	sadd.s32 @p0 $0x2900, s9;
	[sflag:s5] =	ssyncadd.s32 @p0 $0xFFFFF800  }
0xfd: {  	[spmem:s3] =	stream.indirect.scatter.add.f32 @p0 [tilespmem:s8], [sflag:$0xB], $0x10, s4, s10, $0xb8;
	[tilespmem:$0xB800] =	vst v63  }
0xfe: {  	s5 =	sshra.s32 @!p0 s19, $0x2;
	_ =	swait.ge @!p0 [sflag:s11], $0x800  }
0xff: {  	s12 =	simm.s32 @!p0 $0x5000;
	s4 =	sadd.s32 @!p0 $0x400, s5;
	[sflag:s11] =	ssyncset.done @!p0 $0x0  }
0x100: {  	s8 =	simm.s32 @!p0 $0x80;
	[sflag:s11] =	ssyncadd.s32 @!p0 $0xFFFFF800;
	s11 =	simm.s32 @!p0 $0x3  }
0x101: {  	[tilespmem:s12], [sflag:$0x1] =	stream.indirect.gather @!p0 [hbm4b:s1+s8], $0x10, s4, s8, $0xb8;
	[tilespmem:$0xB800] =	vst v63  }
0x102: {  	_ =	swait.ge @!p0 [sflag:s11], $0x800  }
0x103: {  	s4 =	sadd.s32 @!p0 $0x2900, s5;
	[sflag:s11] =	ssyncset.done @!p0 $0x0  }
0x104: {  	s12 =	simm.s32 @!p0 $0x6000;
	[sflag:s11] =	ssyncadd.s32 @!p0 $0xFFFFF800;
	s11 =	simm.s32 @!p0 $0xA  }
0x105: {  	[spmem:s3] =	stream.indirect.scatter.add.f32 @!p0 [tilespmem:s12], [sflag:$0xB], $0x10, s4, s8, $0xb8;
	[tilespmem:$0xB800] =	vst v63  }
0x106: {  	_ =	swait.ge @!p0 [sflag:s11], $0x800  }
0x107: {  	[sflag:s11] =	ssyncset.done @!p0 $0x0  }
0x108: {  	s4 =	sadd.s32 @!p0 $0x480, s5;
	[sflag:s11] =	ssyncadd.s32 @!p0 $0xFFFFF800;
	s11 =	simm.s32 @!p0 $0x5800  }
0x109: {  	[tilespmem:s11], [sflag:$0x2] =	stream.indirect.gather @!p0 [hbm4b:s1+s8], $0x10, s4, s8, $0xb8;
	[tilespmem:$0xB800] =	vst v63  }
0x10a: {  	_ =	swait.ge [sflag:s29], $0x800  }
0x10b: {  	[sflag:s29] =	ssyncset.done $0x0  }
0x10c: {  	s18 =	sadd.s32 $0x2980, s17;
	s11 =	simm.s32 @p0 $0x5;
	[sflag:s29] =	ssyncadd.s32 $0xFFFFF800  }
0x10d: {  	[spmem:s3] =	stream.indirect.scatter.add.f32 [tilespmem:s2], [sflag:$0xC], $0x10, s18, s26, $0xb8;
	[tilespmem:$0xB800] =	vst v63  }
0x10e: {  	_ =	swait.ge @p0 [sflag:s11], $0x800  }
0x10f: {  	[sflag:s11] =	ssyncset.done @p0 $0x0  }
0x110: {  	s4 =	sadd.s32 @p0 $0x2A00, s9;
	[sflag:s11] =	ssyncadd.s32 @p0 $0xFFFFF800;
	s11 =	simm.s32 @p0 $0x7000  }
0x111: {  	[spmem:s3] =	stream.indirect.scatter.add.f32 @p0 [tilespmem:s11], [sflag:$0xD], $0x10, s4, s10, $0xb8;
	[tilespmem:$0xB800] =	vst v63  }
0x112: {  	s4 =	simm.s32 @!p0 $0xB  }
0x113: {  	_ =	swait.ge @!p0 [sflag:s4], $0x800  }
0x114: {  	[sflag:s4] =	ssyncset.done @!p0 $0x0  }
0x115: {  	s11 =	sadd.s32 @!p0 $0x500, s5;
	[sflag:s4] =	ssyncadd.s32 @!p0 $0xFFFFF800;
	s4 =	simm.s32 @!p0 $0x5  }
0x116: {  	[tilespmem:s12], [sflag:$0x3] =	stream.indirect.gather @!p0 [hbm4b:s1+s8], $0x10, s11, s8, $0xb8;
	[tilespmem:$0xB800] =	vst v63  }
0x117: {  	_ =	swait.ge @!p0 [sflag:s4], $0x800  }
0x118: {  	s11 =	sadd.s32 @!p0 $0x2A00, s5;
	[sflag:s4] =	ssyncset.done @!p0 $0x0  }
0x119: {  	s12 =	simm.s32 @!p0 $0x7000;
	[sflag:s4] =	ssyncadd.s32 @!p0 $0xFFFFF800;
	s4 =	simm.s32 @!p0 $0xC  }
0x11a: {  	[spmem:s3] =	stream.indirect.scatter.add.f32 @!p0 [tilespmem:s12], [sflag:$0xD], $0x10, s11, s8, $0xb8;
	[tilespmem:$0xB800] =	vst v63  }
0x11b: {  	_ =	swait.ge @!p0 [sflag:s4], $0x800  }
0x11c: {  	[sflag:s4] =	ssyncset.done @!p0 $0x0  }
0x11d: {  	s11 =	sadd.s32 @!p0 $0x580, s5;
	[sflag:s4] =	ssyncadd.s32 @!p0 $0xFFFFF800;
	s4 =	simm.s32 @!p0 $0x6800  }
0x11e: {  	[tilespmem:s4], [sflag:$0x4] =	stream.indirect.gather @!p0 [hbm4b:s1+s8], $0x10, s11, s8, $0xb8;
	[tilespmem:$0xB800] =	vst v63  }
0x11f: {  	_ =	swait.ge [sflag:s6], $0x800  }
0x120: {  	[sflag:s6] =	ssyncset.done $0x0  }
0x121: {  	s19 =	sadd.s32 $0x2A80, s17;
	s4 =	simm.s32 @p0 $0x7;
	[sflag:s6] =	ssyncadd.s32 $0xFFFFF800  }
0x122: {  	[spmem:s3] =	stream.indirect.scatter.add.f32 [tilespmem:s30], [sflag:$0xE], $0x10, s19, s26, $0xb8;
	[tilespmem:$0xB800] =	vst v63  }
0x123: {  	_ =	swait.ge @p0 [sflag:s4], $0x800  }
0x124: {  	[sflag:s4] =	ssyncset.done @p0 $0x0  }
0x125: {  	s9 =	sadd.s32 @p0 $0x2B00, s9;
	[sflag:s4] =	ssyncadd.s32 @p0 $0xFFFFF800;
	s4 =	simm.s32 @p0 $0x8000  }
0x126: {  	[spmem:s3] =	stream.indirect.scatter.add.f32 @p0 [tilespmem:s4], [sflag:$0xF], $0x10, s9, s10, $0xb8;
	[tilespmem:$0xB800] =	vst v63  }
0x127: {  	s4 =	simm.s32 @!p0 $0xD  }
0x128: {  	_ =	swait.ge @!p0 [sflag:s4], $0x800  }
0x129: {  	[sflag:s4] =	ssyncset.done @!p0 $0x0  }
0x12a: {  	[sflag:s4] =	ssyncadd.s32 @!p0 $0xFFFFF800;
	s4 =	sadd.s32 @!p0 $0x600, s5  }
0x12b: {  	[tilespmem:s12], [sflag:$0x5] =	stream.indirect.gather @!p0 [hbm4b:s1+s8], $0x10, s4, s8, $0xb8;
	[tilespmem:$0xB800] =	vst v63  }
0x12c: {  	s4 =	simm.s32 @!p0 $0x7  }
0x12d: {  	_ =	swait.ge @!p0 [sflag:s4], $0x800  }
0x12e: {  	[sflag:s4] =	ssyncset.done @!p0 $0x0  }
0x12f: {  	s9 =	sadd.s32 @!p0 $0x2B00, s5;
	[sflag:s4] =	ssyncadd.s32 @!p0 $0xFFFFF800;
	s4 =	simm.s32 @!p0 $0x8000  }
0x130: {  	[spmem:s3] =	stream.indirect.scatter.add.f32 @!p0 [tilespmem:s4], [sflag:$0xF], $0x10, s9, s8, $0xb8;
	[tilespmem:$0xB800] =	vst v63  }
0x131: {  	s4 =	simm.s32 @!p0 $0xE  }
0x132: {  	_ =	swait.ge @!p0 [sflag:s4], $0x800  }
0x133: {  	[sflag:s4] =	ssyncset.done @!p0 $0x0  }
0x134: {  	s5 =	sadd.s32 @!p0 $0x680, s5;
	[sflag:s4] =	ssyncadd.s32 @!p0 $0xFFFFF800;
	s4 =	simm.s32 @!p0 $0x7800  }
0x135: {  	[tilespmem:s4], [sflag:$0x6] =	stream.indirect.gather @!p0 [hbm4b:s1+s8], $0x10, s5, s8, $0xb8;
	[tilespmem:$0xB800] =	vst v63  }
0x136: {  	_ =	swait.ge [sflag:s7], $0x800  }
0x137: {  	[sflag:s7] =	ssyncset.done $0x0  }
0x138: {  	s21 =	simm.s32 $0x9;
	s20 =	sadd.s32 $0x2B80, s17;
	[sflag:s7] =	ssyncadd.s32 $0xFFFFF800  }
0x139: {  	[spmem:s3] =	stream.indirect.scatter.add.f32 [tilespmem:s0], [sflag:$0x10], $0x10, s20, s26, $0xb8;
	[tilespmem:$0xB800] =	vst v63  }
0x13a: {  	_ =	swait.ge [sflag:s21], $0x800  }
0x13b: {  	[sflag:s21] =	ssyncset.done $0x0  }
0x13c: {  	s22 =	simm.s32 $0xA;
	[sflag:s21] =	ssyncadd.s32 $0xFFFFF800  }
0x13d: {  	_ =	swait.ge [sflag:s22], $0x800  }
0x13e: {  	[sflag:s22] =	ssyncset.done $0x0  }
0x13f: {  	s24 =	simm.s32 $0xB;
	[sflag:s22] =	ssyncadd.s32 $0xFFFFF800  }
0x140: {  	_ =	swait.ge [sflag:s24], $0x800  }
0x141: {  	[sflag:s24] =	ssyncset.done $0x0  }
0x142: {  	s28 =	simm.s32 $0xC;
	[sflag:s24] =	ssyncadd.s32 $0xFFFFF800  }
0x143: {  	_ =	swait.ge [sflag:s28], $0x800  }
0x144: {  	[sflag:s28] =	ssyncset.done $0x0  }
0x145: {  	s5 =	simm.s32 $0xD;
	[sflag:s28] =	ssyncadd.s32 $0xFFFFF800  }
0x146: {  	_ =	swait.ge [sflag:s5], $0x800  }
0x147: {  	[sflag:s5] =	ssyncset.done $0x0  }
0x148: {  	s8 =	simm.s32 $0xE;
	[sflag:s5] =	ssyncadd.s32 $0xFFFFF800  }
0x149: {  	_ =	swait.ge [sflag:s8], $0x800  }
0x14a: {  	[sflag:s8] =	ssyncset.done $0x0  }
0x14b: {  	s9 =	simm.s32 $0xF;
	[sflag:s8] =	ssyncadd.s32 $0xFFFFF800  }
0x14c: {  	_ =	swait.ge [sflag:s9], $0x800  }
0x14d: {  	[sflag:s9] =	ssyncset.done $0x0  }
0x14e: {  	s10 =	simm.s32 $0x10;
	[sflag:s9] =	ssyncadd.s32 $0xFFFFF800  }
0x14f: {  	_ =	swait.ge [sflag:s10], $0x800  }
0x150: {  	[sflag:s10] =	ssyncset.done $0x0  }
0x151: {  	[sflag:s10] =	ssyncadd.s32 $0xFFFFF800  }
0x152: {  	[bflag:$0x0] =	sbarrier.arrive $0xFFFF  }
0x153: {  	s9 =	simm.s32 $0x11;
	s11 =	rddreg [dreg:$0x8]  }
0x154: {  	[tilespmem:s23], [sflag:$0x11] =	stream.linear.gather [spmem:s11], $0x800, $0x38;
	[tilespmem:$0xB800] =	vst v63  }
0x155: {  	_ =	swait.ge [sflag:s9], $0x800  }
0x156: {  	[sflag:s9] =	ssyncset.done $0x0  }
0x157: {  	s12 =	simm.s32 $0x0;
	s14 =	rddreg [dreg:$0xe];
	[sflag:s9] =	ssyncadd.s32 $0xFFFFF800  }
0x158: {  	[hbm4b:s14+s12] =	stream.linear.scatter [tilespmem:s23], [sflag:$0x11], $0x800, $0x38;
	[tilespmem:$0xB800] =	vst v63  }
0x159: {  	_ =	swait.ge [sflag:s9], $0x800  }
0x15a: {  	[sflag:s9] =	ssyncset.done $0x0  }
0x15b: {  	s15 =	rddreg [dreg:$0xf];
	[sflag:s9] =	ssyncadd.s32 $0xFFFFF800  }
0x15c: {  	[tilespmem:s23], [sflag:$0x11] =	stream.linear.gather [spmem:s15], $0x800, $0x38;
	[tilespmem:$0xB800] =	vst v63  }
0x15d: {  	_ =	swait.ge [sflag:s9], $0x800  }
0x15e: {  	[sflag:s9] =	ssyncset.done $0x0  }
0x15f: {  	s16 =	rddreg [dreg:$0x10];
	[sflag:s9] =	ssyncadd.s32 $0xFFFFF800  }
0x160: {  	[hbm4b:s16+s12] =	stream.linear.scatter [tilespmem:s23], [sflag:$0x11], $0x800, $0x38;
	[tilespmem:$0xB800] =	vst v63  }
0x161: {  	_ =	swait.ge [sflag:s9], $0x800  }
0x162: {  	[sflag:s9] =	ssyncset.done $0x0  }
0x163: {  	s17 =	rddreg [dreg:$0x11];
	[sflag:s9] =	ssyncadd.s32 $0xFFFFF800  }
0x164: {  	[tilespmem:s23], [sflag:$0x11] =	stream.linear.gather [spmem:s17], $0x800, $0x38;
	[tilespmem:$0xB800] =	vst v63  }
0x165: {  	_ =	swait.ge [sflag:s9], $0x800  }
0x166: {  	[sflag:s9] =	ssyncset.done $0x0  }
0x167: {  	s18 =	rddreg [dreg:$0x12];
	[sflag:s9] =	ssyncadd.s32 $0xFFFFF800  }
0x168: {  	[hbm4b:s18+s12] =	stream.linear.scatter [tilespmem:s23], [sflag:$0x11], $0x800, $0x38;
	[tilespmem:$0xB800] =	vst v63  }
0x169: {  	_ =	swait.ge [sflag:s9], $0x800  }
0x16a: {  	[sflag:s9] =	ssyncset.done $0x0  }
0x16b: {  	s19 =	rddreg [dreg:$0x13];
	[sflag:s9] =	ssyncadd.s32 $0xFFFFF800  }
0x16c: {  	[tilespmem:s23], [sflag:$0x11] =	stream.linear.gather [spmem:s19], $0x800, $0x38;
	[tilespmem:$0xB800] =	vst v63  }
0x16d: {  	_ =	swait.ge [sflag:s9], $0x800  }
0x16e: {  	[sflag:s9] =	ssyncset.done $0x0  }
0x16f: {  	s20 =	rddreg [dreg:$0x14];
	[sflag:s9] =	ssyncadd.s32 $0xFFFFF800  }
0x170: {  	[hbm4b:s20+s12] =	stream.linear.scatter [tilespmem:s23], [sflag:$0x11], $0x800, $0x38;
	[tilespmem:$0xB800] =	vst v63  }
0x171: {  	_ =	swait.ge [sflag:s9], $0x800  }
0x172: {  	[sflag:s9] =	ssyncset.done $0x0  }
0x173: {  	s21 =	rddreg [dreg:$0x15];
	[sflag:s9] =	ssyncadd.s32 $0xFFFFF800  }
0x174: {  	[tilespmem:s23], [sflag:$0x11] =	stream.linear.gather [spmem:s21], $0x800, $0x38;
	[tilespmem:$0xB800] =	vst v63  }
0x175: {  	_ =	swait.ge [sflag:s9], $0x800  }
0x176: {  	[sflag:s9] =	ssyncset.done $0x0  }
0x177: {  	s22 =	rddreg [dreg:$0x16];
	[sflag:s9] =	ssyncadd.s32 $0xFFFFF800  }
0x178: {  	[hbm4b:s22+s12] =	stream.linear.scatter [tilespmem:s23], [sflag:$0x11], $0x800, $0x38;
	[tilespmem:$0xB800] =	vst v63  }
0x179: {  	_ =	swait.ge [sflag:s9], $0x800  }
0x17a: {  	s24 =	rddreg [dreg:$0x17]  }
0x17b: {  	s28 =	rddreg [dreg:$0x9];
	s5 =	sadd.s32 $0x1, s24  }
0x17c: {  	p0 =	sne.s32 s5, s28  }
.Ltmp2:
0x17d: {  	_ = 	snop;
	(pc) =	sbr.rel @p0 .LBB2_1-.Ltmp2, $3  }
0x17e: {  	_ =	sdelay $0x1  }
0x17f: {  	[sflag:s9] =	ssyncset.done $0x0  }
0x180: {  	[sflag:s9] =	ssyncadd.s32 $0xFFFFF800  }
0x181: {  	_ =	sfence.sel $0x180000  }
0x182: {  	[bflag:$0x0] =	sbarrier.arrive $0xFFFF  }
0x183: {  	_ =	strace $0x9000004D  }
0x184: {  	s0 =	stileid.u32;
	[bflag:$0x2] =	sbarrier.arrive $0xFFFF  }
0x185: {  	p0 =	sne.s32 s0, $0x0;
	s0 =	rddreg [dreg:$0x3]  }
0x186: {  	s0 =	sadd.s32 @!p0 $0x100000, s0  }
0x187: {  	[sflag:s0] =	ssyncadd.tile.s32 @!p0 $0x1;
	_ =	shalt  }
.Lfunc_end2:
_tile_overlayer_lowered:
.L_overlay_start_2:
0x188: {  	(tag) =	ssettag $0x2  }
0x189: {  	s0 =	rddreg [dreg:$0x0];
	s2 =	stileid.u32  }
0x18a: {  	s1 =	rddreg [dreg:$0x1];
	p0 =	sne.s32 s2, $0x0  }
0x18b: {  	s3 =	rddreg [dreg:$0x2];
	[bflag:$0x3] =	sbarrier.arrive $0xFFFF;
	s2 =	simm.s32 @!p0 $0x1C11  }
0x18c: {  	[timem:s3], [sflag:s2] =	dma.local @!p0 [hbm:s0], s1  }
0x18d: {  	s0 =	simm.s32 @!p0 $0x11  }
0x18e: {  	_ =	swait.ge @!p0 [sflag:s0], s1  }
0x18f: {  	s1 =	ssub.s32 @!p0 $0x0, s1;
	[sflag:s0] =	ssyncset.done @!p0 $0x0  }
0x190: {  	[sflag:s0] =	ssyncadd.s32 @!p0 s1  }
0x191: {  	[bflag:$0x3] =	sbarrier.arrive $0xFFFF  }
0x192: {  	_ =	shalt  }

// kernel: kernel.9.cloned.1.call-start
scs
__scs_entry_jumppad:
0x0: {  	(pc) =	sbr.rel $0x88, $3  }
0x1: {  	(tag) =	ssettag $0x0;
	lr =	simm.s32 $0x1  }
0x2: {  	[smem:$0x3F9D] =	sst lr;
	_ =	strace $0xD0000000  }
0x3: {  	_ = 	snop  }
0x4: {  	_ = 	snop  }
0x5: {  	_ = 	snop  }
0x6: {  	_ = 	snop  }
0x7: {  	_ = 	snop  }
__scs_overlays_trampoline_lowered:
0x8: {  	[smem:$0x3FAC] =	sst s0  }
0x9: {  	[smem:$0x3FAD] =	sst s1  }
0xa: {  	[smem:$0x3FAE] =	sst s2  }
0xb: {  	[smem:$0x3FAF] =	sst s3  }
0xc: {  	[smem:$0x3FB0] =	sst s4  }
0xd: {  	[smem:$0x3FB1] =	sst s5  }
0xe: {  	[smem:$0x3FB2] =	sst s6  }
0xf: {  	[smem:$0x3FB3] =	sst s7  }
0x10: {  	[smem:$0x3FB4] =	sst s8  }
0x11: {  	[smem:$0x3FB5] =	sst s9;
	s0 =	simm.s32 @!p0 $0x0  }
0x12: {  	s1 =	sld [smem:$0x3F9B];
	s0 =	simm.s32 @p0 $0x1  }
0x13: {  	[smem:$0x3FB6] =	sst s0;
	s0 =	simm.s32 @!p1 $0x0  }
0x14: {  	s2 =	sld [smem:$0x3F9A];
	s0 =	simm.s32 @p1 $0x1  }
0x15: {  	[smem:$0x3FB7] =	sst s0;
	s0 =	simm.s32 @!p2 $0x0  }
0x16: {  	s3 =	sld [smem:$0x3FDB];
	s0 =	simm.s32 @p2 $0x1  }
0x17: {  	s4 =	simm.s32 $0x1BF5;
	[smem:$0x3FB9] =	sst s0  }
0x18: {  	s0 =	sld [smem:$0x3F9C];
	_ =	swait.ge [sflag:s4], $0x0  }
0x19: {  	s7 =	sld [smem:$0x3F9D]  }
0x1a: {  	s8 =	sadd.s32 $0xFFFFE003, lr  }
0x1b: {  	s9 =	sadd.s32 $0xFFFFFEF7, lr;
	s5 =	simm.s32 $0xFFFFFFFF;
	p2 =	slt.u32 s8, $0xFFFFF086  }
0x1c: {  	p1 =	slt.u32 s9, $0xF7A;
	s5 =	simm.s32 @!p2 $0x0  }
0x1d: {  	s5 =	simm.s32 @p1 $0x1;
	p0 =	seq.s32 s7, s2  }
0x1e: {  	s7 =	smul.u32 @!p0 $0xF7A, s2;
	p2 =	seq.s32 @!p0 s5, $0x0  }
0x1f: {  	s9 =	smul.u32 $0xF7A, s1;
	s8 =	simm.s32 @!p0 $0x1BF5;
	p2 =	por !p2, p0  }
0x20: {  	[sflag:s8] =	ssyncset.s32 @!p0 $0xFFFFF086;
	s6 =	sadd.s32 @!p0 s3, s7;
	s7 =	simm.s32 @!p0 $0x108  }
0x21: {  	s3 =	sadd.s32 s3, s9;
	s6 =	sadd.s32 @!p0 $0x88, s6;
	s7 =	simm.s32 @p2 $0x1082  }
0x22: {  	[simem:s7], [sflag:s8] =	dma.local @!p0 [hbm:s6], $0xF7A  }
0x23: {  	s9 =	sor.u32 $0xD0000000, s2;
	s6 =	simm.s32 $0x108;
	_ =	swait.ge @!p0 [sflag:s8], $0x0  }
0x24: {  	s3 =	sadd.s32 $0x88, s3;
	s6 =	simm.s32 @!p1 $0x1082;
	[sflag:s4] =	ssyncset.s32 $0xFFFFF086  }
0x25: {  	[simem:s6], [sflag:s4] =	dma.local [hbm:s3], $0xF7A  }
0x26: {  	[smem:$0x3F9D] =	sst s1;
	(tag) =	ssettag s2;
	_ =	strace s9  }
0x27: {  	s1 =	sld [smem:$0x3FAD]  }
0x28: {  	s2 =	sld [smem:$0x3FAE]  }
0x29: {  	s4 =	sld [smem:$0x3FB0]  }
0x2a: {  	p0 =	seq.s32 s5, $0x0;
	s5 =	sld [smem:$0x3FB1]  }
0x2b: {  	s6 =	sld [smem:$0x3FB2]  }
0x2c: {  	s7 =	sld [smem:$0x3FB3]  }
0x2d: {  	s3 =	simm.s32 $0x108;
	s8 =	sld [smem:$0x3FB4]  }
0x2e: {  	s3 =	simm.s32 @!p0 $0x1082;
	s9 =	sld [smem:$0x3FB5]  }
0x2f: {  	lr =	sadd.s32 s0, s3;
	s0 =	sld [smem:$0x3FAC]  }
0x30: {  	s3 =	sld [smem:$0x3FAF]  }
0x31: {  	[smem:$0x3FB8] =	sst s10  }
0x32: {  	s10 =	sld [smem:$0x3FB6];
	_ =	sdelay $0x3  }
0x33: {  	p0 =	seq.s32 s10, $0x1;
	s10 =	sld [smem:$0x3FB8];
	_ =	sdelay $0x3  }
0x34: {  	[smem:$0x3FB8] =	sst s10  }
0x35: {  	s10 =	sld [smem:$0x3FB7];
	_ =	sdelay $0x3  }
0x36: {  	p1 =	seq.s32 s10, $0x1;
	s10 =	sld [smem:$0x3FB8];
	_ =	sdelay $0x3  }
0x37: {  	[smem:$0x3FB8] =	sst s10  }
0x38: {  	s10 =	sld [smem:$0x3FB9]  }
0x39: {  	_ = 	snop;
	(pc) =	sbr.ind lr, $3  }
0x3a: {  	_ = 	snop  }
0x3b: {  	_ = 	snop  }
0x3c: {  	p2 =	seq.s32 s10, $0x1;
	s10 =	sld [smem:$0x3FB8]  }
0x3d: {  	_ =	shalt  }
0x3e: {  	_ =	shalt  }
0x3f: {  	_ =	shalt  }
0x40: {  	_ =	shalt  }
0x41: {  	_ =	shalt  }
0x42: {  	_ =	shalt  }
0x43: {  	_ =	shalt  }
0x44: {  	_ =	shalt  }
0x45: {  	_ =	shalt  }
0x46: {  	_ =	shalt  }
0x47: {  	_ =	shalt  }
0x48: {  	_ =	shalt  }
0x49: {  	_ =	shalt  }
0x4a: {  	_ =	shalt  }
0x4b: {  	_ =	shalt  }
0x4c: {  	_ =	shalt  }
0x4d: {  	_ =	shalt  }
0x4e: {  	_ =	shalt  }
0x4f: {  	_ =	shalt  }
0x50: {  	_ =	shalt  }
0x51: {  	_ =	shalt  }
0x52: {  	_ =	shalt  }
0x53: {  	_ =	shalt  }
0x54: {  	_ =	shalt  }
0x55: {  	_ =	shalt  }
0x56: {  	_ =	shalt  }
0x57: {  	_ =	shalt  }
0x58: {  	_ =	shalt  }
0x59: {  	_ =	shalt  }
0x5a: {  	_ =	shalt  }
0x5b: {  	_ =	shalt  }
0x5c: {  	_ =	shalt  }
0x5d: {  	_ =	shalt  }
0x5e: {  	_ =	shalt  }
0x5f: {  	_ =	shalt  }
0x60: {  	_ =	shalt  }
0x61: {  	_ =	shalt  }
0x62: {  	_ =	shalt  }
0x63: {  	_ =	shalt  }
0x64: {  	_ =	shalt  }
0x65: {  	_ =	shalt  }
0x66: {  	_ =	shalt  }
0x67: {  	_ =	shalt  }
0x68: {  	_ =	shalt  }
0x69: {  	_ =	shalt  }
0x6a: {  	_ =	shalt  }
0x6b: {  	_ =	shalt  }
0x6c: {  	_ =	shalt  }
0x6d: {  	_ =	shalt  }
0x6e: {  	_ =	shalt  }
0x6f: {  	_ =	shalt  }
0x70: {  	_ =	shalt  }
0x71: {  	_ =	shalt  }
0x72: {  	_ =	shalt  }
0x73: {  	_ =	shalt  }
0x74: {  	_ =	shalt  }
0x75: {  	_ =	shalt  }
0x76: {  	_ =	shalt  }
0x77: {  	_ =	shalt  }
0x78: {  	_ =	shalt  }
0x79: {  	_ =	shalt  }
0x7a: {  	_ =	shalt  }
0x7b: {  	_ =	shalt  }
0x7c: {  	_ =	shalt  }
0x7d: {  	_ =	shalt  }
0x7e: {  	_ =	shalt  }
0x7f: {  	_ =	shalt  }
0x80: {  	_ =	shalt  }
0x81: {  	_ =	shalt  }
0x82: {  	_ =	shalt  }
0x83: {  	_ =	shalt  }
0x84: {  	_ =	shalt  }
0x85: {  	_ =	shalt  }
0x86: {  	_ =	shalt  }
0x87: {  	_ =	shalt  }
.Lfunc_end0:
.L_simem_size_0:
called_computation_lowered:
.L_overlay_start_0:
0x88: {  	s2 =	sld [smem:$0x3FD9]  }
0x89: {  	s3 =	sld [smem:$0x3FFE];
	_ =	sdelay $0x1  }
0x8a: {  	s1 =	srdreg.scid  }
0x8b: {  	s0 =	sand.u32 $0x1, s1  }
0x8c: {  	s16 =	sshll.u32 s0, $0xA;
	s2 =	sadd.s32 s3, s2  }
0x8d: {  	s2 =	sadd.s32 s2, s16  }
0x8e: {  	[smem:$0x3FC4] =	sst s2  }
0x8f: {  	_ = 	snop  }
0x90: {  	(tm) =	ssettm $0x1  }
0x91: {  	s17 =	sld [smem:$0x3FFB];
	_ =	sdelay $0x3  }
0x92: {  	_ =	strace s17  }
0x93: {  	s2 =	sld [smem:$0x3FFC];
	_ =	sdelay $0x3  }
0x94: {  	_ =	strace s2  }
0x95: {  	s2 =	sld [smem:$0x3FFD];
	_ =	sdelay $0x3  }
0x96: {  	_ =	strace s2  }
0x97: {  	_ =	strace $0x8FFFFFFF  }
0x98: {  	s18 =	sld [smem:$0x3FDB];
	_ =	sdelay $0x1  }
0x99: {  	s19 =	simm.s32 $_scs_section_size  }
0x9a: {  	s4 =	simm.s32 $_size__tile_overlayer_lowered;
	s5 =	simm.s32 $_tile_overlayer_lowered  }
0x9b: {  	s22 =	simm.s32 $0x1BFF;
	s21 =	sshll.u32 s5, $0x1;
	s2 =	sadd.s32 s19, s18  }
0x9c: {  	s6 =	simm.s32 $0x0;
	s20 =	sshll.u32 s4, $0x1;
	s4 =	sadd.s32 s21, s2  }
0x9d: {  	[timem:s6], [sflag:s22] =	dma.local [hbm:s4], s20  }
0x9e: {  	_ =	swait.ge [sflag:s22], s20  }
0x9f: {  	s3 =	ssub.s32 $0x0, s20;
	[sflag:s22] =	ssyncset.done $0x0  }
0xa0: {  	[sflag:s22] =	ssyncadd.s32 s3;
	_ =	sdelay $0x1  }
0xa1: {  	s23 =	simm.s32 $0x1B8B  }
0xa2: {  	_ =	swait.ge [sflag:s23], $0x1  }
0xa3: {  	[sflag:s23] =	ssyncset.done $0x0  }
0xa4: {  	s25 =	simm.s32 $0x1B8E;
	s24 =	sld [smem:$0x3FFE];
	[sflag:s23] =	ssyncadd.s32 $0xFFFFFFFF  }
0xa5: {  	s26 =	simm.s32 $execute0_lowered;
	[smem:$0x3FD2] =	sst s25  }
0xa6: {  	s4 =	sshll.u32 s26, $0x1;
	_ =	strace $0x80000046;
	[dreg:$0x1] =	wrdreg $0xFFFFFFFF  }
0xa7: {  	s28 =	simm.s32 $_size_execute0_lowered;
	s2 =	sadd.s32 s2, s4;
	[dreg:$0x0] =	wrdreg $0x0  }
0xa8: {  	s4 =	sshll.u32 s28, $0x1;
	[dreg:$0x2] =	wrdreg s2  }
0xa9: {  	[dreg:$0x3] =	wrdreg s4  }
0xaa: {  	[dreg:$0x4] =	wrdreg $0xC0  }
0xab: {  	_ =	task [dreg:s6], $0x5FFFF  }
0xac: {  	[dreg:$0x1] =	wrdreg $0xFFFFFFFF  }
0xad: {  	[dreg:$0x0] =	wrdreg $0x60  }
0xae: {  	[dreg:$0x2] =	wrdreg s24  }
0xaf: {  	[dreg:$0x3] =	wrdreg $0x38000  }
0xb0: {  	[dreg:$0x4] =	wrdreg $0x9  }
0xb1: {  	_ =	task.clear_ibuf [dreg:s6], $0x5FFFF;
	_ =	strace $0x90000046  }
0xb2: {  	s29 =	simm.s32 $0x9;
	_ =	strace $0x80000048  }
0xb3: {  	_ =	swait.ge [sflag:s29], $0x1  }
0xb4: {  	[sflag:s29] =	ssyncadd.s32 $0xFFFFFFFF  }
0xb5: {  	_ =	strace $0x90000048  }
0xb6: {  	_ =	sfence  }
0xb7: {  	s30 =	sld [smem:$0x0];
	_ =	sdelay $0x2  }
0xb8: {  	s31 =	sshll.u32 s1, $0xD;
	s1 =	sshrl.u32 s1, $0x2  }
0xb9: {  	s3 =	sand.u32 $0x4000, s31;
	s1 =	sadd.s32 s1, s30  }
0xba: {  	s0 =	sor.u32 s3, s0;
	s1 =	sshll.u32 s1, $0x11  }
0xbb: {  	s0 =	sor.u32 s1, s0  }
0xbc: {  	s0 =	sadd.s32 $0x8F2B, s0  }
0xbd: {  	[sflag:s0] =	ssyncadd.remote.s32 $0x1  }
0xbe: {  	_ =	sfence.sel $0xFFFF  }
0xbf: {  	[dreg:$0x0] =	wrdreg $0xFFFFFFFF;
	(pc) =	sbr.abs _section_cstart, $3  }
0xc0: {  	[dreg:$0x1] =	wrdreg $0xFFFFFFFF  }
0xc1: {  	_ =	task.clear_ibuf [dreg:s6], $0x2FFFF;
	_ =	strace $0x9FFFFFFF  }
0xc2: {  	(tm) =	ssettm $0x7FFFFFFF  }
0xc3: {  	_ =	shalt  }
tec
execute0_lowered:
.L_overlay_start_1:
0x0: {  	(tag) =	ssettag $0x1  }
0x1: {  	s1 =	srdreg.scid  }
0x2: {  	s0 =	stileid.u32;
	s4 =	rddreg [dreg:$0x0]  }
0x3: {  	s2 =	rddreg [dreg:$0x1];
	s3 =	simm.s32 $0x0;
	s23 =	simm.s32 $0x80  }
0x4: {  	s24 =	simm.s32 $0x2800;
	s25 =	simm.s32 $0x0;
	s6 =	sand.u32 $0x1, s1  }
0x5: {  	s29 =	sshll.u32 s0, $0x1;
	s1 =	rddreg [dreg:$0x2];
	s7 =	smul.u32 $0xA000, s0  }
0x6: {  	[smem:$0x7FF] =	sst s3;
	s17 =	smul.u32 $0x2800, s0;
	s20 =	sadd.s32 $0x15800, s4  }
0x7: {  	s5 =	sor.u32 s6, s29;
	s8 =	ssub.s32 $0x2, s6;
	s18 =	smul.u32 $0x28000, s6  }
0x8: {  	_ =	strace $0x80000047;
	s5 =	smul.u32 $0x500, s5;
	s9 =	sshrl.u32 s8, $0x1  }
0x9: {  	s7 =	sshrl.u32 s7, $0x2;
	s6 =	sadd.s32 s17, s2;
	s13 =	sadd.s32 $0x800, s17  }
0xa: {  	s15 =	sadd.s32 $0x1000, s17;
	s19 =	sadd.s32 $0x1800, s17;
	s22 =	sadd.s32 $0x2000, s17  }
0xb: {  	s8 =	ssub.s32 s8, s9;
	s12 =	sadd.s32 s18, s17;
	s14 =	sadd.s32 s18, s13  }
0xc: {  	s13 =	sadd.s32 s13, s2;
	s16 =	sadd.s32 s18, s15;
	s15 =	sadd.s32 s15, s2  }
0xd: {  	s21 =	sadd.s32 s18, s19;
	s17 =	sadd.s32 s19, s2;
	s31 =	sadd.s32 s18, s22  }
0xe: {  	s19 =	sadd.s32 s22, s2;
	s22 =	simm.s32 $0x1;
	s5 =	sadd.s32 s5, s4  }
0xf: {  	s4 =	sadd.s32 s7, s2;
	s7 =	smax.u32 s8, $0x1;
	s12 =	sshrl.u32 s12, $0x3  }
0x10: {  	s14 =	sshrl.u32 s14, $0x3;
	s16 =	sshrl.u32 s16, $0x3;
	s30 =	sshrl.u32 s21, $0x3  }
0x11: {  	s21 =	sshrl.u32 s31, $0x3;
	s5 =	sadd.s32 $0xB800, s5;
	s8 =	sadd.s32 $0x800, s4  }
0x12: {  	s9 =	sadd.s32 $0x1000, s4;
	s10 =	sadd.s32 $0x1800, s4;
	s11 =	sadd.s32 $0x2000, s4  }
0x13: {  	s12 =	sadd.s32 s20, s12;
	s14 =	sadd.s32 s20, s14;
	s16 =	sadd.s32 s20, s16  }
0x14: {  	v0 =	vimm.f32 $1.000000000e+00;
	v1 =	vimm.f32 $0.0e+00;
	s18 =	sadd.s32 s20, s30;
	s20 =	sadd.s32 s20, s21;
	s21 =	simm.s32 $0x3000  }
.LBB2_1:
0x15: {  	s26 =	simm.s32 $0x0  }
.LBB2_2:
0x16: {  	p0 =	sne.s32 s26, $0x1FC0  }
.Ltmp0:
0x17: {  	_ = 	snop;
	(pc) =	sbr.rel @p0 .LBB2_2-.Ltmp0, $3  }
0x18: {  	_ =	sdelay $0x1  }
0x19: {  	s28 =	sshra.s32 s26, $0x2  }
0x1a: {  	s26 =	sadd.s32 $0x40, s26;
	[tilespmem:s28+$0x2800] =	vst v0  }
0x1b: {  	s26 =	simm.s32 $0x40;
	s28 =	simm.s32 $0x0  }
.LBB2_4:
0x1c: {  	p0 =	sne.s32 s26, $0x1FC0;
	[tilespmem:s28+$0x3000] =	vst v1;
	s28 =	smov.u32 s26;
	s26 =	sadd.s32 $0x40, s26  }
.Ltmp1:
0x1d: {  	(pc) =	sbr.rel @p0 .LBB2_4-.Ltmp1, $2  }
0x1e: {  	_ =	sdelay $0x2  }
0x1f: {  	s28 =	sshra.s32 s28, $0x2  }
0x20: {  	[tilespmem:s28+$0x3000] =	vst v1  }
0x21: {  	[spmem:s4] =	stream.linear.scatter [tilespmem:s21], [sflag:$0x1], $0x800, $0x38;
	[tilespmem:$0x6000] =	vst v63  }
0x22: {  	_ =	swait.ge [sflag:s22], $0x800  }
0x23: {  	[sflag:s22] =	ssyncset.done $0x0  }
0x24: {  	[sflag:s22] =	ssyncadd.s32 $0xFFFFF800  }
0x25: {  	[spmem:s8] =	stream.linear.scatter [tilespmem:s21], [sflag:$0x1], $0x800, $0x38;
	[tilespmem:$0x6000] =	vst v63  }
0x26: {  	_ =	swait.ge [sflag:s22], $0x800  }
0x27: {  	[sflag:s22] =	ssyncset.done $0x0  }
0x28: {  	[sflag:s22] =	ssyncadd.s32 $0xFFFFF800  }
0x29: {  	[spmem:s9] =	stream.linear.scatter [tilespmem:s21], [sflag:$0x1], $0x800, $0x38;
	[tilespmem:$0x6000] =	vst v63  }
0x2a: {  	_ =	swait.ge [sflag:s22], $0x800  }
0x2b: {  	[sflag:s22] =	ssyncset.done $0x0  }
0x2c: {  	[sflag:s22] =	ssyncadd.s32 $0xFFFFF800  }
0x2d: {  	[spmem:s10] =	stream.linear.scatter [tilespmem:s21], [sflag:$0x1], $0x800, $0x38;
	[tilespmem:$0x6000] =	vst v63  }
0x2e: {  	_ =	swait.ge [sflag:s22], $0x800  }
0x2f: {  	[sflag:s22] =	ssyncset.done $0x0  }
0x30: {  	[sflag:s22] =	ssyncadd.s32 $0xFFFFF800  }
0x31: {  	[spmem:s11] =	stream.linear.scatter [tilespmem:s21], [sflag:$0x1], $0x800, $0x38;
	[tilespmem:$0x6000] =	vst v63  }
0x32: {  	_ =	swait.ge [sflag:s22], $0x800  }
0x33: {  	[sflag:s22] =	ssyncset.done $0x0  }
0x34: {  	[sflag:s22] =	ssyncadd.s32 $0xFFFFF800  }
0x35: {  	s26 =	simm.s32 $0x0;
	[bflag:$0x0] =	sbarrier.arrive $0xFFFF  }
0x36: {  	[tilespmem:s26], [sflag:$0x1] =	stream.linear.gather [hbm4b:s5+s26], $0x2800, $0x38;
	[tilespmem:$0x6000] =	vst v63  }
0x37: {  	_ =	swait.ge [sflag:s22], $0x2800  }
0x38: {  	[sflag:s22] =	ssyncset.done $0x0  }
0x39: {  	s31 =	simm.s32 $0x0;
	[sflag:s22] =	ssyncadd.s32 $0xFFFFD800  }
0x3a: {  	[spmem:s2] =	stream.indirect.scatter.add.f32 [tilespmem:s24], [sflag:$0x1], $0x10, s31, s23, $0xb8;
	[tilespmem:$0x6000] =	vst v63  }
0x3b: {  	_ =	swait.ge [sflag:s22], $0x800  }
0x3c: {  	s26 =	simm.s32 $0x200;
	[sflag:s22] =	ssyncset.done $0x0  }
.LBB2_6:
0x3d: {  	s28 =	sshra.s32 s26, $0x2;
	[sflag:s22] =	ssyncadd.s32 $0xFFFFF800;
	p0 =	sne.s32 s26, $0x9E00  }
0x3e: {  	[spmem:s2] =	stream.indirect.scatter.add.f32 [tilespmem:s24], [sflag:$0x1], $0x10, s28, s23, $0xb8;
	[tilespmem:$0x6000] =	vst v63  }
.Ltmp2:
0x3f: {  	_ = 	snop;
	(pc) =	sbr.rel @p0 .LBB2_6-.Ltmp2, $4  }
0x40: {  	_ = 	snop  }
0x41: {  	s26 =	sadd.s32 $0x200, s26  }
0x42: {  	_ =	swait.ge [sflag:s22], $0x800  }
0x43: {  	[sflag:s22] =	ssyncset.done $0x0  }
0x44: {  	[sflag:s22] =	ssyncadd.s32 $0xFFFFF800  }
0x45: {  	[bflag:$0x0] =	sbarrier.arrive $0xFFFF  }
0x46: {  	[tilespmem:s21], [sflag:$0x1] =	stream.linear.gather [spmem:s6], $0x800, $0x38;
	[tilespmem:$0x6000] =	vst v63  }
0x47: {  	_ =	swait.ge [sflag:s22], $0x800  }
0x48: {  	[sflag:s22] =	ssyncset.done $0x0  }
0x49: {  	[sflag:s22] =	ssyncadd.s32 $0xFFFFF800  }
0x4a: {  	[hbm4b:s12+s3] =	stream.linear.scatter [tilespmem:s21], [sflag:$0x1], $0x800, $0x38;
	[tilespmem:$0x6000] =	vst v63  }
0x4b: {  	_ =	swait.ge [sflag:s22], $0x800  }
0x4c: {  	[sflag:s22] =	ssyncset.done $0x0  }
0x4d: {  	[sflag:s22] =	ssyncadd.s32 $0xFFFFF800  }
0x4e: {  	[tilespmem:s21], [sflag:$0x1] =	stream.linear.gather [spmem:s13], $0x800, $0x38;
	[tilespmem:$0x6000] =	vst v63  }
0x4f: {  	_ =	swait.ge [sflag:s22], $0x800  }
0x50: {  	[sflag:s22] =	ssyncset.done $0x0  }
0x51: {  	[sflag:s22] =	ssyncadd.s32 $0xFFFFF800  }
0x52: {  	[hbm4b:s14+s3] =	stream.linear.scatter [tilespmem:s21], [sflag:$0x1], $0x800, $0x38;
	[tilespmem:$0x6000] =	vst v63  }
0x53: {  	_ =	swait.ge [sflag:s22], $0x800  }
0x54: {  	[sflag:s22] =	ssyncset.done $0x0  }
0x55: {  	[sflag:s22] =	ssyncadd.s32 $0xFFFFF800  }
0x56: {  	[tilespmem:s21], [sflag:$0x1] =	stream.linear.gather [spmem:s15], $0x800, $0x38;
	[tilespmem:$0x6000] =	vst v63  }
0x57: {  	_ =	swait.ge [sflag:s22], $0x800  }
0x58: {  	[sflag:s22] =	ssyncset.done $0x0  }
0x59: {  	[sflag:s22] =	ssyncadd.s32 $0xFFFFF800  }
0x5a: {  	[hbm4b:s16+s3] =	stream.linear.scatter [tilespmem:s21], [sflag:$0x1], $0x800, $0x38;
	[tilespmem:$0x6000] =	vst v63  }
0x5b: {  	_ =	swait.ge [sflag:s22], $0x800  }
0x5c: {  	[sflag:s22] =	ssyncset.done $0x0  }
0x5d: {  	[sflag:s22] =	ssyncadd.s32 $0xFFFFF800  }
0x5e: {  	[tilespmem:s21], [sflag:$0x1] =	stream.linear.gather [spmem:s17], $0x800, $0x38;
	[tilespmem:$0x6000] =	vst v63  }
0x5f: {  	_ =	swait.ge [sflag:s22], $0x800  }
0x60: {  	[sflag:s22] =	ssyncset.done $0x0  }
0x61: {  	[sflag:s22] =	ssyncadd.s32 $0xFFFFF800  }
0x62: {  	[hbm4b:s18+s3] =	stream.linear.scatter [tilespmem:s21], [sflag:$0x1], $0x800, $0x38;
	[tilespmem:$0x6000] =	vst v63  }
0x63: {  	_ =	swait.ge [sflag:s22], $0x800  }
0x64: {  	[sflag:s22] =	ssyncset.done $0x0  }
0x65: {  	[sflag:s22] =	ssyncadd.s32 $0xFFFFF800  }
0x66: {  	[tilespmem:s21], [sflag:$0x1] =	stream.linear.gather [spmem:s19], $0x800, $0x38;
	[tilespmem:$0x6000] =	vst v63  }
0x67: {  	s25 =	sadd.s32 $0x1, s25;
	_ =	swait.ge [sflag:s22], $0x800  }
0x68: {  	p0 =	sne.s32 s25, s7;
	[sflag:s22] =	ssyncset.done $0x0  }
.Ltmp3:
0x69: {  	[sflag:s22] =	ssyncadd.s32 $0xFFFFF800;
	(pc) =	sbr.rel @p0 .LBB2_1-.Ltmp3, $4  }
0x6a: {  	[hbm4b:s20+s3] =	stream.linear.scatter [tilespmem:s21], [sflag:$0x1], $0x800, $0x38;
	[tilespmem:$0x6000] =	vst v63  }
0x6b: {  	_ =	swait.ge [sflag:s22], $0x800  }
0x6c: {  	[sflag:s22] =	ssyncset.done $0x0  }
0x6d: {  	[sflag:s22] =	ssyncadd.s32 $0xFFFFF800  }
0x6e: {  	_ =	sfence.sel $0x180000  }
0x6f: {  	[bflag:$0x0] =	sbarrier.arrive $0xFFFF  }
0x70: {  	p0 =	sne.s32 s0, $0x0;
	_ =	strace $0x90000047  }
0x71: {  	s0 =	sadd.s32 @!p0 $0x100000, s1;
	[bflag:$0x2] =	sbarrier.arrive $0xFFFF  }
0x72: {  	[sflag:s0] =	ssyncadd.tile.s32 @!p0 $0x1;
	_ =	shalt  }
.Lfunc_end2:
_tile_overlayer_lowered:
.L_overlay_start_2:
0x73: {  	(tag) =	ssettag $0x2  }
0x74: {  	s0 =	rddreg [dreg:$0x0];
	s2 =	stileid.u32  }
0x75: {  	s1 =	rddreg [dreg:$0x1];
	p0 =	sne.s32 s2, $0x0  }
0x76: {  	s3 =	rddreg [dreg:$0x2];
	[bflag:$0x3] =	sbarrier.arrive $0xFFFF;
	s2 =	simm.s32 @!p0 $0x1C01  }
0x77: {  	[timem:s3], [sflag:s2] =	dma.local @!p0 [hbm:s0], s1  }
0x78: {  	s0 =	simm.s32 @!p0 $0x1  }
0x79: {  	_ =	swait.ge @!p0 [sflag:s0], s1  }
0x7a: {  	s1 =	ssub.s32 @!p0 $0x0, s1;
	[sflag:s0] =	ssyncset.done @!p0 $0x0  }
0x7b: {  	[sflag:s0] =	ssyncadd.s32 @!p0 s1  }
0x7c: {  	[bflag:$0x3] =	sbarrier.arrive $0xFFFF  }
0x7d: {  	_ =	shalt  }

</sc_bundles>
